<compile_context>
chip_gen: v7x
topology: tpu7x:2x2x1
jax: 0.10.2.dev20260603
libtpu: 0.0.44.dev20260713+nightly
codegen_flags: <defaults>
</compile_context>

<pallas_src>
import functools
import math

import jax
import jax.numpy as jnp
from jax.experimental import pallas as pl
from jax.experimental.pallas import tpu as pltpu
from jax.experimental.pallas import tpu_sc as plsc

_N = 4096
_K = 32
_H = 128
_NG = 50
_NGP = 64
_G = 256
_CUT = 10.0
_CUT2 = _CUT * _CUT
_TB = 128
_WC = 256
_RB = 256
_PB = _RB * _K
_LOG2 = math.log(2.0)
_BIGV = 1e30
_BIGI = 1e9


def _ssp(v):
    return jnp.maximum(v, 0.0) + jnp.log1p(jnp.exp(-jnp.abs(v))) - _LOG2



def _nbr_body(pos_ref, posT_ref, batch_ref, batchT_ref, nbr_ref, d_ref):
    i = pl.program_id(0)
    tgx = posT_ref[0:1, :]
    tgy = posT_ref[1:2, :]
    tgz = posT_ref[2:3, :]
    tb = batchT_ref[0:1, :]
    b_lo = tb[:, 0:1]
    b_hi = tb[:, _TB - 1:_TB]
    tgid = jax.lax.broadcasted_iota(jnp.int32, (1, _TB), 1).astype(jnp.float32) + (i * _TB).astype(jnp.float32)

    allb = batch_ref[...]
    colf = jax.lax.broadcasted_iota(jnp.int32, (_N, 1), 0).astype(jnp.float32)
    w0f = jnp.min(jnp.where(allb == b_lo, colf, float(_N)))
    c1f = jnp.max(jnp.where(allb == b_hi, colf, -1.0)) + 1.0
    w0 = (w0f.astype(jnp.int32) // 8) * 8
    c1 = c1f.astype(jnp.int32)
    nchunks = (c1 - w0 + _WC - 1) // _WC

    def chunk(c, carry):
        bv, bi = carry
        start0 = w0 + c * _WC
        start = jnp.minimum(start0, _N - _WC)
        cand = pos_ref[pl.ds(start, _WC), :]
        cb = batch_ref[pl.ds(start, _WC), :]
        cidx = (jax.lax.broadcasted_iota(jnp.int32, (_WC, 1), 0).astype(jnp.float32)
                + start.astype(jnp.float32))
        dx = cand[:, 0:1] - tgx
        dy = cand[:, 1:2] - tgy
        dz = cand[:, 2:3] - tgz
        d2 = dx * dx + dy * dy + dz * dz
        valid = ((cb == tb) & (cidx != tgid) & (d2 < _CUT2)
                 & (cidx >= start0.astype(jnp.float32)))
        vals = jnp.where(valid, d2, _BIGV)
        cv = jnp.concatenate([vals, bv], axis=0)
        ci = jnp.concatenate([jnp.broadcast_to(cidx, (_WC, _TB)), bi], axis=0)
        nv, ni = [], []
        for _ in range(_K):
            m = jnp.min(cv, axis=0, keepdims=True)
            sel = jnp.min(jnp.where(cv == m, ci, _BIGI), axis=0, keepdims=True)
            kill = (cv == m) & (ci == sel)
            cv = jnp.where(kill, _BIGV, cv)
            ci = jnp.where(kill, _BIGI, ci)
            nv.append(m)
            ni.append(sel)
        return jnp.concatenate(nv, axis=0), jnp.concatenate(ni, axis=0)

    bv0 = jnp.full((_K, _TB), _BIGV, jnp.float32)
    bi0 = jnp.full((_K, _TB), _BIGI, jnp.float32)
    bv, bi = jax.lax.fori_loop(0, nchunks, chunk, (bv0, bi0))
    ok = bv < _CUT2
    d_ref[...] = jnp.where(ok, jnp.sqrt(jnp.maximum(bv, 1e-12)), 1e10)
    nbr_ref[...] = jnp.where(ok, bi, jnp.broadcast_to(tgid, (_K, _TB))).astype(jnp.int32)


def _nbr(pos, posT, batchf, batchfT):
    return pl.pallas_call(
        _nbr_body,
        grid=(_N // _TB,),
        in_specs=[
            pl.BlockSpec((_N, 3), lambda i: (0, 0)),
            pl.BlockSpec((3, _TB), lambda i: (0, i)),
            pl.BlockSpec((_N, 1), lambda i: (0, 0)),
            pl.BlockSpec((1, _TB), lambda i: (0, i)),
        ],
        out_specs=[
            pl.BlockSpec((_K, _TB), lambda i: (0, i)),
            pl.BlockSpec((_K, _TB), lambda i: (0, i)),
        ],
        out_shape=[
            jax.ShapeDtypeStruct((_K, _N), jnp.int32),
            jax.ShapeDtypeStruct((_K, _N), jnp.float32),
        ],
    )(pos, posT, batchf, batchfT)



def _embed_body(x_ref, emb_ref, w_ref, o_ref, ox_ref):
    zf = x_ref[:, 5:6].astype(jnp.int32).astype(jnp.float32)
    oh = (zf == jax.lax.broadcasted_iota(jnp.int32, (1, _H), 1).astype(jnp.float32)).astype(jnp.float32)
    h0 = jnp.dot(oh, emb_ref[...], preferred_element_type=jnp.float32)
    o_ref[...] = h0
    ox_ref[...] = jnp.dot(h0, w_ref[...], preferred_element_type=jnp.float32)


def _embed(x, emb_p, w0):
    return pl.pallas_call(
        _embed_body,
        grid=(_N // _RB,),
        in_specs=[
            pl.BlockSpec((_RB, 11), lambda i: (i, 0)),
            pl.BlockSpec((_H, _H), lambda i: (0, 0)),
            pl.BlockSpec((_H, _H), lambda i: (0, 0)),
        ],
        out_specs=[pl.BlockSpec((_RB, _H), lambda i: (i, 0)),
                   pl.BlockSpec((_RB, _H), lambda i: (i, 0))],
        out_shape=[jax.ShapeDtypeStruct((_N, _H), jnp.float32),
                   jax.ShapeDtypeStruct((_N, _H), jnp.float32)],
    )(x, emb_p, w0)



_SC_NW = 32
_SC_BW = (_N * _K) // _SC_NW
_SC_CH = 128
_SC_NB = 4
_SC_GRP = _SC_CH * _SC_NB


def _sc_gather(table, idx2d):
    mesh = plsc.VectorSubcoreMesh(core_axis_name="c", subcore_axis_name="s")

    @functools.partial(
        pl.kernel,
        mesh=mesh,
        out_type=jax.ShapeDtypeStruct((_N * _K, _H), jnp.float32),
        scratch_types=[
            pltpu.VMEM((_SC_BW // _SC_CH, _SC_CH), jnp.int32),
            pltpu.VMEM((_SC_GRP, _H), jnp.float32),
            pltpu.SemaphoreType.DMA,
            pltpu.SemaphoreType.DMA,
        ],
    )
    def gather_k(table_hbm, idx_hbm, out_hbm, idx_v, rows_v, gsem, osem):
        wid = jax.lax.axis_index("s") * 2 + jax.lax.axis_index("c")
        wbase = wid * _SC_BW
        nch = _SC_BW // _SC_CH
        pltpu.sync_copy(idx_hbm.at[pl.ds(wid * nch, nch)], idx_v)

        def group(j, carry):
            gbase = j * _SC_GRP
            gets = []
            for b in range(_SC_NB):
                gets.append(pltpu.async_copy(
                    table_hbm.at[idx_v.at[j * _SC_NB + b]],
                    rows_v.at[pl.ds(b * _SC_CH, _SC_CH)], gsem))
            for g in gets:
                g.wait()
            pltpu.async_copy(rows_v, out_hbm.at[pl.ds(wbase + gbase, _SC_GRP)],
                             osem).wait()
            return carry

        jax.lax.fori_loop(0, _SC_BW // _SC_GRP, group, 0)

    return gather_k(table, idx2d)



def _msg_body(d_ref, g0_ref, g1_ref, g2_ref, g3_ref, h_ref, offs_ref,
              coeff_ref, w1_ref, b1_ref, w2_ref, b2_ref, l2w_ref, l2b_ref,
              l3w_ref, l3b_ref, lnx_ref, o_ref, ox_ref):
    d3 = d_ref[...][:, :, None]
    dd = d3 - offs_ref[...][None, :, :]
    e = jnp.exp(coeff_ref[0, 0] * (dd * dd)).reshape(_PB, _NGP)
    f1 = _ssp(jnp.dot(e, w1_ref[...], preferred_element_type=jnp.float32) + b1_ref[...])
    wf = jnp.dot(f1, w2_ref[...], preferred_element_type=jnp.float32) + b2_ref[...]
    dc = jnp.minimum(d3, _CUT)
    cc = 0.5 * (jnp.cos(dc * (math.pi / _CUT)) + 1.0) * (d3 < _CUT).astype(jnp.float32)
    wf3 = wf.reshape(_RB, _K, _H) * cc
    q = _K // 4
    agg = (jnp.sum(wf3[:, 0 * q:1 * q, :] * g0_ref[...], axis=1)
           + jnp.sum(wf3[:, 1 * q:2 * q, :] * g1_ref[...], axis=1)
           + jnp.sum(wf3[:, 2 * q:3 * q, :] * g2_ref[...], axis=1)
           + jnp.sum(wf3[:, 3 * q:4 * q, :] * g3_ref[...], axis=1))
    v = jnp.dot(agg, l2w_ref[...], preferred_element_type=jnp.float32) + l2b_ref[...]
    v = _ssp(v)
    v = jnp.dot(v, l3w_ref[...], preferred_element_type=jnp.float32) + l3b_ref[...]
    hn = h_ref[...] + v
    o_ref[...] = hn
    ox_ref[...] = jnp.dot(hn, lnx_ref[...], preferred_element_type=jnp.float32)


def _msg(d_flat, g, h, offs_p, coeff, w1p, b1, w2, b2, l2w, l2b, l3w, l3b, lnx):
    full = lambda a, b: pl.BlockSpec((a, b), lambda i: (0, 0))
    return pl.pallas_call(
        _msg_body,
        grid=(_N // _RB,),
        in_specs=[
            pl.BlockSpec((_RB, _K), lambda i: (i, 0)),
            pl.BlockSpec((_RB, _K // 4, _H), lambda i: (i, 0, 0)),
            pl.BlockSpec((_RB, _K // 4, _H), lambda i: (i, 1, 0)),
            pl.BlockSpec((_RB, _K // 4, _H), lambda i: (i, 2, 0)),
            pl.BlockSpec((_RB, _K // 4, _H), lambda i: (i, 3, 0)),
            pl.BlockSpec((_RB, _H), lambda i: (i, 0)),
            full(1, _NGP), full(1, 1), full(_NGP, _H), full(1, _H),
            full(_H, _H), full(1, _H), full(_H, _H), full(1, _H),
            full(_H, _H), full(1, _H), full(_H, _H),
        ],
        out_specs=[pl.BlockSpec((_RB, _H), lambda i: (i, 0)),
                   pl.BlockSpec((_RB, _H), lambda i: (i, 0))],
        out_shape=[jax.ShapeDtypeStruct((_N, _H), jnp.float32),
                   jax.ShapeDtypeStruct((_N, _H), jnp.float32)],
    )(d_flat, g, g, g, g, h, offs_p, coeff, w1p, b1, w2, b2, l2w, l2b, l3w, l3b, lnx)



def _readout_body(h_ref, w1_ref, b1_ref, w2_ref, b2_ref, batch_ref, o_ref):
    t = _ssp(jnp.dot(h_ref[...], w1_ref[...], preferred_element_type=jnp.float32)
             + b1_ref[...])
    s = jnp.sum(t * w2_ref[...], axis=1, keepdims=True) + b2_ref[0, 0]
    gio = jax.lax.broadcasted_iota(jnp.int32, (1, _G), 1).astype(jnp.float32)
    m = (batch_ref[...] == gio).astype(jnp.float32)
    o_ref[...] = jnp.sum(m * s, axis=0, keepdims=True)


def _readout(h, w1, b1, w2, b2, batchf):
    full = lambda a, b: pl.BlockSpec((a, b), lambda i: (0, 0))
    return pl.pallas_call(
        _readout_body,
        grid=(1,),
        in_specs=[full(_N, _H), full(_H, 64), full(1, 64), full(1, 64),
                  full(1, 1), full(_N, 1)],
        out_specs=full(1, _G),
        out_shape=jax.ShapeDtypeStruct((1, _G), jnp.float32),
    )(h, w1, b1, w2, b2, batchf)



def kernel(x, pos, batch, emb, mlp_w1, mlp_b1, mlp_w2, mlp_b2, lin1_w, lin2_w,
           lin2_b, lin3_w, lin3_b, out_w1, out_b1, out_w2, out_b2):
    batchf = batch.astype(jnp.float32).reshape(_N, 1)
    batchfT = batchf.reshape(1, _N)
    posT = pos.T

    nbrT, dT = _nbr(pos, posT, batchf, batchfT)
    nbr_flat = nbrT.T.reshape(_N * _K // _SC_CH, _SC_CH)
    d_nk = dT.T

    emb_p = jnp.zeros((_H, _H), jnp.float32).at[:100].set(emb)
    h, hx = _embed(x, emb_p, lin1_w[0])

    offs = jnp.linspace(0.0, _CUT, _NG)
    coeff = (-0.5 / (offs[1] - offs[0]) ** 2).reshape(1, 1).astype(jnp.float32)
    offs_p = jnp.concatenate([offs.astype(jnp.float32),
                              jnp.full((_NGP - _NG,), 1e6, jnp.float32)]).reshape(1, _NGP)
    w1p = jnp.pad(mlp_w1, ((0, 0), (0, _NGP - _NG), (0, 0)))

    for i in range(6):
        g = _sc_gather(hx, nbr_flat).reshape(_N, _K, _H)
        h, hx = _msg(d_nk, g, h, offs_p, coeff, w1p[i], mlp_b1[i].reshape(1, _H),
                     mlp_w2[i], mlp_b2[i].reshape(1, _H), lin2_w[i],
                     lin2_b[i].reshape(1, _H), lin3_w[i], lin3_b[i].reshape(1, _H),
                     lin1_w[(i + 1) % 6])

    out = _readout(h, out_w1, out_b1.reshape(1, 64), out_w2.reshape(1, 64),
                   out_b2.reshape(1, 1), batchf)
    return out.reshape(-1)

# --- scband reference (transcript-rebuilt; emitter-appended) ---
"""Pipeline reference for scband-sch-net-regressor-60601988547142 (READ-ONLY COPY).

The authoritative reference and input builder live on the scoring server;
editing this copy changes nothing except your own understanding.
"""

import jax, jax.numpy as jnp
import numpy as np

N = 4096
FEAT = 11
HIDDEN = 128
NFILT = 128
NINT = 6
NG = 50
CUTOFF = 10.0
KNBR = 32
NGRAPH = 256
ATOM_COL = 5


def ssp(v):
    return jax.nn.softplus(v) - jnp.log(2.0)


def setup_inputs(seed: int = 0):
    key = jax.random.key(seed)
    ks = jax.random.split(key, 16)
    x = jax.random.uniform(ks[0], (N, FEAT), dtype=jnp.float32)
    pos = jax.random.normal(ks[1], (N, 3), dtype=jnp.float32)
    batch = jnp.sort(jax.random.randint(ks[2], (N,), 0, NGRAPH, dtype=jnp.int32))

    def lin(k, fi, fo, extra=()):
        return (jax.random.normal(k, extra + (fi, fo), dtype=jnp.float32) / np.sqrt(fi)).astype(jnp.float32)

    emb = jax.random.normal(ks[3], (100, HIDDEN), dtype=jnp.float32)
    mlp_w1 = lin(ks[4], NG, NFILT, (NINT,))
    mlp_b1 = jnp.zeros((NINT, NFILT), jnp.float32)
    mlp_w2 = lin(ks[5], NFILT, NFILT, (NINT,))
    mlp_b2 = jnp.zeros((NINT, NFILT), jnp.float32)
    lin1_w = lin(ks[6], HIDDEN, NFILT, (NINT,))
    lin2_w = lin(ks[7], NFILT, HIDDEN, (NINT,))
    lin2_b = jnp.zeros((NINT, HIDDEN), jnp.float32)
    lin3_w = lin(ks[8], HIDDEN, HIDDEN, (NINT,))
    lin3_b = jnp.zeros((NINT, HIDDEN), jnp.float32)
    out_w1 = lin(ks[9], HIDDEN, HIDDEN // 2)
    out_b1 = jnp.zeros((HIDDEN // 2,), jnp.float32)
    out_w2 = lin(ks[10], HIDDEN // 2, 1)
    out_b2 = jnp.zeros((1,), jnp.float32)
    return {"x": x, "pos": pos, "batch": batch, "emb": emb,
            "mlp_w1": mlp_w1, "mlp_b1": mlp_b1, "mlp_w2": mlp_w2, "mlp_b2": mlp_b2,
            "lin1_w": lin1_w, "lin2_w": lin2_w, "lin2_b": lin2_b,
            "lin3_w": lin3_w, "lin3_b": lin3_b,
            "out_w1": out_w1, "out_b1": out_b1, "out_w2": out_w2, "out_b2": out_b2}


def build_neighbors(pos, batch):
    # radius_graph(pos, r=CUTOFF, batch=batch, max_num_neighbors=KNBR):
    # for each target node keep up to KNBR nearest same-graph nodes within cutoff
    d2 = jnp.sum((pos[:, None, :] - pos[None, :, :]) ** 2, axis=-1)
    dist = jnp.sqrt(jnp.maximum(d2, 1e-12))
    same = batch[:, None] == batch[None, :]
    eye = jnp.eye(pos.shape[0], dtype=bool)
    valid = same & (~eye) & (dist < CUTOFF)
    masked = jnp.where(valid, dist, 1e10)
    negv, nbr = jax.lax.top_k(-masked, KNBR)
    nbr_valid = (-negv) < CUTOFF
    return nbr, nbr_valid


def schnet_forward(z, pos, batch, nbr, nbr_valid, emb, mlp_w1, mlp_b1, mlp_w2, mlp_b2,
                   lin1_w, lin2_w, lin2_b, lin3_w, lin3_b, out_w1, out_b1, out_w2, out_b2):
    h = jnp.take(emb, z, axis=0)
    # edge distances (recomputed from pos for exactness / grad flow)
    d = jnp.sqrt(jnp.maximum(jnp.sum((pos[:, None, :] - pos[nbr]) ** 2, axis=-1), 1e-12))  # [N, K]
    # Gaussian smearing
    offsets = jnp.linspace(0.0, CUTOFF, NG)
    coeff = -0.5 / (offsets[1] - offsets[0]) ** 2
    eattr = jnp.exp(coeff * (d[..., None] - offsets) ** 2)  # [N, K, NG]
    # cosine cutoff (zeroed for invalid neighbor slots)
    Ccut = 0.5 * (jnp.cos(d * jnp.pi / CUTOFF) + 1.0) * nbr_valid.astype(jnp.float32)  # [N, K]
    for i in range(NINT):
        # CFConv filter network
        Wf = ssp(eattr @ mlp_w1[i] + mlp_b1[i]) @ mlp_w2[i] + mlp_b2[i]  # [N, K, NFILT]
        Wf = Wf * Ccut[..., None]
        hx = h @ lin1_w[i]                      # lin1 (no bias)
        msg = jnp.take(hx, nbr, axis=0) * Wf    # gather source features, modulate
        agg = jnp.sum(msg, axis=1)              # scatter-add to target
        v = agg @ lin2_w[i] + lin2_b[i]         # lin2
        v = ssp(v)
        v = v @ lin3_w[i] + lin3_b[i]           # interaction lin
        h = h + v
    h = ssp(h @ out_w1 + out_b1)
    h = h @ out_w2 + out_b2                     # [N, 1]
    out = jax.ops.segment_sum(h, batch, num_segments=NGRAPH)  # readout='add'
    return out.reshape(-1)


def reference(x, pos, batch, emb, mlp_w1, mlp_b1, mlp_w2, mlp_b2, lin1_w, lin2_w, lin2_b,
              lin3_w, lin3_b, out_w1, out_b1, out_w2, out_b2):
    z = x[:, ATOM_COL].astype(jnp.int32)
    nbr, nbr_valid = build_neighbors(pos, batch)
    return schnet_forward(z, pos, batch, nbr, nbr_valid, emb, mlp_w1, mlp_b1, mlp_w2, mlp_b2,
                          lin1_w, lin2_w, lin2_b, lin3_w, lin3_b, out_w1, out_b1, out_w2, out_b2)

if __name__ == "__main__":
    import jax
    _d = setup_inputs()
    print(jax.jit(kernel)(*tuple(_d.values())))

</pallas_src>

<mosaic_0001>
#map = affine_map<(d0, d1) -> (0, 0)>
module attributes {stable_mosaic.version = 14 : i64} {
  func.func @gather_k(%arg0: i32, %arg1: i32, %arg2: memref<4096x128xf32, #tpu.memory_space<hbm>>, %arg3: memref<1024x128xi32, #tpu.memory_space<hbm>>, %arg4: memref<131072x128xf32, #tpu.memory_space<hbm>>, %arg5: memref<32x128xi32, #tpu.memory_space<vmem>>, %arg6: memref<512x128xf32, #tpu.memory_space<vmem>>, %arg7: memref<!tpu.dma_semaphore, #tpu.memory_space<semaphore_mem>>, %arg8: memref<!tpu.dma_semaphore, #tpu.memory_space<semaphore_mem>>) attributes {dimension_semantics = [#tpu.dimension_semantics<core_parallel>, #tpu.dimension_semantics<subcore_parallel>], iteration_bounds = array<i64: 2, 16>, scalar_prefetch = 0 : i64, scratch_operands = 4 : i64, tpu.core_type = #tpu.core_type<sc_vector_subcore>, window_params = [{transform_indices = #map}, {transform_indices = #map}, {transform_indices = #map}]} {
    %mul3A = arith.constant 2 : i32
    %mul3A_0 = arith.muli %arg1, %mul3A : i32
    %add3A = arith.addi %mul3A_0, %arg0 : i32
    %mul3A_1 = arith.constant 4096 : i32
    %mul3A_2 = arith.muli %add3A, %mul3A_1 : i32
    %mul3A_3 = arith.constant 32 : i32
    %mul3A_4 = arith.muli %add3A, %mul3A_3 : i32
    "tpu.region"() ({
      %run_scoped3A = tpu.sem_alloc : memref<!tpu.dma_semaphore, #tpu.memory_space<semaphore_mem>>
      %dma_start3A = arith.constant 0 : i32
      %dma_start3A_10 = tpu.memref_slice %arg3[%mul3A_4, %dma_start3A] : memref<1024x128xi32, #tpu.memory_space<hbm>> -> memref<32x128xi32, #tpu.memory_space<hbm>>
      %dma_start3A_11 = arith.constant 0 : i32
      %dma_start3A_12 = tpu.memref_slice %arg3[%mul3A_4, %dma_start3A_11] : memref<1024x128xi32, #tpu.memory_space<hbm>> -> memref<32x128xi32, #tpu.memory_space<hbm>>
      tpu.enqueue_dma source(%dma_start3A_12 : memref<32x128xi32, #tpu.memory_space<hbm>>) target(%arg5 : memref<32x128xi32, #tpu.memory_space<vmem>>) target_semaphore(%run_scoped3A : memref<!tpu.dma_semaphore, #tpu.memory_space<semaphore_mem>>)
      %dma_wait3A = arith.constant 0 : i32
      %dma_wait3A_13 = tpu.memref_slice %arg3[%mul3A_4, %dma_wait3A] : memref<1024x128xi32, #tpu.memory_space<hbm>> -> memref<32x128xi32, #tpu.memory_space<hbm>>
      %dma_wait3A_14 = arith.constant 0 : i32
      %dma_wait3A_15 = tpu.memref_slice %arg3[%mul3A_4, %dma_wait3A_14] : memref<1024x128xi32, #tpu.memory_space<hbm>> -> memref<32x128xi32, #tpu.memory_space<hbm>>
      tpu.wait_dma2 semaphore(%run_scoped3A : memref<!tpu.dma_semaphore, #tpu.memory_space<semaphore_mem>>) src(%dma_wait3A_15 : memref<32x128xi32, #tpu.memory_space<hbm>>) dst(%arg5 : memref<32x128xi32, #tpu.memory_space<vmem>>)
      tpu.yield
    }) : () -> ()
    %scan3A = arith.constant 0 : i32
    %scan3A_5 = arith.constant 0 : i32
    %scan3A_6 = arith.constant 8 : i32
    %scan3A_7 = arith.addi %scan3A_5, %scan3A_6 : i32
    %scan3A_8 = arith.constant 1 : i32
    scf.for %scan3A_10 = %scan3A_5 to %scan3A_7 step %scan3A_8  : i32 {
      %mul3A_11 = arith.constant 512 : i32
      %mul3A_12 = arith.muli %scan3A_10, %mul3A_11 : i32
      %mul3A_13 = arith.constant 4 : i32
      %mul3A_14 = arith.muli %scan3A_10, %mul3A_13 : i32
      %add3A_15 = arith.constant 0 : i32
      %add3A_16 = arith.addi %mul3A_14, %add3A_15 : i32
      %dma_start3A = arith.constant 0 : i32
      %dma_start3A_17 = arith.constant 0 : i32
      %dma_start3A_18 = tpu.memref_slice %arg6[%dma_start3A, %dma_start3A_17] : memref<512x128xf32, #tpu.memory_space<vmem>> -> memref<128x128xf32, #tpu.memory_space<vmem>>
      %dma_start3A_19 = arith.constant 0 : i32
      %dma_start3A_20 = tpu.memref_slice %arg5[%add3A_16, %dma_start3A_19] : memref<32x128xi32, #tpu.memory_space<vmem>> -> memref<1x128xi32, #tpu.memory_space<vmem>>
      %dma_start3A_21 = tpu.memref_squeeze %dma_start3A_20 : memref<1x128xi32, #tpu.memory_space<vmem>> -> memref<128xi32, #tpu.memory_space<vmem>>
      %dma_start3A_22 = arith.constant 0 : i32
      %dma_start3A_23 = arith.constant 0 : i32
      %dma_start3A_24 = tpu.memref_slice %arg2[%dma_start3A_22, %dma_start3A_23] : memref<4096x128xf32, #tpu.memory_space<hbm>> -> memref<4096x128xf32, #tpu.memory_space<hbm>>
      tpu.enqueue_indirect_dma source(%dma_start3A_24 : memref<4096x128xf32, #tpu.memory_space<hbm>>) target(%dma_start3A_18 : memref<128x128xf32, #tpu.memory_space<vmem>>) offsets(%dma_start3A_21 : memref<128xi32, #tpu.memory_space<vmem>>) semaphore(%arg7 : memref<!tpu.dma_semaphore, #tpu.memory_space<semaphore_mem>>)
      %mul3A_25 = arith.constant 4 : i32
      %mul3A_26 = arith.muli %scan3A_10, %mul3A_25 : i32
      %add3A_27 = arith.constant 1 : i32
      %add3A_28 = arith.addi %mul3A_26, %add3A_27 : i32
      %dma_start3A_29 = arith.constant 128 : i32
      %dma_start3A_30 = arith.constant 0 : i32
      %dma_start3A_31 = tpu.memref_slice %arg6[%dma_start3A_29, %dma_start3A_30] : memref<512x128xf32, #tpu.memory_space<vmem>> -> memref<128x128xf32, #tpu.memory_space<vmem>>
      %dma_start3A_32 = arith.constant 0 : i32
      %dma_start3A_33 = tpu.memref_slice %arg5[%add3A_28, %dma_start3A_32] : memref<32x128xi32, #tpu.memory_space<vmem>> -> memref<1x128xi32, #tpu.memory_space<vmem>>
      %dma_start3A_34 = tpu.memref_squeeze %dma_start3A_33 : memref<1x128xi32, #tpu.memory_space<vmem>> -> memref<128xi32, #tpu.memory_space<vmem>>
      %dma_start3A_35 = arith.constant 0 : i32
      %dma_start3A_36 = arith.constant 0 : i32
      %dma_start3A_37 = tpu.memref_slice %arg2[%dma_start3A_35, %dma_start3A_36] : memref<4096x128xf32, #tpu.memory_space<hbm>> -> memref<4096x128xf32, #tpu.memory_space<hbm>>
      tpu.enqueue_indirect_dma source(%dma_start3A_37 : memref<4096x128xf32, #tpu.memory_space<hbm>>) target(%dma_start3A_31 : memref<128x128xf32, #tpu.memory_space<vmem>>) offsets(%dma_start3A_34 : memref<128xi32, #tpu.memory_space<vmem>>) semaphore(%arg7 : memref<!tpu.dma_semaphore, #tpu.memory_space<semaphore_mem>>)
      %mul3A_38 = arith.constant 4 : i32
      %mul3A_39 = arith.muli %scan3A_10, %mul3A_38 : i32
      %add3A_40 = arith.constant 2 : i32
      %add3A_41 = arith.addi %mul3A_39, %add3A_40 : i32
      %dma_start3A_42 = arith.constant 256 : i32
      %dma_start3A_43 = arith.constant 0 : i32
      %dma_start3A_44 = tpu.memref_slice %arg6[%dma_start3A_42, %dma_start3A_43] : memref<512x128xf32, #tpu.memory_space<vmem>> -> memref<128x128xf32, #tpu.memory_space<vmem>>
      %dma_start3A_45 = arith.constant 0 : i32
      %dma_start3A_46 = tpu.memref_slice %arg5[%add3A_41, %dma_start3A_45] : memref<32x128xi32, #tpu.memory_space<vmem>> -> memref<1x128xi32, #tpu.memory_space<vmem>>
      %dma_start3A_47 = tpu.memref_squeeze %dma_start3A_46 : memref<1x128xi32, #tpu.memory_space<vmem>> -> memref<128xi32, #tpu.memory_space<vmem>>
      %dma_start3A_48 = arith.constant 0 : i32
      %dma_start3A_49 = arith.constant 0 : i32
      %dma_start3A_50 = tpu.memref_slice %arg2[%dma_start3A_48, %dma_start3A_49] : memref<4096x128xf32, #tpu.memory_space<hbm>> -> memref<4096x128xf32, #tpu.memory_space<hbm>>
      tpu.enqueue_indirect_dma source(%dma_start3A_50 : memref<4096x128xf32, #tpu.memory_space<hbm>>) target(%dma_start3A_44 : memref<128x128xf32, #tpu.memory_space<vmem>>) offsets(%dma_start3A_47 : memref<128xi32, #tpu.memory_space<vmem>>) semaphore(%arg7 : memref<!tpu.dma_semaphore, #tpu.memory_space<semaphore_mem>>)
      %mul3A_51 = arith.constant 4 : i32
      %mul3A_52 = arith.muli %scan3A_10, %mul3A_51 : i32
      %add3A_53 = arith.constant 3 : i32
      %add3A_54 = arith.addi %mul3A_52, %add3A_53 : i32
      %dma_start3A_55 = arith.constant 384 : i32
      %dma_start3A_56 = arith.constant 0 : i32
      %dma_start3A_57 = tpu.memref_slice %arg6[%dma_start3A_55, %dma_start3A_56] : memref<512x128xf32, #tpu.memory_space<vmem>> -> memref<128x128xf32, #tpu.memory_space<vmem>>
      %dma_start3A_58 = arith.constant 0 : i32
      %dma_start3A_59 = tpu.memref_slice %arg5[%add3A_54, %dma_start3A_58] : memref<32x128xi32, #tpu.memory_space<vmem>> -> memref<1x128xi32, #tpu.memory_space<vmem>>
      %dma_start3A_60 = tpu.memref_squeeze %dma_start3A_59 : memref<1x128xi32, #tpu.memory_space<vmem>> -> memref<128xi32, #tpu.memory_space<vmem>>
      %dma_start3A_61 = arith.constant 0 : i32
      %dma_start3A_62 = arith.constant 0 : i32
      %dma_start3A_63 = tpu.memref_slice %arg2[%dma_start3A_61, %dma_start3A_62] : memref<4096x128xf32, #tpu.memory_space<hbm>> -> memref<4096x128xf32, #tpu.memory_space<hbm>>
      tpu.enqueue_indirect_dma source(%dma_start3A_63 : memref<4096x128xf32, #tpu.memory_space<hbm>>) target(%dma_start3A_57 : memref<128x128xf32, #tpu.memory_space<vmem>>) offsets(%dma_start3A_60 : memref<128xi32, #tpu.memory_space<vmem>>) semaphore(%arg7 : memref<!tpu.dma_semaphore, #tpu.memory_space<semaphore_mem>>)
      %dma_wait3A = arith.constant 0 : i32
      %dma_wait3A_64 = arith.constant 0 : i32
      %dma_wait3A_65 = tpu.memref_slice %arg6[%dma_wait3A, %dma_wait3A_64] : memref<512x128xf32, #tpu.memory_space<vmem>> -> memref<128x128xf32, #tpu.memory_space<vmem>>
      %dma_wait3A_66 = arith.constant 0 : i32
      %dma_wait3A_67 = tpu.memref_slice %arg5[%add3A_16, %dma_wait3A_66] : memref<32x128xi32, #tpu.memory_space<vmem>> -> memref<1x128xi32, #tpu.memory_space<vmem>>
      %dma_wait3A_68 = tpu.memref_squeeze %dma_wait3A_67 : memref<1x128xi32, #tpu.memory_space<vmem>> -> memref<128xi32, #tpu.memory_space<vmem>>
      %dma_wait3A_69 = arith.constant 0 : i32
      %dma_wait3A_70 = arith.constant 0 : i32
      %dma_wait3A_71 = tpu.memref_slice %arg2[%dma_wait3A_69, %dma_wait3A_70] : memref<4096x128xf32, #tpu.memory_space<hbm>> -> memref<4096x128xf32, #tpu.memory_space<hbm>>
      tpu.wait_indirect_dma semaphore(%arg7 : memref<!tpu.dma_semaphore, #tpu.memory_space<semaphore_mem>>) src(%dma_wait3A_71 : memref<4096x128xf32, #tpu.memory_space<hbm>>) dst(%dma_wait3A_65 : memref<128x128xf32, #tpu.memory_space<vmem>>)
      %dma_wait3A_72 = arith.constant 128 : i32
      %dma_wait3A_73 = arith.constant 0 : i32
      %dma_wait3A_74 = tpu.memref_slice %arg6[%dma_wait3A_72, %dma_wait3A_73] : memref<512x128xf32, #tpu.memory_space<vmem>> -> memref<128x128xf32, #tpu.memory_space<vmem>>
      %dma_wait3A_75 = arith.constant 0 : i32
      %dma_wait3A_76 = tpu.memref_slice %arg5[%add3A_28, %dma_wait3A_75] : memref<32x128xi32, #tpu.memory_space<vmem>> -> memref<1x128xi32, #tpu.memory_space<vmem>>
      %dma_wait3A_77 = tpu.memref_squeeze %dma_wait3A_76 : memref<1x128xi32, #tpu.memory_space<vmem>> -> memref<128xi32, #tpu.memory_space<vmem>>
      %dma_wait3A_78 = arith.constant 0 : i32
      %dma_wait3A_79 = arith.constant 0 : i32
      %dma_wait3A_80 = tpu.memref_slice %arg2[%dma_wait3A_78, %dma_wait3A_79] : memref<4096x128xf32, #tpu.memory_space<hbm>> -> memref<4096x128xf32, #tpu.memory_space<hbm>>
      tpu.wait_indirect_dma semaphore(%arg7 : memref<!tpu.dma_semaphore, #tpu.memory_space<semaphore_mem>>) src(%dma_wait3A_80 : memref<4096x128xf32, #tpu.memory_space<hbm>>) dst(%dma_wait3A_74 : memref<128x128xf32, #tpu.memory_space<vmem>>)
      %dma_wait3A_81 = arith.constant 256 : i32
      %dma_wait3A_82 = arith.constant 0 : i32
      %dma_wait3A_83 = tpu.memref_slice %arg6[%dma_wait3A_81, %dma_wait3A_82] : memref<512x128xf32, #tpu.memory_space<vmem>> -> memref<128x128xf32, #tpu.memory_space<vmem>>
      %dma_wait3A_84 = arith.constant 0 : i32
      %dma_wait3A_85 = tpu.memref_slice %arg5[%add3A_41, %dma_wait3A_84] : memref<32x128xi32, #tpu.memory_space<vmem>> -> memref<1x128xi32, #tpu.memory_space<vmem>>
      %dma_wait3A_86 = tpu.memref_squeeze %dma_wait3A_85 : memref<1x128xi32, #tpu.memory_space<vmem>> -> memref<128xi32, #tpu.memory_space<vmem>>
      %dma_wait3A_87 = arith.constant 0 : i32
      %dma_wait3A_88 = arith.constant 0 : i32
      %dma_wait3A_89 = tpu.memref_slice %arg2[%dma_wait3A_87, %dma_wait3A_88] : memref<4096x128xf32, #tpu.memory_space<hbm>> -> memref<4096x128xf32, #tpu.memory_space<hbm>>
      tpu.wait_indirect_dma semaphore(%arg7 : memref<!tpu.dma_semaphore, #tpu.memory_space<semaphore_mem>>) src(%dma_wait3A_89 : memref<4096x128xf32, #tpu.memory_space<hbm>>) dst(%dma_wait3A_83 : memref<128x128xf32, #tpu.memory_space<vmem>>)
      %dma_wait3A_90 = arith.constant 384 : i32
      %dma_wait3A_91 = arith.constant 0 : i32
      %dma_wait3A_92 = tpu.memref_slice %arg6[%dma_wait3A_90, %dma_wait3A_91] : memref<512x128xf32, #tpu.memory_space<vmem>> -> memref<128x128xf32, #tpu.memory_space<vmem>>
      %dma_wait3A_93 = arith.constant 0 : i32
      %dma_wait3A_94 = tpu.memref_slice %arg5[%add3A_54, %dma_wait3A_93] : memref<32x128xi32, #tpu.memory_space<vmem>> -> memref<1x128xi32, #tpu.memory_space<vmem>>
      %dma_wait3A_95 = tpu.memref_squeeze %dma_wait3A_94 : memref<1x128xi32, #tpu.memory_space<vmem>> -> memref<128xi32, #tpu.memory_space<vmem>>
      %dma_wait3A_96 = arith.constant 0 : i32
      %dma_wait3A_97 = arith.constant 0 : i32
      %dma_wait3A_98 = tpu.memref_slice %arg2[%dma_wait3A_96, %dma_wait3A_97] : memref<4096x128xf32, #tpu.memory_space<hbm>> -> memref<4096x128xf32, #tpu.memory_space<hbm>>
      tpu.wait_indirect_dma semaphore(%arg7 : memref<!tpu.dma_semaphore, #tpu.memory_space<semaphore_mem>>) src(%dma_wait3A_98 : memref<4096x128xf32, #tpu.memory_space<hbm>>) dst(%dma_wait3A_92 : memref<128x128xf32, #tpu.memory_space<vmem>>)
      %add3A_99 = arith.addi %mul3A_2, %mul3A_12 : i32
      %dma_start3A_100 = arith.constant 0 : i32
      %dma_start3A_101 = tpu.memref_slice %arg4[%add3A_99, %dma_start3A_100] : memref<131072x128xf32, #tpu.memory_space<hbm>> -> memref<512x128xf32, #tpu.memory_space<hbm>>
      %dma_start3A_102 = arith.constant 0 : i32
      %dma_start3A_103 = tpu.memref_slice %arg4[%add3A_99, %dma_start3A_102] : memref<131072x128xf32, #tpu.memory_space<hbm>> -> memref<512x128xf32, #tpu.memory_space<hbm>>
      tpu.enqueue_dma source(%arg6 : memref<512x128xf32, #tpu.memory_space<vmem>>) target(%dma_start3A_103 : memref<512x128xf32, #tpu.memory_space<hbm>>) target_semaphore(%arg8 : memref<!tpu.dma_semaphore, #tpu.memory_space<semaphore_mem>>)
      %dma_wait3A_104 = arith.constant 0 : i32
      %dma_wait3A_105 = tpu.memref_slice %arg4[%add3A_99, %dma_wait3A_104] : memref<131072x128xf32, #tpu.memory_space<hbm>> -> memref<512x128xf32, #tpu.memory_space<hbm>>
      %dma_wait3A_106 = arith.constant 0 : i32
      %dma_wait3A_107 = tpu.memref_slice %arg4[%add3A_99, %dma_wait3A_106] : memref<131072x128xf32, #tpu.memory_space<hbm>> -> memref<512x128xf32, #tpu.memory_space<hbm>>
      tpu.wait_dma2 semaphore(%arg8 : memref<!tpu.dma_semaphore, #tpu.memory_space<semaphore_mem>>) src(%arg6 : memref<512x128xf32, #tpu.memory_space<vmem>>) dst(%dma_wait3A_107 : memref<512x128xf32, #tpu.memory_space<hbm>>)
    }
    %scan3A_9 = arith.constant 8 : i32
    return
  }
}

#map = affine_map<(d0, d1) -> (0, 0)>
module attributes {stable_mosaic.version = 14 : i64} {
  func.func @gather_k(%arg0: i32, %arg1: i32, %arg2: memref<4096x128xf32, #tpu.memory_space<hbm>>, %arg3: memref<1024x128xi32, #tpu.memory_space<hbm>>, %arg4: memref<131072x128xf32, #tpu.memory_space<hbm>>, %arg5: memref<32x128xi32, #tpu.memory_space<vmem>>, %arg6: memref<512x128xf32, #tpu.memory_space<vmem>>, %arg7: memref<!tpu.dma_semaphore, #tpu.memory_space<semaphore_mem>>, %arg8: memref<!tpu.dma_semaphore, #tpu.memory_space<semaphore_mem>>) attributes {dimension_semantics = [#tpu.dimension_semantics<core_parallel>, #tpu.dimension_semantics<subcore_parallel>], iteration_bounds = array<i64: 2, 16>, scalar_prefetch = 0 : i64, scratch_operands = 4 : i64, tpu.core_type = #tpu.core_type<sc_vector_subcore>, window_params = [{transform_indices = #map}, {transform_indices = #map}, {transform_indices = #map}]} {
    %mul3A = arith.constant 2 : i32
    %mul3A_0 = arith.muli %arg1, %mul3A : i32
    %add3A = arith.addi %mul3A_0, %arg0 : i32
    %mul3A_1 = arith.constant 4096 : i32
    %mul3A_2 = arith.muli %add3A, %mul3A_1 : i32
    %mul3A_3 = arith.constant 32 : i32
    %mul3A_4 = arith.muli %add3A, %mul3A_3 : i32
    "tpu.region"() ({
      %run_scoped3A = tpu.sem_alloc : memref<!tpu.dma_semaphore, #tpu.memory_space<semaphore_mem>>
      %dma_start3A = arith.constant 0 : i32
      %dma_start3A_10 = tpu.memref_slice %arg3[%mul3A_4, %dma_start3A] : memref<1024x128xi32, #tpu.memory_space<hbm>> -> memref<32x128xi32, #tpu.memory_space<hbm>>
      %dma_start3A_11 = arith.constant 0 : i32
      %dma_start3A_12 = tpu.memref_slice %arg3[%mul3A_4, %dma_start3A_11] : memref<1024x128xi32, #tpu.memory_space<hbm>> -> memref<32x128xi32, #tpu.memory_space<hbm>>
      tpu.enqueue_dma source(%dma_start3A_12 : memref<32x128xi32, #tpu.memory_space<hbm>>) target(%arg5 : memref<32x128xi32, #tpu.memory_space<vmem>>) target_semaphore(%run_scoped3A : memref<!tpu.dma_semaphore, #tpu.memory_space<semaphore_mem>>)
      %dma_wait3A = arith.constant 0 : i32
      %dma_wait3A_13 = tpu.memref_slice %arg3[%mul3A_4, %dma_wait3A] : memref<1024x128xi32, #tpu.memory_space<hbm>> -> memref<32x128xi32, #tpu.memory_space<hbm>>
      %dma_wait3A_14 = arith.constant 0 : i32
      %dma_wait3A_15 = tpu.memref_slice %arg3[%mul3A_4, %dma_wait3A_14] : memref<1024x128xi32, #tpu.memory_space<hbm>> -> memref<32x128xi32, #tpu.memory_space<hbm>>
      tpu.wait_dma2 semaphore(%run_scoped3A : memref<!tpu.dma_semaphore, #tpu.memory_space<semaphore_mem>>) src(%dma_wait3A_15 : memref<32x128xi32, #tpu.memory_space<hbm>>) dst(%arg5 : memref<32x128xi32, #tpu.memory_space<vmem>>)
      tpu.yield
    }) : () -> ()
    %scan3A = arith.constant 0 : i32
    %scan3A_5 = arith.constant 0 : i32
    %scan3A_6 = arith.constant 8 : i32
    %scan3A_7 = arith.addi %scan3A_5, %scan3A_6 : i32
    %scan3A_8 = arith.constant 1 : i32
    scf.for %scan3A_10 = %scan3A_5 to %scan3A_7 step %scan3A_8  : i32 {
      %mul3A_11 = arith.constant 512 : i32
      %mul3A_12 = arith.muli %scan3A_10, %mul3A_11 : i32
      %mul3A_13 = arith.constant 4 : i32
      %mul3A_14 = arith.muli %scan3A_10, %mul3A_13 : i32
      %add3A_15 = arith.constant 0 : i32
      %add3A_16 = arith.addi %mul3A_14, %add3A_15 : i32
      %dma_start3A = arith.constant 0 : i32
      %dma_start3A_17 = arith.constant 0 : i32
      %dma_start3A_18 = tpu.memref_slice %arg6[%dma_start3A, %dma_start3A_17] : memref<512x128xf32, #tpu.memory_space<vmem>> -> memref<128x128xf32, #tpu.memory_space<vmem>>
      %dma_start3A_19 = arith.constant 0 : i32
      %dma_start3A_20 = tpu.memref_slice %arg5[%add3A_16, %dma_start3A_19] : memref<32x128xi32, #tpu.memory_space<vmem>> -> memref<1x128xi32, #tpu.memory_space<vmem>>
      %dma_start3A_21 = tpu.memref_squeeze %dma_start3A_20 : memref<1x128xi32, #tpu.memory_space<vmem>> -> memref<128xi32, #tpu.memory_space<vmem>>
      %dma_start3A_22 = arith.constant 0 : i32
      %dma_start3A_23 = arith.constant 0 : i32
      %dma_start3A_24 = tpu.memref_slice %arg2[%dma_start3A_22, %dma_start3A_23] : memref<4096x128xf32, #tpu.memory_space<hbm>> -> memref<4096x128xf32, #tpu.memory_space<hbm>>
      tpu.enqueue_indirect_dma source(%dma_start3A_24 : memref<4096x128xf32, #tpu.memory_space<hbm>>) target(%dma_start3A_18 : memref<128x128xf32, #tpu.memory_space<vmem>>) offsets(%dma_start3A_21 : memref<128xi32, #tpu.memory_space<vmem>>) semaphore(%arg7 : memref<!tpu.dma_semaphore, #tpu.memory_space<semaphore_mem>>)
      %mul3A_25 = arith.constant 4 : i32
      %mul3A_26 = arith.muli %scan3A_10, %mul3A_25 : i32
      %add3A_27 = arith.constant 1 : i32
      %add3A_28 = arith.addi %mul3A_26, %add3A_27 : i32
      %dma_start3A_29 = arith.constant 128 : i32
      %dma_start3A_30 = arith.constant 0 : i32
      %dma_start3A_31 = tpu.memref_slice %arg6[%dma_start3A_29, %dma_start3A_30] : memref<512x128xf32, #tpu.memory_space<vmem>> -> memref<128x128xf32, #tpu.memory_space<vmem>>
      %dma_start3A_32 = arith.constant 0 : i32
      %dma_start3A_33 = tpu.memref_slice %arg5[%add3A_28, %dma_start3A_32] : memref<32x128xi32, #tpu.memory_space<vmem>> -> memref<1x128xi32, #tpu.memory_space<vmem>>
      %dma_start3A_34 = tpu.memref_squeeze %dma_start3A_33 : memref<1x128xi32, #tpu.memory_space<vmem>> -> memref<128xi32, #tpu.memory_space<vmem>>
      %dma_start3A_35 = arith.constant 0 : i32
      %dma_start3A_36 = arith.constant 0 : i32
      %dma_start3A_37 = tpu.memref_slice %arg2[%dma_start3A_35, %dma_start3A_36] : memref<4096x128xf32, #tpu.memory_space<hbm>> -> memref<4096x128xf32, #tpu.memory_space<hbm>>
      tpu.enqueue_indirect_dma source(%dma_start3A_37 : memref<4096x128xf32, #tpu.memory_space<hbm>>) target(%dma_start3A_31 : memref<128x128xf32, #tpu.memory_space<vmem>>) offsets(%dma_start3A_34 : memref<128xi32, #tpu.memory_space<vmem>>) semaphore(%arg7 : memref<!tpu.dma_semaphore, #tpu.memory_space<semaphore_mem>>)
      %mul3A_38 = arith.constant 4 : i32
      %mul3A_39 = arith.muli %scan3A_10, %mul3A_38 : i32
      %add3A_40 = arith.constant 2 : i32
      %add3A_41 = arith.addi %mul3A_39, %add3A_40 : i32
      %dma_start3A_42 = arith.constant 256 : i32
      %dma_start3A_43 = arith.constant 0 : i32
      %dma_start3A_44 = tpu.memref_slice %arg6[%dma_start3A_42, %dma_start3A_43] : memref<512x128xf32, #tpu.memory_space<vmem>> -> memref<128x128xf32, #tpu.memory_space<vmem>>
      %dma_start3A_45 = arith.constant 0 : i32
      %dma_start3A_46 = tpu.memref_slice %arg5[%add3A_41, %dma_start3A_45] : memref<32x128xi32, #tpu.memory_space<vmem>> -> memref<1x128xi32, #tpu.memory_space<vmem>>
      %dma_start3A_47 = tpu.memref_squeeze %dma_start3A_46 : memref<1x128xi32, #tpu.memory_space<vmem>> -> memref<128xi32, #tpu.memory_space<vmem>>
      %dma_start3A_48 = arith.constant 0 : i32
      %dma_start3A_49 = arith.constant 0 : i32
      %dma_start3A_50 = tpu.memref_slice %arg2[%dma_start3A_48, %dma_start3A_49] : memref<4096x128xf32, #tpu.memory_space<hbm>> -> memref<4096x128xf32, #tpu.memory_space<hbm>>
      tpu.enqueue_indirect_dma source(%dma_start3A_50 : memref<4096x128xf32, #tpu.memory_space<hbm>>) target(%dma_start3A_44 : memref<128x128xf32, #tpu.memory_space<vmem>>) offsets(%dma_start3A_47 : memref<128xi32, #tpu.memory_space<vmem>>) semaphore(%arg7 : memref<!tpu.dma_semaphore, #tpu.memory_space<semaphore_mem>>)
      %mul3A_51 = arith.constant 4 : i32
      %mul3A_52 = arith.muli %scan3A_10, %mul3A_51 : i32
      %add3A_53 = arith.constant 3 : i32
      %add3A_54 = arith.addi %mul3A_52, %add3A_53 : i32
      %dma_start3A_55 = arith.constant 384 : i32
      %dma_start3A_56 = arith.constant 0 : i32
      %dma_start3A_57 = tpu.memref_slice %arg6[%dma_start3A_55, %dma_start3A_56] : memref<512x128xf32, #tpu.memory_space<vmem>> -> memref<128x128xf32, #tpu.memory_space<vmem>>
      %dma_start3A_58 = arith.constant 0 : i32
      %dma_start3A_59 = tpu.memref_slice %arg5[%add3A_54, %dma_start3A_58] : memref<32x128xi32, #tpu.memory_space<vmem>> -> memref<1x128xi32, #tpu.memory_space<vmem>>
      %dma_start3A_60 = tpu.memref_squeeze %dma_start3A_59 : memref<1x128xi32, #tpu.memory_space<vmem>> -> memref<128xi32, #tpu.memory_space<vmem>>
      %dma_start3A_61 = arith.constant 0 : i32
      %dma_start3A_62 = arith.constant 0 : i32
      %dma_start3A_63 = tpu.memref_slice %arg2[%dma_start3A_61, %dma_start3A_62] : memref<4096x128xf32, #tpu.memory_space<hbm>> -> memref<4096x128xf32, #tpu.memory_space<hbm>>
      tpu.enqueue_indirect_dma source(%dma_start3A_63 : memref<4096x128xf32, #tpu.memory_space<hbm>>) target(%dma_start3A_57 : memref<128x128xf32, #tpu.memory_space<vmem>>) offsets(%dma_start3A_60 : memref<128xi32, #tpu.memory_space<vmem>>) semaphore(%arg7 : memref<!tpu.dma_semaphore, #tpu.memory_space<semaphore_mem>>)
      %dma_wait3A = arith.constant 0 : i32
      %dma_wait3A_64 = arith.constant 0 : i32
      %dma_wait3A_65 = tpu.memref_slice %arg6[%dma_wait3A, %dma_wait3A_64] : memref<512x128xf32, #tpu.memory_space<vmem>> -> memref<128x128xf32, #tpu.memory_space<vmem>>
      %dma_wait3A_66 = arith.constant 0 : i32
      %dma_wait3A_67 = tpu.memref_slice %arg5[%add3A_16, %dma_wait3A_66] : memref<32x128xi32, #tpu.memory_space<vmem>> -> memref<1x128xi32, #tpu.memory_space<vmem>>
      %dma_wait3A_68 = tpu.memref_squeeze %dma_wait3A_67 : memref<1x128xi32, #tpu.memory_space<vmem>> -> memref<128xi32, #tpu.memory_space<vmem>>
      %dma_wait3A_69 = arith.constant 0 : i32
      %dma_wait3A_70 = arith.constant 0 : i32
      %dma_wait3A_71 = tpu.memref_slice %arg2[%dma_wait3A_69, %dma_wait3A_70] : memref<4096x128xf32, #tpu.memory_space<hbm>> -> memref<4096x128xf32, #tpu.memory_space<hbm>>
      tpu.wait_indirect_dma semaphore(%arg7 : memref<!tpu.dma_semaphore, #tpu.memory_space<semaphore_mem>>) src(%dma_wait3A_71 : memref<4096x128xf32, #tpu.memory_space<hbm>>) dst(%dma_wait3A_65 : memref<128x128xf32, #tpu.memory_space<vmem>>)
      %dma_wait3A_72 = arith.constant 128 : i32
      %dma_wait3A_73 = arith.constant 0 : i32
      %dma_wait3A_74 = tpu.memref_slice %arg6[%dma_wait3A_72, %dma_wait3A_73] : memref<512x128xf32, #tpu.memory_space<vmem>> -> memref<128x128xf32, #tpu.memory_space<vmem>>
      %dma_wait3A_75 = arith.constant 0 : i32
      %dma_wait3A_76 = tpu.memref_slice %arg5[%add3A_28, %dma_wait3A_75] : memref<32x128xi32, #tpu.memory_space<vmem>> -> memref<1x128xi32, #tpu.memory_space<vmem>>
      %dma_wait3A_77 = tpu.memref_squeeze %dma_wait3A_76 : memref<1x128xi32, #tpu.memory_space<vmem>> -> memref<128xi32, #tpu.memory_space<vmem>>
      %dma_wait3A_78 = arith.constant 0 : i32
      %dma_wait3A_79 = arith.constant 0 : i32
      %dma_wait3A_80 = tpu.memref_slice %arg2[%dma_wait3A_78, %dma_wait3A_79] : memref<4096x128xf32, #tpu.memory_space<hbm>> -> memref<4096x128xf32, #tpu.memory_space<hbm>>
      tpu.wait_indirect_dma semaphore(%arg7 : memref<!tpu.dma_semaphore, #tpu.memory_space<semaphore_mem>>) src(%dma_wait3A_80 : memref<4096x128xf32, #tpu.memory_space<hbm>>) dst(%dma_wait3A_74 : memref<128x128xf32, #tpu.memory_space<vmem>>)
      %dma_wait3A_81 = arith.constant 256 : i32
      %dma_wait3A_82 = arith.constant 0 : i32
      %dma_wait3A_83 = tpu.memref_slice %arg6[%dma_wait3A_81, %dma_wait3A_82] : memref<512x128xf32, #tpu.memory_space<vmem>> -> memref<128x128xf32, #tpu.memory_space<vmem>>
      %dma_wait3A_84 = arith.constant 0 : i32
      %dma_wait3A_85 = tpu.memref_slice %arg5[%add3A_41, %dma_wait3A_84] : memref<32x128xi32, #tpu.memory_space<vmem>> -> memref<1x128xi32, #tpu.memory_space<vmem>>
      %dma_wait3A_86 = tpu.memref_squeeze %dma_wait3A_85 : memref<1x128xi32, #tpu.memory_space<vmem>> -> memref<128xi32, #tpu.memory_space<vmem>>
      %dma_wait3A_87 = arith.constant 0 : i32
      %dma_wait3A_88 = arith.constant 0 : i32
      %dma_wait3A_89 = tpu.memref_slice %arg2[%dma_wait3A_87, %dma_wait3A_88] : memref<4096x128xf32, #tpu.memory_space<hbm>> -> memref<4096x128xf32, #tpu.memory_space<hbm>>
      tpu.wait_indirect_dma semaphore(%arg7 : memref<!tpu.dma_semaphore, #tpu.memory_space<semaphore_mem>>) src(%dma_wait3A_89 : memref<4096x128xf32, #tpu.memory_space<hbm>>) dst(%dma_wait3A_83 : memref<128x128xf32, #tpu.memory_space<vmem>>)
      %dma_wait3A_90 = arith.constant 384 : i32
      %dma_wait3A_91 = arith.constant 0 : i32
      %dma_wait3A_92 = tpu.memref_slice %arg6[%dma_wait3A_90, %dma_wait3A_91] : memref<512x128xf32, #tpu.memory_space<vmem>> -> memref<128x128xf32, #tpu.memory_space<vmem>>
      %dma_wait3A_93 = arith.constant 0 : i32
      %dma_wait3A_94 = tpu.memref_slice %arg5[%add3A_54, %dma_wait3A_93] : memref<32x128xi32, #tpu.memory_space<vmem>> -> memref<1x128xi32, #tpu.memory_space<vmem>>
      %dma_wait3A_95 = tpu.memref_squeeze %dma_wait3A_94 : memref<1x128xi32, #tpu.memory_space<vmem>> -> memref<128xi32, #tpu.memory_space<vmem>>
      %dma_wait3A_96 = arith.constant 0 : i32
      %dma_wait3A_97 = arith.constant 0 : i32
      %dma_wait3A_98 = tpu.memref_slice %arg2[%dma_wait3A_96, %dma_wait3A_97] : memref<4096x128xf32, #tpu.memory_space<hbm>> -> memref<4096x128xf32, #tpu.memory_space<hbm>>
      tpu.wait_indirect_dma semaphore(%arg7 : memref<!tpu.dma_semaphore, #tpu.memory_space<semaphore_mem>>) src(%dma_wait3A_98 : memref<4096x128xf32, #tpu.memory_space<hbm>>) dst(%dma_wait3A_92 : memref<128x128xf32, #tpu.memory_space<vmem>>)
      %add3A_99 = arith.addi %mul3A_2, %mul3A_12 : i32
      %dma_start3A_100 = arith.constant 0 : i32
      %dma_start3A_101 = tpu.memref_slice %arg4[%add3A_99, %dma_start3A_100] : memref<131072x128xf32, #tpu.memory_space<hbm>> -> memref<512x128xf32, #tpu.memory_space<hbm>>
      %dma_start3A_102 = arith.constant 0 : i32
      %dma_start3A_103 = tpu.memref_slice %arg4[%add3A_99, %dma_start3A_102] : memref<131072x128xf32, #tpu.memory_space<hbm>> -> memref<512x128xf32, #tpu.memory_space<hbm>>
      tpu.enqueue_dma source(%arg6 : memref<512x128xf32, #tpu.memory_space<vmem>>) target(%dma_start3A_103 : memref<512x128xf32, #tpu.memory_space<hbm>>) target_semaphore(%arg8 : memref<!tpu.dma_semaphore, #tpu.memory_space<semaphore_mem>>)
      %dma_wait3A_104 = arith.constant 0 : i32
      %dma_wait3A_105 = tpu.memref_slice %arg4[%add3A_99, %dma_wait3A_104] : memref<131072x128xf32, #tpu.memory_space<hbm>> -> memref<512x128xf32, #tpu.memory_space<hbm>>
      %dma_wait3A_106 = arith.constant 0 : i32
      %dma_wait3A_107 = tpu.memref_slice %arg4[%add3A_99, %dma_wait3A_106] : memref<131072x128xf32, #tpu.memory_space<hbm>> -> memref<512x128xf32, #tpu.memory_space<hbm>>
      tpu.wait_dma2 semaphore(%arg8 : memref<!tpu.dma_semaphore, #tpu.memory_space<semaphore_mem>>) src(%arg6 : memref<512x128xf32, #tpu.memory_space<vmem>>) dst(%dma_wait3A_107 : memref<512x128xf32, #tpu.memory_space<hbm>>)
    }
    %scan3A_9 = arith.constant 8 : i32
    return
  }
}

#map = affine_map<(d0, d1) -> (0, 0)>
module attributes {stable_mosaic.version = 14 : i64} {
  func.func @gather_k(%arg0: i32, %arg1: i32, %arg2: memref<4096x128xf32, #tpu.memory_space<hbm>>, %arg3: memref<1024x128xi32, #tpu.memory_space<hbm>>, %arg4: memref<131072x128xf32, #tpu.memory_space<hbm>>, %arg5: memref<32x128xi32, #tpu.memory_space<vmem>>, %arg6: memref<512x128xf32, #tpu.memory_space<vmem>>, %arg7: memref<!tpu.dma_semaphore, #tpu.memory_space<semaphore_mem>>, %arg8: memref<!tpu.dma_semaphore, #tpu.memory_space<semaphore_mem>>) attributes {dimension_semantics = [#tpu.dimension_semantics<core_parallel>, #tpu.dimension_semantics<subcore_parallel>], iteration_bounds = array<i64: 2, 16>, scalar_prefetch = 0 : i64, scratch_operands = 4 : i64, tpu.core_type = #tpu.core_type<sc_vector_subcore>, window_params = [{transform_indices = #map}, {transform_indices = #map}, {transform_indices = #map}]} {
    %mul3A = arith.constant 2 : i32
    %mul3A_0 = arith.muli %arg1, %mul3A : i32
    %add3A = arith.addi %mul3A_0, %arg0 : i32
    %mul3A_1 = arith.constant 4096 : i32
    %mul3A_2 = arith.muli %add3A, %mul3A_1 : i32
    %mul3A_3 = arith.constant 32 : i32
    %mul3A_4 = arith.muli %add3A, %mul3A_3 : i32
    "tpu.region"() ({
      %run_scoped3A = tpu.sem_alloc : memref<!tpu.dma_semaphore, #tpu.memory_space<semaphore_mem>>
      %dma_start3A = arith.constant 0 : i32
      %dma_start3A_10 = tpu.memref_slice %arg3[%mul3A_4, %dma_start3A] : memref<1024x128xi32, #tpu.memory_space<hbm>> -> memref<32x128xi32, #tpu.memory_space<hbm>>
      %dma_start3A_11 = arith.constant 0 : i32
      %dma_start3A_12 = tpu.memref_slice %arg3[%mul3A_4, %dma_start3A_11] : memref<1024x128xi32, #tpu.memory_space<hbm>> -> memref<32x128xi32, #tpu.memory_space<hbm>>
      tpu.enqueue_dma source(%dma_start3A_12 : memref<32x128xi32, #tpu.memory_space<hbm>>) target(%arg5 : memref<32x128xi32, #tpu.memory_space<vmem>>) target_semaphore(%run_scoped3A : memref<!tpu.dma_semaphore, #tpu.memory_space<semaphore_mem>>)
      %dma_wait3A = arith.constant 0 : i32
      %dma_wait3A_13 = tpu.memref_slice %arg3[%mul3A_4, %dma_wait3A] : memref<1024x128xi32, #tpu.memory_space<hbm>> -> memref<32x128xi32, #tpu.memory_space<hbm>>
      %dma_wait3A_14 = arith.constant 0 : i32
      %dma_wait3A_15 = tpu.memref_slice %arg3[%mul3A_4, %dma_wait3A_14] : memref<1024x128xi32, #tpu.memory_space<hbm>> -> memref<32x128xi32, #tpu.memory_space<hbm>>
      tpu.wait_dma2 semaphore(%run_scoped3A : memref<!tpu.dma_semaphore, #tpu.memory_space<semaphore_mem>>) src(%dma_wait3A_15 : memref<32x128xi32, #tpu.memory_space<hbm>>) dst(%arg5 : memref<32x128xi32, #tpu.memory_space<vmem>>)
      tpu.yield
    }) : () -> ()
    %scan3A = arith.constant 0 : i32
    %scan3A_5 = arith.constant 0 : i32
    %scan3A_6 = arith.constant 8 : i32
    %scan3A_7 = arith.addi %scan3A_5, %scan3A_6 : i32
    %scan3A_8 = arith.constant 1 : i32
    scf.for %scan3A_10 = %scan3A_5 to %scan3A_7 step %scan3A_8  : i32 {
      %mul3A_11 = arith.constant 512 : i32
      %mul3A_12 = arith.muli %scan3A_10, %mul3A_11 : i32
      %mul3A_13 = arith.constant 4 : i32
      %mul3A_14 = arith.muli %scan3A_10, %mul3A_13 : i32
      %add3A_15 = arith.constant 0 : i32
      %add3A_16 = arith.addi %mul3A_14, %add3A_15 : i32
      %dma_start3A = arith.constant 0 : i32
      %dma_start3A_17 = arith.constant 0 : i32
      %dma_start3A_18 = tpu.memref_slice %arg6[%dma_start3A, %dma_start3A_17] : memref<512x128xf32, #tpu.memory_space<vmem>> -> memref<128x128xf32, #tpu.memory_space<vmem>>
      %dma_start3A_19 = arith.constant 0 : i32
      %dma_start3A_20 = tpu.memref_slice %arg5[%add3A_16, %dma_start3A_19] : memref<32x128xi32, #tpu.memory_space<vmem>> -> memref<1x128xi32, #tpu.memory_space<vmem>>
      %dma_start3A_21 = tpu.memref_squeeze %dma_start3A_20 : memref<1x128xi32, #tpu.memory_space<vmem>> -> memref<128xi32, #tpu.memory_space<vmem>>
      %dma_start3A_22 = arith.constant 0 : i32
      %dma_start3A_23 = arith.constant 0 : i32
      %dma_start3A_24 = tpu.memref_slice %arg2[%dma_start3A_22, %dma_start3A_23] : memref<4096x128xf32, #tpu.memory_space<hbm>> -> memref<4096x128xf32, #tpu.memory_space<hbm>>
      tpu.enqueue_indirect_dma source(%dma_start3A_24 : memref<4096x128xf32, #tpu.memory_space<hbm>>) target(%dma_start3A_18 : memref<128x128xf32, #tpu.memory_space<vmem>>) offsets(%dma_start3A_21 : memref<128xi32, #tpu.memory_space<vmem>>) semaphore(%arg7 : memref<!tpu.dma_semaphore, #tpu.memory_space<semaphore_mem>>)
      %mul3A_25 = arith.constant 4 : i32
      %mul3A_26 = arith.muli %scan3A_10, %mul3A_25 : i32
      %add3A_27 = arith.constant 1 : i32
      %add3A_28 = arith.addi %mul3A_26, %add3A_27 : i32
      %dma_start3A_29 = arith.constant 128 : i32
      %dma_start3A_30 = arith.constant 0 : i32
      %dma_start3A_31 = tpu.memref_slice %arg6[%dma_start3A_29, %dma_start3A_30] : memref<512x128xf32, #tpu.memory_space<vmem>> -> memref<128x128xf32, #tpu.memory_space<vmem>>
      %dma_start3A_32 = arith.constant 0 : i32
      %dma_start3A_33 = tpu.memref_slice %arg5[%add3A_28, %dma_start3A_32] : memref<32x128xi32, #tpu.memory_space<vmem>> -> memref<1x128xi32, #tpu.memory_space<vmem>>
      %dma_start3A_34 = tpu.memref_squeeze %dma_start3A_33 : memref<1x128xi32, #tpu.memory_space<vmem>> -> memref<128xi32, #tpu.memory_space<vmem>>
      %dma_start3A_35 = arith.constant 0 : i32
      %dma_start3A_36 = arith.constant 0 : i32
      %dma_start3A_37 = tpu.memref_slice %arg2[%dma_start3A_35, %dma_start3A_36] : memref<4096x128xf32, #tpu.memory_space<hbm>> -> memref<4096x128xf32, #tpu.memory_space<hbm>>
      tpu.enqueue_indirect_dma source(%dma_start3A_37 : memref<4096x128xf32, #tpu.memory_space<hbm>>) target(%dma_start3A_31 : memref<128x128xf32, #tpu.memory_space<vmem>>) offsets(%dma_start3A_34 : memref<128xi32, #tpu.memory_space<vmem>>) semaphore(%arg7 : memref<!tpu.dma_semaphore, #tpu.memory_space<semaphore_mem>>)
      %mul3A_38 = arith.constant 4 : i32
      %mul3A_39 = arith.muli %scan3A_10, %mul3A_38 : i32
      %add3A_40 = arith.constant 2 : i32
      %add3A_41 = arith.addi %mul3A_39, %add3A_40 : i32
      %dma_start3A_42 = arith.constant 256 : i32
      %dma_start3A_43 = arith.constant 0 : i32
      %dma_start3A_44 = tpu.memref_slice %arg6[%dma_start3A_42, %dma_start3A_43] : memref<512x128xf32, #tpu.memory_space<vmem>> -> memref<128x128xf32, #tpu.memory_space<vmem>>
      %dma_start3A_45 = arith.constant 0 : i32
      %dma_start3A_46 = tpu.memref_slice %arg5[%add3A_41, %dma_start3A_45] : memref<32x128xi32, #tpu.memory_space<vmem>> -> memref<1x128xi32, #tpu.memory_space<vmem>>
      %dma_start3A_47 = tpu.memref_squeeze %dma_start3A_46 : memref<1x128xi32, #tpu.memory_space<vmem>> -> memref<128xi32, #tpu.memory_space<vmem>>
      %dma_start3A_48 = arith.constant 0 : i32
      %dma_start3A_49 = arith.constant 0 : i32
      %dma_start3A_50 = tpu.memref_slice %arg2[%dma_start3A_48, %dma_start3A_49] : memref<4096x128xf32, #tpu.memory_space<hbm>> -> memref<4096x128xf32, #tpu.memory_space<hbm>>
      tpu.enqueue_indirect_dma source(%dma_start3A_50 : memref<4096x128xf32, #tpu.memory_space<hbm>>) target(%dma_start3A_44 : memref<128x128xf32, #tpu.memory_space<vmem>>) offsets(%dma_start3A_47 : memref<128xi32, #tpu.memory_space<vmem>>) semaphore(%arg7 : memref<!tpu.dma_semaphore, #tpu.memory_space<semaphore_mem>>)
      %mul3A_51 = arith.constant 4 : i32
      %mul3A_52 = arith.muli %scan3A_10, %mul3A_51 : i32
      %add3A_53 = arith.constant 3 : i32
      %add3A_54 = arith.addi %mul3A_52, %add3A_53 : i32
      %dma_start3A_55 = arith.constant 384 : i32
      %dma_start3A_56 = arith.constant 0 : i32
      %dma_start3A_57 = tpu.memref_slice %arg6[%dma_start3A_55, %dma_start3A_56] : memref<512x128xf32, #tpu.memory_space<vmem>> -> memref<128x128xf32, #tpu.memory_space<vmem>>
      %dma_start3A_58 = arith.constant 0 : i32
      %dma_start3A_59 = tpu.memref_slice %arg5[%add3A_54, %dma_start3A_58] : memref<32x128xi32, #tpu.memory_space<vmem>> -> memref<1x128xi32, #tpu.memory_space<vmem>>
      %dma_start3A_60 = tpu.memref_squeeze %dma_start3A_59 : memref<1x128xi32, #tpu.memory_space<vmem>> -> memref<128xi32, #tpu.memory_space<vmem>>
      %dma_start3A_61 = arith.constant 0 : i32
      %dma_start3A_62 = arith.constant 0 : i32
      %dma_start3A_63 = tpu.memref_slice %arg2[%dma_start3A_61, %dma_start3A_62] : memref<4096x128xf32, #tpu.memory_space<hbm>> -> memref<4096x128xf32, #tpu.memory_space<hbm>>
      tpu.enqueue_indirect_dma source(%dma_start3A_63 : memref<4096x128xf32, #tpu.memory_space<hbm>>) target(%dma_start3A_57 : memref<128x128xf32, #tpu.memory_space<vmem>>) offsets(%dma_start3A_60 : memref<128xi32, #tpu.memory_space<vmem>>) semaphore(%arg7 : memref<!tpu.dma_semaphore, #tpu.memory_space<semaphore_mem>>)
      %dma_wait3A = arith.constant 0 : i32
      %dma_wait3A_64 = arith.constant 0 : i32
      %dma_wait3A_65 = tpu.memref_slice %arg6[%dma_wait3A, %dma_wait3A_64] : memref<512x128xf32, #tpu.memory_space<vmem>> -> memref<128x128xf32, #tpu.memory_space<vmem>>
      %dma_wait3A_66 = arith.constant 0 : i32
      %dma_wait3A_67 = tpu.memref_slice %arg5[%add3A_16, %dma_wait3A_66] : memref<32x128xi32, #tpu.memory_space<vmem>> -> memref<1x128xi32, #tpu.memory_space<vmem>>
      %dma_wait3A_68 = tpu.memref_squeeze %dma_wait3A_67 : memref<1x128xi32, #tpu.memory_space<vmem>> -> memref<128xi32, #tpu.memory_space<vmem>>
      %dma_wait3A_69 = arith.constant 0 : i32
      %dma_wait3A_70 = arith.constant 0 : i32
      %dma_wait3A_71 = tpu.memref_slice %arg2[%dma_wait3A_69, %dma_wait3A_70] : memref<4096x128xf32, #tpu.memory_space<hbm>> -> memref<4096x128xf32, #tpu.memory_space<hbm>>
      tpu.wait_indirect_dma semaphore(%arg7 : memref<!tpu.dma_semaphore, #tpu.memory_space<semaphore_mem>>) src(%dma_wait3A_71 : memref<4096x128xf32, #tpu.memory_space<hbm>>) dst(%dma_wait3A_65 : memref<128x128xf32, #tpu.memory_space<vmem>>)
      %dma_wait3A_72 = arith.constant 128 : i32
      %dma_wait3A_73 = arith.constant 0 : i32
      %dma_wait3A_74 = tpu.memref_slice %arg6[%dma_wait3A_72, %dma_wait3A_73] : memref<512x128xf32, #tpu.memory_space<vmem>> -> memref<128x128xf32, #tpu.memory_space<vmem>>
      %dma_wait3A_75 = arith.constant 0 : i32
      %dma_wait3A_76 = tpu.memref_slice %arg5[%add3A_28, %dma_wait3A_75] : memref<32x128xi32, #tpu.memory_space<vmem>> -> memref<1x128xi32, #tpu.memory_space<vmem>>
      %dma_wait3A_77 = tpu.memref_squeeze %dma_wait3A_76 : memref<1x128xi32, #tpu.memory_space<vmem>> -> memref<128xi32, #tpu.memory_space<vmem>>
      %dma_wait3A_78 = arith.constant 0 : i32
      %dma_wait3A_79 = arith.constant 0 : i32
      %dma_wait3A_80 = tpu.memref_slice %arg2[%dma_wait3A_78, %dma_wait3A_79] : memref<4096x128xf32, #tpu.memory_space<hbm>> -> memref<4096x128xf32, #tpu.memory_space<hbm>>
      tpu.wait_indirect_dma semaphore(%arg7 : memref<!tpu.dma_semaphore, #tpu.memory_space<semaphore_mem>>) src(%dma_wait3A_80 : memref<4096x128xf32, #tpu.memory_space<hbm>>) dst(%dma_wait3A_74 : memref<128x128xf32, #tpu.memory_space<vmem>>)
      %dma_wait3A_81 = arith.constant 256 : i32
      %dma_wait3A_82 = arith.constant 0 : i32
      %dma_wait3A_83 = tpu.memref_slice %arg6[%dma_wait3A_81, %dma_wait3A_82] : memref<512x128xf32, #tpu.memory_space<vmem>> -> memref<128x128xf32, #tpu.memory_space<vmem>>
      %dma_wait3A_84 = arith.constant 0 : i32
      %dma_wait3A_85 = tpu.memref_slice %arg5[%add3A_41, %dma_wait3A_84] : memref<32x128xi32, #tpu.memory_space<vmem>> -> memref<1x128xi32, #tpu.memory_space<vmem>>
      %dma_wait3A_86 = tpu.memref_squeeze %dma_wait3A_85 : memref<1x128xi32, #tpu.memory_space<vmem>> -> memref<128xi32, #tpu.memory_space<vmem>>
      %dma_wait3A_87 = arith.constant 0 : i32
      %dma_wait3A_88 = arith.constant 0 : i32
      %dma_wait3A_89 = tpu.memref_slice %arg2[%dma_wait3A_87, %dma_wait3A_88] : memref<4096x128xf32, #tpu.memory_space<hbm>> -> memref<4096x128xf32, #tpu.memory_space<hbm>>
      tpu.wait_indirect_dma semaphore(%arg7 : memref<!tpu.dma_semaphore, #tpu.memory_space<semaphore_mem>>) src(%dma_wait3A_89 : memref<4096x128xf32, #tpu.memory_space<hbm>>) dst(%dma_wait3A_83 : memref<128x128xf32, #tpu.memory_space<vmem>>)
      %dma_wait3A_90 = arith.constant 384 : i32
      %dma_wait3A_91 = arith.constant 0 : i32
      %dma_wait3A_92 = tpu.memref_slice %arg6[%dma_wait3A_90, %dma_wait3A_91] : memref<512x128xf32, #tpu.memory_space<vmem>> -> memref<128x128xf32, #tpu.memory_space<vmem>>
      %dma_wait3A_93 = arith.constant 0 : i32
      %dma_wait3A_94 = tpu.memref_slice %arg5[%add3A_54, %dma_wait3A_93] : memref<32x128xi32, #tpu.memory_space<vmem>> -> memref<1x128xi32, #tpu.memory_space<vmem>>
      %dma_wait3A_95 = tpu.memref_squeeze %dma_wait3A_94 : memref<1x128xi32, #tpu.memory_space<vmem>> -> memref<128xi32, #tpu.memory_space<vmem>>
      %dma_wait3A_96 = arith.constant 0 : i32
      %dma_wait3A_97 = arith.constant 0 : i32
      %dma_wait3A_98 = tpu.memref_slice %arg2[%dma_wait3A_96, %dma_wait3A_97] : memref<4096x128xf32, #tpu.memory_space<hbm>> -> memref<4096x128xf32, #tpu.memory_space<hbm>>
      tpu.wait_indirect_dma semaphore(%arg7 : memref<!tpu.dma_semaphore, #tpu.memory_space<semaphore_mem>>) src(%dma_wait3A_98 : memref<4096x128xf32, #tpu.memory_space<hbm>>) dst(%dma_wait3A_92 : memref<128x128xf32, #tpu.memory_space<vmem>>)
      %add3A_99 = arith.addi %mul3A_2, %mul3A_12 : i32
      %dma_start3A_100 = arith.constant 0 : i32
      %dma_start3A_101 = tpu.memref_slice %arg4[%add3A_99, %dma_start3A_100] : memref<131072x128xf32, #tpu.memory_space<hbm>> -> memref<512x128xf32, #tpu.memory_space<hbm>>
      %dma_start3A_102 = arith.constant 0 : i32
      %dma_start3A_103 = tpu.memref_slice %arg4[%add3A_99, %dma_start3A_102] : memref<131072x128xf32, #tpu.memory_space<hbm>> -> memref<512x128xf32, #tpu.memory_space<hbm>>
      tpu.enqueue_dma source(%arg6 : memref<512x128xf32, #tpu.memory_space<vmem>>) target(%dma_start3A_103 : memref<512x128xf32, #tpu.memory_space<hbm>>) target_semaphore(%arg8 : memref<!tpu.dma_semaphore, #tpu.memory_space<semaphore_mem>>)
      %dma_wait3A_104 = arith.constant 0 : i32
      %dma_wait3A_105 = tpu.memref_slice %arg4[%add3A_99, %dma_wait3A_104] : memref<131072x128xf32, #tpu.memory_space<hbm>> -> memref<512x128xf32, #tpu.memory_space<hbm>>
      %dma_wait3A_106 = arith.constant 0 : i32
      %dma_wait3A_107 = tpu.memref_slice %arg4[%add3A_99, %dma_wait3A_106] : memref<131072x128xf32, #tpu.memory_space<hbm>> -> memref<512x128xf32, #tpu.memory_space<hbm>>
      tpu.wait_dma2 semaphore(%arg8 : memref<!tpu.dma_semaphore, #tpu.memory_space<semaphore_mem>>) src(%arg6 : memref<512x128xf32, #tpu.memory_space<vmem>>) dst(%dma_wait3A_107 : memref<512x128xf32, #tpu.memory_space<hbm>>)
    }
    %scan3A_9 = arith.constant 8 : i32
    return
  }
}

#map = affine_map<(d0, d1) -> (0, 0)>
module attributes {stable_mosaic.version = 14 : i64} {
  func.func @gather_k(%arg0: i32, %arg1: i32, %arg2: memref<4096x128xf32, #tpu.memory_space<hbm>>, %arg3: memref<1024x128xi32, #tpu.memory_space<hbm>>, %arg4: memref<131072x128xf32, #tpu.memory_space<hbm>>, %arg5: memref<32x128xi32, #tpu.memory_space<vmem>>, %arg6: memref<512x128xf32, #tpu.memory_space<vmem>>, %arg7: memref<!tpu.dma_semaphore, #tpu.memory_space<semaphore_mem>>, %arg8: memref<!tpu.dma_semaphore, #tpu.memory_space<semaphore_mem>>) attributes {dimension_semantics = [#tpu.dimension_semantics<core_parallel>, #tpu.dimension_semantics<subcore_parallel>], iteration_bounds = array<i64: 2, 16>, scalar_prefetch = 0 : i64, scratch_operands = 4 : i64, tpu.core_type = #tpu.core_type<sc_vector_subcore>, window_params = [{transform_indices = #map}, {transform_indices = #map}, {transform_indices = #map}]} {
    %mul3A = arith.constant 2 : i32
    %mul3A_0 = arith.muli %arg1, %mul3A : i32
    %add3A = arith.addi %mul3A_0, %arg0 : i32
    %mul3A_1 = arith.constant 4096 : i32
    %mul3A_2 = arith.muli %add3A, %mul3A_1 : i32
    %mul3A_3 = arith.constant 32 : i32
    %mul3A_4 = arith.muli %add3A, %mul3A_3 : i32
    "tpu.region"() ({
      %run_scoped3A = tpu.sem_alloc : memref<!tpu.dma_semaphore, #tpu.memory_space<semaphore_mem>>
      %dma_start3A = arith.constant 0 : i32
      %dma_start3A_10 = tpu.memref_slice %arg3[%mul3A_4, %dma_start3A] : memref<1024x128xi32, #tpu.memory_space<hbm>> -> memref<32x128xi32, #tpu.memory_space<hbm>>
      %dma_start3A_11 = arith.constant 0 : i32
      %dma_start3A_12 = tpu.memref_slice %arg3[%mul3A_4, %dma_start3A_11] : memref<1024x128xi32, #tpu.memory_space<hbm>> -> memref<32x128xi32, #tpu.memory_space<hbm>>
      tpu.enqueue_dma source(%dma_start3A_12 : memref<32x128xi32, #tpu.memory_space<hbm>>) target(%arg5 : memref<32x128xi32, #tpu.memory_space<vmem>>) target_semaphore(%run_scoped3A : memref<!tpu.dma_semaphore, #tpu.memory_space<semaphore_mem>>)
      %dma_wait3A = arith.constant 0 : i32
      %dma_wait3A_13 = tpu.memref_slice %arg3[%mul3A_4, %dma_wait3A] : memref<1024x128xi32, #tpu.memory_space<hbm>> -> memref<32x128xi32, #tpu.memory_space<hbm>>
      %dma_wait3A_14 = arith.constant 0 : i32
      %dma_wait3A_15 = tpu.memref_slice %arg3[%mul3A_4, %dma_wait3A_14] : memref<1024x128xi32, #tpu.memory_space<hbm>> -> memref<32x128xi32, #tpu.memory_space<hbm>>
      tpu.wait_dma2 semaphore(%run_scoped3A : memref<!tpu.dma_semaphore, #tpu.memory_space<semaphore_mem>>) src(%dma_wait3A_15 : memref<32x128xi32, #tpu.memory_space<hbm>>) dst(%arg5 : memref<32x128xi32, #tpu.memory_space<vmem>>)
      tpu.yield
    }) : () -> ()
    %scan3A = arith.constant 0 : i32
    %scan3A_5 = arith.constant 0 : i32
    %scan3A_6 = arith.constant 8 : i32
    %scan3A_7 = arith.addi %scan3A_5, %scan3A_6 : i32
    %scan3A_8 = arith.constant 1 : i32
    scf.for %scan3A_10 = %scan3A_5 to %scan3A_7 step %scan3A_8  : i32 {
      %mul3A_11 = arith.constant 512 : i32
      %mul3A_12 = arith.muli %scan3A_10, %mul3A_11 : i32
      %mul3A_13 = arith.constant 4 : i32
      %mul3A_14 = arith.muli %scan3A_10, %mul3A_13 : i32
      %add3A_15 = arith.constant 0 : i32
      %add3A_16 = arith.addi %mul3A_14, %add3A_15 : i32
      %dma_start3A = arith.constant 0 : i32
      %dma_start3A_17 = arith.constant 0 : i32
      %dma_start3A_18 = tpu.memref_slice %arg6[%dma_start3A, %dma_start3A_17] : memref<512x128xf32, #tpu.memory_space<vmem>> -> memref<128x128xf32, #tpu.memory_space<vmem>>
      %dma_start3A_19 = arith.constant 0 : i32
      %dma_start3A_20 = tpu.memref_slice %arg5[%add3A_16, %dma_start3A_19] : memref<32x128xi32, #tpu.memory_space<vmem>> -> memref<1x128xi32, #tpu.memory_space<vmem>>
      %dma_start3A_21 = tpu.memref_squeeze %dma_start3A_20 : memref<1x128xi32, #tpu.memory_space<vmem>> -> memref<128xi32, #tpu.memory_space<vmem>>
      %dma_start3A_22 = arith.constant 0 : i32
      %dma_start3A_23 = arith.constant 0 : i32
      %dma_start3A_24 = tpu.memref_slice %arg2[%dma_start3A_22, %dma_start3A_23] : memref<4096x128xf32, #tpu.memory_space<hbm>> -> memref<4096x128xf32, #tpu.memory_space<hbm>>
      tpu.enqueue_indirect_dma source(%dma_start3A_24 : memref<4096x128xf32, #tpu.memory_space<hbm>>) target(%dma_start3A_18 : memref<128x128xf32, #tpu.memory_space<vmem>>) offsets(%dma_start3A_21 : memref<128xi32, #tpu.memory_space<vmem>>) semaphore(%arg7 : memref<!tpu.dma_semaphore, #tpu.memory_space<semaphore_mem>>)
      %mul3A_25 = arith.constant 4 : i32
      %mul3A_26 = arith.muli %scan3A_10, %mul3A_25 : i32
      %add3A_27 = arith.constant 1 : i32
      %add3A_28 = arith.addi %mul3A_26, %add3A_27 : i32
      %dma_start3A_29 = arith.constant 128 : i32
      %dma_start3A_30 = arith.constant 0 : i32
      %dma_start3A_31 = tpu.memref_slice %arg6[%dma_start3A_29, %dma_start3A_30] : memref<512x128xf32, #tpu.memory_space<vmem>> -> memref<128x128xf32, #tpu.memory_space<vmem>>
      %dma_start3A_32 = arith.constant 0 : i32
      %dma_start3A_33 = tpu.memref_slice %arg5[%add3A_28, %dma_start3A_32] : memref<32x128xi32, #tpu.memory_space<vmem>> -> memref<1x128xi32, #tpu.memory_space<vmem>>
      %dma_start3A_34 = tpu.memref_squeeze %dma_start3A_33 : memref<1x128xi32, #tpu.memory_space<vmem>> -> memref<128xi32, #tpu.memory_space<vmem>>
      %dma_start3A_35 = arith.constant 0 : i32
      %dma_start3A_36 = arith.constant 0 : i32
      %dma_start3A_37 = tpu.memref_slice %arg2[%dma_start3A_35, %dma_start3A_36] : memref<4096x128xf32, #tpu.memory_space<hbm>> -> memref<4096x128xf32, #tpu.memory_space<hbm>>
      tpu.enqueue_indirect_dma source(%dma_start3A_37 : memref<4096x128xf32, #tpu.memory_space<hbm>>) target(%dma_start3A_31 : memref<128x128xf32, #tpu.memory_space<vmem>>) offsets(%dma_start3A_34 : memref<128xi32, #tpu.memory_space<vmem>>) semaphore(%arg7 : memref<!tpu.dma_semaphore, #tpu.memory_space<semaphore_mem>>)
      %mul3A_38 = arith.constant 4 : i32
      %mul3A_39 = arith.muli %scan3A_10, %mul3A_38 : i32
      %add3A_40 = arith.constant 2 : i32
      %add3A_41 = arith.addi %mul3A_39, %add3A_40 : i32
      %dma_start3A_42 = arith.constant 256 : i32
      %dma_start3A_43 = arith.constant 0 : i32
      %dma_start3A_44 = tpu.memref_slice %arg6[%dma_start3A_42, %dma_start3A_43] : memref<512x128xf32, #tpu.memory_space<vmem>> -> memref<128x128xf32, #tpu.memory_space<vmem>>
      %dma_start3A_45 = arith.constant 0 : i32
      %dma_start3A_46 = tpu.memref_slice %arg5[%add3A_41, %dma_start3A_45] : memref<32x128xi32, #tpu.memory_space<vmem>> -> memref<1x128xi32, #tpu.memory_space<vmem>>
      %dma_start3A_47 = tpu.memref_squeeze %dma_start3A_46 : memref<1x128xi32, #tpu.memory_space<vmem>> -> memref<128xi32, #tpu.memory_space<vmem>>
      %dma_start3A_48 = arith.constant 0 : i32
      %dma_start3A_49 = arith.constant 0 : i32
      %dma_start3A_50 = tpu.memref_slice %arg2[%dma_start3A_48, %dma_start3A_49] : memref<4096x128xf32, #tpu.memory_space<hbm>> -> memref<4096x128xf32, #tpu.memory_space<hbm>>
      tpu.enqueue_indirect_dma source(%dma_start3A_50 : memref<4096x128xf32, #tpu.memory_space<hbm>>) target(%dma_start3A_44 : memref<128x128xf32, #tpu.memory_space<vmem>>) offsets(%dma_start3A_47 : memref<128xi32, #tpu.memory_space<vmem>>) semaphore(%arg7 : memref<!tpu.dma_semaphore, #tpu.memory_space<semaphore_mem>>)
      %mul3A_51 = arith.constant 4 : i32
      %mul3A_52 = arith.muli %scan3A_10, %mul3A_51 : i32
      %add3A_53 = arith.constant 3 : i32
      %add3A_54 = arith.addi %mul3A_52, %add3A_53 : i32
      %dma_start3A_55 = arith.constant 384 : i32
      %dma_start3A_56 = arith.constant 0 : i32
      %dma_start3A_57 = tpu.memref_slice %arg6[%dma_start3A_55, %dma_start3A_56] : memref<512x128xf32, #tpu.memory_space<vmem>> -> memref<128x128xf32, #tpu.memory_space<vmem>>
      %dma_start3A_58 = arith.constant 0 : i32
      %dma_start3A_59 = tpu.memref_slice %arg5[%add3A_54, %dma_start3A_58] : memref<32x128xi32, #tpu.memory_space<vmem>> -> memref<1x128xi32, #tpu.memory_space<vmem>>
      %dma_start3A_60 = tpu.memref_squeeze %dma_start3A_59 : memref<1x128xi32, #tpu.memory_space<vmem>> -> memref<128xi32, #tpu.memory_space<vmem>>
      %dma_start3A_61 = arith.constant 0 : i32
      %dma_start3A_62 = arith.constant 0 : i32
      %dma_start3A_63 = tpu.memref_slice %arg2[%dma_start3A_61, %dma_start3A_62] : memref<4096x128xf32, #tpu.memory_space<hbm>> -> memref<4096x128xf32, #tpu.memory_space<hbm>>
      tpu.enqueue_indirect_dma source(%dma_start3A_63 : memref<4096x128xf32, #tpu.memory_space<hbm>>) target(%dma_start3A_57 : memref<128x128xf32, #tpu.memory_space<vmem>>) offsets(%dma_start3A_60 : memref<128xi32, #tpu.memory_space<vmem>>) semaphore(%arg7 : memref<!tpu.dma_semaphore, #tpu.memory_space<semaphore_mem>>)
      %dma_wait3A = arith.constant 0 : i32
      %dma_wait3A_64 = arith.constant 0 : i32
      %dma_wait3A_65 = tpu.memref_slice %arg6[%dma_wait3A, %dma_wait3A_64] : memref<512x128xf32, #tpu.memory_space<vmem>> -> memref<128x128xf32, #tpu.memory_space<vmem>>
      %dma_wait3A_66 = arith.constant 0 : i32
      %dma_wait3A_67 = tpu.memref_slice %arg5[%add3A_16, %dma_wait3A_66] : memref<32x128xi32, #tpu.memory_space<vmem>> -> memref<1x128xi32, #tpu.memory_space<vmem>>
      %dma_wait3A_68 = tpu.memref_squeeze %dma_wait3A_67 : memref<1x128xi32, #tpu.memory_space<vmem>> -> memref<128xi32, #tpu.memory_space<vmem>>
      %dma_wait3A_69 = arith.constant 0 : i32
      %dma_wait3A_70 = arith.constant 0 : i32
      %dma_wait3A_71 = tpu.memref_slice %arg2[%dma_wait3A_69, %dma_wait3A_70] : memref<4096x128xf32, #tpu.memory_space<hbm>> -> memref<4096x128xf32, #tpu.memory_space<hbm>>
      tpu.wait_indirect_dma semaphore(%arg7 : memref<!tpu.dma_semaphore, #tpu.memory_space<semaphore_mem>>) src(%dma_wait3A_71 : memref<4096x128xf32, #tpu.memory_space<hbm>>) dst(%dma_wait3A_65 : memref<128x128xf32, #tpu.memory_space<vmem>>)
      %dma_wait3A_72 = arith.constant 128 : i32
      %dma_wait3A_73 = arith.constant 0 : i32
      %dma_wait3A_74 = tpu.memref_slice %arg6[%dma_wait3A_72, %dma_wait3A_73] : memref<512x128xf32, #tpu.memory_space<vmem>> -> memref<128x128xf32, #tpu.memory_space<vmem>>
      %dma_wait3A_75 = arith.constant 0 : i32
      %dma_wait3A_76 = tpu.memref_slice %arg5[%add3A_28, %dma_wait3A_75] : memref<32x128xi32, #tpu.memory_space<vmem>> -> memref<1x128xi32, #tpu.memory_space<vmem>>
      %dma_wait3A_77 = tpu.memref_squeeze %dma_wait3A_76 : memref<1x128xi32, #tpu.memory_space<vmem>> -> memref<128xi32, #tpu.memory_space<vmem>>
      %dma_wait3A_78 = arith.constant 0 : i32
      %dma_wait3A_79 = arith.constant 0 : i32
      %dma_wait3A_80 = tpu.memref_slice %arg2[%dma_wait3A_78, %dma_wait3A_79] : memref<4096x128xf32, #tpu.memory_space<hbm>> -> memref<4096x128xf32, #tpu.memory_space<hbm>>
      tpu.wait_indirect_dma semaphore(%arg7 : memref<!tpu.dma_semaphore, #tpu.memory_space<semaphore_mem>>) src(%dma_wait3A_80 : memref<4096x128xf32, #tpu.memory_space<hbm>>) dst(%dma_wait3A_74 : memref<128x128xf32, #tpu.memory_space<vmem>>)
      %dma_wait3A_81 = arith.constant 256 : i32
      %dma_wait3A_82 = arith.constant 0 : i32
      %dma_wait3A_83 = tpu.memref_slice %arg6[%dma_wait3A_81, %dma_wait3A_82] : memref<512x128xf32, #tpu.memory_space<vmem>> -> memref<128x128xf32, #tpu.memory_space<vmem>>
      %dma_wait3A_84 = arith.constant 0 : i32
      %dma_wait3A_85 = tpu.memref_slice %arg5[%add3A_41, %dma_wait3A_84] : memref<32x128xi32, #tpu.memory_space<vmem>> -> memref<1x128xi32, #tpu.memory_space<vmem>>
      %dma_wait3A_86 = tpu.memref_squeeze %dma_wait3A_85 : memref<1x128xi32, #tpu.memory_space<vmem>> -> memref<128xi32, #tpu.memory_space<vmem>>
      %dma_wait3A_87 = arith.constant 0 : i32
      %dma_wait3A_88 = arith.constant 0 : i32
      %dma_wait3A_89 = tpu.memref_slice %arg2[%dma_wait3A_87, %dma_wait3A_88] : memref<4096x128xf32, #tpu.memory_space<hbm>> -> memref<4096x128xf32, #tpu.memory_space<hbm>>
      tpu.wait_indirect_dma semaphore(%arg7 : memref<!tpu.dma_semaphore, #tpu.memory_space<semaphore_mem>>) src(%dma_wait3A_89 : memref<4096x128xf32, #tpu.memory_space<hbm>>) dst(%dma_wait3A_83 : memref<128x128xf32, #tpu.memory_space<vmem>>)
      %dma_wait3A_90 = arith.constant 384 : i32
      %dma_wait3A_91 = arith.constant 0 : i32
      %dma_wait3A_92 = tpu.memref_slice %arg6[%dma_wait3A_90, %dma_wait3A_91] : memref<512x128xf32, #tpu.memory_space<vmem>> -> memref<128x128xf32, #tpu.memory_space<vmem>>
      %dma_wait3A_93 = arith.constant 0 : i32
      %dma_wait3A_94 = tpu.memref_slice %arg5[%add3A_54, %dma_wait3A_93] : memref<32x128xi32, #tpu.memory_space<vmem>> -> memref<1x128xi32, #tpu.memory_space<vmem>>
      %dma_wait3A_95 = tpu.memref_squeeze %dma_wait3A_94 : memref<1x128xi32, #tpu.memory_space<vmem>> -> memref<128xi32, #tpu.memory_space<vmem>>
      %dma_wait3A_96 = arith.constant 0 : i32
      %dma_wait3A_97 = arith.constant 0 : i32
      %dma_wait3A_98 = tpu.memref_slice %arg2[%dma_wait3A_96, %dma_wait3A_97] : memref<4096x128xf32, #tpu.memory_space<hbm>> -> memref<4096x128xf32, #tpu.memory_space<hbm>>
      tpu.wait_indirect_dma semaphore(%arg7 : memref<!tpu.dma_semaphore, #tpu.memory_space<semaphore_mem>>) src(%dma_wait3A_98 : memref<4096x128xf32, #tpu.memory_space<hbm>>) dst(%dma_wait3A_92 : memref<128x128xf32, #tpu.memory_space<vmem>>)
      %add3A_99 = arith.addi %mul3A_2, %mul3A_12 : i32
      %dma_start3A_100 = arith.constant 0 : i32
      %dma_start3A_101 = tpu.memref_slice %arg4[%add3A_99, %dma_start3A_100] : memref<131072x128xf32, #tpu.memory_space<hbm>> -> memref<512x128xf32, #tpu.memory_space<hbm>>
      %dma_start3A_102 = arith.constant 0 : i32
      %dma_start3A_103 = tpu.memref_slice %arg4[%add3A_99, %dma_start3A_102] : memref<131072x128xf32, #tpu.memory_space<hbm>> -> memref<512x128xf32, #tpu.memory_space<hbm>>
      tpu.enqueue_dma source(%arg6 : memref<512x128xf32, #tpu.memory_space<vmem>>) target(%dma_start3A_103 : memref<512x128xf32, #tpu.memory_space<hbm>>) target_semaphore(%arg8 : memref<!tpu.dma_semaphore, #tpu.memory_space<semaphore_mem>>)
      %dma_wait3A_104 = arith.constant 0 : i32
      %dma_wait3A_105 = tpu.memref_slice %arg4[%add3A_99, %dma_wait3A_104] : memref<131072x128xf32, #tpu.memory_space<hbm>> -> memref<512x128xf32, #tpu.memory_space<hbm>>
      %dma_wait3A_106 = arith.constant 0 : i32
      %dma_wait3A_107 = tpu.memref_slice %arg4[%add3A_99, %dma_wait3A_106] : memref<131072x128xf32, #tpu.memory_space<hbm>> -> memref<512x128xf32, #tpu.memory_space<hbm>>
      tpu.wait_dma2 semaphore(%arg8 : memref<!tpu.dma_semaphore, #tpu.memory_space<semaphore_mem>>) src(%arg6 : memref<512x128xf32, #tpu.memory_space<vmem>>) dst(%dma_wait3A_107 : memref<512x128xf32, #tpu.memory_space<hbm>>)
    }
    %scan3A_9 = arith.constant 8 : i32
    return
  }
}

#map = affine_map<(d0, d1) -> (0, 0)>
module attributes {stable_mosaic.version = 14 : i64} {
  func.func @gather_k(%arg0: i32, %arg1: i32, %arg2: memref<4096x128xf32, #tpu.memory_space<hbm>>, %arg3: memref<1024x128xi32, #tpu.memory_space<hbm>>, %arg4: memref<131072x128xf32, #tpu.memory_space<hbm>>, %arg5: memref<32x128xi32, #tpu.memory_space<vmem>>, %arg6: memref<512x128xf32, #tpu.memory_space<vmem>>, %arg7: memref<!tpu.dma_semaphore, #tpu.memory_space<semaphore_mem>>, %arg8: memref<!tpu.dma_semaphore, #tpu.memory_space<semaphore_mem>>) attributes {dimension_semantics = [#tpu.dimension_semantics<core_parallel>, #tpu.dimension_semantics<subcore_parallel>], iteration_bounds = array<i64: 2, 16>, scalar_prefetch = 0 : i64, scratch_operands = 4 : i64, tpu.core_type = #tpu.core_type<sc_vector_subcore>, window_params = [{transform_indices = #map}, {transform_indices = #map}, {transform_indices = #map}]} {
    %mul3A = arith.constant 2 : i32
    %mul3A_0 = arith.muli %arg1, %mul3A : i32
    %add3A = arith.addi %mul3A_0, %arg0 : i32
    %mul3A_1 = arith.constant 4096 : i32
    %mul3A_2 = arith.muli %add3A, %mul3A_1 : i32
    %mul3A_3 = arith.constant 32 : i32
    %mul3A_4 = arith.muli %add3A, %mul3A_3 : i32
    "tpu.region"() ({
      %run_scoped3A = tpu.sem_alloc : memref<!tpu.dma_semaphore, #tpu.memory_space<semaphore_mem>>
      %dma_start3A = arith.constant 0 : i32
      %dma_start3A_10 = tpu.memref_slice %arg3[%mul3A_4, %dma_start3A] : memref<1024x128xi32, #tpu.memory_space<hbm>> -> memref<32x128xi32, #tpu.memory_space<hbm>>
      %dma_start3A_11 = arith.constant 0 : i32
      %dma_start3A_12 = tpu.memref_slice %arg3[%mul3A_4, %dma_start3A_11] : memref<1024x128xi32, #tpu.memory_space<hbm>> -> memref<32x128xi32, #tpu.memory_space<hbm>>
      tpu.enqueue_dma source(%dma_start3A_12 : memref<32x128xi32, #tpu.memory_space<hbm>>) target(%arg5 : memref<32x128xi32, #tpu.memory_space<vmem>>) target_semaphore(%run_scoped3A : memref<!tpu.dma_semaphore, #tpu.memory_space<semaphore_mem>>)
      %dma_wait3A = arith.constant 0 : i32
      %dma_wait3A_13 = tpu.memref_slice %arg3[%mul3A_4, %dma_wait3A] : memref<1024x128xi32, #tpu.memory_space<hbm>> -> memref<32x128xi32, #tpu.memory_space<hbm>>
      %dma_wait3A_14 = arith.constant 0 : i32
      %dma_wait3A_15 = tpu.memref_slice %arg3[%mul3A_4, %dma_wait3A_14] : memref<1024x128xi32, #tpu.memory_space<hbm>> -> memref<32x128xi32, #tpu.memory_space<hbm>>
      tpu.wait_dma2 semaphore(%run_scoped3A : memref<!tpu.dma_semaphore, #tpu.memory_space<semaphore_mem>>) src(%dma_wait3A_15 : memref<32x128xi32, #tpu.memory_space<hbm>>) dst(%arg5 : memref<32x128xi32, #tpu.memory_space<vmem>>)
      tpu.yield
    }) : () -> ()
    %scan3A = arith.constant 0 : i32
    %scan3A_5 = arith.constant 0 : i32
    %scan3A_6 = arith.constant 8 : i32
    %scan3A_7 = arith.addi %scan3A_5, %scan3A_6 : i32
    %scan3A_8 = arith.constant 1 : i32
    scf.for %scan3A_10 = %scan3A_5 to %scan3A_7 step %scan3A_8  : i32 {
      %mul3A_11 = arith.constant 512 : i32
      %mul3A_12 = arith.muli %scan3A_10, %mul3A_11 : i32
      %mul3A_13 = arith.constant 4 : i32
      %mul3A_14 = arith.muli %scan3A_10, %mul3A_13 : i32
      %add3A_15 = arith.constant 0 : i32
      %add3A_16 = arith.addi %mul3A_14, %add3A_15 : i32
      %dma_start3A = arith.constant 0 : i32
      %dma_start3A_17 = arith.constant 0 : i32
      %dma_start3A_18 = tpu.memref_slice %arg6[%dma_start3A, %dma_start3A_17] : memref<512x128xf32, #tpu.memory_space<vmem>> -> memref<128x128xf32, #tpu.memory_space<vmem>>
      %dma_start3A_19 = arith.constant 0 : i32
      %dma_start3A_20 = tpu.memref_slice %arg5[%add3A_16, %dma_start3A_19] : memref<32x128xi32, #tpu.memory_space<vmem>> -> memref<1x128xi32, #tpu.memory_space<vmem>>
      %dma_start3A_21 = tpu.memref_squeeze %dma_start3A_20 : memref<1x128xi32, #tpu.memory_space<vmem>> -> memref<128xi32, #tpu.memory_space<vmem>>
      %dma_start3A_22 = arith.constant 0 : i32
      %dma_start3A_23 = arith.constant 0 : i32
      %dma_start3A_24 = tpu.memref_slice %arg2[%dma_start3A_22, %dma_start3A_23] : memref<4096x128xf32, #tpu.memory_space<hbm>> -> memref<4096x128xf32, #tpu.memory_space<hbm>>
      tpu.enqueue_indirect_dma source(%dma_start3A_24 : memref<4096x128xf32, #tpu.memory_space<hbm>>) target(%dma_start3A_18 : memref<128x128xf32, #tpu.memory_space<vmem>>) offsets(%dma_start3A_21 : memref<128xi32, #tpu.memory_space<vmem>>) semaphore(%arg7 : memref<!tpu.dma_semaphore, #tpu.memory_space<semaphore_mem>>)
      %mul3A_25 = arith.constant 4 : i32
      %mul3A_26 = arith.muli %scan3A_10, %mul3A_25 : i32
      %add3A_27 = arith.constant 1 : i32
      %add3A_28 = arith.addi %mul3A_26, %add3A_27 : i32
      %dma_start3A_29 = arith.constant 128 : i32
      %dma_start3A_30 = arith.constant 0 : i32
      %dma_start3A_31 = tpu.memref_slice %arg6[%dma_start3A_29, %dma_start3A_30] : memref<512x128xf32, #tpu.memory_space<vmem>> -> memref<128x128xf32, #tpu.memory_space<vmem>>
      %dma_start3A_32 = arith.constant 0 : i32
      %dma_start3A_33 = tpu.memref_slice %arg5[%add3A_28, %dma_start3A_32] : memref<32x128xi32, #tpu.memory_space<vmem>> -> memref<1x128xi32, #tpu.memory_space<vmem>>
      %dma_start3A_34 = tpu.memref_squeeze %dma_start3A_33 : memref<1x128xi32, #tpu.memory_space<vmem>> -> memref<128xi32, #tpu.memory_space<vmem>>
      %dma_start3A_35 = arith.constant 0 : i32
      %dma_start3A_36 = arith.constant 0 : i32
      %dma_start3A_37 = tpu.memref_slice %arg2[%dma_start3A_35, %dma_start3A_36] : memref<4096x128xf32, #tpu.memory_space<hbm>> -> memref<4096x128xf32, #tpu.memory_space<hbm>>
      tpu.enqueue_indirect_dma source(%dma_start3A_37 : memref<4096x128xf32, #tpu.memory_space<hbm>>) target(%dma_start3A_31 : memref<128x128xf32, #tpu.memory_space<vmem>>) offsets(%dma_start3A_34 : memref<128xi32, #tpu.memory_space<vmem>>) semaphore(%arg7 : memref<!tpu.dma_semaphore, #tpu.memory_space<semaphore_mem>>)
      %mul3A_38 = arith.constant 4 : i32
      %mul3A_39 = arith.muli %scan3A_10, %mul3A_38 : i32
      %add3A_40 = arith.constant 2 : i32
      %add3A_41 = arith.addi %mul3A_39, %add3A_40 : i32
      %dma_start3A_42 = arith.constant 256 : i32
      %dma_start3A_43 = arith.constant 0 : i32
      %dma_start3A_44 = tpu.memref_slice %arg6[%dma_start3A_42, %dma_start3A_43] : memref<512x128xf32, #tpu.memory_space<vmem>> -> memref<128x128xf32, #tpu.memory_space<vmem>>
      %dma_start3A_45 = arith.constant 0 : i32
      %dma_start3A_46 = tpu.memref_slice %arg5[%add3A_41, %dma_start3A_45] : memref<32x128xi32, #tpu.memory_space<vmem>> -> memref<1x128xi32, #tpu.memory_space<vmem>>
      %dma_start3A_47 = tpu.memref_squeeze %dma_start3A_46 : memref<1x128xi32, #tpu.memory_space<vmem>> -> memref<128xi32, #tpu.memory_space<vmem>>
      %dma_start3A_48 = arith.constant 0 : i32
      %dma_start3A_49 = arith.constant 0 : i32
      %dma_start3A_50 = tpu.memref_slice %arg2[%dma_start3A_48, %dma_start3A_49] : memref<4096x128xf32, #tpu.memory_space<hbm>> -> memref<4096x128xf32, #tpu.memory_space<hbm>>
      tpu.enqueue_indirect_dma source(%dma_start3A_50 : memref<4096x128xf32, #tpu.memory_space<hbm>>) target(%dma_start3A_44 : memref<128x128xf32, #tpu.memory_space<vmem>>) offsets(%dma_start3A_47 : memref<128xi32, #tpu.memory_space<vmem>>) semaphore(%arg7 : memref<!tpu.dma_semaphore, #tpu.memory_space<semaphore_mem>>)
      %mul3A_51 = arith.constant 4 : i32
      %mul3A_52 = arith.muli %scan3A_10, %mul3A_51 : i32
      %add3A_53 = arith.constant 3 : i32
      %add3A_54 = arith.addi %mul3A_52, %add3A_53 : i32
      %dma_start3A_55 = arith.constant 384 : i32
      %dma_start3A_56 = arith.constant 0 : i32
      %dma_start3A_57 = tpu.memref_slice %arg6[%dma_start3A_55, %dma_start3A_56] : memref<512x128xf32, #tpu.memory_space<vmem>> -> memref<128x128xf32, #tpu.memory_space<vmem>>
      %dma_start3A_58 = arith.constant 0 : i32
      %dma_start3A_59 = tpu.memref_slice %arg5[%add3A_54, %dma_start3A_58] : memref<32x128xi32, #tpu.memory_space<vmem>> -> memref<1x128xi32, #tpu.memory_space<vmem>>
      %dma_start3A_60 = tpu.memref_squeeze %dma_start3A_59 : memref<1x128xi32, #tpu.memory_space<vmem>> -> memref<128xi32, #tpu.memory_space<vmem>>
      %dma_start3A_61 = arith.constant 0 : i32
      %dma_start3A_62 = arith.constant 0 : i32
      %dma_start3A_63 = tpu.memref_slice %arg2[%dma_start3A_61, %dma_start3A_62] : memref<4096x128xf32, #tpu.memory_space<hbm>> -> memref<4096x128xf32, #tpu.memory_space<hbm>>
      tpu.enqueue_indirect_dma source(%dma_start3A_63 : memref<4096x128xf32, #tpu.memory_space<hbm>>) target(%dma_start3A_57 : memref<128x128xf32, #tpu.memory_space<vmem>>) offsets(%dma_start3A_60 : memref<128xi32, #tpu.memory_space<vmem>>) semaphore(%arg7 : memref<!tpu.dma_semaphore, #tpu.memory_space<semaphore_mem>>)
      %dma_wait3A = arith.constant 0 : i32
      %dma_wait3A_64 = arith.constant 0 : i32
      %dma_wait3A_65 = tpu.memref_slice %arg6[%dma_wait3A, %dma_wait3A_64] : memref<512x128xf32, #tpu.memory_space<vmem>> -> memref<128x128xf32, #tpu.memory_space<vmem>>
      %dma_wait3A_66 = arith.constant 0 : i32
      %dma_wait3A_67 = tpu.memref_slice %arg5[%add3A_16, %dma_wait3A_66] : memref<32x128xi32, #tpu.memory_space<vmem>> -> memref<1x128xi32, #tpu.memory_space<vmem>>
      %dma_wait3A_68 = tpu.memref_squeeze %dma_wait3A_67 : memref<1x128xi32, #tpu.memory_space<vmem>> -> memref<128xi32, #tpu.memory_space<vmem>>
      %dma_wait3A_69 = arith.constant 0 : i32
      %dma_wait3A_70 = arith.constant 0 : i32
      %dma_wait3A_71 = tpu.memref_slice %arg2[%dma_wait3A_69, %dma_wait3A_70] : memref<4096x128xf32, #tpu.memory_space<hbm>> -> memref<4096x128xf32, #tpu.memory_space<hbm>>
      tpu.wait_indirect_dma semaphore(%arg7 : memref<!tpu.dma_semaphore, #tpu.memory_space<semaphore_mem>>) src(%dma_wait3A_71 : memref<4096x128xf32, #tpu.memory_space<hbm>>) dst(%dma_wait3A_65 : memref<128x128xf32, #tpu.memory_space<vmem>>)
      %dma_wait3A_72 = arith.constant 128 : i32
      %dma_wait3A_73 = arith.constant 0 : i32
      %dma_wait3A_74 = tpu.memref_slice %arg6[%dma_wait3A_72, %dma_wait3A_73] : memref<512x128xf32, #tpu.memory_space<vmem>> -> memref<128x128xf32, #tpu.memory_space<vmem>>
      %dma_wait3A_75 = arith.constant 0 : i32
      %dma_wait3A_76 = tpu.memref_slice %arg5[%add3A_28, %dma_wait3A_75] : memref<32x128xi32, #tpu.memory_space<vmem>> -> memref<1x128xi32, #tpu.memory_space<vmem>>
      %dma_wait3A_77 = tpu.memref_squeeze %dma_wait3A_76 : memref<1x128xi32, #tpu.memory_space<vmem>> -> memref<128xi32, #tpu.memory_space<vmem>>
      %dma_wait3A_78 = arith.constant 0 : i32
      %dma_wait3A_79 = arith.constant 0 : i32
      %dma_wait3A_80 = tpu.memref_slice %arg2[%dma_wait3A_78, %dma_wait3A_79] : memref<4096x128xf32, #tpu.memory_space<hbm>> -> memref<4096x128xf32, #tpu.memory_space<hbm>>
      tpu.wait_indirect_dma semaphore(%arg7 : memref<!tpu.dma_semaphore, #tpu.memory_space<semaphore_mem>>) src(%dma_wait3A_80 : memref<4096x128xf32, #tpu.memory_space<hbm>>) dst(%dma_wait3A_74 : memref<128x128xf32, #tpu.memory_space<vmem>>)
      %dma_wait3A_81 = arith.constant 256 : i32
      %dma_wait3A_82 = arith.constant 0 : i32
      %dma_wait3A_83 = tpu.memref_slice %arg6[%dma_wait3A_81, %dma_wait3A_82] : memref<512x128xf32, #tpu.memory_space<vmem>> -> memref<128x128xf32, #tpu.memory_space<vmem>>
      %dma_wait3A_84 = arith.constant 0 : i32
      %dma_wait3A_85 = tpu.memref_slice %arg5[%add3A_41, %dma_wait3A_84] : memref<32x128xi32, #tpu.memory_space<vmem>> -> memref<1x128xi32, #tpu.memory_space<vmem>>
      %dma_wait3A_86 = tpu.memref_squeeze %dma_wait3A_85 : memref<1x128xi32, #tpu.memory_space<vmem>> -> memref<128xi32, #tpu.memory_space<vmem>>
      %dma_wait3A_87 = arith.constant 0 : i32
      %dma_wait3A_88 = arith.constant 0 : i32
      %dma_wait3A_89 = tpu.memref_slice %arg2[%dma_wait3A_87, %dma_wait3A_88] : memref<4096x128xf32, #tpu.memory_space<hbm>> -> memref<4096x128xf32, #tpu.memory_space<hbm>>
      tpu.wait_indirect_dma semaphore(%arg7 : memref<!tpu.dma_semaphore, #tpu.memory_space<semaphore_mem>>) src(%dma_wait3A_89 : memref<4096x128xf32, #tpu.memory_space<hbm>>) dst(%dma_wait3A_83 : memref<128x128xf32, #tpu.memory_space<vmem>>)
      %dma_wait3A_90 = arith.constant 384 : i32
      %dma_wait3A_91 = arith.constant 0 : i32
      %dma_wait3A_92 = tpu.memref_slice %arg6[%dma_wait3A_90, %dma_wait3A_91] : memref<512x128xf32, #tpu.memory_space<vmem>> -> memref<128x128xf32, #tpu.memory_space<vmem>>
      %dma_wait3A_93 = arith.constant 0 : i32
      %dma_wait3A_94 = tpu.memref_slice %arg5[%add3A_54, %dma_wait3A_93] : memref<32x128xi32, #tpu.memory_space<vmem>> -> memref<1x128xi32, #tpu.memory_space<vmem>>
      %dma_wait3A_95 = tpu.memref_squeeze %dma_wait3A_94 : memref<1x128xi32, #tpu.memory_space<vmem>> -> memref<128xi32, #tpu.memory_space<vmem>>
      %dma_wait3A_96 = arith.constant 0 : i32
      %dma_wait3A_97 = arith.constant 0 : i32
      %dma_wait3A_98 = tpu.memref_slice %arg2[%dma_wait3A_96, %dma_wait3A_97] : memref<4096x128xf32, #tpu.memory_space<hbm>> -> memref<4096x128xf32, #tpu.memory_space<hbm>>
      tpu.wait_indirect_dma semaphore(%arg7 : memref<!tpu.dma_semaphore, #tpu.memory_space<semaphore_mem>>) src(%dma_wait3A_98 : memref<4096x128xf32, #tpu.memory_space<hbm>>) dst(%dma_wait3A_92 : memref<128x128xf32, #tpu.memory_space<vmem>>)
      %add3A_99 = arith.addi %mul3A_2, %mul3A_12 : i32
      %dma_start3A_100 = arith.constant 0 : i32
      %dma_start3A_101 = tpu.memref_slice %arg4[%add3A_99, %dma_start3A_100] : memref<131072x128xf32, #tpu.memory_space<hbm>> -> memref<512x128xf32, #tpu.memory_space<hbm>>
      %dma_start3A_102 = arith.constant 0 : i32
      %dma_start3A_103 = tpu.memref_slice %arg4[%add3A_99, %dma_start3A_102] : memref<131072x128xf32, #tpu.memory_space<hbm>> -> memref<512x128xf32, #tpu.memory_space<hbm>>
      tpu.enqueue_dma source(%arg6 : memref<512x128xf32, #tpu.memory_space<vmem>>) target(%dma_start3A_103 : memref<512x128xf32, #tpu.memory_space<hbm>>) target_semaphore(%arg8 : memref<!tpu.dma_semaphore, #tpu.memory_space<semaphore_mem>>)
      %dma_wait3A_104 = arith.constant 0 : i32
      %dma_wait3A_105 = tpu.memref_slice %arg4[%add3A_99, %dma_wait3A_104] : memref<131072x128xf32, #tpu.memory_space<hbm>> -> memref<512x128xf32, #tpu.memory_space<hbm>>
      %dma_wait3A_106 = arith.constant 0 : i32
      %dma_wait3A_107 = tpu.memref_slice %arg4[%add3A_99, %dma_wait3A_106] : memref<131072x128xf32, #tpu.memory_space<hbm>> -> memref<512x128xf32, #tpu.memory_space<hbm>>
      tpu.wait_dma2 semaphore(%arg8 : memref<!tpu.dma_semaphore, #tpu.memory_space<semaphore_mem>>) src(%arg6 : memref<512x128xf32, #tpu.memory_space<vmem>>) dst(%dma_wait3A_107 : memref<512x128xf32, #tpu.memory_space<hbm>>)
    }
    %scan3A_9 = arith.constant 8 : i32
    return
  }
}

#map = affine_map<(d0, d1) -> (0, 0)>
module attributes {stable_mosaic.version = 14 : i64} {
  func.func @gather_k(%arg0: i32, %arg1: i32, %arg2: memref<4096x128xf32, #tpu.memory_space<hbm>>, %arg3: memref<1024x128xi32, #tpu.memory_space<hbm>>, %arg4: memref<131072x128xf32, #tpu.memory_space<hbm>>, %arg5: memref<32x128xi32, #tpu.memory_space<vmem>>, %arg6: memref<512x128xf32, #tpu.memory_space<vmem>>, %arg7: memref<!tpu.dma_semaphore, #tpu.memory_space<semaphore_mem>>, %arg8: memref<!tpu.dma_semaphore, #tpu.memory_space<semaphore_mem>>) attributes {dimension_semantics = [#tpu.dimension_semantics<core_parallel>, #tpu.dimension_semantics<subcore_parallel>], iteration_bounds = array<i64: 2, 16>, scalar_prefetch = 0 : i64, scratch_operands = 4 : i64, tpu.core_type = #tpu.core_type<sc_vector_subcore>, window_params = [{transform_indices = #map}, {transform_indices = #map}, {transform_indices = #map}]} {
    %mul3A = arith.constant 2 : i32
    %mul3A_0 = arith.muli %arg1, %mul3A : i32
    %add3A = arith.addi %mul3A_0, %arg0 : i32
    %mul3A_1 = arith.constant 4096 : i32
    %mul3A_2 = arith.muli %add3A, %mul3A_1 : i32
    %mul3A_3 = arith.constant 32 : i32
    %mul3A_4 = arith.muli %add3A, %mul3A_3 : i32
    "tpu.region"() ({
      %run_scoped3A = tpu.sem_alloc : memref<!tpu.dma_semaphore, #tpu.memory_space<semaphore_mem>>
      %dma_start3A = arith.constant 0 : i32
      %dma_start3A_10 = tpu.memref_slice %arg3[%mul3A_4, %dma_start3A] : memref<1024x128xi32, #tpu.memory_space<hbm>> -> memref<32x128xi32, #tpu.memory_space<hbm>>
      %dma_start3A_11 = arith.constant 0 : i32
      %dma_start3A_12 = tpu.memref_slice %arg3[%mul3A_4, %dma_start3A_11] : memref<1024x128xi32, #tpu.memory_space<hbm>> -> memref<32x128xi32, #tpu.memory_space<hbm>>
      tpu.enqueue_dma source(%dma_start3A_12 : memref<32x128xi32, #tpu.memory_space<hbm>>) target(%arg5 : memref<32x128xi32, #tpu.memory_space<vmem>>) target_semaphore(%run_scoped3A : memref<!tpu.dma_semaphore, #tpu.memory_space<semaphore_mem>>)
      %dma_wait3A = arith.constant 0 : i32
      %dma_wait3A_13 = tpu.memref_slice %arg3[%mul3A_4, %dma_wait3A] : memref<1024x128xi32, #tpu.memory_space<hbm>> -> memref<32x128xi32, #tpu.memory_space<hbm>>
      %dma_wait3A_14 = arith.constant 0 : i32
      %dma_wait3A_15 = tpu.memref_slice %arg3[%mul3A_4, %dma_wait3A_14] : memref<1024x128xi32, #tpu.memory_space<hbm>> -> memref<32x128xi32, #tpu.memory_space<hbm>>
      tpu.wait_dma2 semaphore(%run_scoped3A : memref<!tpu.dma_semaphore, #tpu.memory_space<semaphore_mem>>) src(%dma_wait3A_15 : memref<32x128xi32, #tpu.memory_space<hbm>>) dst(%arg5 : memref<32x128xi32, #tpu.memory_space<vmem>>)
      tpu.yield
    }) : () -> ()
    %scan3A = arith.constant 0 : i32
    %scan3A_5 = arith.constant 0 : i32
    %scan3A_6 = arith.constant 8 : i32
    %scan3A_7 = arith.addi %scan3A_5, %scan3A_6 : i32
    %scan3A_8 = arith.constant 1 : i32
    scf.for %scan3A_10 = %scan3A_5 to %scan3A_7 step %scan3A_8  : i32 {
      %mul3A_11 = arith.constant 512 : i32
      %mul3A_12 = arith.muli %scan3A_10, %mul3A_11 : i32
      %mul3A_13 = arith.constant 4 : i32
      %mul3A_14 = arith.muli %scan3A_10, %mul3A_13 : i32
      %add3A_15 = arith.constant 0 : i32
      %add3A_16 = arith.addi %mul3A_14, %add3A_15 : i32
      %dma_start3A = arith.constant 0 : i32
      %dma_start3A_17 = arith.constant 0 : i32
      %dma_start3A_18 = tpu.memref_slice %arg6[%dma_start3A, %dma_start3A_17] : memref<512x128xf32, #tpu.memory_space<vmem>> -> memref<128x128xf32, #tpu.memory_space<vmem>>
      %dma_start3A_19 = arith.constant 0 : i32
      %dma_start3A_20 = tpu.memref_slice %arg5[%add3A_16, %dma_start3A_19] : memref<32x128xi32, #tpu.memory_space<vmem>> -> memref<1x128xi32, #tpu.memory_space<vmem>>
      %dma_start3A_21 = tpu.memref_squeeze %dma_start3A_20 : memref<1x128xi32, #tpu.memory_space<vmem>> -> memref<128xi32, #tpu.memory_space<vmem>>
      %dma_start3A_22 = arith.constant 0 : i32
      %dma_start3A_23 = arith.constant 0 : i32
      %dma_start3A_24 = tpu.memref_slice %arg2[%dma_start3A_22, %dma_start3A_23] : memref<4096x128xf32, #tpu.memory_space<hbm>> -> memref<4096x128xf32, #tpu.memory_space<hbm>>
      tpu.enqueue_indirect_dma source(%dma_start3A_24 : memref<4096x128xf32, #tpu.memory_space<hbm>>) target(%dma_start3A_18 : memref<128x128xf32, #tpu.memory_space<vmem>>) offsets(%dma_start3A_21 : memref<128xi32, #tpu.memory_space<vmem>>) semaphore(%arg7 : memref<!tpu.dma_semaphore, #tpu.memory_space<semaphore_mem>>)
      %mul3A_25 = arith.constant 4 : i32
      %mul3A_26 = arith.muli %scan3A_10, %mul3A_25 : i32
      %add3A_27 = arith.constant 1 : i32
      %add3A_28 = arith.addi %mul3A_26, %add3A_27 : i32
      %dma_start3A_29 = arith.constant 128 : i32
      %dma_start3A_30 = arith.constant 0 : i32
      %dma_start3A_31 = tpu.memref_slice %arg6[%dma_start3A_29, %dma_start3A_30] : memref<512x128xf32, #tpu.memory_space<vmem>> -> memref<128x128xf32, #tpu.memory_space<vmem>>
      %dma_start3A_32 = arith.constant 0 : i32
      %dma_start3A_33 = tpu.memref_slice %arg5[%add3A_28, %dma_start3A_32] : memref<32x128xi32, #tpu.memory_space<vmem>> -> memref<1x128xi32, #tpu.memory_space<vmem>>
      %dma_start3A_34 = tpu.memref_squeeze %dma_start3A_33 : memref<1x128xi32, #tpu.memory_space<vmem>> -> memref<128xi32, #tpu.memory_space<vmem>>
      %dma_start3A_35 = arith.constant 0 : i32
      %dma_start3A_36 = arith.constant 0 : i32
      %dma_start3A_37 = tpu.memref_slice %arg2[%dma_start3A_35, %dma_start3A_36] : memref<4096x128xf32, #tpu.memory_space<hbm>> -> memref<4096x128xf32, #tpu.memory_space<hbm>>
      tpu.enqueue_indirect_dma source(%dma_start3A_37 : memref<4096x128xf32, #tpu.memory_space<hbm>>) target(%dma_start3A_31 : memref<128x128xf32, #tpu.memory_space<vmem>>) offsets(%dma_start3A_34 : memref<128xi32, #tpu.memory_space<vmem>>) semaphore(%arg7 : memref<!tpu.dma_semaphore, #tpu.memory_space<semaphore_mem>>)
      %mul3A_38 = arith.constant 4 : i32
      %mul3A_39 = arith.muli %scan3A_10, %mul3A_38 : i32
      %add3A_40 = arith.constant 2 : i32
      %add3A_41 = arith.addi %mul3A_39, %add3A_40 : i32
      %dma_start3A_42 = arith.constant 256 : i32
      %dma_start3A_43 = arith.constant 0 : i32
      %dma_start3A_44 = tpu.memref_slice %arg6[%dma_start3A_42, %dma_start3A_43] : memref<512x128xf32, #tpu.memory_space<vmem>> -> memref<128x128xf32, #tpu.memory_space<vmem>>
      %dma_start3A_45 = arith.constant 0 : i32
      %dma_start3A_46 = tpu.memref_slice %arg5[%add3A_41, %dma_start3A_45] : memref<32x128xi32, #tpu.memory_space<vmem>> -> memref<1x128xi32, #tpu.memory_space<vmem>>
      %dma_start3A_47 = tpu.memref_squeeze %dma_start3A_46 : memref<1x128xi32, #tpu.memory_space<vmem>> -> memref<128xi32, #tpu.memory_space<vmem>>
      %dma_start3A_48 = arith.constant 0 : i32
      %dma_start3A_49 = arith.constant 0 : i32
      %dma_start3A_50 = tpu.memref_slice %arg2[%dma_start3A_48, %dma_start3A_49] : memref<4096x128xf32, #tpu.memory_space<hbm>> -> memref<4096x128xf32, #tpu.memory_space<hbm>>
      tpu.enqueue_indirect_dma source(%dma_start3A_50 : memref<4096x128xf32, #tpu.memory_space<hbm>>) target(%dma_start3A_44 : memref<128x128xf32, #tpu.memory_space<vmem>>) offsets(%dma_start3A_47 : memref<128xi32, #tpu.memory_space<vmem>>) semaphore(%arg7 : memref<!tpu.dma_semaphore, #tpu.memory_space<semaphore_mem>>)
      %mul3A_51 = arith.constant 4 : i32
      %mul3A_52 = arith.muli %scan3A_10, %mul3A_51 : i32
      %add3A_53 = arith.constant 3 : i32
      %add3A_54 = arith.addi %mul3A_52, %add3A_53 : i32
      %dma_start3A_55 = arith.constant 384 : i32
      %dma_start3A_56 = arith.constant 0 : i32
      %dma_start3A_57 = tpu.memref_slice %arg6[%dma_start3A_55, %dma_start3A_56] : memref<512x128xf32, #tpu.memory_space<vmem>> -> memref<128x128xf32, #tpu.memory_space<vmem>>
      %dma_start3A_58 = arith.constant 0 : i32
      %dma_start3A_59 = tpu.memref_slice %arg5[%add3A_54, %dma_start3A_58] : memref<32x128xi32, #tpu.memory_space<vmem>> -> memref<1x128xi32, #tpu.memory_space<vmem>>
      %dma_start3A_60 = tpu.memref_squeeze %dma_start3A_59 : memref<1x128xi32, #tpu.memory_space<vmem>> -> memref<128xi32, #tpu.memory_space<vmem>>
      %dma_start3A_61 = arith.constant 0 : i32
      %dma_start3A_62 = arith.constant 0 : i32
      %dma_start3A_63 = tpu.memref_slice %arg2[%dma_start3A_61, %dma_start3A_62] : memref<4096x128xf32, #tpu.memory_space<hbm>> -> memref<4096x128xf32, #tpu.memory_space<hbm>>
      tpu.enqueue_indirect_dma source(%dma_start3A_63 : memref<4096x128xf32, #tpu.memory_space<hbm>>) target(%dma_start3A_57 : memref<128x128xf32, #tpu.memory_space<vmem>>) offsets(%dma_start3A_60 : memref<128xi32, #tpu.memory_space<vmem>>) semaphore(%arg7 : memref<!tpu.dma_semaphore, #tpu.memory_space<semaphore_mem>>)
      %dma_wait3A = arith.constant 0 : i32
      %dma_wait3A_64 = arith.constant 0 : i32
      %dma_wait3A_65 = tpu.memref_slice %arg6[%dma_wait3A, %dma_wait3A_64] : memref<512x128xf32, #tpu.memory_space<vmem>> -> memref<128x128xf32, #tpu.memory_space<vmem>>
      %dma_wait3A_66 = arith.constant 0 : i32
      %dma_wait3A_67 = tpu.memref_slice %arg5[%add3A_16, %dma_wait3A_66] : memref<32x128xi32, #tpu.memory_space<vmem>> -> memref<1x128xi32, #tpu.memory_space<vmem>>
      %dma_wait3A_68 = tpu.memref_squeeze %dma_wait3A_67 : memref<1x128xi32, #tpu.memory_space<vmem>> -> memref<128xi32, #tpu.memory_space<vmem>>
      %dma_wait3A_69 = arith.constant 0 : i32
      %dma_wait3A_70 = arith.constant 0 : i32
      %dma_wait3A_71 = tpu.memref_slice %arg2[%dma_wait3A_69, %dma_wait3A_70] : memref<4096x128xf32, #tpu.memory_space<hbm>> -> memref<4096x128xf32, #tpu.memory_space<hbm>>
      tpu.wait_indirect_dma semaphore(%arg7 : memref<!tpu.dma_semaphore, #tpu.memory_space<semaphore_mem>>) src(%dma_wait3A_71 : memref<4096x128xf32, #tpu.memory_space<hbm>>) dst(%dma_wait3A_65 : memref<128x128xf32, #tpu.memory_space<vmem>>)
      %dma_wait3A_72 = arith.constant 128 : i32
      %dma_wait3A_73 = arith.constant 0 : i32
      %dma_wait3A_74 = tpu.memref_slice %arg6[%dma_wait3A_72, %dma_wait3A_73] : memref<512x128xf32, #tpu.memory_space<vmem>> -> memref<128x128xf32, #tpu.memory_space<vmem>>
      %dma_wait3A_75 = arith.constant 0 : i32
      %dma_wait3A_76 = tpu.memref_slice %arg5[%add3A_28, %dma_wait3A_75] : memref<32x128xi32, #tpu.memory_space<vmem>> -> memref<1x128xi32, #tpu.memory_space<vmem>>
      %dma_wait3A_77 = tpu.memref_squeeze %dma_wait3A_76 : memref<1x128xi32, #tpu.memory_space<vmem>> -> memref<128xi32, #tpu.memory_space<vmem>>
      %dma_wait3A_78 = arith.constant 0 : i32
      %dma_wait3A_79 = arith.constant 0 : i32
      %dma_wait3A_80 = tpu.memref_slice %arg2[%dma_wait3A_78, %dma_wait3A_79] : memref<4096x128xf32, #tpu.memory_space<hbm>> -> memref<4096x128xf32, #tpu.memory_space<hbm>>
      tpu.wait_indirect_dma semaphore(%arg7 : memref<!tpu.dma_semaphore, #tpu.memory_space<semaphore_mem>>) src(%dma_wait3A_80 : memref<4096x128xf32, #tpu.memory_space<hbm>>) dst(%dma_wait3A_74 : memref<128x128xf32, #tpu.memory_space<vmem>>)
      %dma_wait3A_81 = arith.constant 256 : i32
      %dma_wait3A_82 = arith.constant 0 : i32
      %dma_wait3A_83 = tpu.memref_slice %arg6[%dma_wait3A_81, %dma_wait3A_82] : memref<512x128xf32, #tpu.memory_space<vmem>> -> memref<128x128xf32, #tpu.memory_space<vmem>>
      %dma_wait3A_84 = arith.constant 0 : i32
      %dma_wait3A_85 = tpu.memref_slice %arg5[%add3A_41, %dma_wait3A_84] : memref<32x128xi32, #tpu.memory_space<vmem>> -> memref<1x128xi32, #tpu.memory_space<vmem>>
      %dma_wait3A_86 = tpu.memref_squeeze %dma_wait3A_85 : memref<1x128xi32, #tpu.memory_space<vmem>> -> memref<128xi32, #tpu.memory_space<vmem>>
      %dma_wait3A_87 = arith.constant 0 : i32
      %dma_wait3A_88 = arith.constant 0 : i32
      %dma_wait3A_89 = tpu.memref_slice %arg2[%dma_wait3A_87, %dma_wait3A_88] : memref<4096x128xf32, #tpu.memory_space<hbm>> -> memref<4096x128xf32, #tpu.memory_space<hbm>>
      tpu.wait_indirect_dma semaphore(%arg7 : memref<!tpu.dma_semaphore, #tpu.memory_space<semaphore_mem>>) src(%dma_wait3A_89 : memref<4096x128xf32, #tpu.memory_space<hbm>>) dst(%dma_wait3A_83 : memref<128x128xf32, #tpu.memory_space<vmem>>)
      %dma_wait3A_90 = arith.constant 384 : i32
      %dma_wait3A_91 = arith.constant 0 : i32
      %dma_wait3A_92 = tpu.memref_slice %arg6[%dma_wait3A_90, %dma_wait3A_91] : memref<512x128xf32, #tpu.memory_space<vmem>> -> memref<128x128xf32, #tpu.memory_space<vmem>>
      %dma_wait3A_93 = arith.constant 0 : i32
      %dma_wait3A_94 = tpu.memref_slice %arg5[%add3A_54, %dma_wait3A_93] : memref<32x128xi32, #tpu.memory_space<vmem>> -> memref<1x128xi32, #tpu.memory_space<vmem>>
      %dma_wait3A_95 = tpu.memref_squeeze %dma_wait3A_94 : memref<1x128xi32, #tpu.memory_space<vmem>> -> memref<128xi32, #tpu.memory_space<vmem>>
      %dma_wait3A_96 = arith.constant 0 : i32
      %dma_wait3A_97 = arith.constant 0 : i32
      %dma_wait3A_98 = tpu.memref_slice %arg2[%dma_wait3A_96, %dma_wait3A_97] : memref<4096x128xf32, #tpu.memory_space<hbm>> -> memref<4096x128xf32, #tpu.memory_space<hbm>>
      tpu.wait_indirect_dma semaphore(%arg7 : memref<!tpu.dma_semaphore, #tpu.memory_space<semaphore_mem>>) src(%dma_wait3A_98 : memref<4096x128xf32, #tpu.memory_space<hbm>>) dst(%dma_wait3A_92 : memref<128x128xf32, #tpu.memory_space<vmem>>)
      %add3A_99 = arith.addi %mul3A_2, %mul3A_12 : i32
      %dma_start3A_100 = arith.constant 0 : i32
      %dma_start3A_101 = tpu.memref_slice %arg4[%add3A_99, %dma_start3A_100] : memref<131072x128xf32, #tpu.memory_space<hbm>> -> memref<512x128xf32, #tpu.memory_space<hbm>>
      %dma_start3A_102 = arith.constant 0 : i32
      %dma_start3A_103 = tpu.memref_slice %arg4[%add3A_99, %dma_start3A_102] : memref<131072x128xf32, #tpu.memory_space<hbm>> -> memref<512x128xf32, #tpu.memory_space<hbm>>
      tpu.enqueue_dma source(%arg6 : memref<512x128xf32, #tpu.memory_space<vmem>>) target(%dma_start3A_103 : memref<512x128xf32, #tpu.memory_space<hbm>>) target_semaphore(%arg8 : memref<!tpu.dma_semaphore, #tpu.memory_space<semaphore_mem>>)
      %dma_wait3A_104 = arith.constant 0 : i32
      %dma_wait3A_105 = tpu.memref_slice %arg4[%add3A_99, %dma_wait3A_104] : memref<131072x128xf32, #tpu.memory_space<hbm>> -> memref<512x128xf32, #tpu.memory_space<hbm>>
      %dma_wait3A_106 = arith.constant 0 : i32
      %dma_wait3A_107 = tpu.memref_slice %arg4[%add3A_99, %dma_wait3A_106] : memref<131072x128xf32, #tpu.memory_space<hbm>> -> memref<512x128xf32, #tpu.memory_space<hbm>>
      tpu.wait_dma2 semaphore(%arg8 : memref<!tpu.dma_semaphore, #tpu.memory_space<semaphore_mem>>) src(%arg6 : memref<512x128xf32, #tpu.memory_space<vmem>>) dst(%dma_wait3A_107 : memref<512x128xf32, #tpu.memory_space<hbm>>)
    }
    %scan3A_9 = arith.constant 8 : i32
    return
  }
}

module attributes {stable_mosaic.version = 14 : i64} {
  func.func @_nbr_body(%arg0: i32, %arg1: memref<4096x3xf32, #tpu.memory_space<vmem>>, %arg2: memref<3x128xf32, #tpu.memory_space<vmem>>, %arg3: memref<4096x1xf32, #tpu.memory_space<vmem>>, %arg4: memref<1x128xf32, #tpu.memory_space<vmem>>, %arg5: memref<32x128xi32, #tpu.memory_space<vmem>>, %arg6: memref<32x128xf32, #tpu.memory_space<vmem>>) attributes {dimension_semantics = [#tpu.dimension_semantics<arbitrary>], iteration_bounds = array<i64: 32>, scalar_prefetch = 0 : i64, scratch_operands = 0 : i64, tpu.core_type = #tpu.core_type<tc>, window_params = [{pipeline_mode = #tpu.pipeline_mode<synchronous>, transform_indices = @transform_0, window_bounds = array<i64: 4096, 3>}, {transform_indices = @transform_1, window_bounds = array<i64: 3, 128>}, {pipeline_mode = #tpu.pipeline_mode<synchronous>, transform_indices = @transform_2, window_bounds = array<i64: 4096, 1>}, {transform_indices = @transform_3, window_bounds = array<i64: 1, 128>}, {transform_indices = @transform_4, window_bounds = array<i64: 32, 128>}, {transform_indices = @transform_5, window_bounds = array<i64: 32, 128>}]} {
    %get3A = arith.constant 0 : index
    %get3A_0 = arith.constant 0 : index
    %get3A_1 = vector.load %arg2[%get3A, %get3A_0] : memref<3x128xf32, #tpu.memory_space<vmem>>, vector<1x128xf32>
    %get3A_2 = arith.constant 1 : index
    %get3A_3 = arith.constant 0 : index
    %get3A_4 = vector.load %arg2[%get3A_2, %get3A_3] : memref<3x128xf32, #tpu.memory_space<vmem>>, vector<1x128xf32>
    %get3A_5 = arith.constant 2 : index
    %get3A_6 = arith.constant 0 : index
    %get3A_7 = vector.load %arg2[%get3A_5, %get3A_6] : memref<3x128xf32, #tpu.memory_space<vmem>>, vector<1x128xf32>
    %get3A_8 = arith.constant 0 : index
    %get3A_9 = arith.constant 0 : index
    %get3A_10 = vector.load %arg4[%get3A_8, %get3A_9] : memref<1x128xf32, #tpu.memory_space<vmem>>, vector<1x128xf32>
    %slice3A = vector.extract_strided_slice %get3A_10 {offsets = [0, 0], sizes = [1, 1], strides = [1, 1]} : vector<1x128xf32> to vector<1x1xf32>
    %slice3A_11 = vector.extract_strided_slice %get3A_10 {offsets = [0, 127], sizes = [1, 1], strides = [1, 1]} : vector<1x128xf32> to vector<1x1xf32>
    %iota3A = tpu.iota {dimensions = array<i32: 1>} : vector<1x128xi32>
    %convert_element_type3A = arith.sitofp %iota3A : vector<1x128xi32> to vector<1x128xf32>
    %mul3A = arith.constant 128 : i32
    %mul3A_12 = arith.muli %arg0, %mul3A : i32
    %convert_element_type3A_13 = arith.sitofp %mul3A_12 : i32 to f32
    %add3A = vector.broadcast %convert_element_type3A_13 : f32 to vector<1x128xf32>
    %add3A_14 = arith.addf %convert_element_type3A, %add3A : vector<1x128xf32>
    %get3A_15 = arith.constant 0 : index
    %get3A_16 = arith.constant 0 : index
    %get3A_17 = vector.load %arg3[%get3A_15, %get3A_16] : memref<4096x1xf32, #tpu.memory_space<vmem>>, vector<4096x1xf32>
    %iota3A_18 = tpu.iota {dimensions = array<i32: 0>} : vector<4096x1xi32>
    %convert_element_type3A_19 = arith.sitofp %iota3A_18 : vector<4096x1xi32> to vector<4096x1xf32>
    %eq3A = vector.broadcast %slice3A : vector<1x1xf32> to vector<4096x1xf32>
    %eq3A_20 = arith.cmpf oeq, %get3A_17, %eq3A : vector<4096x1xf32>
    %jit3A = arith.constant 4.096000e+03 : f32
    %broadcast_in_dim3A = vector.broadcast %jit3A : f32 to vector<4096x1xf32>
    %select_n3A = arith.select %eq3A_20, %convert_element_type3A_19, %broadcast_in_dim3A : vector<4096x1xi1>, vector<4096x1xf32>
    %reduce_min3A = vector.shape_cast %select_n3A : vector<4096x1xf32> to vector<1x4096x1xf32>
    %reduce_min3A_21 = arith.constant dense<0x7F800000> : vector<1xf32>
    %reduce_min3A_22 = vector.multi_reduction <minimumf>, %reduce_min3A, %reduce_min3A_21 [1, 2] : vector<1x4096x1xf32> to vector<1xf32>
    %reduce_min3A_23 = vector.shape_cast %reduce_min3A_22 : vector<1xf32> to vector<1x1x1xf32>
    %reduce_min3A_24 = vector.extract %reduce_min3A_23[0, 0, 0] : f32 from vector<1x1x1xf32>
    %eq3A_25 = vector.broadcast %slice3A_11 : vector<1x1xf32> to vector<4096x1xf32>
    %eq3A_26 = arith.cmpf oeq, %get3A_17, %eq3A_25 : vector<4096x1xf32>
    %jit3A_27 = arith.constant -1.000000e+00 : f32
    %broadcast_in_dim3A_28 = vector.broadcast %jit3A_27 : f32 to vector<4096x1xf32>
    %select_n3A_29 = arith.select %eq3A_26, %convert_element_type3A_19, %broadcast_in_dim3A_28 : vector<4096x1xi1>, vector<4096x1xf32>
    %reduce_max3A = vector.shape_cast %select_n3A_29 : vector<4096x1xf32> to vector<1x4096x1xf32>
    %reduce_max3A_30 = arith.constant dense<0xFF800000> : vector<1xf32>
    %reduce_max3A_31 = vector.multi_reduction <maximumf>, %reduce_max3A, %reduce_max3A_30 [1, 2] : vector<1x4096x1xf32> to vector<1xf32>
    %reduce_max3A_32 = vector.shape_cast %reduce_max3A_31 : vector<1xf32> to vector<1x1x1xf32>
    %reduce_max3A_33 = vector.extract %reduce_max3A_32[0, 0, 0] : f32 from vector<1x1x1xf32>
    %add3A_34 = arith.constant 1.000000e+00 : f32
    %add3A_35 = arith.addf %reduce_max3A_33, %add3A_34 : f32
    %convert_element_type3A_36 = arith.fptosi %reduce_min3A_24 : f32 to i32
    %jit3A_37 = arith.constant 8 : i32
    %div3A = arith.divsi %convert_element_type3A_36, %jit3A_37 : i32
    %sign3A = arith.constant 0 : i32
    %sign3A_38 = arith.cmpi sgt, %convert_element_type3A_36, %sign3A : i32
    %sign3A_39 = arith.extui %sign3A_38 : i1 to i32
    %sign3A_40 = arith.constant 0 : i32
    %sign3A_41 = arith.cmpi slt, %convert_element_type3A_36, %sign3A_40 : i32
    %sign3A_42 = arith.extui %sign3A_41 : i1 to i32
    %sign3A_43 = arith.subi %sign3A_39, %sign3A_42 : i32
    %sign3A_44 = arith.constant 0 : i32
    %sign3A_45 = arith.cmpi sgt, %jit3A_37, %sign3A_44 : i32
    %sign3A_46 = arith.extui %sign3A_45 : i1 to i32
    %sign3A_47 = arith.constant 0 : i32
    %sign3A_48 = arith.cmpi slt, %jit3A_37, %sign3A_47 : i32
    %sign3A_49 = arith.extui %sign3A_48 : i1 to i32
    %sign3A_50 = arith.subi %sign3A_46, %sign3A_49 : i32
    %ne3A = arith.cmpi ne, %sign3A_43, %sign3A_50 : i32
    %rem3A = arith.remsi %convert_element_type3A_36, %jit3A_37 : i32
    %ne3A_51 = arith.constant 0 : i32
    %ne3A_52 = arith.cmpi ne, %rem3A, %ne3A_51 : i32
    %and3A = arith.andi %ne3A, %ne3A_52 : i1
    %sub3A = arith.constant 1 : i32
    %sub3A_53 = arith.subi %div3A, %sub3A : i32
    %select_n3A_54 = arith.select %and3A, %sub3A_53, %div3A : i32
    %mul3A_55 = arith.constant 8 : i32
    %mul3A_56 = arith.muli %select_n3A_54, %mul3A_55 : i32
    %convert_element_type3A_57 = arith.fptosi %add3A_35 : f32 to i32
    %sub3A_58 = arith.subi %convert_element_type3A_57, %mul3A_56 : i32
    %add3A_59 = arith.constant 256 : i32
    %add3A_60 = arith.addi %sub3A_58, %add3A_59 : i32
    %sub3A_61 = arith.constant 1 : i32
    %sub3A_62 = arith.subi %add3A_60, %sub3A_61 : i32
    %jit3A_63 = arith.constant 256 : i32
    %div3A_64 = arith.divsi %sub3A_62, %jit3A_63 : i32
    %sign3A_65 = arith.constant 0 : i32
    %sign3A_66 = arith.cmpi sgt, %sub3A_62, %sign3A_65 : i32
    %sign3A_67 = arith.extui %sign3A_66 : i1 to i32
    %sign3A_68 = arith.constant 0 : i32
    %sign3A_69 = arith.cmpi slt, %sub3A_62, %sign3A_68 : i32
    %sign3A_70 = arith.extui %sign3A_69 : i1 to i32
    %sign3A_71 = arith.subi %sign3A_67, %sign3A_70 : i32
    %sign3A_72 = arith.constant 0 : i32
    %sign3A_73 = arith.cmpi sgt, %jit3A_63, %sign3A_72 : i32
    %sign3A_74 = arith.extui %sign3A_73 : i1 to i32
    %sign3A_75 = arith.constant 0 : i32
    %sign3A_76 = arith.cmpi slt, %jit3A_63, %sign3A_75 : i32
    %sign3A_77 = arith.extui %sign3A_76 : i1 to i32
    %sign3A_78 = arith.subi %sign3A_74, %sign3A_77 : i32
    %ne3A_79 = arith.cmpi ne, %sign3A_71, %sign3A_78 : i32
    %rem3A_80 = arith.remsi %sub3A_62, %jit3A_63 : i32
    %ne3A_81 = arith.constant 0 : i32
    %ne3A_82 = arith.cmpi ne, %rem3A_80, %ne3A_81 : i32
    %and3A_83 = arith.andi %ne3A_79, %ne3A_82 : i1
    %sub3A_84 = arith.constant 1 : i32
    %sub3A_85 = arith.subi %div3A_64, %sub3A_84 : i32
    %select_n3A_86 = arith.select %and3A_83, %sub3A_85, %div3A_64 : i32
    %broadcast_in_dim3A_87 = arith.constant 1.000000e+30 : f32
    %broadcast_in_dim3A_88 = vector.broadcast %broadcast_in_dim3A_87 : f32 to vector<32x128xf32>
    %broadcast_in_dim3A_89 = arith.constant 1.000000e+09 : f32
    %broadcast_in_dim3A_90 = vector.broadcast %broadcast_in_dim3A_89 : f32 to vector<32x128xf32>
    %while3A = arith.constant 0 : i32
    %while3A_91 = arith.subi %select_n3A_86, %while3A : i32
    %while3A_92 = arith.addi %while3A, %while3A_91 : i32
    %while3A_93 = arith.constant 1 : i32
    %while3A_94 = arith.divsi %while3A_91, %while3A_93 : i32
    %while3A_95 = arith.muli %while3A_94, %while3A_93 : i32
    %while3A_96 = arith.addi %while3A, %while3A_95 : i32
    %while3A_97 = arith.constant 1 : i32
    %while3A_98:2 = scf.for %while3A_117 = %while3A to %while3A_96 step %while3A_97 iter_args(%while3A_118 = %broadcast_in_dim3A_88, %while3A_119 = %broadcast_in_dim3A_90) -> (vector<32x128xf32>, vector<32x128xf32>)  : i32 {
      %mul3A_120 = arith.constant 256 : i32
      %mul3A_121 = arith.muli %while3A_117, %mul3A_120 : i32
      %add3A_122 = arith.addi %mul3A_56, %mul3A_121 : i32
      %min3A = arith.constant 3840 : i32
      %min3A_123 = arith.minsi %add3A_122, %min3A : i32
      %get3A_124 = arith.index_cast %min3A_123 : i32 to index
      %get3A_125 = arith.constant 0 : index
      %get3A_126 = vector.load %arg1[%get3A_124, %get3A_125] : memref<4096x3xf32, #tpu.memory_space<vmem>>, vector<256x3xf32>
      %get3A_127 = arith.index_cast %min3A_123 : i32 to index
      %get3A_128 = arith.constant 0 : index
      %get3A_129 = vector.load %arg3[%get3A_127, %get3A_128] : memref<4096x1xf32, #tpu.memory_space<vmem>>, vector<256x1xf32>
      %iota3A_130 = tpu.iota {dimensions = array<i32: 0>} : vector<256x1xi32>
      %convert_element_type3A_131 = arith.sitofp %iota3A_130 : vector<256x1xi32> to vector<256x1xf32>
      %convert_element_type3A_132 = arith.sitofp %min3A_123 : i32 to f32
      %add3A_133 = vector.broadcast %convert_element_type3A_132 : f32 to vector<256x1xf32>
      %add3A_134 = arith.addf %convert_element_type3A_131, %add3A_133 : vector<256x1xf32>
      %slice3A_135 = vector.extract_strided_slice %get3A_126 {offsets = [0, 0], sizes = [256, 1], strides = [1, 1]} : vector<256x3xf32> to vector<256x1xf32>
      %sub3A_136 = vector.broadcast %slice3A_135 : vector<256x1xf32> to vector<256x128xf32>
      %sub3A_137 = vector.broadcast %get3A_1 : vector<1x128xf32> to vector<256x128xf32>
      %sub3A_138 = arith.subf %sub3A_136, %sub3A_137 : vector<256x128xf32>
      %slice3A_139 = vector.extract_strided_slice %get3A_126 {offsets = [0, 1], sizes = [256, 1], strides = [1, 1]} : vector<256x3xf32> to vector<256x1xf32>
      %sub3A_140 = vector.broadcast %slice3A_139 : vector<256x1xf32> to vector<256x128xf32>
      %sub3A_141 = vector.broadcast %get3A_4 : vector<1x128xf32> to vector<256x128xf32>
      %sub3A_142 = arith.subf %sub3A_140, %sub3A_141 : vector<256x128xf32>
      %slice3A_143 = vector.extract_strided_slice %get3A_126 {offsets = [0, 2], sizes = [256, 1], strides = [1, 1]} : vector<256x3xf32> to vector<256x1xf32>
      %sub3A_144 = vector.broadcast %slice3A_143 : vector<256x1xf32> to vector<256x128xf32>
      %sub3A_145 = vector.broadcast %get3A_7 : vector<1x128xf32> to vector<256x128xf32>
      %sub3A_146 = arith.subf %sub3A_144, %sub3A_145 : vector<256x128xf32>
      %mul3A_147 = arith.mulf %sub3A_138, %sub3A_138 : vector<256x128xf32>
      %mul3A_148 = arith.mulf %sub3A_142, %sub3A_142 : vector<256x128xf32>
      %add3A_149 = arith.addf %mul3A_147, %mul3A_148 : vector<256x128xf32>
      %mul3A_150 = arith.mulf %sub3A_146, %sub3A_146 : vector<256x128xf32>
      %add3A_151 = arith.addf %add3A_149, %mul3A_150 : vector<256x128xf32>
      %eq3A_152 = vector.broadcast %get3A_129 : vector<256x1xf32> to vector<256x128xf32>
      %eq3A_153 = vector.broadcast %get3A_10 : vector<1x128xf32> to vector<256x128xf32>
      %eq3A_154 = arith.cmpf oeq, %eq3A_152, %eq3A_153 : vector<256x128xf32>
      %ne3A_155 = vector.broadcast %add3A_134 : vector<256x1xf32> to vector<256x128xf32>
      %ne3A_156 = vector.broadcast %add3A_14 : vector<1x128xf32> to vector<256x128xf32>
      %ne3A_157 = arith.cmpf one, %ne3A_155, %ne3A_156 : vector<256x128xf32>
      %and3A_158 = arith.andi %eq3A_154, %ne3A_157 : vector<256x128xi1>
      %lt3A_159 = arith.constant 1.000000e+02 : f32
      %lt3A_160 = vector.broadcast %lt3A_159 : f32 to vector<256x128xf32>
      %lt3A_161 = arith.cmpf olt, %add3A_151, %lt3A_160 : vector<256x128xf32>
      %and3A_162 = arith.andi %and3A_158, %lt3A_161 : vector<256x128xi1>
      %convert_element_type3A_163 = arith.sitofp %add3A_122 : i32 to f32
      %ge3A = vector.broadcast %convert_element_type3A_163 : f32 to vector<256x1xf32>
      %ge3A_164 = arith.cmpf oge, %add3A_134, %ge3A : vector<256x1xf32>
      %and3A_165 = vector.broadcast %ge3A_164 : vector<256x1xi1> to vector<256x128xi1>
      %and3A_166 = arith.andi %and3A_162, %and3A_165 : vector<256x128xi1>
      %jit3A_167 = arith.constant 1.000000e+30 : f32
      %broadcast_in_dim3A_168 = vector.broadcast %jit3A_167 : f32 to vector<256x128xf32>
      %select_n3A_169 = arith.select %and3A_166, %add3A_151, %broadcast_in_dim3A_168 : vector<256x128xi1>, vector<256x128xf32>
      %concatenate3A = tpu.concatenate %select_n3A_169, %while3A_118 in 0 : vector<256x128xf32>, vector<32x128xf32> -> vector<288x128xf32>
      %broadcast_in_dim3A_170 = vector.shape_cast %add3A_134 : vector<256x1xf32> to vector<256x1xf32>
      %broadcast_in_dim3A_171 = vector.broadcast %broadcast_in_dim3A_170 : vector<256x1xf32> to vector<256x128xf32>
      %concatenate3A_172 = tpu.concatenate %broadcast_in_dim3A_171, %while3A_119 in 0 : vector<256x128xf32>, vector<32x128xf32> -> vector<288x128xf32>
      %reduce_min3A_173 = arith.constant dense<0x7F800000> : vector<128xf32>
      %reduce_min3A_174 = vector.multi_reduction <minimumf>, %concatenate3A, %reduce_min3A_173 [0] : vector<288x128xf32> to vector<128xf32>
      %broadcast_in_dim3A_175 = vector.shape_cast %reduce_min3A_174 : vector<128xf32> to vector<1x128xf32>
      %eq3A_176 = vector.broadcast %broadcast_in_dim3A_175 : vector<1x128xf32> to vector<288x128xf32>
      %eq3A_177 = arith.cmpf oeq, %concatenate3A, %eq3A_176 : vector<288x128xf32>
      %jit3A_178 = arith.constant 1.000000e+09 : f32
      %broadcast_in_dim3A_179 = vector.broadcast %jit3A_178 : f32 to vector<288x128xf32>
      %select_n3A_180 = arith.select %eq3A_177, %concatenate3A_172, %broadcast_in_dim3A_179 : vector<288x128xi1>, vector<288x128xf32>
      %reduce_min3A_181 = arith.constant dense<0x7F800000> : vector<128xf32>
      %reduce_min3A_182 = vector.multi_reduction <minimumf>, %select_n3A_180, %reduce_min3A_181 [0] : vector<288x128xf32> to vector<128xf32>
      %broadcast_in_dim3A_183 = vector.shape_cast %reduce_min3A_182 : vector<128xf32> to vector<1x128xf32>
      %eq3A_184 = vector.broadcast %broadcast_in_dim3A_175 : vector<1x128xf32> to vector<288x128xf32>
      %eq3A_185 = arith.cmpf oeq, %concatenate3A, %eq3A_184 : vector<288x128xf32>
      %eq3A_186 = vector.broadcast %broadcast_in_dim3A_183 : vector<1x128xf32> to vector<288x128xf32>
      %eq3A_187 = arith.cmpf oeq, %concatenate3A_172, %eq3A_186 : vector<288x128xf32>
      %and3A_188 = arith.andi %eq3A_185, %eq3A_187 : vector<288x128xi1>
      %jit3A_189 = arith.constant 1.000000e+30 : f32
      %broadcast_in_dim3A_190 = vector.broadcast %jit3A_189 : f32 to vector<288x128xf32>
      %select_n3A_191 = arith.select %and3A_188, %broadcast_in_dim3A_190, %concatenate3A : vector<288x128xi1>, vector<288x128xf32>
      %jit3A_192 = arith.constant 1.000000e+09 : f32
      %broadcast_in_dim3A_193 = vector.broadcast %jit3A_192 : f32 to vector<288x128xf32>
      %select_n3A_194 = arith.select %and3A_188, %broadcast_in_dim3A_193, %concatenate3A_172 : vector<288x128xi1>, vector<288x128xf32>
      %reduce_min3A_195 = arith.constant dense<0x7F800000> : vector<128xf32>
      %reduce_min3A_196 = vector.multi_reduction <minimumf>, %select_n3A_191, %reduce_min3A_195 [0] : vector<288x128xf32> to vector<128xf32>
      %broadcast_in_dim3A_197 = vector.shape_cast %reduce_min3A_196 : vector<128xf32> to vector<1x128xf32>
      %eq3A_198 = vector.broadcast %broadcast_in_dim3A_197 : vector<1x128xf32> to vector<288x128xf32>
      %eq3A_199 = arith.cmpf oeq, %select_n3A_191, %eq3A_198 : vector<288x128xf32>
      %jit3A_200 = arith.constant 1.000000e+09 : f32
      %broadcast_in_dim3A_201 = vector.broadcast %jit3A_200 : f32 to vector<288x128xf32>
      %select_n3A_202 = arith.select %eq3A_199, %select_n3A_194, %broadcast_in_dim3A_201 : vector<288x128xi1>, vector<288x128xf32>
      %reduce_min3A_203 = arith.constant dense<0x7F800000> : vector<128xf32>
      %reduce_min3A_204 = vector.multi_reduction <minimumf>, %select_n3A_202, %reduce_min3A_203 [0] : vector<288x128xf32> to vector<128xf32>
      %broadcast_in_dim3A_205 = vector.shape_cast %reduce_min3A_204 : vector<128xf32> to vector<1x128xf32>
      %eq3A_206 = vector.broadcast %broadcast_in_dim3A_197 : vector<1x128xf32> to vector<288x128xf32>
      %eq3A_207 = arith.cmpf oeq, %select_n3A_191, %eq3A_206 : vector<288x128xf32>
      %eq3A_208 = vector.broadcast %broadcast_in_dim3A_205 : vector<1x128xf32> to vector<288x128xf32>
      %eq3A_209 = arith.cmpf oeq, %select_n3A_194, %eq3A_208 : vector<288x128xf32>
      %and3A_210 = arith.andi %eq3A_207, %eq3A_209 : vector<288x128xi1>
      %jit3A_211 = arith.constant 1.000000e+30 : f32
      %broadcast_in_dim3A_212 = vector.broadcast %jit3A_211 : f32 to vector<288x128xf32>
      %select_n3A_213 = arith.select %and3A_210, %broadcast_in_dim3A_212, %select_n3A_191 : vector<288x128xi1>, vector<288x128xf32>
      %jit3A_214 = arith.constant 1.000000e+09 : f32
      %broadcast_in_dim3A_215 = vector.broadcast %jit3A_214 : f32 to vector<288x128xf32>
      %select_n3A_216 = arith.select %and3A_210, %broadcast_in_dim3A_215, %select_n3A_194 : vector<288x128xi1>, vector<288x128xf32>
      %reduce_min3A_217 = arith.constant dense<0x7F800000> : vector<128xf32>
      %reduce_min3A_218 = vector.multi_reduction <minimumf>, %select_n3A_213, %reduce_min3A_217 [0] : vector<288x128xf32> to vector<128xf32>
      %broadcast_in_dim3A_219 = vector.shape_cast %reduce_min3A_218 : vector<128xf32> to vector<1x128xf32>
      %eq3A_220 = vector.broadcast %broadcast_in_dim3A_219 : vector<1x128xf32> to vector<288x128xf32>
      %eq3A_221 = arith.cmpf oeq, %select_n3A_213, %eq3A_220 : vector<288x128xf32>
      %jit3A_222 = arith.constant 1.000000e+09 : f32
      %broadcast_in_dim3A_223 = vector.broadcast %jit3A_222 : f32 to vector<288x128xf32>
      %select_n3A_224 = arith.select %eq3A_221, %select_n3A_216, %broadcast_in_dim3A_223 : vector<288x128xi1>, vector<288x128xf32>
      %reduce_min3A_225 = arith.constant dense<0x7F800000> : vector<128xf32>
      %reduce_min3A_226 = vector.multi_reduction <minimumf>, %select_n3A_224, %reduce_min3A_225 [0] : vector<288x128xf32> to vector<128xf32>
      %broadcast_in_dim3A_227 = vector.shape_cast %reduce_min3A_226 : vector<128xf32> to vector<1x128xf32>
      %eq3A_228 = vector.broadcast %broadcast_in_dim3A_219 : vector<1x128xf32> to vector<288x128xf32>
      %eq3A_229 = arith.cmpf oeq, %select_n3A_213, %eq3A_228 : vector<288x128xf32>
      %eq3A_230 = vector.broadcast %broadcast_in_dim3A_227 : vector<1x128xf32> to vector<288x128xf32>
      %eq3A_231 = arith.cmpf oeq, %select_n3A_216, %eq3A_230 : vector<288x128xf32>
      %and3A_232 = arith.andi %eq3A_229, %eq3A_231 : vector<288x128xi1>
      %jit3A_233 = arith.constant 1.000000e+30 : f32
      %broadcast_in_dim3A_234 = vector.broadcast %jit3A_233 : f32 to vector<288x128xf32>
      %select_n3A_235 = arith.select %and3A_232, %broadcast_in_dim3A_234, %select_n3A_213 : vector<288x128xi1>, vector<288x128xf32>
      %jit3A_236 = arith.constant 1.000000e+09 : f32
      %broadcast_in_dim3A_237 = vector.broadcast %jit3A_236 : f32 to vector<288x128xf32>
      %select_n3A_238 = arith.select %and3A_232, %broadcast_in_dim3A_237, %select_n3A_216 : vector<288x128xi1>, vector<288x128xf32>
      %reduce_min3A_239 = arith.constant dense<0x7F800000> : vector<128xf32>
      %reduce_min3A_240 = vector.multi_reduction <minimumf>, %select_n3A_235, %reduce_min3A_239 [0] : vector<288x128xf32> to vector<128xf32>
      %broadcast_in_dim3A_241 = vector.shape_cast %reduce_min3A_240 : vector<128xf32> to vector<1x128xf32>
      %eq3A_242 = vector.broadcast %broadcast_in_dim3A_241 : vector<1x128xf32> to vector<288x128xf32>
      %eq3A_243 = arith.cmpf oeq, %select_n3A_235, %eq3A_242 : vector<288x128xf32>
      %jit3A_244 = arith.constant 1.000000e+09 : f32
      %broadcast_in_dim3A_245 = vector.broadcast %jit3A_244 : f32 to vector<288x128xf32>
      %select_n3A_246 = arith.select %eq3A_243, %select_n3A_238, %broadcast_in_dim3A_245 : vector<288x128xi1>, vector<288x128xf32>
      %reduce_min3A_247 = arith.constant dense<0x7F800000> : vector<128xf32>
      %reduce_min3A_248 = vector.multi_reduction <minimumf>, %select_n3A_246, %reduce_min3A_247 [0] : vector<288x128xf32> to vector<128xf32>
      %broadcast_in_dim3A_249 = vector.shape_cast %reduce_min3A_248 : vector<128xf32> to vector<1x128xf32>
      %eq3A_250 = vector.broadcast %broadcast_in_dim3A_241 : vector<1x128xf32> to vector<288x128xf32>
      %eq3A_251 = arith.cmpf oeq, %select_n3A_235, %eq3A_250 : vector<288x128xf32>
      %eq3A_252 = vector.broadcast %broadcast_in_dim3A_249 : vector<1x128xf32> to vector<288x128xf32>
      %eq3A_253 = arith.cmpf oeq, %select_n3A_238, %eq3A_252 : vector<288x128xf32>
      %and3A_254 = arith.andi %eq3A_251, %eq3A_253 : vector<288x128xi1>
      %jit3A_255 = arith.constant 1.000000e+30 : f32
      %broadcast_in_dim3A_256 = vector.broadcast %jit3A_255 : f32 to vector<288x128xf32>
      %select_n3A_257 = arith.select %and3A_254, %broadcast_in_dim3A_256, %select_n3A_235 : vector<288x128xi1>, vector<288x128xf32>
      %jit3A_258 = arith.constant 1.000000e+09 : f32
      %broadcast_in_dim3A_259 = vector.broadcast %jit3A_258 : f32 to vector<288x128xf32>
      %select_n3A_260 = arith.select %and3A_254, %broadcast_in_dim3A_259, %select_n3A_238 : vector<288x128xi1>, vector<288x128xf32>
      %reduce_min3A_261 = arith.constant dense<0x7F800000> : vector<128xf32>
      %reduce_min3A_262 = vector.multi_reduction <minimumf>, %select_n3A_257, %reduce_min3A_261 [0] : vector<288x128xf32> to vector<128xf32>
      %broadcast_in_dim3A_263 = vector.shape_cast %reduce_min3A_262 : vector<128xf32> to vector<1x128xf32>
      %eq3A_264 = vector.broadcast %broadcast_in_dim3A_263 : vector<1x128xf32> to vector<288x128xf32>
      %eq3A_265 = arith.cmpf oeq, %select_n3A_257, %eq3A_264 : vector<288x128xf32>
      %jit3A_266 = arith.constant 1.000000e+09 : f32
      %broadcast_in_dim3A_267 = vector.broadcast %jit3A_266 : f32 to vector<288x128xf32>
      %select_n3A_268 = arith.select %eq3A_265, %select_n3A_260, %broadcast_in_dim3A_267 : vector<288x128xi1>, vector<288x128xf32>
      %reduce_min3A_269 = arith.constant dense<0x7F800000> : vector<128xf32>
      %reduce_min3A_270 = vector.multi_reduction <minimumf>, %select_n3A_268, %reduce_min3A_269 [0] : vector<288x128xf32> to vector<128xf32>
      %broadcast_in_dim3A_271 = vector.shape_cast %reduce_min3A_270 : vector<128xf32> to vector<1x128xf32>
      %eq3A_272 = vector.broadcast %broadcast_in_dim3A_263 : vector<1x128xf32> to vector<288x128xf32>
      %eq3A_273 = arith.cmpf oeq, %select_n3A_257, %eq3A_272 : vector<288x128xf32>
      %eq3A_274 = vector.broadcast %broadcast_in_dim3A_271 : vector<1x128xf32> to vector<288x128xf32>
      %eq3A_275 = arith.cmpf oeq, %select_n3A_260, %eq3A_274 : vector<288x128xf32>
      %and3A_276 = arith.andi %eq3A_273, %eq3A_275 : vector<288x128xi1>
      %jit3A_277 = arith.constant 1.000000e+30 : f32
      %broadcast_in_dim3A_278 = vector.broadcast %jit3A_277 : f32 to vector<288x128xf32>
      %select_n3A_279 = arith.select %and3A_276, %broadcast_in_dim3A_278, %select_n3A_257 : vector<288x128xi1>, vector<288x128xf32>
      %jit3A_280 = arith.constant 1.000000e+09 : f32
      %broadcast_in_dim3A_281 = vector.broadcast %jit3A_280 : f32 to vector<288x128xf32>
      %select_n3A_282 = arith.select %and3A_276, %broadcast_in_dim3A_281, %select_n3A_260 : vector<288x128xi1>, vector<288x128xf32>
      %reduce_min3A_283 = arith.constant dense<0x7F800000> : vector<128xf32>
      %reduce_min3A_284 = vector.multi_reduction <minimumf>, %select_n3A_279, %reduce_min3A_283 [0] : vector<288x128xf32> to vector<128xf32>
      %broadcast_in_dim3A_285 = vector.shape_cast %reduce_min3A_284 : vector<128xf32> to vector<1x128xf32>
      %eq3A_286 = vector.broadcast %broadcast_in_dim3A_285 : vector<1x128xf32> to vector<288x128xf32>
      %eq3A_287 = arith.cmpf oeq, %select_n3A_279, %eq3A_286 : vector<288x128xf32>
      %jit3A_288 = arith.constant 1.000000e+09 : f32
      %broadcast_in_dim3A_289 = vector.broadcast %jit3A_288 : f32 to vector<288x128xf32>
      %select_n3A_290 = arith.select %eq3A_287, %select_n3A_282, %broadcast_in_dim3A_289 : vector<288x128xi1>, vector<288x128xf32>
      %reduce_min3A_291 = arith.constant dense<0x7F800000> : vector<128xf32>
      %reduce_min3A_292 = vector.multi_reduction <minimumf>, %select_n3A_290, %reduce_min3A_291 [0] : vector<288x128xf32> to vector<128xf32>
      %broadcast_in_dim3A_293 = vector.shape_cast %reduce_min3A_292 : vector<128xf32> to vector<1x128xf32>
      %eq3A_294 = vector.broadcast %broadcast_in_dim3A_285 : vector<1x128xf32> to vector<288x128xf32>
      %eq3A_295 = arith.cmpf oeq, %select_n3A_279, %eq3A_294 : vector<288x128xf32>
      %eq3A_296 = vector.broadcast %broadcast_in_dim3A_293 : vector<1x128xf32> to vector<288x128xf32>
      %eq3A_297 = arith.cmpf oeq, %select_n3A_282, %eq3A_296 : vector<288x128xf32>
      %and3A_298 = arith.andi %eq3A_295, %eq3A_297 : vector<288x128xi1>
      %jit3A_299 = arith.constant 1.000000e+30 : f32
      %broadcast_in_dim3A_300 = vector.broadcast %jit3A_299 : f32 to vector<288x128xf32>
      %select_n3A_301 = arith.select %and3A_298, %broadcast_in_dim3A_300, %select_n3A_279 : vector<288x128xi1>, vector<288x128xf32>
      %jit3A_302 = arith.constant 1.000000e+09 : f32
      %broadcast_in_dim3A_303 = vector.broadcast %jit3A_302 : f32 to vector<288x128xf32>
      %select_n3A_304 = arith.select %and3A_298, %broadcast_in_dim3A_303, %select_n3A_282 : vector<288x128xi1>, vector<288x128xf32>
      %reduce_min3A_305 = arith.constant dense<0x7F800000> : vector<128xf32>
      %reduce_min3A_306 = vector.multi_reduction <minimumf>, %select_n3A_301, %reduce_min3A_305 [0] : vector<288x128xf32> to vector<128xf32>
      %broadcast_in_dim3A_307 = vector.shape_cast %reduce_min3A_306 : vector<128xf32> to vector<1x128xf32>
      %eq3A_308 = vector.broadcast %broadcast_in_dim3A_307 : vector<1x128xf32> to vector<288x128xf32>
      %eq3A_309 = arith.cmpf oeq, %select_n3A_301, %eq3A_308 : vector<288x128xf32>
      %jit3A_310 = arith.constant 1.000000e+09 : f32
      %broadcast_in_dim3A_311 = vector.broadcast %jit3A_310 : f32 to vector<288x128xf32>
      %select_n3A_312 = arith.select %eq3A_309, %select_n3A_304, %broadcast_in_dim3A_311 : vector<288x128xi1>, vector<288x128xf32>
      %reduce_min3A_313 = arith.constant dense<0x7F800000> : vector<128xf32>
      %reduce_min3A_314 = vector.multi_reduction <minimumf>, %select_n3A_312, %reduce_min3A_313 [0] : vector<288x128xf32> to vector<128xf32>
      %broadcast_in_dim3A_315 = vector.shape_cast %reduce_min3A_314 : vector<128xf32> to vector<1x128xf32>
      %eq3A_316 = vector.broadcast %broadcast_in_dim3A_307 : vector<1x128xf32> to vector<288x128xf32>
      %eq3A_317 = arith.cmpf oeq, %select_n3A_301, %eq3A_316 : vector<288x128xf32>
      %eq3A_318 = vector.broadcast %broadcast_in_dim3A_315 : vector<1x128xf32> to vector<288x128xf32>
      %eq3A_319 = arith.cmpf oeq, %select_n3A_304, %eq3A_318 : vector<288x128xf32>
      %and3A_320 = arith.andi %eq3A_317, %eq3A_319 : vector<288x128xi1>
      %jit3A_321 = arith.constant 1.000000e+30 : f32
      %broadcast_in_dim3A_322 = vector.broadcast %jit3A_321 : f32 to vector<288x128xf32>
      %select_n3A_323 = arith.select %and3A_320, %broadcast_in_dim3A_322, %select_n3A_301 : vector<288x128xi1>, vector<288x128xf32>
      %jit3A_324 = arith.constant 1.000000e+09 : f32
      %broadcast_in_dim3A_325 = vector.broadcast %jit3A_324 : f32 to vector<288x128xf32>
      %select_n3A_326 = arith.select %and3A_320, %broadcast_in_dim3A_325, %select_n3A_304 : vector<288x128xi1>, vector<288x128xf32>
      %reduce_min3A_327 = arith.constant dense<0x7F800000> : vector<128xf32>
      %reduce_min3A_328 = vector.multi_reduction <minimumf>, %select_n3A_323, %reduce_min3A_327 [0] : vector<288x128xf32> to vector<128xf32>
      %broadcast_in_dim3A_329 = vector.shape_cast %reduce_min3A_328 : vector<128xf32> to vector<1x128xf32>
      %eq3A_330 = vector.broadcast %broadcast_in_dim3A_329 : vector<1x128xf32> to vector<288x128xf32>
      %eq3A_331 = arith.cmpf oeq, %select_n3A_323, %eq3A_330 : vector<288x128xf32>
      %jit3A_332 = arith.constant 1.000000e+09 : f32
      %broadcast_in_dim3A_333 = vector.broadcast %jit3A_332 : f32 to vector<288x128xf32>
      %select_n3A_334 = arith.select %eq3A_331, %select_n3A_326, %broadcast_in_dim3A_333 : vector<288x128xi1>, vector<288x128xf32>
      %reduce_min3A_335 = arith.constant dense<0x7F800000> : vector<128xf32>
      %reduce_min3A_336 = vector.multi_reduction <minimumf>, %select_n3A_334, %reduce_min3A_335 [0] : vector<288x128xf32> to vector<128xf32>
      %broadcast_in_dim3A_337 = vector.shape_cast %reduce_min3A_336 : vector<128xf32> to vector<1x128xf32>
      %eq3A_338 = vector.broadcast %broadcast_in_dim3A_329 : vector<1x128xf32> to vector<288x128xf32>
      %eq3A_339 = arith.cmpf oeq, %select_n3A_323, %eq3A_338 : vector<288x128xf32>
      %eq3A_340 = vector.broadcast %broadcast_in_dim3A_337 : vector<1x128xf32> to vector<288x128xf32>
      %eq3A_341 = arith.cmpf oeq, %select_n3A_326, %eq3A_340 : vector<288x128xf32>
      %and3A_342 = arith.andi %eq3A_339, %eq3A_341 : vector<288x128xi1>
      %jit3A_343 = arith.constant 1.000000e+30 : f32
      %broadcast_in_dim3A_344 = vector.broadcast %jit3A_343 : f32 to vector<288x128xf32>
      %select_n3A_345 = arith.select %and3A_342, %broadcast_in_dim3A_344, %select_n3A_323 : vector<288x128xi1>, vector<288x128xf32>
      %jit3A_346 = arith.constant 1.000000e+09 : f32
      %broadcast_in_dim3A_347 = vector.broadcast %jit3A_346 : f32 to vector<288x128xf32>
      %select_n3A_348 = arith.select %and3A_342, %broadcast_in_dim3A_347, %select_n3A_326 : vector<288x128xi1>, vector<288x128xf32>
      %reduce_min3A_349 = arith.constant dense<0x7F800000> : vector<128xf32>
      %reduce_min3A_350 = vector.multi_reduction <minimumf>, %select_n3A_345, %reduce_min3A_349 [0] : vector<288x128xf32> to vector<128xf32>
      %broadcast_in_dim3A_351 = vector.shape_cast %reduce_min3A_350 : vector<128xf32> to vector<1x128xf32>
      %eq3A_352 = vector.broadcast %broadcast_in_dim3A_351 : vector<1x128xf32> to vector<288x128xf32>
      %eq3A_353 = arith.cmpf oeq, %select_n3A_345, %eq3A_352 : vector<288x128xf32>
      %jit3A_354 = arith.constant 1.000000e+09 : f32
      %broadcast_in_dim3A_355 = vector.broadcast %jit3A_354 : f32 to vector<288x128xf32>
      %select_n3A_356 = arith.select %eq3A_353, %select_n3A_348, %broadcast_in_dim3A_355 : vector<288x128xi1>, vector<288x128xf32>
      %reduce_min3A_357 = arith.constant dense<0x7F800000> : vector<128xf32>
      %reduce_min3A_358 = vector.multi_reduction <minimumf>, %select_n3A_356, %reduce_min3A_357 [0] : vector<288x128xf32> to vector<128xf32>
      %broadcast_in_dim3A_359 = vector.shape_cast %reduce_min3A_358 : vector<128xf32> to vector<1x128xf32>
      %eq3A_360 = vector.broadcast %broadcast_in_dim3A_351 : vector<1x128xf32> to vector<288x128xf32>
      %eq3A_361 = arith.cmpf oeq, %select_n3A_345, %eq3A_360 : vector<288x128xf32>
      %eq3A_362 = vector.broadcast %broadcast_in_dim3A_359 : vector<1x128xf32> to vector<288x128xf32>
      %eq3A_363 = arith.cmpf oeq, %select_n3A_348, %eq3A_362 : vector<288x128xf32>
      %and3A_364 = arith.andi %eq3A_361, %eq3A_363 : vector<288x128xi1>
      %jit3A_365 = arith.constant 1.000000e+30 : f32
      %broadcast_in_dim3A_366 = vector.broadcast %jit3A_365 : f32 to vector<288x128xf32>
      %select_n3A_367 = arith.select %and3A_364, %broadcast_in_dim3A_366, %select_n3A_345 : vector<288x128xi1>, vector<288x128xf32>
      %jit3A_368 = arith.constant 1.000000e+09 : f32
      %broadcast_in_dim3A_369 = vector.broadcast %jit3A_368 : f32 to vector<288x128xf32>
      %select_n3A_370 = arith.select %and3A_364, %broadcast_in_dim3A_369, %select_n3A_348 : vector<288x128xi1>, vector<288x128xf32>
      %reduce_min3A_371 = arith.constant dense<0x7F800000> : vector<128xf32>
      %reduce_min3A_372 = vector.multi_reduction <minimumf>, %select_n3A_367, %reduce_min3A_371 [0] : vector<288x128xf32> to vector<128xf32>
      %broadcast_in_dim3A_373 = vector.shape_cast %reduce_min3A_372 : vector<128xf32> to vector<1x128xf32>
      %eq3A_374 = vector.broadcast %broadcast_in_dim3A_373 : vector<1x128xf32> to vector<288x128xf32>
      %eq3A_375 = arith.cmpf oeq, %select_n3A_367, %eq3A_374 : vector<288x128xf32>
      %jit3A_376 = arith.constant 1.000000e+09 : f32
      %broadcast_in_dim3A_377 = vector.broadcast %jit3A_376 : f32 to vector<288x128xf32>
      %select_n3A_378 = arith.select %eq3A_375, %select_n3A_370, %broadcast_in_dim3A_377 : vector<288x128xi1>, vector<288x128xf32>
      %reduce_min3A_379 = arith.constant dense<0x7F800000> : vector<128xf32>
      %reduce_min3A_380 = vector.multi_reduction <minimumf>, %select_n3A_378, %reduce_min3A_379 [0] : vector<288x128xf32> to vector<128xf32>
      %broadcast_in_dim3A_381 = vector.shape_cast %reduce_min3A_380 : vector<128xf32> to vector<1x128xf32>
      %eq3A_382 = vector.broadcast %broadcast_in_dim3A_373 : vector<1x128xf32> to vector<288x128xf32>
      %eq3A_383 = arith.cmpf oeq, %select_n3A_367, %eq3A_382 : vector<288x128xf32>
      %eq3A_384 = vector.broadcast %broadcast_in_dim3A_381 : vector<1x128xf32> to vector<288x128xf32>
      %eq3A_385 = arith.cmpf oeq, %select_n3A_370, %eq3A_384 : vector<288x128xf32>
      %and3A_386 = arith.andi %eq3A_383, %eq3A_385 : vector<288x128xi1>
      %jit3A_387 = arith.constant 1.000000e+30 : f32
      %broadcast_in_dim3A_388 = vector.broadcast %jit3A_387 : f32 to vector<288x128xf32>
      %select_n3A_389 = arith.select %and3A_386, %broadcast_in_dim3A_388, %select_n3A_367 : vector<288x128xi1>, vector<288x128xf32>
      %jit3A_390 = arith.constant 1.000000e+09 : f32
      %broadcast_in_dim3A_391 = vector.broadcast %jit3A_390 : f32 to vector<288x128xf32>
      %select_n3A_392 = arith.select %and3A_386, %broadcast_in_dim3A_391, %select_n3A_370 : vector<288x128xi1>, vector<288x128xf32>
      %reduce_min3A_393 = arith.constant dense<0x7F800000> : vector<128xf32>
      %reduce_min3A_394 = vector.multi_reduction <minimumf>, %select_n3A_389, %reduce_min3A_393 [0] : vector<288x128xf32> to vector<128xf32>
      %broadcast_in_dim3A_395 = vector.shape_cast %reduce_min3A_394 : vector<128xf32> to vector<1x128xf32>
      %eq3A_396 = vector.broadcast %broadcast_in_dim3A_395 : vector<1x128xf32> to vector<288x128xf32>
      %eq3A_397 = arith.cmpf oeq, %select_n3A_389, %eq3A_396 : vector<288x128xf32>
      %jit3A_398 = arith.constant 1.000000e+09 : f32
      %broadcast_in_dim3A_399 = vector.broadcast %jit3A_398 : f32 to vector<288x128xf32>
      %select_n3A_400 = arith.select %eq3A_397, %select_n3A_392, %broadcast_in_dim3A_399 : vector<288x128xi1>, vector<288x128xf32>
      %reduce_min3A_401 = arith.constant dense<0x7F800000> : vector<128xf32>
      %reduce_min3A_402 = vector.multi_reduction <minimumf>, %select_n3A_400, %reduce_min3A_401 [0] : vector<288x128xf32> to vector<128xf32>
      %broadcast_in_dim3A_403 = vector.shape_cast %reduce_min3A_402 : vector<128xf32> to vector<1x128xf32>
      %eq3A_404 = vector.broadcast %broadcast_in_dim3A_395 : vector<1x128xf32> to vector<288x128xf32>
      %eq3A_405 = arith.cmpf oeq, %select_n3A_389, %eq3A_404 : vector<288x128xf32>
      %eq3A_406 = vector.broadcast %broadcast_in_dim3A_403 : vector<1x128xf32> to vector<288x128xf32>
      %eq3A_407 = arith.cmpf oeq, %select_n3A_392, %eq3A_406 : vector<288x128xf32>
      %and3A_408 = arith.andi %eq3A_405, %eq3A_407 : vector<288x128xi1>
      %jit3A_409 = arith.constant 1.000000e+30 : f32
      %broadcast_in_dim3A_410 = vector.broadcast %jit3A_409 : f32 to vector<288x128xf32>
      %select_n3A_411 = arith.select %and3A_408, %broadcast_in_dim3A_410, %select_n3A_389 : vector<288x128xi1>, vector<288x128xf32>
      %jit3A_412 = arith.constant 1.000000e+09 : f32
      %broadcast_in_dim3A_413 = vector.broadcast %jit3A_412 : f32 to vector<288x128xf32>
      %select_n3A_414 = arith.select %and3A_408, %broadcast_in_dim3A_413, %select_n3A_392 : vector<288x128xi1>, vector<288x128xf32>
      %reduce_min3A_415 = arith.constant dense<0x7F800000> : vector<128xf32>
      %reduce_min3A_416 = vector.multi_reduction <minimumf>, %select_n3A_411, %reduce_min3A_415 [0] : vector<288x128xf32> to vector<128xf32>
      %broadcast_in_dim3A_417 = vector.shape_cast %reduce_min3A_416 : vector<128xf32> to vector<1x128xf32>
      %eq3A_418 = vector.broadcast %broadcast_in_dim3A_417 : vector<1x128xf32> to vector<288x128xf32>
      %eq3A_419 = arith.cmpf oeq, %select_n3A_411, %eq3A_418 : vector<288x128xf32>
      %jit3A_420 = arith.constant 1.000000e+09 : f32
      %broadcast_in_dim3A_421 = vector.broadcast %jit3A_420 : f32 to vector<288x128xf32>
      %select_n3A_422 = arith.select %eq3A_419, %select_n3A_414, %broadcast_in_dim3A_421 : vector<288x128xi1>, vector<288x128xf32>
      %reduce_min3A_423 = arith.constant dense<0x7F800000> : vector<128xf32>
      %reduce_min3A_424 = vector.multi_reduction <minimumf>, %select_n3A_422, %reduce_min3A_423 [0] : vector<288x128xf32> to vector<128xf32>
      %broadcast_in_dim3A_425 = vector.shape_cast %reduce_min3A_424 : vector<128xf32> to vector<1x128xf32>
      %eq3A_426 = vector.broadcast %broadcast_in_dim3A_417 : vector<1x128xf32> to vector<288x128xf32>
      %eq3A_427 = arith.cmpf oeq, %select_n3A_411, %eq3A_426 : vector<288x128xf32>
      %eq3A_428 = vector.broadcast %broadcast_in_dim3A_425 : vector<1x128xf32> to vector<288x128xf32>
      %eq3A_429 = arith.cmpf oeq, %select_n3A_414, %eq3A_428 : vector<288x128xf32>
      %and3A_430 = arith.andi %eq3A_427, %eq3A_429 : vector<288x128xi1>
      %jit3A_431 = arith.constant 1.000000e+30 : f32
      %broadcast_in_dim3A_432 = vector.broadcast %jit3A_431 : f32 to vector<288x128xf32>
      %select_n3A_433 = arith.select %and3A_430, %broadcast_in_dim3A_432, %select_n3A_411 : vector<288x128xi1>, vector<288x128xf32>
      %jit3A_434 = arith.constant 1.000000e+09 : f32
      %broadcast_in_dim3A_435 = vector.broadcast %jit3A_434 : f32 to vector<288x128xf32>
      %select_n3A_436 = arith.select %and3A_430, %broadcast_in_dim3A_435, %select_n3A_414 : vector<288x128xi1>, vector<288x128xf32>
      %reduce_min3A_437 = arith.constant dense<0x7F800000> : vector<128xf32>
      %reduce_min3A_438 = vector.multi_reduction <minimumf>, %select_n3A_433, %reduce_min3A_437 [0] : vector<288x128xf32> to vector<128xf32>
      %broadcast_in_dim3A_439 = vector.shape_cast %reduce_min3A_438 : vector<128xf32> to vector<1x128xf32>
      %eq3A_440 = vector.broadcast %broadcast_in_dim3A_439 : vector<1x128xf32> to vector<288x128xf32>
      %eq3A_441 = arith.cmpf oeq, %select_n3A_433, %eq3A_440 : vector<288x128xf32>
      %jit3A_442 = arith.constant 1.000000e+09 : f32
      %broadcast_in_dim3A_443 = vector.broadcast %jit3A_442 : f32 to vector<288x128xf32>
      %select_n3A_444 = arith.select %eq3A_441, %select_n3A_436, %broadcast_in_dim3A_443 : vector<288x128xi1>, vector<288x128xf32>
      %reduce_min3A_445 = arith.constant dense<0x7F800000> : vector<128xf32>
      %reduce_min3A_446 = vector.multi_reduction <minimumf>, %select_n3A_444, %reduce_min3A_445 [0] : vector<288x128xf32> to vector<128xf32>
      %broadcast_in_dim3A_447 = vector.shape_cast %reduce_min3A_446 : vector<128xf32> to vector<1x128xf32>
      %eq3A_448 = vector.broadcast %broadcast_in_dim3A_439 : vector<1x128xf32> to vector<288x128xf32>
      %eq3A_449 = arith.cmpf oeq, %select_n3A_433, %eq3A_448 : vector<288x128xf32>
      %eq3A_450 = vector.broadcast %broadcast_in_dim3A_447 : vector<1x128xf32> to vector<288x128xf32>
      %eq3A_451 = arith.cmpf oeq, %select_n3A_436, %eq3A_450 : vector<288x128xf32>
      %and3A_452 = arith.andi %eq3A_449, %eq3A_451 : vector<288x128xi1>
      %jit3A_453 = arith.constant 1.000000e+30 : f32
      %broadcast_in_dim3A_454 = vector.broadcast %jit3A_453 : f32 to vector<288x128xf32>
      %select_n3A_455 = arith.select %and3A_452, %broadcast_in_dim3A_454, %select_n3A_433 : vector<288x128xi1>, vector<288x128xf32>
      %jit3A_456 = arith.constant 1.000000e+09 : f32
      %broadcast_in_dim3A_457 = vector.broadcast %jit3A_456 : f32 to vector<288x128xf32>
      %select_n3A_458 = arith.select %and3A_452, %broadcast_in_dim3A_457, %select_n3A_436 : vector<288x128xi1>, vector<288x128xf32>
      %reduce_min3A_459 = arith.constant dense<0x7F800000> : vector<128xf32>
      %reduce_min3A_460 = vector.multi_reduction <minimumf>, %select_n3A_455, %reduce_min3A_459 [0] : vector<288x128xf32> to vector<128xf32>
      %broadcast_in_dim3A_461 = vector.shape_cast %reduce_min3A_460 : vector<128xf32> to vector<1x128xf32>
      %eq3A_462 = vector.broadcast %broadcast_in_dim3A_461 : vector<1x128xf32> to vector<288x128xf32>
      %eq3A_463 = arith.cmpf oeq, %select_n3A_455, %eq3A_462 : vector<288x128xf32>
      %jit3A_464 = arith.constant 1.000000e+09 : f32
      %broadcast_in_dim3A_465 = vector.broadcast %jit3A_464 : f32 to vector<288x128xf32>
      %select_n3A_466 = arith.select %eq3A_463, %select_n3A_458, %broadcast_in_dim3A_465 : vector<288x128xi1>, vector<288x128xf32>
      %reduce_min3A_467 = arith.constant dense<0x7F800000> : vector<128xf32>
      %reduce_min3A_468 = vector.multi_reduction <minimumf>, %select_n3A_466, %reduce_min3A_467 [0] : vector<288x128xf32> to vector<128xf32>
      %broadcast_in_dim3A_469 = vector.shape_cast %reduce_min3A_468 : vector<128xf32> to vector<1x128xf32>
      %eq3A_470 = vector.broadcast %broadcast_in_dim3A_461 : vector<1x128xf32> to vector<288x128xf32>
      %eq3A_471 = arith.cmpf oeq, %select_n3A_455, %eq3A_470 : vector<288x128xf32>
      %eq3A_472 = vector.broadcast %broadcast_in_dim3A_469 : vector<1x128xf32> to vector<288x128xf32>
      %eq3A_473 = arith.cmpf oeq, %select_n3A_458, %eq3A_472 : vector<288x128xf32>
      %and3A_474 = arith.andi %eq3A_471, %eq3A_473 : vector<288x128xi1>
      %jit3A_475 = arith.constant 1.000000e+30 : f32
      %broadcast_in_dim3A_476 = vector.broadcast %jit3A_475 : f32 to vector<288x128xf32>
      %select_n3A_477 = arith.select %and3A_474, %broadcast_in_dim3A_476, %select_n3A_455 : vector<288x128xi1>, vector<288x128xf32>
      %jit3A_478 = arith.constant 1.000000e+09 : f32
      %broadcast_in_dim3A_479 = vector.broadcast %jit3A_478 : f32 to vector<288x128xf32>
      %select_n3A_480 = arith.select %and3A_474, %broadcast_in_dim3A_479, %select_n3A_458 : vector<288x128xi1>, vector<288x128xf32>
      %reduce_min3A_481 = arith.constant dense<0x7F800000> : vector<128xf32>
      %reduce_min3A_482 = vector.multi_reduction <minimumf>, %select_n3A_477, %reduce_min3A_481 [0] : vector<288x128xf32> to vector<128xf32>
      %broadcast_in_dim3A_483 = vector.shape_cast %reduce_min3A_482 : vector<128xf32> to vector<1x128xf32>
      %eq3A_484 = vector.broadcast %broadcast_in_dim3A_483 : vector<1x128xf32> to vector<288x128xf32>
      %eq3A_485 = arith.cmpf oeq, %select_n3A_477, %eq3A_484 : vector<288x128xf32>
      %jit3A_486 = arith.constant 1.000000e+09 : f32
      %broadcast_in_dim3A_487 = vector.broadcast %jit3A_486 : f32 to vector<288x128xf32>
      %select_n3A_488 = arith.select %eq3A_485, %select_n3A_480, %broadcast_in_dim3A_487 : vector<288x128xi1>, vector<288x128xf32>
      %reduce_min3A_489 = arith.constant dense<0x7F800000> : vector<128xf32>
      %reduce_min3A_490 = vector.multi_reduction <minimumf>, %select_n3A_488, %reduce_min3A_489 [0] : vector<288x128xf32> to vector<128xf32>
      %broadcast_in_dim3A_491 = vector.shape_cast %reduce_min3A_490 : vector<128xf32> to vector<1x128xf32>
      %eq3A_492 = vector.broadcast %broadcast_in_dim3A_483 : vector<1x128xf32> to vector<288x128xf32>
      %eq3A_493 = arith.cmpf oeq, %select_n3A_477, %eq3A_492 : vector<288x128xf32>
      %eq3A_494 = vector.broadcast %broadcast_in_dim3A_491 : vector<1x128xf32> to vector<288x128xf32>
      %eq3A_495 = arith.cmpf oeq, %select_n3A_480, %eq3A_494 : vector<288x128xf32>
      %and3A_496 = arith.andi %eq3A_493, %eq3A_495 : vector<288x128xi1>
      %jit3A_497 = arith.constant 1.000000e+30 : f32
      %broadcast_in_dim3A_498 = vector.broadcast %jit3A_497 : f32 to vector<288x128xf32>
      %select_n3A_499 = arith.select %and3A_496, %broadcast_in_dim3A_498, %select_n3A_477 : vector<288x128xi1>, vector<288x128xf32>
      %jit3A_500 = arith.constant 1.000000e+09 : f32
      %broadcast_in_dim3A_501 = vector.broadcast %jit3A_500 : f32 to vector<288x128xf32>
      %select_n3A_502 = arith.select %and3A_496, %broadcast_in_dim3A_501, %select_n3A_480 : vector<288x128xi1>, vector<288x128xf32>
      %reduce_min3A_503 = arith.constant dense<0x7F800000> : vector<128xf32>
      %reduce_min3A_504 = vector.multi_reduction <minimumf>, %select_n3A_499, %reduce_min3A_503 [0] : vector<288x128xf32> to vector<128xf32>
      %broadcast_in_dim3A_505 = vector.shape_cast %reduce_min3A_504 : vector<128xf32> to vector<1x128xf32>
      %eq3A_506 = vector.broadcast %broadcast_in_dim3A_505 : vector<1x128xf32> to vector<288x128xf32>
      %eq3A_507 = arith.cmpf oeq, %select_n3A_499, %eq3A_506 : vector<288x128xf32>
      %jit3A_508 = arith.constant 1.000000e+09 : f32
      %broadcast_in_dim3A_509 = vector.broadcast %jit3A_508 : f32 to vector<288x128xf32>
      %select_n3A_510 = arith.select %eq3A_507, %select_n3A_502, %broadcast_in_dim3A_509 : vector<288x128xi1>, vector<288x128xf32>
      %reduce_min3A_511 = arith.constant dense<0x7F800000> : vector<128xf32>
      %reduce_min3A_512 = vector.multi_reduction <minimumf>, %select_n3A_510, %reduce_min3A_511 [0] : vector<288x128xf32> to vector<128xf32>
      %broadcast_in_dim3A_513 = vector.shape_cast %reduce_min3A_512 : vector<128xf32> to vector<1x128xf32>
      %eq3A_514 = vector.broadcast %broadcast_in_dim3A_505 : vector<1x128xf32> to vector<288x128xf32>
      %eq3A_515 = arith.cmpf oeq, %select_n3A_499, %eq3A_514 : vector<288x128xf32>
      %eq3A_516 = vector.broadcast %broadcast_in_dim3A_513 : vector<1x128xf32> to vector<288x128xf32>
      %eq3A_517 = arith.cmpf oeq, %select_n3A_502, %eq3A_516 : vector<288x128xf32>
      %and3A_518 = arith.andi %eq3A_515, %eq3A_517 : vector<288x128xi1>
      %jit3A_519 = arith.constant 1.000000e+30 : f32
      %broadcast_in_dim3A_520 = vector.broadcast %jit3A_519 : f32 to vector<288x128xf32>
      %select_n3A_521 = arith.select %and3A_518, %broadcast_in_dim3A_520, %select_n3A_499 : vector<288x128xi1>, vector<288x128xf32>
      %jit3A_522 = arith.constant 1.000000e+09 : f32
      %broadcast_in_dim3A_523 = vector.broadcast %jit3A_522 : f32 to vector<288x128xf32>
      %select_n3A_524 = arith.select %and3A_518, %broadcast_in_dim3A_523, %select_n3A_502 : vector<288x128xi1>, vector<288x128xf32>
      %reduce_min3A_525 = arith.constant dense<0x7F800000> : vector<128xf32>
      %reduce_min3A_526 = vector.multi_reduction <minimumf>, %select_n3A_521, %reduce_min3A_525 [0] : vector<288x128xf32> to vector<128xf32>
      %broadcast_in_dim3A_527 = vector.shape_cast %reduce_min3A_526 : vector<128xf32> to vector<1x128xf32>
      %eq3A_528 = vector.broadcast %broadcast_in_dim3A_527 : vector<1x128xf32> to vector<288x128xf32>
      %eq3A_529 = arith.cmpf oeq, %select_n3A_521, %eq3A_528 : vector<288x128xf32>
      %jit3A_530 = arith.constant 1.000000e+09 : f32
      %broadcast_in_dim3A_531 = vector.broadcast %jit3A_530 : f32 to vector<288x128xf32>
      %select_n3A_532 = arith.select %eq3A_529, %select_n3A_524, %broadcast_in_dim3A_531 : vector<288x128xi1>, vector<288x128xf32>
      %reduce_min3A_533 = arith.constant dense<0x7F800000> : vector<128xf32>
      %reduce_min3A_534 = vector.multi_reduction <minimumf>, %select_n3A_532, %reduce_min3A_533 [0] : vector<288x128xf32> to vector<128xf32>
      %broadcast_in_dim3A_535 = vector.shape_cast %reduce_min3A_534 : vector<128xf32> to vector<1x128xf32>
      %eq3A_536 = vector.broadcast %broadcast_in_dim3A_527 : vector<1x128xf32> to vector<288x128xf32>
      %eq3A_537 = arith.cmpf oeq, %select_n3A_521, %eq3A_536 : vector<288x128xf32>
      %eq3A_538 = vector.broadcast %broadcast_in_dim3A_535 : vector<1x128xf32> to vector<288x128xf32>
      %eq3A_539 = arith.cmpf oeq, %select_n3A_524, %eq3A_538 : vector<288x128xf32>
      %and3A_540 = arith.andi %eq3A_537, %eq3A_539 : vector<288x128xi1>
      %jit3A_541 = arith.constant 1.000000e+30 : f32
      %broadcast_in_dim3A_542 = vector.broadcast %jit3A_541 : f32 to vector<288x128xf32>
      %select_n3A_543 = arith.select %and3A_540, %broadcast_in_dim3A_542, %select_n3A_521 : vector<288x128xi1>, vector<288x128xf32>
      %jit3A_544 = arith.constant 1.000000e+09 : f32
      %broadcast_in_dim3A_545 = vector.broadcast %jit3A_544 : f32 to vector<288x128xf32>
      %select_n3A_546 = arith.select %and3A_540, %broadcast_in_dim3A_545, %select_n3A_524 : vector<288x128xi1>, vector<288x128xf32>
      %reduce_min3A_547 = arith.constant dense<0x7F800000> : vector<128xf32>
      %reduce_min3A_548 = vector.multi_reduction <minimumf>, %select_n3A_543, %reduce_min3A_547 [0] : vector<288x128xf32> to vector<128xf32>
      %broadcast_in_dim3A_549 = vector.shape_cast %reduce_min3A_548 : vector<128xf32> to vector<1x128xf32>
      %eq3A_550 = vector.broadcast %broadcast_in_dim3A_549 : vector<1x128xf32> to vector<288x128xf32>
      %eq3A_551 = arith.cmpf oeq, %select_n3A_543, %eq3A_550 : vector<288x128xf32>
      %jit3A_552 = arith.constant 1.000000e+09 : f32
      %broadcast_in_dim3A_553 = vector.broadcast %jit3A_552 : f32 to vector<288x128xf32>
      %select_n3A_554 = arith.select %eq3A_551, %select_n3A_546, %broadcast_in_dim3A_553 : vector<288x128xi1>, vector<288x128xf32>
      %reduce_min3A_555 = arith.constant dense<0x7F800000> : vector<128xf32>
      %reduce_min3A_556 = vector.multi_reduction <minimumf>, %select_n3A_554, %reduce_min3A_555 [0] : vector<288x128xf32> to vector<128xf32>
      %broadcast_in_dim3A_557 = vector.shape_cast %reduce_min3A_556 : vector<128xf32> to vector<1x128xf32>
      %eq3A_558 = vector.broadcast %broadcast_in_dim3A_549 : vector<1x128xf32> to vector<288x128xf32>
      %eq3A_559 = arith.cmpf oeq, %select_n3A_543, %eq3A_558 : vector<288x128xf32>
      %eq3A_560 = vector.broadcast %broadcast_in_dim3A_557 : vector<1x128xf32> to vector<288x128xf32>
      %eq3A_561 = arith.cmpf oeq, %select_n3A_546, %eq3A_560 : vector<288x128xf32>
      %and3A_562 = arith.andi %eq3A_559, %eq3A_561 : vector<288x128xi1>
      %jit3A_563 = arith.constant 1.000000e+30 : f32
      %broadcast_in_dim3A_564 = vector.broadcast %jit3A_563 : f32 to vector<288x128xf32>
      %select_n3A_565 = arith.select %and3A_562, %broadcast_in_dim3A_564, %select_n3A_543 : vector<288x128xi1>, vector<288x128xf32>
      %jit3A_566 = arith.constant 1.000000e+09 : f32
      %broadcast_in_dim3A_567 = vector.broadcast %jit3A_566 : f32 to vector<288x128xf32>
      %select_n3A_568 = arith.select %and3A_562, %broadcast_in_dim3A_567, %select_n3A_546 : vector<288x128xi1>, vector<288x128xf32>
      %reduce_min3A_569 = arith.constant dense<0x7F800000> : vector<128xf32>
      %reduce_min3A_570 = vector.multi_reduction <minimumf>, %select_n3A_565, %reduce_min3A_569 [0] : vector<288x128xf32> to vector<128xf32>
      %broadcast_in_dim3A_571 = vector.shape_cast %reduce_min3A_570 : vector<128xf32> to vector<1x128xf32>
      %eq3A_572 = vector.broadcast %broadcast_in_dim3A_571 : vector<1x128xf32> to vector<288x128xf32>
      %eq3A_573 = arith.cmpf oeq, %select_n3A_565, %eq3A_572 : vector<288x128xf32>
      %jit3A_574 = arith.constant 1.000000e+09 : f32
      %broadcast_in_dim3A_575 = vector.broadcast %jit3A_574 : f32 to vector<288x128xf32>
      %select_n3A_576 = arith.select %eq3A_573, %select_n3A_568, %broadcast_in_dim3A_575 : vector<288x128xi1>, vector<288x128xf32>
      %reduce_min3A_577 = arith.constant dense<0x7F800000> : vector<128xf32>
      %reduce_min3A_578 = vector.multi_reduction <minimumf>, %select_n3A_576, %reduce_min3A_577 [0] : vector<288x128xf32> to vector<128xf32>
      %broadcast_in_dim3A_579 = vector.shape_cast %reduce_min3A_578 : vector<128xf32> to vector<1x128xf32>
      %eq3A_580 = vector.broadcast %broadcast_in_dim3A_571 : vector<1x128xf32> to vector<288x128xf32>
      %eq3A_581 = arith.cmpf oeq, %select_n3A_565, %eq3A_580 : vector<288x128xf32>
      %eq3A_582 = vector.broadcast %broadcast_in_dim3A_579 : vector<1x128xf32> to vector<288x128xf32>
      %eq3A_583 = arith.cmpf oeq, %select_n3A_568, %eq3A_582 : vector<288x128xf32>
      %and3A_584 = arith.andi %eq3A_581, %eq3A_583 : vector<288x128xi1>
      %jit3A_585 = arith.constant 1.000000e+30 : f32
      %broadcast_in_dim3A_586 = vector.broadcast %jit3A_585 : f32 to vector<288x128xf32>
      %select_n3A_587 = arith.select %and3A_584, %broadcast_in_dim3A_586, %select_n3A_565 : vector<288x128xi1>, vector<288x128xf32>
      %jit3A_588 = arith.constant 1.000000e+09 : f32
      %broadcast_in_dim3A_589 = vector.broadcast %jit3A_588 : f32 to vector<288x128xf32>
      %select_n3A_590 = arith.select %and3A_584, %broadcast_in_dim3A_589, %select_n3A_568 : vector<288x128xi1>, vector<288x128xf32>
      %reduce_min3A_591 = arith.constant dense<0x7F800000> : vector<128xf32>
      %reduce_min3A_592 = vector.multi_reduction <minimumf>, %select_n3A_587, %reduce_min3A_591 [0] : vector<288x128xf32> to vector<128xf32>
      %broadcast_in_dim3A_593 = vector.shape_cast %reduce_min3A_592 : vector<128xf32> to vector<1x128xf32>
      %eq3A_594 = vector.broadcast %broadcast_in_dim3A_593 : vector<1x128xf32> to vector<288x128xf32>
      %eq3A_595 = arith.cmpf oeq, %select_n3A_587, %eq3A_594 : vector<288x128xf32>
      %jit3A_596 = arith.constant 1.000000e+09 : f32
      %broadcast_in_dim3A_597 = vector.broadcast %jit3A_596 : f32 to vector<288x128xf32>
      %select_n3A_598 = arith.select %eq3A_595, %select_n3A_590, %broadcast_in_dim3A_597 : vector<288x128xi1>, vector<288x128xf32>
      %reduce_min3A_599 = arith.constant dense<0x7F800000> : vector<128xf32>
      %reduce_min3A_600 = vector.multi_reduction <minimumf>, %select_n3A_598, %reduce_min3A_599 [0] : vector<288x128xf32> to vector<128xf32>
      %broadcast_in_dim3A_601 = vector.shape_cast %reduce_min3A_600 : vector<128xf32> to vector<1x128xf32>
      %eq3A_602 = vector.broadcast %broadcast_in_dim3A_593 : vector<1x128xf32> to vector<288x128xf32>
      %eq3A_603 = arith.cmpf oeq, %select_n3A_587, %eq3A_602 : vector<288x128xf32>
      %eq3A_604 = vector.broadcast %broadcast_in_dim3A_601 : vector<1x128xf32> to vector<288x128xf32>
      %eq3A_605 = arith.cmpf oeq, %select_n3A_590, %eq3A_604 : vector<288x128xf32>
      %and3A_606 = arith.andi %eq3A_603, %eq3A_605 : vector<288x128xi1>
      %jit3A_607 = arith.constant 1.000000e+30 : f32
      %broadcast_in_dim3A_608 = vector.broadcast %jit3A_607 : f32 to vector<288x128xf32>
      %select_n3A_609 = arith.select %and3A_606, %broadcast_in_dim3A_608, %select_n3A_587 : vector<288x128xi1>, vector<288x128xf32>
      %jit3A_610 = arith.constant 1.000000e+09 : f32
      %broadcast_in_dim3A_611 = vector.broadcast %jit3A_610 : f32 to vector<288x128xf32>
      %select_n3A_612 = arith.select %and3A_606, %broadcast_in_dim3A_611, %select_n3A_590 : vector<288x128xi1>, vector<288x128xf32>
      %reduce_min3A_613 = arith.constant dense<0x7F800000> : vector<128xf32>
      %reduce_min3A_614 = vector.multi_reduction <minimumf>, %select_n3A_609, %reduce_min3A_613 [0] : vector<288x128xf32> to vector<128xf32>
      %broadcast_in_dim3A_615 = vector.shape_cast %reduce_min3A_614 : vector<128xf32> to vector<1x128xf32>
      %eq3A_616 = vector.broadcast %broadcast_in_dim3A_615 : vector<1x128xf32> to vector<288x128xf32>
      %eq3A_617 = arith.cmpf oeq, %select_n3A_609, %eq3A_616 : vector<288x128xf32>
      %jit3A_618 = arith.constant 1.000000e+09 : f32
      %broadcast_in_dim3A_619 = vector.broadcast %jit3A_618 : f32 to vector<288x128xf32>
      %select_n3A_620 = arith.select %eq3A_617, %select_n3A_612, %broadcast_in_dim3A_619 : vector<288x128xi1>, vector<288x128xf32>
      %reduce_min3A_621 = arith.constant dense<0x7F800000> : vector<128xf32>
      %reduce_min3A_622 = vector.multi_reduction <minimumf>, %select_n3A_620, %reduce_min3A_621 [0] : vector<288x128xf32> to vector<128xf32>
      %broadcast_in_dim3A_623 = vector.shape_cast %reduce_min3A_622 : vector<128xf32> to vector<1x128xf32>
      %eq3A_624 = vector.broadcast %broadcast_in_dim3A_615 : vector<1x128xf32> to vector<288x128xf32>
      %eq3A_625 = arith.cmpf oeq, %select_n3A_609, %eq3A_624 : vector<288x128xf32>
      %eq3A_626 = vector.broadcast %broadcast_in_dim3A_623 : vector<1x128xf32> to vector<288x128xf32>
      %eq3A_627 = arith.cmpf oeq, %select_n3A_612, %eq3A_626 : vector<288x128xf32>
      %and3A_628 = arith.andi %eq3A_625, %eq3A_627 : vector<288x128xi1>
      %jit3A_629 = arith.constant 1.000000e+30 : f32
      %broadcast_in_dim3A_630 = vector.broadcast %jit3A_629 : f32 to vector<288x128xf32>
      %select_n3A_631 = arith.select %and3A_628, %broadcast_in_dim3A_630, %select_n3A_609 : vector<288x128xi1>, vector<288x128xf32>
      %jit3A_632 = arith.constant 1.000000e+09 : f32
      %broadcast_in_dim3A_633 = vector.broadcast %jit3A_632 : f32 to vector<288x128xf32>
      %select_n3A_634 = arith.select %and3A_628, %broadcast_in_dim3A_633, %select_n3A_612 : vector<288x128xi1>, vector<288x128xf32>
      %reduce_min3A_635 = arith.constant dense<0x7F800000> : vector<128xf32>
      %reduce_min3A_636 = vector.multi_reduction <minimumf>, %select_n3A_631, %reduce_min3A_635 [0] : vector<288x128xf32> to vector<128xf32>
      %broadcast_in_dim3A_637 = vector.shape_cast %reduce_min3A_636 : vector<128xf32> to vector<1x128xf32>
      %eq3A_638 = vector.broadcast %broadcast_in_dim3A_637 : vector<1x128xf32> to vector<288x128xf32>
      %eq3A_639 = arith.cmpf oeq, %select_n3A_631, %eq3A_638 : vector<288x128xf32>
      %jit3A_640 = arith.constant 1.000000e+09 : f32
      %broadcast_in_dim3A_641 = vector.broadcast %jit3A_640 : f32 to vector<288x128xf32>
      %select_n3A_642 = arith.select %eq3A_639, %select_n3A_634, %broadcast_in_dim3A_641 : vector<288x128xi1>, vector<288x128xf32>
      %reduce_min3A_643 = arith.constant dense<0x7F800000> : vector<128xf32>
      %reduce_min3A_644 = vector.multi_reduction <minimumf>, %select_n3A_642, %reduce_min3A_643 [0] : vector<288x128xf32> to vector<128xf32>
      %broadcast_in_dim3A_645 = vector.shape_cast %reduce_min3A_644 : vector<128xf32> to vector<1x128xf32>
      %eq3A_646 = vector.broadcast %broadcast_in_dim3A_637 : vector<1x128xf32> to vector<288x128xf32>
      %eq3A_647 = arith.cmpf oeq, %select_n3A_631, %eq3A_646 : vector<288x128xf32>
      %eq3A_648 = vector.broadcast %broadcast_in_dim3A_645 : vector<1x128xf32> to vector<288x128xf32>
      %eq3A_649 = arith.cmpf oeq, %select_n3A_634, %eq3A_648 : vector<288x128xf32>
      %and3A_650 = arith.andi %eq3A_647, %eq3A_649 : vector<288x128xi1>
      %jit3A_651 = arith.constant 1.000000e+30 : f32
      %broadcast_in_dim3A_652 = vector.broadcast %jit3A_651 : f32 to vector<288x128xf32>
      %select_n3A_653 = arith.select %and3A_650, %broadcast_in_dim3A_652, %select_n3A_631 : vector<288x128xi1>, vector<288x128xf32>
      %jit3A_654 = arith.constant 1.000000e+09 : f32
      %broadcast_in_dim3A_655 = vector.broadcast %jit3A_654 : f32 to vector<288x128xf32>
      %select_n3A_656 = arith.select %and3A_650, %broadcast_in_dim3A_655, %select_n3A_634 : vector<288x128xi1>, vector<288x128xf32>
      %reduce_min3A_657 = arith.constant dense<0x7F800000> : vector<128xf32>
      %reduce_min3A_658 = vector.multi_reduction <minimumf>, %select_n3A_653, %reduce_min3A_657 [0] : vector<288x128xf32> to vector<128xf32>
      %broadcast_in_dim3A_659 = vector.shape_cast %reduce_min3A_658 : vector<128xf32> to vector<1x128xf32>
      %eq3A_660 = vector.broadcast %broadcast_in_dim3A_659 : vector<1x128xf32> to vector<288x128xf32>
      %eq3A_661 = arith.cmpf oeq, %select_n3A_653, %eq3A_660 : vector<288x128xf32>
      %jit3A_662 = arith.constant 1.000000e+09 : f32
      %broadcast_in_dim3A_663 = vector.broadcast %jit3A_662 : f32 to vector<288x128xf32>
      %select_n3A_664 = arith.select %eq3A_661, %select_n3A_656, %broadcast_in_dim3A_663 : vector<288x128xi1>, vector<288x128xf32>
      %reduce_min3A_665 = arith.constant dense<0x7F800000> : vector<128xf32>
      %reduce_min3A_666 = vector.multi_reduction <minimumf>, %select_n3A_664, %reduce_min3A_665 [0] : vector<288x128xf32> to vector<128xf32>
      %broadcast_in_dim3A_667 = vector.shape_cast %reduce_min3A_666 : vector<128xf32> to vector<1x128xf32>
      %eq3A_668 = vector.broadcast %broadcast_in_dim3A_659 : vector<1x128xf32> to vector<288x128xf32>
      %eq3A_669 = arith.cmpf oeq, %select_n3A_653, %eq3A_668 : vector<288x128xf32>
      %eq3A_670 = vector.broadcast %broadcast_in_dim3A_667 : vector<1x128xf32> to vector<288x128xf32>
      %eq3A_671 = arith.cmpf oeq, %select_n3A_656, %eq3A_670 : vector<288x128xf32>
      %and3A_672 = arith.andi %eq3A_669, %eq3A_671 : vector<288x128xi1>
      %jit3A_673 = arith.constant 1.000000e+30 : f32
      %broadcast_in_dim3A_674 = vector.broadcast %jit3A_673 : f32 to vector<288x128xf32>
      %select_n3A_675 = arith.select %and3A_672, %broadcast_in_dim3A_674, %select_n3A_653 : vector<288x128xi1>, vector<288x128xf32>
      %jit3A_676 = arith.constant 1.000000e+09 : f32
      %broadcast_in_dim3A_677 = vector.broadcast %jit3A_676 : f32 to vector<288x128xf32>
      %select_n3A_678 = arith.select %and3A_672, %broadcast_in_dim3A_677, %select_n3A_656 : vector<288x128xi1>, vector<288x128xf32>
      %reduce_min3A_679 = arith.constant dense<0x7F800000> : vector<128xf32>
      %reduce_min3A_680 = vector.multi_reduction <minimumf>, %select_n3A_675, %reduce_min3A_679 [0] : vector<288x128xf32> to vector<128xf32>
      %broadcast_in_dim3A_681 = vector.shape_cast %reduce_min3A_680 : vector<128xf32> to vector<1x128xf32>
      %eq3A_682 = vector.broadcast %broadcast_in_dim3A_681 : vector<1x128xf32> to vector<288x128xf32>
      %eq3A_683 = arith.cmpf oeq, %select_n3A_675, %eq3A_682 : vector<288x128xf32>
      %jit3A_684 = arith.constant 1.000000e+09 : f32
      %broadcast_in_dim3A_685 = vector.broadcast %jit3A_684 : f32 to vector<288x128xf32>
      %select_n3A_686 = arith.select %eq3A_683, %select_n3A_678, %broadcast_in_dim3A_685 : vector<288x128xi1>, vector<288x128xf32>
      %reduce_min3A_687 = arith.constant dense<0x7F800000> : vector<128xf32>
      %reduce_min3A_688 = vector.multi_reduction <minimumf>, %select_n3A_686, %reduce_min3A_687 [0] : vector<288x128xf32> to vector<128xf32>
      %broadcast_in_dim3A_689 = vector.shape_cast %reduce_min3A_688 : vector<128xf32> to vector<1x128xf32>
      %eq3A_690 = vector.broadcast %broadcast_in_dim3A_681 : vector<1x128xf32> to vector<288x128xf32>
      %eq3A_691 = arith.cmpf oeq, %select_n3A_675, %eq3A_690 : vector<288x128xf32>
      %eq3A_692 = vector.broadcast %broadcast_in_dim3A_689 : vector<1x128xf32> to vector<288x128xf32>
      %eq3A_693 = arith.cmpf oeq, %select_n3A_678, %eq3A_692 : vector<288x128xf32>
      %and3A_694 = arith.andi %eq3A_691, %eq3A_693 : vector<288x128xi1>
      %jit3A_695 = arith.constant 1.000000e+30 : f32
      %broadcast_in_dim3A_696 = vector.broadcast %jit3A_695 : f32 to vector<288x128xf32>
      %select_n3A_697 = arith.select %and3A_694, %broadcast_in_dim3A_696, %select_n3A_675 : vector<288x128xi1>, vector<288x128xf32>
      %jit3A_698 = arith.constant 1.000000e+09 : f32
      %broadcast_in_dim3A_699 = vector.broadcast %jit3A_698 : f32 to vector<288x128xf32>
      %select_n3A_700 = arith.select %and3A_694, %broadcast_in_dim3A_699, %select_n3A_678 : vector<288x128xi1>, vector<288x128xf32>
      %reduce_min3A_701 = arith.constant dense<0x7F800000> : vector<128xf32>
      %reduce_min3A_702 = vector.multi_reduction <minimumf>, %select_n3A_697, %reduce_min3A_701 [0] : vector<288x128xf32> to vector<128xf32>
      %broadcast_in_dim3A_703 = vector.shape_cast %reduce_min3A_702 : vector<128xf32> to vector<1x128xf32>
      %eq3A_704 = vector.broadcast %broadcast_in_dim3A_703 : vector<1x128xf32> to vector<288x128xf32>
      %eq3A_705 = arith.cmpf oeq, %select_n3A_697, %eq3A_704 : vector<288x128xf32>
      %jit3A_706 = arith.constant 1.000000e+09 : f32
      %broadcast_in_dim3A_707 = vector.broadcast %jit3A_706 : f32 to vector<288x128xf32>
      %select_n3A_708 = arith.select %eq3A_705, %select_n3A_700, %broadcast_in_dim3A_707 : vector<288x128xi1>, vector<288x128xf32>
      %reduce_min3A_709 = arith.constant dense<0x7F800000> : vector<128xf32>
      %reduce_min3A_710 = vector.multi_reduction <minimumf>, %select_n3A_708, %reduce_min3A_709 [0] : vector<288x128xf32> to vector<128xf32>
      %broadcast_in_dim3A_711 = vector.shape_cast %reduce_min3A_710 : vector<128xf32> to vector<1x128xf32>
      %eq3A_712 = vector.broadcast %broadcast_in_dim3A_703 : vector<1x128xf32> to vector<288x128xf32>
      %eq3A_713 = arith.cmpf oeq, %select_n3A_697, %eq3A_712 : vector<288x128xf32>
      %eq3A_714 = vector.broadcast %broadcast_in_dim3A_711 : vector<1x128xf32> to vector<288x128xf32>
      %eq3A_715 = arith.cmpf oeq, %select_n3A_700, %eq3A_714 : vector<288x128xf32>
      %and3A_716 = arith.andi %eq3A_713, %eq3A_715 : vector<288x128xi1>
      %jit3A_717 = arith.constant 1.000000e+30 : f32
      %broadcast_in_dim3A_718 = vector.broadcast %jit3A_717 : f32 to vector<288x128xf32>
      %select_n3A_719 = arith.select %and3A_716, %broadcast_in_dim3A_718, %select_n3A_697 : vector<288x128xi1>, vector<288x128xf32>
      %jit3A_720 = arith.constant 1.000000e+09 : f32
      %broadcast_in_dim3A_721 = vector.broadcast %jit3A_720 : f32 to vector<288x128xf32>
      %select_n3A_722 = arith.select %and3A_716, %broadcast_in_dim3A_721, %select_n3A_700 : vector<288x128xi1>, vector<288x128xf32>
      %reduce_min3A_723 = arith.constant dense<0x7F800000> : vector<128xf32>
      %reduce_min3A_724 = vector.multi_reduction <minimumf>, %select_n3A_719, %reduce_min3A_723 [0] : vector<288x128xf32> to vector<128xf32>
      %broadcast_in_dim3A_725 = vector.shape_cast %reduce_min3A_724 : vector<128xf32> to vector<1x128xf32>
      %eq3A_726 = vector.broadcast %broadcast_in_dim3A_725 : vector<1x128xf32> to vector<288x128xf32>
      %eq3A_727 = arith.cmpf oeq, %select_n3A_719, %eq3A_726 : vector<288x128xf32>
      %jit3A_728 = arith.constant 1.000000e+09 : f32
      %broadcast_in_dim3A_729 = vector.broadcast %jit3A_728 : f32 to vector<288x128xf32>
      %select_n3A_730 = arith.select %eq3A_727, %select_n3A_722, %broadcast_in_dim3A_729 : vector<288x128xi1>, vector<288x128xf32>
      %reduce_min3A_731 = arith.constant dense<0x7F800000> : vector<128xf32>
      %reduce_min3A_732 = vector.multi_reduction <minimumf>, %select_n3A_730, %reduce_min3A_731 [0] : vector<288x128xf32> to vector<128xf32>
      %broadcast_in_dim3A_733 = vector.shape_cast %reduce_min3A_732 : vector<128xf32> to vector<1x128xf32>
      %eq3A_734 = vector.broadcast %broadcast_in_dim3A_725 : vector<1x128xf32> to vector<288x128xf32>
      %eq3A_735 = arith.cmpf oeq, %select_n3A_719, %eq3A_734 : vector<288x128xf32>
      %eq3A_736 = vector.broadcast %broadcast_in_dim3A_733 : vector<1x128xf32> to vector<288x128xf32>
      %eq3A_737 = arith.cmpf oeq, %select_n3A_722, %eq3A_736 : vector<288x128xf32>
      %and3A_738 = arith.andi %eq3A_735, %eq3A_737 : vector<288x128xi1>
      %jit3A_739 = arith.constant 1.000000e+30 : f32
      %broadcast_in_dim3A_740 = vector.broadcast %jit3A_739 : f32 to vector<288x128xf32>
      %select_n3A_741 = arith.select %and3A_738, %broadcast_in_dim3A_740, %select_n3A_719 : vector<288x128xi1>, vector<288x128xf32>
      %jit3A_742 = arith.constant 1.000000e+09 : f32
      %broadcast_in_dim3A_743 = vector.broadcast %jit3A_742 : f32 to vector<288x128xf32>
      %select_n3A_744 = arith.select %and3A_738, %broadcast_in_dim3A_743, %select_n3A_722 : vector<288x128xi1>, vector<288x128xf32>
      %reduce_min3A_745 = arith.constant dense<0x7F800000> : vector<128xf32>
      %reduce_min3A_746 = vector.multi_reduction <minimumf>, %select_n3A_741, %reduce_min3A_745 [0] : vector<288x128xf32> to vector<128xf32>
      %broadcast_in_dim3A_747 = vector.shape_cast %reduce_min3A_746 : vector<128xf32> to vector<1x128xf32>
      %eq3A_748 = vector.broadcast %broadcast_in_dim3A_747 : vector<1x128xf32> to vector<288x128xf32>
      %eq3A_749 = arith.cmpf oeq, %select_n3A_741, %eq3A_748 : vector<288x128xf32>
      %jit3A_750 = arith.constant 1.000000e+09 : f32
      %broadcast_in_dim3A_751 = vector.broadcast %jit3A_750 : f32 to vector<288x128xf32>
      %select_n3A_752 = arith.select %eq3A_749, %select_n3A_744, %broadcast_in_dim3A_751 : vector<288x128xi1>, vector<288x128xf32>
      %reduce_min3A_753 = arith.constant dense<0x7F800000> : vector<128xf32>
      %reduce_min3A_754 = vector.multi_reduction <minimumf>, %select_n3A_752, %reduce_min3A_753 [0] : vector<288x128xf32> to vector<128xf32>
      %broadcast_in_dim3A_755 = vector.shape_cast %reduce_min3A_754 : vector<128xf32> to vector<1x128xf32>
      %eq3A_756 = vector.broadcast %broadcast_in_dim3A_747 : vector<1x128xf32> to vector<288x128xf32>
      %eq3A_757 = arith.cmpf oeq, %select_n3A_741, %eq3A_756 : vector<288x128xf32>
      %eq3A_758 = vector.broadcast %broadcast_in_dim3A_755 : vector<1x128xf32> to vector<288x128xf32>
      %eq3A_759 = arith.cmpf oeq, %select_n3A_744, %eq3A_758 : vector<288x128xf32>
      %and3A_760 = arith.andi %eq3A_757, %eq3A_759 : vector<288x128xi1>
      %jit3A_761 = arith.constant 1.000000e+30 : f32
      %broadcast_in_dim3A_762 = vector.broadcast %jit3A_761 : f32 to vector<288x128xf32>
      %select_n3A_763 = arith.select %and3A_760, %broadcast_in_dim3A_762, %select_n3A_741 : vector<288x128xi1>, vector<288x128xf32>
      %jit3A_764 = arith.constant 1.000000e+09 : f32
      %broadcast_in_dim3A_765 = vector.broadcast %jit3A_764 : f32 to vector<288x128xf32>
      %select_n3A_766 = arith.select %and3A_760, %broadcast_in_dim3A_765, %select_n3A_744 : vector<288x128xi1>, vector<288x128xf32>
      %reduce_min3A_767 = arith.constant dense<0x7F800000> : vector<128xf32>
      %reduce_min3A_768 = vector.multi_reduction <minimumf>, %select_n3A_763, %reduce_min3A_767 [0] : vector<288x128xf32> to vector<128xf32>
      %broadcast_in_dim3A_769 = vector.shape_cast %reduce_min3A_768 : vector<128xf32> to vector<1x128xf32>
      %eq3A_770 = vector.broadcast %broadcast_in_dim3A_769 : vector<1x128xf32> to vector<288x128xf32>
      %eq3A_771 = arith.cmpf oeq, %select_n3A_763, %eq3A_770 : vector<288x128xf32>
      %jit3A_772 = arith.constant 1.000000e+09 : f32
      %broadcast_in_dim3A_773 = vector.broadcast %jit3A_772 : f32 to vector<288x128xf32>
      %select_n3A_774 = arith.select %eq3A_771, %select_n3A_766, %broadcast_in_dim3A_773 : vector<288x128xi1>, vector<288x128xf32>
      %reduce_min3A_775 = arith.constant dense<0x7F800000> : vector<128xf32>
      %reduce_min3A_776 = vector.multi_reduction <minimumf>, %select_n3A_774, %reduce_min3A_775 [0] : vector<288x128xf32> to vector<128xf32>
      %broadcast_in_dim3A_777 = vector.shape_cast %reduce_min3A_776 : vector<128xf32> to vector<1x128xf32>
      %eq3A_778 = vector.broadcast %broadcast_in_dim3A_769 : vector<1x128xf32> to vector<288x128xf32>
      %eq3A_779 = arith.cmpf oeq, %select_n3A_763, %eq3A_778 : vector<288x128xf32>
      %eq3A_780 = vector.broadcast %broadcast_in_dim3A_777 : vector<1x128xf32> to vector<288x128xf32>
      %eq3A_781 = arith.cmpf oeq, %select_n3A_766, %eq3A_780 : vector<288x128xf32>
      %and3A_782 = arith.andi %eq3A_779, %eq3A_781 : vector<288x128xi1>
      %jit3A_783 = arith.constant 1.000000e+30 : f32
      %broadcast_in_dim3A_784 = vector.broadcast %jit3A_783 : f32 to vector<288x128xf32>
      %select_n3A_785 = arith.select %and3A_782, %broadcast_in_dim3A_784, %select_n3A_763 : vector<288x128xi1>, vector<288x128xf32>
      %jit3A_786 = arith.constant 1.000000e+09 : f32
      %broadcast_in_dim3A_787 = vector.broadcast %jit3A_786 : f32 to vector<288x128xf32>
      %select_n3A_788 = arith.select %and3A_782, %broadcast_in_dim3A_787, %select_n3A_766 : vector<288x128xi1>, vector<288x128xf32>
      %reduce_min3A_789 = arith.constant dense<0x7F800000> : vector<128xf32>
      %reduce_min3A_790 = vector.multi_reduction <minimumf>, %select_n3A_785, %reduce_min3A_789 [0] : vector<288x128xf32> to vector<128xf32>
      %broadcast_in_dim3A_791 = vector.shape_cast %reduce_min3A_790 : vector<128xf32> to vector<1x128xf32>
      %eq3A_792 = vector.broadcast %broadcast_in_dim3A_791 : vector<1x128xf32> to vector<288x128xf32>
      %eq3A_793 = arith.cmpf oeq, %select_n3A_785, %eq3A_792 : vector<288x128xf32>
      %jit3A_794 = arith.constant 1.000000e+09 : f32
      %broadcast_in_dim3A_795 = vector.broadcast %jit3A_794 : f32 to vector<288x128xf32>
      %select_n3A_796 = arith.select %eq3A_793, %select_n3A_788, %broadcast_in_dim3A_795 : vector<288x128xi1>, vector<288x128xf32>
      %reduce_min3A_797 = arith.constant dense<0x7F800000> : vector<128xf32>
      %reduce_min3A_798 = vector.multi_reduction <minimumf>, %select_n3A_796, %reduce_min3A_797 [0] : vector<288x128xf32> to vector<128xf32>
      %broadcast_in_dim3A_799 = vector.shape_cast %reduce_min3A_798 : vector<128xf32> to vector<1x128xf32>
      %eq3A_800 = vector.broadcast %broadcast_in_dim3A_791 : vector<1x128xf32> to vector<288x128xf32>
      %eq3A_801 = arith.cmpf oeq, %select_n3A_785, %eq3A_800 : vector<288x128xf32>
      %eq3A_802 = vector.broadcast %broadcast_in_dim3A_799 : vector<1x128xf32> to vector<288x128xf32>
      %eq3A_803 = arith.cmpf oeq, %select_n3A_788, %eq3A_802 : vector<288x128xf32>
      %and3A_804 = arith.andi %eq3A_801, %eq3A_803 : vector<288x128xi1>
      %jit3A_805 = arith.constant 1.000000e+30 : f32
      %broadcast_in_dim3A_806 = vector.broadcast %jit3A_805 : f32 to vector<288x128xf32>
      %select_n3A_807 = arith.select %and3A_804, %broadcast_in_dim3A_806, %select_n3A_785 : vector<288x128xi1>, vector<288x128xf32>
      %jit3A_808 = arith.constant 1.000000e+09 : f32
      %broadcast_in_dim3A_809 = vector.broadcast %jit3A_808 : f32 to vector<288x128xf32>
      %select_n3A_810 = arith.select %and3A_804, %broadcast_in_dim3A_809, %select_n3A_788 : vector<288x128xi1>, vector<288x128xf32>
      %reduce_min3A_811 = arith.constant dense<0x7F800000> : vector<128xf32>
      %reduce_min3A_812 = vector.multi_reduction <minimumf>, %select_n3A_807, %reduce_min3A_811 [0] : vector<288x128xf32> to vector<128xf32>
      %broadcast_in_dim3A_813 = vector.shape_cast %reduce_min3A_812 : vector<128xf32> to vector<1x128xf32>
      %eq3A_814 = vector.broadcast %broadcast_in_dim3A_813 : vector<1x128xf32> to vector<288x128xf32>
      %eq3A_815 = arith.cmpf oeq, %select_n3A_807, %eq3A_814 : vector<288x128xf32>
      %jit3A_816 = arith.constant 1.000000e+09 : f32
      %broadcast_in_dim3A_817 = vector.broadcast %jit3A_816 : f32 to vector<288x128xf32>
      %select_n3A_818 = arith.select %eq3A_815, %select_n3A_810, %broadcast_in_dim3A_817 : vector<288x128xi1>, vector<288x128xf32>
      %reduce_min3A_819 = arith.constant dense<0x7F800000> : vector<128xf32>
      %reduce_min3A_820 = vector.multi_reduction <minimumf>, %select_n3A_818, %reduce_min3A_819 [0] : vector<288x128xf32> to vector<128xf32>
      %broadcast_in_dim3A_821 = vector.shape_cast %reduce_min3A_820 : vector<128xf32> to vector<1x128xf32>
      %eq3A_822 = vector.broadcast %broadcast_in_dim3A_813 : vector<1x128xf32> to vector<288x128xf32>
      %eq3A_823 = arith.cmpf oeq, %select_n3A_807, %eq3A_822 : vector<288x128xf32>
      %eq3A_824 = vector.broadcast %broadcast_in_dim3A_821 : vector<1x128xf32> to vector<288x128xf32>
      %eq3A_825 = arith.cmpf oeq, %select_n3A_810, %eq3A_824 : vector<288x128xf32>
      %and3A_826 = arith.andi %eq3A_823, %eq3A_825 : vector<288x128xi1>
      %jit3A_827 = arith.constant 1.000000e+30 : f32
      %broadcast_in_dim3A_828 = vector.broadcast %jit3A_827 : f32 to vector<288x128xf32>
      %select_n3A_829 = arith.select %and3A_826, %broadcast_in_dim3A_828, %select_n3A_807 : vector<288x128xi1>, vector<288x128xf32>
      %jit3A_830 = arith.constant 1.000000e+09 : f32
      %broadcast_in_dim3A_831 = vector.broadcast %jit3A_830 : f32 to vector<288x128xf32>
      %select_n3A_832 = arith.select %and3A_826, %broadcast_in_dim3A_831, %select_n3A_810 : vector<288x128xi1>, vector<288x128xf32>
      %reduce_min3A_833 = arith.constant dense<0x7F800000> : vector<128xf32>
      %reduce_min3A_834 = vector.multi_reduction <minimumf>, %select_n3A_829, %reduce_min3A_833 [0] : vector<288x128xf32> to vector<128xf32>
      %broadcast_in_dim3A_835 = vector.shape_cast %reduce_min3A_834 : vector<128xf32> to vector<1x128xf32>
      %eq3A_836 = vector.broadcast %broadcast_in_dim3A_835 : vector<1x128xf32> to vector<288x128xf32>
      %eq3A_837 = arith.cmpf oeq, %select_n3A_829, %eq3A_836 : vector<288x128xf32>
      %jit3A_838 = arith.constant 1.000000e+09 : f32
      %broadcast_in_dim3A_839 = vector.broadcast %jit3A_838 : f32 to vector<288x128xf32>
      %select_n3A_840 = arith.select %eq3A_837, %select_n3A_832, %broadcast_in_dim3A_839 : vector<288x128xi1>, vector<288x128xf32>
      %reduce_min3A_841 = arith.constant dense<0x7F800000> : vector<128xf32>
      %reduce_min3A_842 = vector.multi_reduction <minimumf>, %select_n3A_840, %reduce_min3A_841 [0] : vector<288x128xf32> to vector<128xf32>
      %broadcast_in_dim3A_843 = vector.shape_cast %reduce_min3A_842 : vector<128xf32> to vector<1x128xf32>
      %eq3A_844 = vector.broadcast %broadcast_in_dim3A_835 : vector<1x128xf32> to vector<288x128xf32>
      %eq3A_845 = arith.cmpf oeq, %select_n3A_829, %eq3A_844 : vector<288x128xf32>
      %eq3A_846 = vector.broadcast %broadcast_in_dim3A_843 : vector<1x128xf32> to vector<288x128xf32>
      %eq3A_847 = arith.cmpf oeq, %select_n3A_832, %eq3A_846 : vector<288x128xf32>
      %and3A_848 = arith.andi %eq3A_845, %eq3A_847 : vector<288x128xi1>
      %jit3A_849 = arith.constant 1.000000e+30 : f32
      %broadcast_in_dim3A_850 = vector.broadcast %jit3A_849 : f32 to vector<288x128xf32>
      %select_n3A_851 = arith.select %and3A_848, %broadcast_in_dim3A_850, %select_n3A_829 : vector<288x128xi1>, vector<288x128xf32>
      %jit3A_852 = arith.constant 1.000000e+09 : f32
      %broadcast_in_dim3A_853 = vector.broadcast %jit3A_852 : f32 to vector<288x128xf32>
      %select_n3A_854 = arith.select %and3A_848, %broadcast_in_dim3A_853, %select_n3A_832 : vector<288x128xi1>, vector<288x128xf32>
      %reduce_min3A_855 = arith.constant dense<0x7F800000> : vector<128xf32>
      %reduce_min3A_856 = vector.multi_reduction <minimumf>, %select_n3A_851, %reduce_min3A_855 [0] : vector<288x128xf32> to vector<128xf32>
      %broadcast_in_dim3A_857 = vector.shape_cast %reduce_min3A_856 : vector<128xf32> to vector<1x128xf32>
      %eq3A_858 = vector.broadcast %broadcast_in_dim3A_857 : vector<1x128xf32> to vector<288x128xf32>
      %eq3A_859 = arith.cmpf oeq, %select_n3A_851, %eq3A_858 : vector<288x128xf32>
      %jit3A_860 = arith.constant 1.000000e+09 : f32
      %broadcast_in_dim3A_861 = vector.broadcast %jit3A_860 : f32 to vector<288x128xf32>
      %select_n3A_862 = arith.select %eq3A_859, %select_n3A_854, %broadcast_in_dim3A_861 : vector<288x128xi1>, vector<288x128xf32>
      %reduce_min3A_863 = arith.constant dense<0x7F800000> : vector<128xf32>
      %reduce_min3A_864 = vector.multi_reduction <minimumf>, %select_n3A_862, %reduce_min3A_863 [0] : vector<288x128xf32> to vector<128xf32>
      %broadcast_in_dim3A_865 = vector.shape_cast %reduce_min3A_864 : vector<128xf32> to vector<1x128xf32>
      %eq3A_866 = vector.broadcast %broadcast_in_dim3A_857 : vector<1x128xf32> to vector<288x128xf32>
      %eq3A_867 = arith.cmpf oeq, %select_n3A_851, %eq3A_866 : vector<288x128xf32>
      %eq3A_868 = vector.broadcast %broadcast_in_dim3A_865 : vector<1x128xf32> to vector<288x128xf32>
      %eq3A_869 = arith.cmpf oeq, %select_n3A_854, %eq3A_868 : vector<288x128xf32>
      %and3A_870 = arith.andi %eq3A_867, %eq3A_869 : vector<288x128xi1>
      %jit3A_871 = arith.constant 1.000000e+30 : f32
      %broadcast_in_dim3A_872 = vector.broadcast %jit3A_871 : f32 to vector<288x128xf32>
      %select_n3A_873 = arith.select %and3A_870, %broadcast_in_dim3A_872, %select_n3A_851 : vector<288x128xi1>, vector<288x128xf32>
      %jit3A_874 = arith.constant 1.000000e+09 : f32
      %broadcast_in_dim3A_875 = vector.broadcast %jit3A_874 : f32 to vector<288x128xf32>
      %select_n3A_876 = arith.select %and3A_870, %broadcast_in_dim3A_875, %select_n3A_854 : vector<288x128xi1>, vector<288x128xf32>
      %concatenate3A_877 = tpu.concatenate %broadcast_in_dim3A_175, %broadcast_in_dim3A_197, %broadcast_in_dim3A_219, %broadcast_in_dim3A_241, %broadcast_in_dim3A_263, %broadcast_in_dim3A_285, %broadcast_in_dim3A_307, %broadcast_in_dim3A_329, %broadcast_in_dim3A_351, %broadcast_in_dim3A_373, %broadcast_in_dim3A_395, %broadcast_in_dim3A_417, %broadcast_in_dim3A_439, %broadcast_in_dim3A_461, %broadcast_in_dim3A_483, %broadcast_in_dim3A_505, %broadcast_in_dim3A_527, %broadcast_in_dim3A_549, %broadcast_in_dim3A_571, %broadcast_in_dim3A_593, %broadcast_in_dim3A_615, %broadcast_in_dim3A_637, %broadcast_in_dim3A_659, %broadcast_in_dim3A_681, %broadcast_in_dim3A_703, %broadcast_in_dim3A_725, %broadcast_in_dim3A_747, %broadcast_in_dim3A_769, %broadcast_in_dim3A_791, %broadcast_in_dim3A_813, %broadcast_in_dim3A_835, %broadcast_in_dim3A_857 in 0 : vector<1x128xf32>, vector<1x128xf32>, vector<1x128xf32>, vector<1x128xf32>, vector<1x128xf32>, vector<1x128xf32>, vector<1x128xf32>, vector<1x128xf32>, vector<1x128xf32>, vector<1x128xf32>, vector<1x128xf32>, vector<1x128xf32>, vector<1x128xf32>, vector<1x128xf32>, vector<1x128xf32>, vector<1x128xf32>, vector<1x128xf32>, vector<1x128xf32>, vector<1x128xf32>, vector<1x128xf32>, vector<1x128xf32>, vector<1x128xf32>, vector<1x128xf32>, vector<1x128xf32>, vector<1x128xf32>, vector<1x128xf32>, vector<1x128xf32>, vector<1x128xf32>, vector<1x128xf32>, vector<1x128xf32>, vector<1x128xf32>, vector<1x128xf32> -> vector<32x128xf32>
      %concatenate3A_878 = tpu.concatenate %broadcast_in_dim3A_183, %broadcast_in_dim3A_205, %broadcast_in_dim3A_227, %broadcast_in_dim3A_249, %broadcast_in_dim3A_271, %broadcast_in_dim3A_293, %broadcast_in_dim3A_315, %broadcast_in_dim3A_337, %broadcast_in_dim3A_359, %broadcast_in_dim3A_381, %broadcast_in_dim3A_403, %broadcast_in_dim3A_425, %broadcast_in_dim3A_447, %broadcast_in_dim3A_469, %broadcast_in_dim3A_491, %broadcast_in_dim3A_513, %broadcast_in_dim3A_535, %broadcast_in_dim3A_557, %broadcast_in_dim3A_579, %broadcast_in_dim3A_601, %broadcast_in_dim3A_623, %broadcast_in_dim3A_645, %broadcast_in_dim3A_667, %broadcast_in_dim3A_689, %broadcast_in_dim3A_711, %broadcast_in_dim3A_733, %broadcast_in_dim3A_755, %broadcast_in_dim3A_777, %broadcast_in_dim3A_799, %broadcast_in_dim3A_821, %broadcast_in_dim3A_843, %broadcast_in_dim3A_865 in 0 : vector<1x128xf32>, vector<1x128xf32>, vector<1x128xf32>, vector<1x128xf32>, vector<1x128xf32>, vector<1x128xf32>, vector<1x128xf32>, vector<1x128xf32>, vector<1x128xf32>, vector<1x128xf32>, vector<1x128xf32>, vector<1x128xf32>, vector<1x128xf32>, vector<1x128xf32>, vector<1x128xf32>, vector<1x128xf32>, vector<1x128xf32>, vector<1x128xf32>, vector<1x128xf32>, vector<1x128xf32>, vector<1x128xf32>, vector<1x128xf32>, vector<1x128xf32>, vector<1x128xf32>, vector<1x128xf32>, vector<1x128xf32>, vector<1x128xf32>, vector<1x128xf32>, vector<1x128xf32>, vector<1x128xf32>, vector<1x128xf32>, vector<1x128xf32> -> vector<32x128xf32>
      scf.yield %concatenate3A_877, %concatenate3A_878 : vector<32x128xf32>, vector<32x128xf32>
    }
    %while3A_99 = arith.constant 1 : i32
    %while3A_100:2 = scf.for %while3A_117 = %while3A_96 to %while3A_92 step %while3A_99 iter_args(%while3A_118 = %while3A_98#0, %while3A_119 = %while3A_98#1) -> (vector<32x128xf32>, vector<32x128xf32>)  : i32 {
      %mul3A_120 = arith.constant 256 : i32
      %mul3A_121 = arith.muli %while3A_117, %mul3A_120 : i32
      %add3A_122 = arith.addi %mul3A_56, %mul3A_121 : i32
      %min3A = arith.constant 3840 : i32
      %min3A_123 = arith.minsi %add3A_122, %min3A : i32
      %get3A_124 = arith.index_cast %min3A_123 : i32 to index
      %get3A_125 = arith.constant 0 : index
      %get3A_126 = vector.load %arg1[%get3A_124, %get3A_125] : memref<4096x3xf32, #tpu.memory_space<vmem>>, vector<256x3xf32>
      %get3A_127 = arith.index_cast %min3A_123 : i32 to index
      %get3A_128 = arith.constant 0 : index
      %get3A_129 = vector.load %arg3[%get3A_127, %get3A_128] : memref<4096x1xf32, #tpu.memory_space<vmem>>, vector<256x1xf32>
      %iota3A_130 = tpu.iota {dimensions = array<i32: 0>} : vector<256x1xi32>
      %convert_element_type3A_131 = arith.sitofp %iota3A_130 : vector<256x1xi32> to vector<256x1xf32>
      %convert_element_type3A_132 = arith.sitofp %min3A_123 : i32 to f32
      %add3A_133 = vector.broadcast %convert_element_type3A_132 : f32 to vector<256x1xf32>
      %add3A_134 = arith.addf %convert_element_type3A_131, %add3A_133 : vector<256x1xf32>
      %slice3A_135 = vector.extract_strided_slice %get3A_126 {offsets = [0, 0], sizes = [256, 1], strides = [1, 1]} : vector<256x3xf32> to vector<256x1xf32>
      %sub3A_136 = vector.broadcast %slice3A_135 : vector<256x1xf32> to vector<256x128xf32>
      %sub3A_137 = vector.broadcast %get3A_1 : vector<1x128xf32> to vector<256x128xf32>
      %sub3A_138 = arith.subf %sub3A_136, %sub3A_137 : vector<256x128xf32>
      %slice3A_139 = vector.extract_strided_slice %get3A_126 {offsets = [0, 1], sizes = [256, 1], strides = [1, 1]} : vector<256x3xf32> to vector<256x1xf32>
      %sub3A_140 = vector.broadcast %slice3A_139 : vector<256x1xf32> to vector<256x128xf32>
      %sub3A_141 = vector.broadcast %get3A_4 : vector<1x128xf32> to vector<256x128xf32>
      %sub3A_142 = arith.subf %sub3A_140, %sub3A_141 : vector<256x128xf32>
      %slice3A_143 = vector.extract_strided_slice %get3A_126 {offsets = [0, 2], sizes = [256, 1], strides = [1, 1]} : vector<256x3xf32> to vector<256x1xf32>
      %sub3A_144 = vector.broadcast %slice3A_143 : vector<256x1xf32> to vector<256x128xf32>
      %sub3A_145 = vector.broadcast %get3A_7 : vector<1x128xf32> to vector<256x128xf32>
      %sub3A_146 = arith.subf %sub3A_144, %sub3A_145 : vector<256x128xf32>
      %mul3A_147 = arith.mulf %sub3A_138, %sub3A_138 : vector<256x128xf32>
      %mul3A_148 = arith.mulf %sub3A_142, %sub3A_142 : vector<256x128xf32>
      %add3A_149 = arith.addf %mul3A_147, %mul3A_148 : vector<256x128xf32>
      %mul3A_150 = arith.mulf %sub3A_146, %sub3A_146 : vector<256x128xf32>
      %add3A_151 = arith.addf %add3A_149, %mul3A_150 : vector<256x128xf32>
      %eq3A_152 = vector.broadcast %get3A_129 : vector<256x1xf32> to vector<256x128xf32>
      %eq3A_153 = vector.broadcast %get3A_10 : vector<1x128xf32> to vector<256x128xf32>
      %eq3A_154 = arith.cmpf oeq, %eq3A_152, %eq3A_153 : vector<256x128xf32>
      %ne3A_155 = vector.broadcast %add3A_134 : vector<256x1xf32> to vector<256x128xf32>
      %ne3A_156 = vector.broadcast %add3A_14 : vector<1x128xf32> to vector<256x128xf32>
      %ne3A_157 = arith.cmpf one, %ne3A_155, %ne3A_156 : vector<256x128xf32>
      %and3A_158 = arith.andi %eq3A_154, %ne3A_157 : vector<256x128xi1>
      %lt3A_159 = arith.constant 1.000000e+02 : f32
      %lt3A_160 = vector.broadcast %lt3A_159 : f32 to vector<256x128xf32>
      %lt3A_161 = arith.cmpf olt, %add3A_151, %lt3A_160 : vector<256x128xf32>
      %and3A_162 = arith.andi %and3A_158, %lt3A_161 : vector<256x128xi1>
      %convert_element_type3A_163 = arith.sitofp %add3A_122 : i32 to f32
      %ge3A = vector.broadcast %convert_element_type3A_163 : f32 to vector<256x1xf32>
      %ge3A_164 = arith.cmpf oge, %add3A_134, %ge3A : vector<256x1xf32>
      %and3A_165 = vector.broadcast %ge3A_164 : vector<256x1xi1> to vector<256x128xi1>
      %and3A_166 = arith.andi %and3A_162, %and3A_165 : vector<256x128xi1>
      %jit3A_167 = arith.constant 1.000000e+30 : f32
      %broadcast_in_dim3A_168 = vector.broadcast %jit3A_167 : f32 to vector<256x128xf32>
      %select_n3A_169 = arith.select %and3A_166, %add3A_151, %broadcast_in_dim3A_168 : vector<256x128xi1>, vector<256x128xf32>
      %concatenate3A = tpu.concatenate %select_n3A_169, %while3A_118 in 0 : vector<256x128xf32>, vector<32x128xf32> -> vector<288x128xf32>
      %broadcast_in_dim3A_170 = vector.shape_cast %add3A_134 : vector<256x1xf32> to vector<256x1xf32>
      %broadcast_in_dim3A_171 = vector.broadcast %broadcast_in_dim3A_170 : vector<256x1xf32> to vector<256x128xf32>
      %concatenate3A_172 = tpu.concatenate %broadcast_in_dim3A_171, %while3A_119 in 0 : vector<256x128xf32>, vector<32x128xf32> -> vector<288x128xf32>
      %reduce_min3A_173 = arith.constant dense<0x7F800000> : vector<128xf32>
      %reduce_min3A_174 = vector.multi_reduction <minimumf>, %concatenate3A, %reduce_min3A_173 [0] : vector<288x128xf32> to vector<128xf32>
      %broadcast_in_dim3A_175 = vector.shape_cast %reduce_min3A_174 : vector<128xf32> to vector<1x128xf32>
      %eq3A_176 = vector.broadcast %broadcast_in_dim3A_175 : vector<1x128xf32> to vector<288x128xf32>
      %eq3A_177 = arith.cmpf oeq, %concatenate3A, %eq3A_176 : vector<288x128xf32>
      %jit3A_178 = arith.constant 1.000000e+09 : f32
      %broadcast_in_dim3A_179 = vector.broadcast %jit3A_178 : f32 to vector<288x128xf32>
      %select_n3A_180 = arith.select %eq3A_177, %concatenate3A_172, %broadcast_in_dim3A_179 : vector<288x128xi1>, vector<288x128xf32>
      %reduce_min3A_181 = arith.constant dense<0x7F800000> : vector<128xf32>
      %reduce_min3A_182 = vector.multi_reduction <minimumf>, %select_n3A_180, %reduce_min3A_181 [0] : vector<288x128xf32> to vector<128xf32>
      %broadcast_in_dim3A_183 = vector.shape_cast %reduce_min3A_182 : vector<128xf32> to vector<1x128xf32>
      %eq3A_184 = vector.broadcast %broadcast_in_dim3A_175 : vector<1x128xf32> to vector<288x128xf32>
      %eq3A_185 = arith.cmpf oeq, %concatenate3A, %eq3A_184 : vector<288x128xf32>
      %eq3A_186 = vector.broadcast %broadcast_in_dim3A_183 : vector<1x128xf32> to vector<288x128xf32>
      %eq3A_187 = arith.cmpf oeq, %concatenate3A_172, %eq3A_186 : vector<288x128xf32>
      %and3A_188 = arith.andi %eq3A_185, %eq3A_187 : vector<288x128xi1>
      %jit3A_189 = arith.constant 1.000000e+30 : f32
      %broadcast_in_dim3A_190 = vector.broadcast %jit3A_189 : f32 to vector<288x128xf32>
      %select_n3A_191 = arith.select %and3A_188, %broadcast_in_dim3A_190, %concatenate3A : vector<288x128xi1>, vector<288x128xf32>
      %jit3A_192 = arith.constant 1.000000e+09 : f32
      %broadcast_in_dim3A_193 = vector.broadcast %jit3A_192 : f32 to vector<288x128xf32>
      %select_n3A_194 = arith.select %and3A_188, %broadcast_in_dim3A_193, %concatenate3A_172 : vector<288x128xi1>, vector<288x128xf32>
      %reduce_min3A_195 = arith.constant dense<0x7F800000> : vector<128xf32>
      %reduce_min3A_196 = vector.multi_reduction <minimumf>, %select_n3A_191, %reduce_min3A_195 [0] : vector<288x128xf32> to vector<128xf32>
      %broadcast_in_dim3A_197 = vector.shape_cast %reduce_min3A_196 : vector<128xf32> to vector<1x128xf32>
      %eq3A_198 = vector.broadcast %broadcast_in_dim3A_197 : vector<1x128xf32> to vector<288x128xf32>
      %eq3A_199 = arith.cmpf oeq, %select_n3A_191, %eq3A_198 : vector<288x128xf32>
      %jit3A_200 = arith.constant 1.000000e+09 : f32
      %broadcast_in_dim3A_201 = vector.broadcast %jit3A_200 : f32 to vector<288x128xf32>
      %select_n3A_202 = arith.select %eq3A_199, %select_n3A_194, %broadcast_in_dim3A_201 : vector<288x128xi1>, vector<288x128xf32>
      %reduce_min3A_203 = arith.constant dense<0x7F800000> : vector<128xf32>
      %reduce_min3A_204 = vector.multi_reduction <minimumf>, %select_n3A_202, %reduce_min3A_203 [0] : vector<288x128xf32> to vector<128xf32>
      %broadcast_in_dim3A_205 = vector.shape_cast %reduce_min3A_204 : vector<128xf32> to vector<1x128xf32>
      %eq3A_206 = vector.broadcast %broadcast_in_dim3A_197 : vector<1x128xf32> to vector<288x128xf32>
      %eq3A_207 = arith.cmpf oeq, %select_n3A_191, %eq3A_206 : vector<288x128xf32>
      %eq3A_208 = vector.broadcast %broadcast_in_dim3A_205 : vector<1x128xf32> to vector<288x128xf32>
      %eq3A_209 = arith.cmpf oeq, %select_n3A_194, %eq3A_208 : vector<288x128xf32>
      %and3A_210 = arith.andi %eq3A_207, %eq3A_209 : vector<288x128xi1>
      %jit3A_211 = arith.constant 1.000000e+30 : f32
      %broadcast_in_dim3A_212 = vector.broadcast %jit3A_211 : f32 to vector<288x128xf32>
      %select_n3A_213 = arith.select %and3A_210, %broadcast_in_dim3A_212, %select_n3A_191 : vector<288x128xi1>, vector<288x128xf32>
      %jit3A_214 = arith.constant 1.000000e+09 : f32
      %broadcast_in_dim3A_215 = vector.broadcast %jit3A_214 : f32 to vector<288x128xf32>
      %select_n3A_216 = arith.select %and3A_210, %broadcast_in_dim3A_215, %select_n3A_194 : vector<288x128xi1>, vector<288x128xf32>
      %reduce_min3A_217 = arith.constant dense<0x7F800000> : vector<128xf32>
      %reduce_min3A_218 = vector.multi_reduction <minimumf>, %select_n3A_213, %reduce_min3A_217 [0] : vector<288x128xf32> to vector<128xf32>
      %broadcast_in_dim3A_219 = vector.shape_cast %reduce_min3A_218 : vector<128xf32> to vector<1x128xf32>
      %eq3A_220 = vector.broadcast %broadcast_in_dim3A_219 : vector<1x128xf32> to vector<288x128xf32>
      %eq3A_221 = arith.cmpf oeq, %select_n3A_213, %eq3A_220 : vector<288x128xf32>
      %jit3A_222 = arith.constant 1.000000e+09 : f32
      %broadcast_in_dim3A_223 = vector.broadcast %jit3A_222 : f32 to vector<288x128xf32>
      %select_n3A_224 = arith.select %eq3A_221, %select_n3A_216, %broadcast_in_dim3A_223 : vector<288x128xi1>, vector<288x128xf32>
      %reduce_min3A_225 = arith.constant dense<0x7F800000> : vector<128xf32>
      %reduce_min3A_226 = vector.multi_reduction <minimumf>, %select_n3A_224, %reduce_min3A_225 [0] : vector<288x128xf32> to vector<128xf32>
      %broadcast_in_dim3A_227 = vector.shape_cast %reduce_min3A_226 : vector<128xf32> to vector<1x128xf32>
      %eq3A_228 = vector.broadcast %broadcast_in_dim3A_219 : vector<1x128xf32> to vector<288x128xf32>
      %eq3A_229 = arith.cmpf oeq, %select_n3A_213, %eq3A_228 : vector<288x128xf32>
      %eq3A_230 = vector.broadcast %broadcast_in_dim3A_227 : vector<1x128xf32> to vector<288x128xf32>
      %eq3A_231 = arith.cmpf oeq, %select_n3A_216, %eq3A_230 : vector<288x128xf32>
      %and3A_232 = arith.andi %eq3A_229, %eq3A_231 : vector<288x128xi1>
      %jit3A_233 = arith.constant 1.000000e+30 : f32
      %broadcast_in_dim3A_234 = vector.broadcast %jit3A_233 : f32 to vector<288x128xf32>
      %select_n3A_235 = arith.select %and3A_232, %broadcast_in_dim3A_234, %select_n3A_213 : vector<288x128xi1>, vector<288x128xf32>
      %jit3A_236 = arith.constant 1.000000e+09 : f32
      %broadcast_in_dim3A_237 = vector.broadcast %jit3A_236 : f32 to vector<288x128xf32>
      %select_n3A_238 = arith.select %and3A_232, %broadcast_in_dim3A_237, %select_n3A_216 : vector<288x128xi1>, vector<288x128xf32>
      %reduce_min3A_239 = arith.constant dense<0x7F800000> : vector<128xf32>
      %reduce_min3A_240 = vector.multi_reduction <minimumf>, %select_n3A_235, %reduce_min3A_239 [0] : vector<288x128xf32> to vector<128xf32>
      %broadcast_in_dim3A_241 = vector.shape_cast %reduce_min3A_240 : vector<128xf32> to vector<1x128xf32>
      %eq3A_242 = vector.broadcast %broadcast_in_dim3A_241 : vector<1x128xf32> to vector<288x128xf32>
      %eq3A_243 = arith.cmpf oeq, %select_n3A_235, %eq3A_242 : vector<288x128xf32>
      %jit3A_244 = arith.constant 1.000000e+09 : f32
      %broadcast_in_dim3A_245 = vector.broadcast %jit3A_244 : f32 to vector<288x128xf32>
      %select_n3A_246 = arith.select %eq3A_243, %select_n3A_238, %broadcast_in_dim3A_245 : vector<288x128xi1>, vector<288x128xf32>
      %reduce_min3A_247 = arith.constant dense<0x7F800000> : vector<128xf32>
      %reduce_min3A_248 = vector.multi_reduction <minimumf>, %select_n3A_246, %reduce_min3A_247 [0] : vector<288x128xf32> to vector<128xf32>
      %broadcast_in_dim3A_249 = vector.shape_cast %reduce_min3A_248 : vector<128xf32> to vector<1x128xf32>
      %eq3A_250 = vector.broadcast %broadcast_in_dim3A_241 : vector<1x128xf32> to vector<288x128xf32>
      %eq3A_251 = arith.cmpf oeq, %select_n3A_235, %eq3A_250 : vector<288x128xf32>
      %eq3A_252 = vector.broadcast %broadcast_in_dim3A_249 : vector<1x128xf32> to vector<288x128xf32>
      %eq3A_253 = arith.cmpf oeq, %select_n3A_238, %eq3A_252 : vector<288x128xf32>
      %and3A_254 = arith.andi %eq3A_251, %eq3A_253 : vector<288x128xi1>
      %jit3A_255 = arith.constant 1.000000e+30 : f32
      %broadcast_in_dim3A_256 = vector.broadcast %jit3A_255 : f32 to vector<288x128xf32>
      %select_n3A_257 = arith.select %and3A_254, %broadcast_in_dim3A_256, %select_n3A_235 : vector<288x128xi1>, vector<288x128xf32>
      %jit3A_258 = arith.constant 1.000000e+09 : f32
      %broadcast_in_dim3A_259 = vector.broadcast %jit3A_258 : f32 to vector<288x128xf32>
      %select_n3A_260 = arith.select %and3A_254, %broadcast_in_dim3A_259, %select_n3A_238 : vector<288x128xi1>, vector<288x128xf32>
      %reduce_min3A_261 = arith.constant dense<0x7F800000> : vector<128xf32>
      %reduce_min3A_262 = vector.multi_reduction <minimumf>, %select_n3A_257, %reduce_min3A_261 [0] : vector<288x128xf32> to vector<128xf32>
      %broadcast_in_dim3A_263 = vector.shape_cast %reduce_min3A_262 : vector<128xf32> to vector<1x128xf32>
      %eq3A_264 = vector.broadcast %broadcast_in_dim3A_263 : vector<1x128xf32> to vector<288x128xf32>
      %eq3A_265 = arith.cmpf oeq, %select_n3A_257, %eq3A_264 : vector<288x128xf32>
      %jit3A_266 = arith.constant 1.000000e+09 : f32
      %broadcast_in_dim3A_267 = vector.broadcast %jit3A_266 : f32 to vector<288x128xf32>
      %select_n3A_268 = arith.select %eq3A_265, %select_n3A_260, %broadcast_in_dim3A_267 : vector<288x128xi1>, vector<288x128xf32>
      %reduce_min3A_269 = arith.constant dense<0x7F800000> : vector<128xf32>
      %reduce_min3A_270 = vector.multi_reduction <minimumf>, %select_n3A_268, %reduce_min3A_269 [0] : vector<288x128xf32> to vector<128xf32>
      %broadcast_in_dim3A_271 = vector.shape_cast %reduce_min3A_270 : vector<128xf32> to vector<1x128xf32>
      %eq3A_272 = vector.broadcast %broadcast_in_dim3A_263 : vector<1x128xf32> to vector<288x128xf32>
      %eq3A_273 = arith.cmpf oeq, %select_n3A_257, %eq3A_272 : vector<288x128xf32>
      %eq3A_274 = vector.broadcast %broadcast_in_dim3A_271 : vector<1x128xf32> to vector<288x128xf32>
      %eq3A_275 = arith.cmpf oeq, %select_n3A_260, %eq3A_274 : vector<288x128xf32>
      %and3A_276 = arith.andi %eq3A_273, %eq3A_275 : vector<288x128xi1>
      %jit3A_277 = arith.constant 1.000000e+30 : f32
      %broadcast_in_dim3A_278 = vector.broadcast %jit3A_277 : f32 to vector<288x128xf32>
      %select_n3A_279 = arith.select %and3A_276, %broadcast_in_dim3A_278, %select_n3A_257 : vector<288x128xi1>, vector<288x128xf32>
      %jit3A_280 = arith.constant 1.000000e+09 : f32
      %broadcast_in_dim3A_281 = vector.broadcast %jit3A_280 : f32 to vector<288x128xf32>
      %select_n3A_282 = arith.select %and3A_276, %broadcast_in_dim3A_281, %select_n3A_260 : vector<288x128xi1>, vector<288x128xf32>
      %reduce_min3A_283 = arith.constant dense<0x7F800000> : vector<128xf32>
      %reduce_min3A_284 = vector.multi_reduction <minimumf>, %select_n3A_279, %reduce_min3A_283 [0] : vector<288x128xf32> to vector<128xf32>
      %broadcast_in_dim3A_285 = vector.shape_cast %reduce_min3A_284 : vector<128xf32> to vector<1x128xf32>
      %eq3A_286 = vector.broadcast %broadcast_in_dim3A_285 : vector<1x128xf32> to vector<288x128xf32>
      %eq3A_287 = arith.cmpf oeq, %select_n3A_279, %eq3A_286 : vector<288x128xf32>
      %jit3A_288 = arith.constant 1.000000e+09 : f32
      %broadcast_in_dim3A_289 = vector.broadcast %jit3A_288 : f32 to vector<288x128xf32>
      %select_n3A_290 = arith.select %eq3A_287, %select_n3A_282, %broadcast_in_dim3A_289 : vector<288x128xi1>, vector<288x128xf32>
      %reduce_min3A_291 = arith.constant dense<0x7F800000> : vector<128xf32>
      %reduce_min3A_292 = vector.multi_reduction <minimumf>, %select_n3A_290, %reduce_min3A_291 [0] : vector<288x128xf32> to vector<128xf32>
      %broadcast_in_dim3A_293 = vector.shape_cast %reduce_min3A_292 : vector<128xf32> to vector<1x128xf32>
      %eq3A_294 = vector.broadcast %broadcast_in_dim3A_285 : vector<1x128xf32> to vector<288x128xf32>
      %eq3A_295 = arith.cmpf oeq, %select_n3A_279, %eq3A_294 : vector<288x128xf32>
      %eq3A_296 = vector.broadcast %broadcast_in_dim3A_293 : vector<1x128xf32> to vector<288x128xf32>
      %eq3A_297 = arith.cmpf oeq, %select_n3A_282, %eq3A_296 : vector<288x128xf32>
      %and3A_298 = arith.andi %eq3A_295, %eq3A_297 : vector<288x128xi1>
      %jit3A_299 = arith.constant 1.000000e+30 : f32
      %broadcast_in_dim3A_300 = vector.broadcast %jit3A_299 : f32 to vector<288x128xf32>
      %select_n3A_301 = arith.select %and3A_298, %broadcast_in_dim3A_300, %select_n3A_279 : vector<288x128xi1>, vector<288x128xf32>
      %jit3A_302 = arith.constant 1.000000e+09 : f32
      %broadcast_in_dim3A_303 = vector.broadcast %jit3A_302 : f32 to vector<288x128xf32>
      %select_n3A_304 = arith.select %and3A_298, %broadcast_in_dim3A_303, %select_n3A_282 : vector<288x128xi1>, vector<288x128xf32>
      %reduce_min3A_305 = arith.constant dense<0x7F800000> : vector<128xf32>
      %reduce_min3A_306 = vector.multi_reduction <minimumf>, %select_n3A_301, %reduce_min3A_305 [0] : vector<288x128xf32> to vector<128xf32>
      %broadcast_in_dim3A_307 = vector.shape_cast %reduce_min3A_306 : vector<128xf32> to vector<1x128xf32>
      %eq3A_308 = vector.broadcast %broadcast_in_dim3A_307 : vector<1x128xf32> to vector<288x128xf32>
      %eq3A_309 = arith.cmpf oeq, %select_n3A_301, %eq3A_308 : vector<288x128xf32>
      %jit3A_310 = arith.constant 1.000000e+09 : f32
      %broadcast_in_dim3A_311 = vector.broadcast %jit3A_310 : f32 to vector<288x128xf32>
      %select_n3A_312 = arith.select %eq3A_309, %select_n3A_304, %broadcast_in_dim3A_311 : vector<288x128xi1>, vector<288x128xf32>
      %reduce_min3A_313 = arith.constant dense<0x7F800000> : vector<128xf32>
      %reduce_min3A_314 = vector.multi_reduction <minimumf>, %select_n3A_312, %reduce_min3A_313 [0] : vector<288x128xf32> to vector<128xf32>
      %broadcast_in_dim3A_315 = vector.shape_cast %reduce_min3A_314 : vector<128xf32> to vector<1x128xf32>
      %eq3A_316 = vector.broadcast %broadcast_in_dim3A_307 : vector<1x128xf32> to vector<288x128xf32>
      %eq3A_317 = arith.cmpf oeq, %select_n3A_301, %eq3A_316 : vector<288x128xf32>
      %eq3A_318 = vector.broadcast %broadcast_in_dim3A_315 : vector<1x128xf32> to vector<288x128xf32>
      %eq3A_319 = arith.cmpf oeq, %select_n3A_304, %eq3A_318 : vector<288x128xf32>
      %and3A_320 = arith.andi %eq3A_317, %eq3A_319 : vector<288x128xi1>
      %jit3A_321 = arith.constant 1.000000e+30 : f32
      %broadcast_in_dim3A_322 = vector.broadcast %jit3A_321 : f32 to vector<288x128xf32>
      %select_n3A_323 = arith.select %and3A_320, %broadcast_in_dim3A_322, %select_n3A_301 : vector<288x128xi1>, vector<288x128xf32>
      %jit3A_324 = arith.constant 1.000000e+09 : f32
      %broadcast_in_dim3A_325 = vector.broadcast %jit3A_324 : f32 to vector<288x128xf32>
      %select_n3A_326 = arith.select %and3A_320, %broadcast_in_dim3A_325, %select_n3A_304 : vector<288x128xi1>, vector<288x128xf32>
      %reduce_min3A_327 = arith.constant dense<0x7F800000> : vector<128xf32>
      %reduce_min3A_328 = vector.multi_reduction <minimumf>, %select_n3A_323, %reduce_min3A_327 [0] : vector<288x128xf32> to vector<128xf32>
      %broadcast_in_dim3A_329 = vector.shape_cast %reduce_min3A_328 : vector<128xf32> to vector<1x128xf32>
      %eq3A_330 = vector.broadcast %broadcast_in_dim3A_329 : vector<1x128xf32> to vector<288x128xf32>
      %eq3A_331 = arith.cmpf oeq, %select_n3A_323, %eq3A_330 : vector<288x128xf32>
      %jit3A_332 = arith.constant 1.000000e+09 : f32
      %broadcast_in_dim3A_333 = vector.broadcast %jit3A_332 : f32 to vector<288x128xf32>
      %select_n3A_334 = arith.select %eq3A_331, %select_n3A_326, %broadcast_in_dim3A_333 : vector<288x128xi1>, vector<288x128xf32>
      %reduce_min3A_335 = arith.constant dense<0x7F800000> : vector<128xf32>
      %reduce_min3A_336 = vector.multi_reduction <minimumf>, %select_n3A_334, %reduce_min3A_335 [0] : vector<288x128xf32> to vector<128xf32>
      %broadcast_in_dim3A_337 = vector.shape_cast %reduce_min3A_336 : vector<128xf32> to vector<1x128xf32>
      %eq3A_338 = vector.broadcast %broadcast_in_dim3A_329 : vector<1x128xf32> to vector<288x128xf32>
      %eq3A_339 = arith.cmpf oeq, %select_n3A_323, %eq3A_338 : vector<288x128xf32>
      %eq3A_340 = vector.broadcast %broadcast_in_dim3A_337 : vector<1x128xf32> to vector<288x128xf32>
      %eq3A_341 = arith.cmpf oeq, %select_n3A_326, %eq3A_340 : vector<288x128xf32>
      %and3A_342 = arith.andi %eq3A_339, %eq3A_341 : vector<288x128xi1>
      %jit3A_343 = arith.constant 1.000000e+30 : f32
      %broadcast_in_dim3A_344 = vector.broadcast %jit3A_343 : f32 to vector<288x128xf32>
      %select_n3A_345 = arith.select %and3A_342, %broadcast_in_dim3A_344, %select_n3A_323 : vector<288x128xi1>, vector<288x128xf32>
      %jit3A_346 = arith.constant 1.000000e+09 : f32
      %broadcast_in_dim3A_347 = vector.broadcast %jit3A_346 : f32 to vector<288x128xf32>
      %select_n3A_348 = arith.select %and3A_342, %broadcast_in_dim3A_347, %select_n3A_326 : vector<288x128xi1>, vector<288x128xf32>
      %reduce_min3A_349 = arith.constant dense<0x7F800000> : vector<128xf32>
      %reduce_min3A_350 = vector.multi_reduction <minimumf>, %select_n3A_345, %reduce_min3A_349 [0] : vector<288x128xf32> to vector<128xf32>
      %broadcast_in_dim3A_351 = vector.shape_cast %reduce_min3A_350 : vector<128xf32> to vector<1x128xf32>
      %eq3A_352 = vector.broadcast %broadcast_in_dim3A_351 : vector<1x128xf32> to vector<288x128xf32>
      %eq3A_353 = arith.cmpf oeq, %select_n3A_345, %eq3A_352 : vector<288x128xf32>
      %jit3A_354 = arith.constant 1.000000e+09 : f32
      %broadcast_in_dim3A_355 = vector.broadcast %jit3A_354 : f32 to vector<288x128xf32>
      %select_n3A_356 = arith.select %eq3A_353, %select_n3A_348, %broadcast_in_dim3A_355 : vector<288x128xi1>, vector<288x128xf32>
      %reduce_min3A_357 = arith.constant dense<0x7F800000> : vector<128xf32>
      %reduce_min3A_358 = vector.multi_reduction <minimumf>, %select_n3A_356, %reduce_min3A_357 [0] : vector<288x128xf32> to vector<128xf32>
      %broadcast_in_dim3A_359 = vector.shape_cast %reduce_min3A_358 : vector<128xf32> to vector<1x128xf32>
      %eq3A_360 = vector.broadcast %broadcast_in_dim3A_351 : vector<1x128xf32> to vector<288x128xf32>
      %eq3A_361 = arith.cmpf oeq, %select_n3A_345, %eq3A_360 : vector<288x128xf32>
      %eq3A_362 = vector.broadcast %broadcast_in_dim3A_359 : vector<1x128xf32> to vector<288x128xf32>
      %eq3A_363 = arith.cmpf oeq, %select_n3A_348, %eq3A_362 : vector<288x128xf32>
      %and3A_364 = arith.andi %eq3A_361, %eq3A_363 : vector<288x128xi1>
      %jit3A_365 = arith.constant 1.000000e+30 : f32
      %broadcast_in_dim3A_366 = vector.broadcast %jit3A_365 : f32 to vector<288x128xf32>
      %select_n3A_367 = arith.select %and3A_364, %broadcast_in_dim3A_366, %select_n3A_345 : vector<288x128xi1>, vector<288x128xf32>
      %jit3A_368 = arith.constant 1.000000e+09 : f32
      %broadcast_in_dim3A_369 = vector.broadcast %jit3A_368 : f32 to vector<288x128xf32>
      %select_n3A_370 = arith.select %and3A_364, %broadcast_in_dim3A_369, %select_n3A_348 : vector<288x128xi1>, vector<288x128xf32>
      %reduce_min3A_371 = arith.constant dense<0x7F800000> : vector<128xf32>
      %reduce_min3A_372 = vector.multi_reduction <minimumf>, %select_n3A_367, %reduce_min3A_371 [0] : vector<288x128xf32> to vector<128xf32>
      %broadcast_in_dim3A_373 = vector.shape_cast %reduce_min3A_372 : vector<128xf32> to vector<1x128xf32>
      %eq3A_374 = vector.broadcast %broadcast_in_dim3A_373 : vector<1x128xf32> to vector<288x128xf32>
      %eq3A_375 = arith.cmpf oeq, %select_n3A_367, %eq3A_374 : vector<288x128xf32>
      %jit3A_376 = arith.constant 1.000000e+09 : f32
      %broadcast_in_dim3A_377 = vector.broadcast %jit3A_376 : f32 to vector<288x128xf32>
      %select_n3A_378 = arith.select %eq3A_375, %select_n3A_370, %broadcast_in_dim3A_377 : vector<288x128xi1>, vector<288x128xf32>
      %reduce_min3A_379 = arith.constant dense<0x7F800000> : vector<128xf32>
      %reduce_min3A_380 = vector.multi_reduction <minimumf>, %select_n3A_378, %reduce_min3A_379 [0] : vector<288x128xf32> to vector<128xf32>
      %broadcast_in_dim3A_381 = vector.shape_cast %reduce_min3A_380 : vector<128xf32> to vector<1x128xf32>
      %eq3A_382 = vector.broadcast %broadcast_in_dim3A_373 : vector<1x128xf32> to vector<288x128xf32>
      %eq3A_383 = arith.cmpf oeq, %select_n3A_367, %eq3A_382 : vector<288x128xf32>
      %eq3A_384 = vector.broadcast %broadcast_in_dim3A_381 : vector<1x128xf32> to vector<288x128xf32>
      %eq3A_385 = arith.cmpf oeq, %select_n3A_370, %eq3A_384 : vector<288x128xf32>
      %and3A_386 = arith.andi %eq3A_383, %eq3A_385 : vector<288x128xi1>
      %jit3A_387 = arith.constant 1.000000e+30 : f32
      %broadcast_in_dim3A_388 = vector.broadcast %jit3A_387 : f32 to vector<288x128xf32>
      %select_n3A_389 = arith.select %and3A_386, %broadcast_in_dim3A_388, %select_n3A_367 : vector<288x128xi1>, vector<288x128xf32>
      %jit3A_390 = arith.constant 1.000000e+09 : f32
      %broadcast_in_dim3A_391 = vector.broadcast %jit3A_390 : f32 to vector<288x128xf32>
      %select_n3A_392 = arith.select %and3A_386, %broadcast_in_dim3A_391, %select_n3A_370 : vector<288x128xi1>, vector<288x128xf32>
      %reduce_min3A_393 = arith.constant dense<0x7F800000> : vector<128xf32>
      %reduce_min3A_394 = vector.multi_reduction <minimumf>, %select_n3A_389, %reduce_min3A_393 [0] : vector<288x128xf32> to vector<128xf32>
      %broadcast_in_dim3A_395 = vector.shape_cast %reduce_min3A_394 : vector<128xf32> to vector<1x128xf32>
      %eq3A_396 = vector.broadcast %broadcast_in_dim3A_395 : vector<1x128xf32> to vector<288x128xf32>
      %eq3A_397 = arith.cmpf oeq, %select_n3A_389, %eq3A_396 : vector<288x128xf32>
      %jit3A_398 = arith.constant 1.000000e+09 : f32
      %broadcast_in_dim3A_399 = vector.broadcast %jit3A_398 : f32 to vector<288x128xf32>
      %select_n3A_400 = arith.select %eq3A_397, %select_n3A_392, %broadcast_in_dim3A_399 : vector<288x128xi1>, vector<288x128xf32>
      %reduce_min3A_401 = arith.constant dense<0x7F800000> : vector<128xf32>
      %reduce_min3A_402 = vector.multi_reduction <minimumf>, %select_n3A_400, %reduce_min3A_401 [0] : vector<288x128xf32> to vector<128xf32>
      %broadcast_in_dim3A_403 = vector.shape_cast %reduce_min3A_402 : vector<128xf32> to vector<1x128xf32>
      %eq3A_404 = vector.broadcast %broadcast_in_dim3A_395 : vector<1x128xf32> to vector<288x128xf32>
      %eq3A_405 = arith.cmpf oeq, %select_n3A_389, %eq3A_404 : vector<288x128xf32>
      %eq3A_406 = vector.broadcast %broadcast_in_dim3A_403 : vector<1x128xf32> to vector<288x128xf32>
      %eq3A_407 = arith.cmpf oeq, %select_n3A_392, %eq3A_406 : vector<288x128xf32>
      %and3A_408 = arith.andi %eq3A_405, %eq3A_407 : vector<288x128xi1>
      %jit3A_409 = arith.constant 1.000000e+30 : f32
      %broadcast_in_dim3A_410 = vector.broadcast %jit3A_409 : f32 to vector<288x128xf32>
      %select_n3A_411 = arith.select %and3A_408, %broadcast_in_dim3A_410, %select_n3A_389 : vector<288x128xi1>, vector<288x128xf32>
      %jit3A_412 = arith.constant 1.000000e+09 : f32
      %broadcast_in_dim3A_413 = vector.broadcast %jit3A_412 : f32 to vector<288x128xf32>
      %select_n3A_414 = arith.select %and3A_408, %broadcast_in_dim3A_413, %select_n3A_392 : vector<288x128xi1>, vector<288x128xf32>
      %reduce_min3A_415 = arith.constant dense<0x7F800000> : vector<128xf32>
      %reduce_min3A_416 = vector.multi_reduction <minimumf>, %select_n3A_411, %reduce_min3A_415 [0] : vector<288x128xf32> to vector<128xf32>
      %broadcast_in_dim3A_417 = vector.shape_cast %reduce_min3A_416 : vector<128xf32> to vector<1x128xf32>
      %eq3A_418 = vector.broadcast %broadcast_in_dim3A_417 : vector<1x128xf32> to vector<288x128xf32>
      %eq3A_419 = arith.cmpf oeq, %select_n3A_411, %eq3A_418 : vector<288x128xf32>
      %jit3A_420 = arith.constant 1.000000e+09 : f32
      %broadcast_in_dim3A_421 = vector.broadcast %jit3A_420 : f32 to vector<288x128xf32>
      %select_n3A_422 = arith.select %eq3A_419, %select_n3A_414, %broadcast_in_dim3A_421 : vector<288x128xi1>, vector<288x128xf32>
      %reduce_min3A_423 = arith.constant dense<0x7F800000> : vector<128xf32>
      %reduce_min3A_424 = vector.multi_reduction <minimumf>, %select_n3A_422, %reduce_min3A_423 [0] : vector<288x128xf32> to vector<128xf32>
      %broadcast_in_dim3A_425 = vector.shape_cast %reduce_min3A_424 : vector<128xf32> to vector<1x128xf32>
      %eq3A_426 = vector.broadcast %broadcast_in_dim3A_417 : vector<1x128xf32> to vector<288x128xf32>
      %eq3A_427 = arith.cmpf oeq, %select_n3A_411, %eq3A_426 : vector<288x128xf32>
      %eq3A_428 = vector.broadcast %broadcast_in_dim3A_425 : vector<1x128xf32> to vector<288x128xf32>
      %eq3A_429 = arith.cmpf oeq, %select_n3A_414, %eq3A_428 : vector<288x128xf32>
      %and3A_430 = arith.andi %eq3A_427, %eq3A_429 : vector<288x128xi1>
      %jit3A_431 = arith.constant 1.000000e+30 : f32
      %broadcast_in_dim3A_432 = vector.broadcast %jit3A_431 : f32 to vector<288x128xf32>
      %select_n3A_433 = arith.select %and3A_430, %broadcast_in_dim3A_432, %select_n3A_411 : vector<288x128xi1>, vector<288x128xf32>
      %jit3A_434 = arith.constant 1.000000e+09 : f32
      %broadcast_in_dim3A_435 = vector.broadcast %jit3A_434 : f32 to vector<288x128xf32>
      %select_n3A_436 = arith.select %and3A_430, %broadcast_in_dim3A_435, %select_n3A_414 : vector<288x128xi1>, vector<288x128xf32>
      %reduce_min3A_437 = arith.constant dense<0x7F800000> : vector<128xf32>
      %reduce_min3A_438 = vector.multi_reduction <minimumf>, %select_n3A_433, %reduce_min3A_437 [0] : vector<288x128xf32> to vector<128xf32>
      %broadcast_in_dim3A_439 = vector.shape_cast %reduce_min3A_438 : vector<128xf32> to vector<1x128xf32>
      %eq3A_440 = vector.broadcast %broadcast_in_dim3A_439 : vector<1x128xf32> to vector<288x128xf32>
      %eq3A_441 = arith.cmpf oeq, %select_n3A_433, %eq3A_440 : vector<288x128xf32>
      %jit3A_442 = arith.constant 1.000000e+09 : f32
      %broadcast_in_dim3A_443 = vector.broadcast %jit3A_442 : f32 to vector<288x128xf32>
      %select_n3A_444 = arith.select %eq3A_441, %select_n3A_436, %broadcast_in_dim3A_443 : vector<288x128xi1>, vector<288x128xf32>
      %reduce_min3A_445 = arith.constant dense<0x7F800000> : vector<128xf32>
      %reduce_min3A_446 = vector.multi_reduction <minimumf>, %select_n3A_444, %reduce_min3A_445 [0] : vector<288x128xf32> to vector<128xf32>
      %broadcast_in_dim3A_447 = vector.shape_cast %reduce_min3A_446 : vector<128xf32> to vector<1x128xf32>
      %eq3A_448 = vector.broadcast %broadcast_in_dim3A_439 : vector<1x128xf32> to vector<288x128xf32>
      %eq3A_449 = arith.cmpf oeq, %select_n3A_433, %eq3A_448 : vector<288x128xf32>
      %eq3A_450 = vector.broadcast %broadcast_in_dim3A_447 : vector<1x128xf32> to vector<288x128xf32>
      %eq3A_451 = arith.cmpf oeq, %select_n3A_436, %eq3A_450 : vector<288x128xf32>
      %and3A_452 = arith.andi %eq3A_449, %eq3A_451 : vector<288x128xi1>
      %jit3A_453 = arith.constant 1.000000e+30 : f32
      %broadcast_in_dim3A_454 = vector.broadcast %jit3A_453 : f32 to vector<288x128xf32>
      %select_n3A_455 = arith.select %and3A_452, %broadcast_in_dim3A_454, %select_n3A_433 : vector<288x128xi1>, vector<288x128xf32>
      %jit3A_456 = arith.constant 1.000000e+09 : f32
      %broadcast_in_dim3A_457 = vector.broadcast %jit3A_456 : f32 to vector<288x128xf32>
      %select_n3A_458 = arith.select %and3A_452, %broadcast_in_dim3A_457, %select_n3A_436 : vector<288x128xi1>, vector<288x128xf32>
      %reduce_min3A_459 = arith.constant dense<0x7F800000> : vector<128xf32>
      %reduce_min3A_460 = vector.multi_reduction <minimumf>, %select_n3A_455, %reduce_min3A_459 [0] : vector<288x128xf32> to vector<128xf32>
      %broadcast_in_dim3A_461 = vector.shape_cast %reduce_min3A_460 : vector<128xf32> to vector<1x128xf32>
      %eq3A_462 = vector.broadcast %broadcast_in_dim3A_461 : vector<1x128xf32> to vector<288x128xf32>
      %eq3A_463 = arith.cmpf oeq, %select_n3A_455, %eq3A_462 : vector<288x128xf32>
      %jit3A_464 = arith.constant 1.000000e+09 : f32
      %broadcast_in_dim3A_465 = vector.broadcast %jit3A_464 : f32 to vector<288x128xf32>
      %select_n3A_466 = arith.select %eq3A_463, %select_n3A_458, %broadcast_in_dim3A_465 : vector<288x128xi1>, vector<288x128xf32>
      %reduce_min3A_467 = arith.constant dense<0x7F800000> : vector<128xf32>
      %reduce_min3A_468 = vector.multi_reduction <minimumf>, %select_n3A_466, %reduce_min3A_467 [0] : vector<288x128xf32> to vector<128xf32>
      %broadcast_in_dim3A_469 = vector.shape_cast %reduce_min3A_468 : vector<128xf32> to vector<1x128xf32>
      %eq3A_470 = vector.broadcast %broadcast_in_dim3A_461 : vector<1x128xf32> to vector<288x128xf32>
      %eq3A_471 = arith.cmpf oeq, %select_n3A_455, %eq3A_470 : vector<288x128xf32>
      %eq3A_472 = vector.broadcast %broadcast_in_dim3A_469 : vector<1x128xf32> to vector<288x128xf32>
      %eq3A_473 = arith.cmpf oeq, %select_n3A_458, %eq3A_472 : vector<288x128xf32>
      %and3A_474 = arith.andi %eq3A_471, %eq3A_473 : vector<288x128xi1>
      %jit3A_475 = arith.constant 1.000000e+30 : f32
      %broadcast_in_dim3A_476 = vector.broadcast %jit3A_475 : f32 to vector<288x128xf32>
      %select_n3A_477 = arith.select %and3A_474, %broadcast_in_dim3A_476, %select_n3A_455 : vector<288x128xi1>, vector<288x128xf32>
      %jit3A_478 = arith.constant 1.000000e+09 : f32
      %broadcast_in_dim3A_479 = vector.broadcast %jit3A_478 : f32 to vector<288x128xf32>
      %select_n3A_480 = arith.select %and3A_474, %broadcast_in_dim3A_479, %select_n3A_458 : vector<288x128xi1>, vector<288x128xf32>
      %reduce_min3A_481 = arith.constant dense<0x7F800000> : vector<128xf32>
      %reduce_min3A_482 = vector.multi_reduction <minimumf>, %select_n3A_477, %reduce_min3A_481 [0] : vector<288x128xf32> to vector<128xf32>
      %broadcast_in_dim3A_483 = vector.shape_cast %reduce_min3A_482 : vector<128xf32> to vector<1x128xf32>
      %eq3A_484 = vector.broadcast %broadcast_in_dim3A_483 : vector<1x128xf32> to vector<288x128xf32>
      %eq3A_485 = arith.cmpf oeq, %select_n3A_477, %eq3A_484 : vector<288x128xf32>
      %jit3A_486 = arith.constant 1.000000e+09 : f32
      %broadcast_in_dim3A_487 = vector.broadcast %jit3A_486 : f32 to vector<288x128xf32>
      %select_n3A_488 = arith.select %eq3A_485, %select_n3A_480, %broadcast_in_dim3A_487 : vector<288x128xi1>, vector<288x128xf32>
      %reduce_min3A_489 = arith.constant dense<0x7F800000> : vector<128xf32>
      %reduce_min3A_490 = vector.multi_reduction <minimumf>, %select_n3A_488, %reduce_min3A_489 [0] : vector<288x128xf32> to vector<128xf32>
      %broadcast_in_dim3A_491 = vector.shape_cast %reduce_min3A_490 : vector<128xf32> to vector<1x128xf32>
      %eq3A_492 = vector.broadcast %broadcast_in_dim3A_483 : vector<1x128xf32> to vector<288x128xf32>
      %eq3A_493 = arith.cmpf oeq, %select_n3A_477, %eq3A_492 : vector<288x128xf32>
      %eq3A_494 = vector.broadcast %broadcast_in_dim3A_491 : vector<1x128xf32> to vector<288x128xf32>
      %eq3A_495 = arith.cmpf oeq, %select_n3A_480, %eq3A_494 : vector<288x128xf32>
      %and3A_496 = arith.andi %eq3A_493, %eq3A_495 : vector<288x128xi1>
      %jit3A_497 = arith.constant 1.000000e+30 : f32
      %broadcast_in_dim3A_498 = vector.broadcast %jit3A_497 : f32 to vector<288x128xf32>
      %select_n3A_499 = arith.select %and3A_496, %broadcast_in_dim3A_498, %select_n3A_477 : vector<288x128xi1>, vector<288x128xf32>
      %jit3A_500 = arith.constant 1.000000e+09 : f32
      %broadcast_in_dim3A_501 = vector.broadcast %jit3A_500 : f32 to vector<288x128xf32>
      %select_n3A_502 = arith.select %and3A_496, %broadcast_in_dim3A_501, %select_n3A_480 : vector<288x128xi1>, vector<288x128xf32>
      %reduce_min3A_503 = arith.constant dense<0x7F800000> : vector<128xf32>
      %reduce_min3A_504 = vector.multi_reduction <minimumf>, %select_n3A_499, %reduce_min3A_503 [0] : vector<288x128xf32> to vector<128xf32>
      %broadcast_in_dim3A_505 = vector.shape_cast %reduce_min3A_504 : vector<128xf32> to vector<1x128xf32>
      %eq3A_506 = vector.broadcast %broadcast_in_dim3A_505 : vector<1x128xf32> to vector<288x128xf32>
      %eq3A_507 = arith.cmpf oeq, %select_n3A_499, %eq3A_506 : vector<288x128xf32>
      %jit3A_508 = arith.constant 1.000000e+09 : f32
      %broadcast_in_dim3A_509 = vector.broadcast %jit3A_508 : f32 to vector<288x128xf32>
      %select_n3A_510 = arith.select %eq3A_507, %select_n3A_502, %broadcast_in_dim3A_509 : vector<288x128xi1>, vector<288x128xf32>
      %reduce_min3A_511 = arith.constant dense<0x7F800000> : vector<128xf32>
      %reduce_min3A_512 = vector.multi_reduction <minimumf>, %select_n3A_510, %reduce_min3A_511 [0] : vector<288x128xf32> to vector<128xf32>
      %broadcast_in_dim3A_513 = vector.shape_cast %reduce_min3A_512 : vector<128xf32> to vector<1x128xf32>
      %eq3A_514 = vector.broadcast %broadcast_in_dim3A_505 : vector<1x128xf32> to vector<288x128xf32>
      %eq3A_515 = arith.cmpf oeq, %select_n3A_499, %eq3A_514 : vector<288x128xf32>
      %eq3A_516 = vector.broadcast %broadcast_in_dim3A_513 : vector<1x128xf32> to vector<288x128xf32>
      %eq3A_517 = arith.cmpf oeq, %select_n3A_502, %eq3A_516 : vector<288x128xf32>
      %and3A_518 = arith.andi %eq3A_515, %eq3A_517 : vector<288x128xi1>
      %jit3A_519 = arith.constant 1.000000e+30 : f32
      %broadcast_in_dim3A_520 = vector.broadcast %jit3A_519 : f32 to vector<288x128xf32>
      %select_n3A_521 = arith.select %and3A_518, %broadcast_in_dim3A_520, %select_n3A_499 : vector<288x128xi1>, vector<288x128xf32>
      %jit3A_522 = arith.constant 1.000000e+09 : f32
      %broadcast_in_dim3A_523 = vector.broadcast %jit3A_522 : f32 to vector<288x128xf32>
      %select_n3A_524 = arith.select %and3A_518, %broadcast_in_dim3A_523, %select_n3A_502 : vector<288x128xi1>, vector<288x128xf32>
      %reduce_min3A_525 = arith.constant dense<0x7F800000> : vector<128xf32>
      %reduce_min3A_526 = vector.multi_reduction <minimumf>, %select_n3A_521, %reduce_min3A_525 [0] : vector<288x128xf32> to vector<128xf32>
      %broadcast_in_dim3A_527 = vector.shape_cast %reduce_min3A_526 : vector<128xf32> to vector<1x128xf32>
      %eq3A_528 = vector.broadcast %broadcast_in_dim3A_527 : vector<1x128xf32> to vector<288x128xf32>
      %eq3A_529 = arith.cmpf oeq, %select_n3A_521, %eq3A_528 : vector<288x128xf32>
      %jit3A_530 = arith.constant 1.000000e+09 : f32
      %broadcast_in_dim3A_531 = vector.broadcast %jit3A_530 : f32 to vector<288x128xf32>
      %select_n3A_532 = arith.select %eq3A_529, %select_n3A_524, %broadcast_in_dim3A_531 : vector<288x128xi1>, vector<288x128xf32>
      %reduce_min3A_533 = arith.constant dense<0x7F800000> : vector<128xf32>
      %reduce_min3A_534 = vector.multi_reduction <minimumf>, %select_n3A_532, %reduce_min3A_533 [0] : vector<288x128xf32> to vector<128xf32>
      %broadcast_in_dim3A_535 = vector.shape_cast %reduce_min3A_534 : vector<128xf32> to vector<1x128xf32>
      %eq3A_536 = vector.broadcast %broadcast_in_dim3A_527 : vector<1x128xf32> to vector<288x128xf32>
      %eq3A_537 = arith.cmpf oeq, %select_n3A_521, %eq3A_536 : vector<288x128xf32>
      %eq3A_538 = vector.broadcast %broadcast_in_dim3A_535 : vector<1x128xf32> to vector<288x128xf32>
      %eq3A_539 = arith.cmpf oeq, %select_n3A_524, %eq3A_538 : vector<288x128xf32>
      %and3A_540 = arith.andi %eq3A_537, %eq3A_539 : vector<288x128xi1>
      %jit3A_541 = arith.constant 1.000000e+30 : f32
      %broadcast_in_dim3A_542 = vector.broadcast %jit3A_541 : f32 to vector<288x128xf32>
      %select_n3A_543 = arith.select %and3A_540, %broadcast_in_dim3A_542, %select_n3A_521 : vector<288x128xi1>, vector<288x128xf32>
      %jit3A_544 = arith.constant 1.000000e+09 : f32
      %broadcast_in_dim3A_545 = vector.broadcast %jit3A_544 : f32 to vector<288x128xf32>
      %select_n3A_546 = arith.select %and3A_540, %broadcast_in_dim3A_545, %select_n3A_524 : vector<288x128xi1>, vector<288x128xf32>
      %reduce_min3A_547 = arith.constant dense<0x7F800000> : vector<128xf32>
      %reduce_min3A_548 = vector.multi_reduction <minimumf>, %select_n3A_543, %reduce_min3A_547 [0] : vector<288x128xf32> to vector<128xf32>
      %broadcast_in_dim3A_549 = vector.shape_cast %reduce_min3A_548 : vector<128xf32> to vector<1x128xf32>
      %eq3A_550 = vector.broadcast %broadcast_in_dim3A_549 : vector<1x128xf32> to vector<288x128xf32>
      %eq3A_551 = arith.cmpf oeq, %select_n3A_543, %eq3A_550 : vector<288x128xf32>
      %jit3A_552 = arith.constant 1.000000e+09 : f32
      %broadcast_in_dim3A_553 = vector.broadcast %jit3A_552 : f32 to vector<288x128xf32>
      %select_n3A_554 = arith.select %eq3A_551, %select_n3A_546, %broadcast_in_dim3A_553 : vector<288x128xi1>, vector<288x128xf32>
      %reduce_min3A_555 = arith.constant dense<0x7F800000> : vector<128xf32>
      %reduce_min3A_556 = vector.multi_reduction <minimumf>, %select_n3A_554, %reduce_min3A_555 [0] : vector<288x128xf32> to vector<128xf32>
      %broadcast_in_dim3A_557 = vector.shape_cast %reduce_min3A_556 : vector<128xf32> to vector<1x128xf32>
      %eq3A_558 = vector.broadcast %broadcast_in_dim3A_549 : vector<1x128xf32> to vector<288x128xf32>
      %eq3A_559 = arith.cmpf oeq, %select_n3A_543, %eq3A_558 : vector<288x128xf32>
      %eq3A_560 = vector.broadcast %broadcast_in_dim3A_557 : vector<1x128xf32> to vector<288x128xf32>
      %eq3A_561 = arith.cmpf oeq, %select_n3A_546, %eq3A_560 : vector<288x128xf32>
      %and3A_562 = arith.andi %eq3A_559, %eq3A_561 : vector<288x128xi1>
      %jit3A_563 = arith.constant 1.000000e+30 : f32
      %broadcast_in_dim3A_564 = vector.broadcast %jit3A_563 : f32 to vector<288x128xf32>
      %select_n3A_565 = arith.select %and3A_562, %broadcast_in_dim3A_564, %select_n3A_543 : vector<288x128xi1>, vector<288x128xf32>
      %jit3A_566 = arith.constant 1.000000e+09 : f32
      %broadcast_in_dim3A_567 = vector.broadcast %jit3A_566 : f32 to vector<288x128xf32>
      %select_n3A_568 = arith.select %and3A_562, %broadcast_in_dim3A_567, %select_n3A_546 : vector<288x128xi1>, vector<288x128xf32>
      %reduce_min3A_569 = arith.constant dense<0x7F800000> : vector<128xf32>
      %reduce_min3A_570 = vector.multi_reduction <minimumf>, %select_n3A_565, %reduce_min3A_569 [0] : vector<288x128xf32> to vector<128xf32>
      %broadcast_in_dim3A_571 = vector.shape_cast %reduce_min3A_570 : vector<128xf32> to vector<1x128xf32>
      %eq3A_572 = vector.broadcast %broadcast_in_dim3A_571 : vector<1x128xf32> to vector<288x128xf32>
      %eq3A_573 = arith.cmpf oeq, %select_n3A_565, %eq3A_572 : vector<288x128xf32>
      %jit3A_574 = arith.constant 1.000000e+09 : f32
      %broadcast_in_dim3A_575 = vector.broadcast %jit3A_574 : f32 to vector<288x128xf32>
      %select_n3A_576 = arith.select %eq3A_573, %select_n3A_568, %broadcast_in_dim3A_575 : vector<288x128xi1>, vector<288x128xf32>
      %reduce_min3A_577 = arith.constant dense<0x7F800000> : vector<128xf32>
      %reduce_min3A_578 = vector.multi_reduction <minimumf>, %select_n3A_576, %reduce_min3A_577 [0] : vector<288x128xf32> to vector<128xf32>
      %broadcast_in_dim3A_579 = vector.shape_cast %reduce_min3A_578 : vector<128xf32> to vector<1x128xf32>
      %eq3A_580 = vector.broadcast %broadcast_in_dim3A_571 : vector<1x128xf32> to vector<288x128xf32>
      %eq3A_581 = arith.cmpf oeq, %select_n3A_565, %eq3A_580 : vector<288x128xf32>
      %eq3A_582 = vector.broadcast %broadcast_in_dim3A_579 : vector<1x128xf32> to vector<288x128xf32>
      %eq3A_583 = arith.cmpf oeq, %select_n3A_568, %eq3A_582 : vector<288x128xf32>
      %and3A_584 = arith.andi %eq3A_581, %eq3A_583 : vector<288x128xi1>
      %jit3A_585 = arith.constant 1.000000e+30 : f32
      %broadcast_in_dim3A_586 = vector.broadcast %jit3A_585 : f32 to vector<288x128xf32>
      %select_n3A_587 = arith.select %and3A_584, %broadcast_in_dim3A_586, %select_n3A_565 : vector<288x128xi1>, vector<288x128xf32>
      %jit3A_588 = arith.constant 1.000000e+09 : f32
      %broadcast_in_dim3A_589 = vector.broadcast %jit3A_588 : f32 to vector<288x128xf32>
      %select_n3A_590 = arith.select %and3A_584, %broadcast_in_dim3A_589, %select_n3A_568 : vector<288x128xi1>, vector<288x128xf32>
      %reduce_min3A_591 = arith.constant dense<0x7F800000> : vector<128xf32>
      %reduce_min3A_592 = vector.multi_reduction <minimumf>, %select_n3A_587, %reduce_min3A_591 [0] : vector<288x128xf32> to vector<128xf32>
      %broadcast_in_dim3A_593 = vector.shape_cast %reduce_min3A_592 : vector<128xf32> to vector<1x128xf32>
      %eq3A_594 = vector.broadcast %broadcast_in_dim3A_593 : vector<1x128xf32> to vector<288x128xf32>
      %eq3A_595 = arith.cmpf oeq, %select_n3A_587, %eq3A_594 : vector<288x128xf32>
      %jit3A_596 = arith.constant 1.000000e+09 : f32
      %broadcast_in_dim3A_597 = vector.broadcast %jit3A_596 : f32 to vector<288x128xf32>
      %select_n3A_598 = arith.select %eq3A_595, %select_n3A_590, %broadcast_in_dim3A_597 : vector<288x128xi1>, vector<288x128xf32>
      %reduce_min3A_599 = arith.constant dense<0x7F800000> : vector<128xf32>
      %reduce_min3A_600 = vector.multi_reduction <minimumf>, %select_n3A_598, %reduce_min3A_599 [0] : vector<288x128xf32> to vector<128xf32>
      %broadcast_in_dim3A_601 = vector.shape_cast %reduce_min3A_600 : vector<128xf32> to vector<1x128xf32>
      %eq3A_602 = vector.broadcast %broadcast_in_dim3A_593 : vector<1x128xf32> to vector<288x128xf32>
      %eq3A_603 = arith.cmpf oeq, %select_n3A_587, %eq3A_602 : vector<288x128xf32>
      %eq3A_604 = vector.broadcast %broadcast_in_dim3A_601 : vector<1x128xf32> to vector<288x128xf32>
      %eq3A_605 = arith.cmpf oeq, %select_n3A_590, %eq3A_604 : vector<288x128xf32>
      %and3A_606 = arith.andi %eq3A_603, %eq3A_605 : vector<288x128xi1>
      %jit3A_607 = arith.constant 1.000000e+30 : f32
      %broadcast_in_dim3A_608 = vector.broadcast %jit3A_607 : f32 to vector<288x128xf32>
      %select_n3A_609 = arith.select %and3A_606, %broadcast_in_dim3A_608, %select_n3A_587 : vector<288x128xi1>, vector<288x128xf32>
      %jit3A_610 = arith.constant 1.000000e+09 : f32
      %broadcast_in_dim3A_611 = vector.broadcast %jit3A_610 : f32 to vector<288x128xf32>
      %select_n3A_612 = arith.select %and3A_606, %broadcast_in_dim3A_611, %select_n3A_590 : vector<288x128xi1>, vector<288x128xf32>
      %reduce_min3A_613 = arith.constant dense<0x7F800000> : vector<128xf32>
      %reduce_min3A_614 = vector.multi_reduction <minimumf>, %select_n3A_609, %reduce_min3A_613 [0] : vector<288x128xf32> to vector<128xf32>
      %broadcast_in_dim3A_615 = vector.shape_cast %reduce_min3A_614 : vector<128xf32> to vector<1x128xf32>
      %eq3A_616 = vector.broadcast %broadcast_in_dim3A_615 : vector<1x128xf32> to vector<288x128xf32>
      %eq3A_617 = arith.cmpf oeq, %select_n3A_609, %eq3A_616 : vector<288x128xf32>
      %jit3A_618 = arith.constant 1.000000e+09 : f32
      %broadcast_in_dim3A_619 = vector.broadcast %jit3A_618 : f32 to vector<288x128xf32>
      %select_n3A_620 = arith.select %eq3A_617, %select_n3A_612, %broadcast_in_dim3A_619 : vector<288x128xi1>, vector<288x128xf32>
      %reduce_min3A_621 = arith.constant dense<0x7F800000> : vector<128xf32>
      %reduce_min3A_622 = vector.multi_reduction <minimumf>, %select_n3A_620, %reduce_min3A_621 [0] : vector<288x128xf32> to vector<128xf32>
      %broadcast_in_dim3A_623 = vector.shape_cast %reduce_min3A_622 : vector<128xf32> to vector<1x128xf32>
      %eq3A_624 = vector.broadcast %broadcast_in_dim3A_615 : vector<1x128xf32> to vector<288x128xf32>
      %eq3A_625 = arith.cmpf oeq, %select_n3A_609, %eq3A_624 : vector<288x128xf32>
      %eq3A_626 = vector.broadcast %broadcast_in_dim3A_623 : vector<1x128xf32> to vector<288x128xf32>
      %eq3A_627 = arith.cmpf oeq, %select_n3A_612, %eq3A_626 : vector<288x128xf32>
      %and3A_628 = arith.andi %eq3A_625, %eq3A_627 : vector<288x128xi1>
      %jit3A_629 = arith.constant 1.000000e+30 : f32
      %broadcast_in_dim3A_630 = vector.broadcast %jit3A_629 : f32 to vector<288x128xf32>
      %select_n3A_631 = arith.select %and3A_628, %broadcast_in_dim3A_630, %select_n3A_609 : vector<288x128xi1>, vector<288x128xf32>
      %jit3A_632 = arith.constant 1.000000e+09 : f32
      %broadcast_in_dim3A_633 = vector.broadcast %jit3A_632 : f32 to vector<288x128xf32>
      %select_n3A_634 = arith.select %and3A_628, %broadcast_in_dim3A_633, %select_n3A_612 : vector<288x128xi1>, vector<288x128xf32>
      %reduce_min3A_635 = arith.constant dense<0x7F800000> : vector<128xf32>
      %reduce_min3A_636 = vector.multi_reduction <minimumf>, %select_n3A_631, %reduce_min3A_635 [0] : vector<288x128xf32> to vector<128xf32>
      %broadcast_in_dim3A_637 = vector.shape_cast %reduce_min3A_636 : vector<128xf32> to vector<1x128xf32>
      %eq3A_638 = vector.broadcast %broadcast_in_dim3A_637 : vector<1x128xf32> to vector<288x128xf32>
      %eq3A_639 = arith.cmpf oeq, %select_n3A_631, %eq3A_638 : vector<288x128xf32>
      %jit3A_640 = arith.constant 1.000000e+09 : f32
      %broadcast_in_dim3A_641 = vector.broadcast %jit3A_640 : f32 to vector<288x128xf32>
      %select_n3A_642 = arith.select %eq3A_639, %select_n3A_634, %broadcast_in_dim3A_641 : vector<288x128xi1>, vector<288x128xf32>
      %reduce_min3A_643 = arith.constant dense<0x7F800000> : vector<128xf32>
      %reduce_min3A_644 = vector.multi_reduction <minimumf>, %select_n3A_642, %reduce_min3A_643 [0] : vector<288x128xf32> to vector<128xf32>
      %broadcast_in_dim3A_645 = vector.shape_cast %reduce_min3A_644 : vector<128xf32> to vector<1x128xf32>
      %eq3A_646 = vector.broadcast %broadcast_in_dim3A_637 : vector<1x128xf32> to vector<288x128xf32>
      %eq3A_647 = arith.cmpf oeq, %select_n3A_631, %eq3A_646 : vector<288x128xf32>
      %eq3A_648 = vector.broadcast %broadcast_in_dim3A_645 : vector<1x128xf32> to vector<288x128xf32>
      %eq3A_649 = arith.cmpf oeq, %select_n3A_634, %eq3A_648 : vector<288x128xf32>
      %and3A_650 = arith.andi %eq3A_647, %eq3A_649 : vector<288x128xi1>
      %jit3A_651 = arith.constant 1.000000e+30 : f32
      %broadcast_in_dim3A_652 = vector.broadcast %jit3A_651 : f32 to vector<288x128xf32>
      %select_n3A_653 = arith.select %and3A_650, %broadcast_in_dim3A_652, %select_n3A_631 : vector<288x128xi1>, vector<288x128xf32>
      %jit3A_654 = arith.constant 1.000000e+09 : f32
      %broadcast_in_dim3A_655 = vector.broadcast %jit3A_654 : f32 to vector<288x128xf32>
      %select_n3A_656 = arith.select %and3A_650, %broadcast_in_dim3A_655, %select_n3A_634 : vector<288x128xi1>, vector<288x128xf32>
      %reduce_min3A_657 = arith.constant dense<0x7F800000> : vector<128xf32>
      %reduce_min3A_658 = vector.multi_reduction <minimumf>, %select_n3A_653, %reduce_min3A_657 [0] : vector<288x128xf32> to vector<128xf32>
      %broadcast_in_dim3A_659 = vector.shape_cast %reduce_min3A_658 : vector<128xf32> to vector<1x128xf32>
      %eq3A_660 = vector.broadcast %broadcast_in_dim3A_659 : vector<1x128xf32> to vector<288x128xf32>
      %eq3A_661 = arith.cmpf oeq, %select_n3A_653, %eq3A_660 : vector<288x128xf32>
      %jit3A_662 = arith.constant 1.000000e+09 : f32
      %broadcast_in_dim3A_663 = vector.broadcast %jit3A_662 : f32 to vector<288x128xf32>
      %select_n3A_664 = arith.select %eq3A_661, %select_n3A_656, %broadcast_in_dim3A_663 : vector<288x128xi1>, vector<288x128xf32>
      %reduce_min3A_665 = arith.constant dense<0x7F800000> : vector<128xf32>
      %reduce_min3A_666 = vector.multi_reduction <minimumf>, %select_n3A_664, %reduce_min3A_665 [0] : vector<288x128xf32> to vector<128xf32>
      %broadcast_in_dim3A_667 = vector.shape_cast %reduce_min3A_666 : vector<128xf32> to vector<1x128xf32>
      %eq3A_668 = vector.broadcast %broadcast_in_dim3A_659 : vector<1x128xf32> to vector<288x128xf32>
      %eq3A_669 = arith.cmpf oeq, %select_n3A_653, %eq3A_668 : vector<288x128xf32>
      %eq3A_670 = vector.broadcast %broadcast_in_dim3A_667 : vector<1x128xf32> to vector<288x128xf32>
      %eq3A_671 = arith.cmpf oeq, %select_n3A_656, %eq3A_670 : vector<288x128xf32>
      %and3A_672 = arith.andi %eq3A_669, %eq3A_671 : vector<288x128xi1>
      %jit3A_673 = arith.constant 1.000000e+30 : f32
      %broadcast_in_dim3A_674 = vector.broadcast %jit3A_673 : f32 to vector<288x128xf32>
      %select_n3A_675 = arith.select %and3A_672, %broadcast_in_dim3A_674, %select_n3A_653 : vector<288x128xi1>, vector<288x128xf32>
      %jit3A_676 = arith.constant 1.000000e+09 : f32
      %broadcast_in_dim3A_677 = vector.broadcast %jit3A_676 : f32 to vector<288x128xf32>
      %select_n3A_678 = arith.select %and3A_672, %broadcast_in_dim3A_677, %select_n3A_656 : vector<288x128xi1>, vector<288x128xf32>
      %reduce_min3A_679 = arith.constant dense<0x7F800000> : vector<128xf32>
      %reduce_min3A_680 = vector.multi_reduction <minimumf>, %select_n3A_675, %reduce_min3A_679 [0] : vector<288x128xf32> to vector<128xf32>
      %broadcast_in_dim3A_681 = vector.shape_cast %reduce_min3A_680 : vector<128xf32> to vector<1x128xf32>
      %eq3A_682 = vector.broadcast %broadcast_in_dim3A_681 : vector<1x128xf32> to vector<288x128xf32>
      %eq3A_683 = arith.cmpf oeq, %select_n3A_675, %eq3A_682 : vector<288x128xf32>
      %jit3A_684 = arith.constant 1.000000e+09 : f32
      %broadcast_in_dim3A_685 = vector.broadcast %jit3A_684 : f32 to vector<288x128xf32>
      %select_n3A_686 = arith.select %eq3A_683, %select_n3A_678, %broadcast_in_dim3A_685 : vector<288x128xi1>, vector<288x128xf32>
      %reduce_min3A_687 = arith.constant dense<0x7F800000> : vector<128xf32>
      %reduce_min3A_688 = vector.multi_reduction <minimumf>, %select_n3A_686, %reduce_min3A_687 [0] : vector<288x128xf32> to vector<128xf32>
      %broadcast_in_dim3A_689 = vector.shape_cast %reduce_min3A_688 : vector<128xf32> to vector<1x128xf32>
      %eq3A_690 = vector.broadcast %broadcast_in_dim3A_681 : vector<1x128xf32> to vector<288x128xf32>
      %eq3A_691 = arith.cmpf oeq, %select_n3A_675, %eq3A_690 : vector<288x128xf32>
      %eq3A_692 = vector.broadcast %broadcast_in_dim3A_689 : vector<1x128xf32> to vector<288x128xf32>
      %eq3A_693 = arith.cmpf oeq, %select_n3A_678, %eq3A_692 : vector<288x128xf32>
      %and3A_694 = arith.andi %eq3A_691, %eq3A_693 : vector<288x128xi1>
      %jit3A_695 = arith.constant 1.000000e+30 : f32
      %broadcast_in_dim3A_696 = vector.broadcast %jit3A_695 : f32 to vector<288x128xf32>
      %select_n3A_697 = arith.select %and3A_694, %broadcast_in_dim3A_696, %select_n3A_675 : vector<288x128xi1>, vector<288x128xf32>
      %jit3A_698 = arith.constant 1.000000e+09 : f32
      %broadcast_in_dim3A_699 = vector.broadcast %jit3A_698 : f32 to vector<288x128xf32>
      %select_n3A_700 = arith.select %and3A_694, %broadcast_in_dim3A_699, %select_n3A_678 : vector<288x128xi1>, vector<288x128xf32>
      %reduce_min3A_701 = arith.constant dense<0x7F800000> : vector<128xf32>
      %reduce_min3A_702 = vector.multi_reduction <minimumf>, %select_n3A_697, %reduce_min3A_701 [0] : vector<288x128xf32> to vector<128xf32>
      %broadcast_in_dim3A_703 = vector.shape_cast %reduce_min3A_702 : vector<128xf32> to vector<1x128xf32>
      %eq3A_704 = vector.broadcast %broadcast_in_dim3A_703 : vector<1x128xf32> to vector<288x128xf32>
      %eq3A_705 = arith.cmpf oeq, %select_n3A_697, %eq3A_704 : vector<288x128xf32>
      %jit3A_706 = arith.constant 1.000000e+09 : f32
      %broadcast_in_dim3A_707 = vector.broadcast %jit3A_706 : f32 to vector<288x128xf32>
      %select_n3A_708 = arith.select %eq3A_705, %select_n3A_700, %broadcast_in_dim3A_707 : vector<288x128xi1>, vector<288x128xf32>
      %reduce_min3A_709 = arith.constant dense<0x7F800000> : vector<128xf32>
      %reduce_min3A_710 = vector.multi_reduction <minimumf>, %select_n3A_708, %reduce_min3A_709 [0] : vector<288x128xf32> to vector<128xf32>
      %broadcast_in_dim3A_711 = vector.shape_cast %reduce_min3A_710 : vector<128xf32> to vector<1x128xf32>
      %eq3A_712 = vector.broadcast %broadcast_in_dim3A_703 : vector<1x128xf32> to vector<288x128xf32>
      %eq3A_713 = arith.cmpf oeq, %select_n3A_697, %eq3A_712 : vector<288x128xf32>
      %eq3A_714 = vector.broadcast %broadcast_in_dim3A_711 : vector<1x128xf32> to vector<288x128xf32>
      %eq3A_715 = arith.cmpf oeq, %select_n3A_700, %eq3A_714 : vector<288x128xf32>
      %and3A_716 = arith.andi %eq3A_713, %eq3A_715 : vector<288x128xi1>
      %jit3A_717 = arith.constant 1.000000e+30 : f32
      %broadcast_in_dim3A_718 = vector.broadcast %jit3A_717 : f32 to vector<288x128xf32>
      %select_n3A_719 = arith.select %and3A_716, %broadcast_in_dim3A_718, %select_n3A_697 : vector<288x128xi1>, vector<288x128xf32>
      %jit3A_720 = arith.constant 1.000000e+09 : f32
      %broadcast_in_dim3A_721 = vector.broadcast %jit3A_720 : f32 to vector<288x128xf32>
      %select_n3A_722 = arith.select %and3A_716, %broadcast_in_dim3A_721, %select_n3A_700 : vector<288x128xi1>, vector<288x128xf32>
      %reduce_min3A_723 = arith.constant dense<0x7F800000> : vector<128xf32>
      %reduce_min3A_724 = vector.multi_reduction <minimumf>, %select_n3A_719, %reduce_min3A_723 [0] : vector<288x128xf32> to vector<128xf32>
      %broadcast_in_dim3A_725 = vector.shape_cast %reduce_min3A_724 : vector<128xf32> to vector<1x128xf32>
      %eq3A_726 = vector.broadcast %broadcast_in_dim3A_725 : vector<1x128xf32> to vector<288x128xf32>
      %eq3A_727 = arith.cmpf oeq, %select_n3A_719, %eq3A_726 : vector<288x128xf32>
      %jit3A_728 = arith.constant 1.000000e+09 : f32
      %broadcast_in_dim3A_729 = vector.broadcast %jit3A_728 : f32 to vector<288x128xf32>
      %select_n3A_730 = arith.select %eq3A_727, %select_n3A_722, %broadcast_in_dim3A_729 : vector<288x128xi1>, vector<288x128xf32>
      %reduce_min3A_731 = arith.constant dense<0x7F800000> : vector<128xf32>
      %reduce_min3A_732 = vector.multi_reduction <minimumf>, %select_n3A_730, %reduce_min3A_731 [0] : vector<288x128xf32> to vector<128xf32>
      %broadcast_in_dim3A_733 = vector.shape_cast %reduce_min3A_732 : vector<128xf32> to vector<1x128xf32>
      %eq3A_734 = vector.broadcast %broadcast_in_dim3A_725 : vector<1x128xf32> to vector<288x128xf32>
      %eq3A_735 = arith.cmpf oeq, %select_n3A_719, %eq3A_734 : vector<288x128xf32>
      %eq3A_736 = vector.broadcast %broadcast_in_dim3A_733 : vector<1x128xf32> to vector<288x128xf32>
      %eq3A_737 = arith.cmpf oeq, %select_n3A_722, %eq3A_736 : vector<288x128xf32>
      %and3A_738 = arith.andi %eq3A_735, %eq3A_737 : vector<288x128xi1>
      %jit3A_739 = arith.constant 1.000000e+30 : f32
      %broadcast_in_dim3A_740 = vector.broadcast %jit3A_739 : f32 to vector<288x128xf32>
      %select_n3A_741 = arith.select %and3A_738, %broadcast_in_dim3A_740, %select_n3A_719 : vector<288x128xi1>, vector<288x128xf32>
      %jit3A_742 = arith.constant 1.000000e+09 : f32
      %broadcast_in_dim3A_743 = vector.broadcast %jit3A_742 : f32 to vector<288x128xf32>
      %select_n3A_744 = arith.select %and3A_738, %broadcast_in_dim3A_743, %select_n3A_722 : vector<288x128xi1>, vector<288x128xf32>
      %reduce_min3A_745 = arith.constant dense<0x7F800000> : vector<128xf32>
      %reduce_min3A_746 = vector.multi_reduction <minimumf>, %select_n3A_741, %reduce_min3A_745 [0] : vector<288x128xf32> to vector<128xf32>
      %broadcast_in_dim3A_747 = vector.shape_cast %reduce_min3A_746 : vector<128xf32> to vector<1x128xf32>
      %eq3A_748 = vector.broadcast %broadcast_in_dim3A_747 : vector<1x128xf32> to vector<288x128xf32>
      %eq3A_749 = arith.cmpf oeq, %select_n3A_741, %eq3A_748 : vector<288x128xf32>
      %jit3A_750 = arith.constant 1.000000e+09 : f32
      %broadcast_in_dim3A_751 = vector.broadcast %jit3A_750 : f32 to vector<288x128xf32>
      %select_n3A_752 = arith.select %eq3A_749, %select_n3A_744, %broadcast_in_dim3A_751 : vector<288x128xi1>, vector<288x128xf32>
      %reduce_min3A_753 = arith.constant dense<0x7F800000> : vector<128xf32>
      %reduce_min3A_754 = vector.multi_reduction <minimumf>, %select_n3A_752, %reduce_min3A_753 [0] : vector<288x128xf32> to vector<128xf32>
      %broadcast_in_dim3A_755 = vector.shape_cast %reduce_min3A_754 : vector<128xf32> to vector<1x128xf32>
      %eq3A_756 = vector.broadcast %broadcast_in_dim3A_747 : vector<1x128xf32> to vector<288x128xf32>
      %eq3A_757 = arith.cmpf oeq, %select_n3A_741, %eq3A_756 : vector<288x128xf32>
      %eq3A_758 = vector.broadcast %broadcast_in_dim3A_755 : vector<1x128xf32> to vector<288x128xf32>
      %eq3A_759 = arith.cmpf oeq, %select_n3A_744, %eq3A_758 : vector<288x128xf32>
      %and3A_760 = arith.andi %eq3A_757, %eq3A_759 : vector<288x128xi1>
      %jit3A_761 = arith.constant 1.000000e+30 : f32
      %broadcast_in_dim3A_762 = vector.broadcast %jit3A_761 : f32 to vector<288x128xf32>
      %select_n3A_763 = arith.select %and3A_760, %broadcast_in_dim3A_762, %select_n3A_741 : vector<288x128xi1>, vector<288x128xf32>
      %jit3A_764 = arith.constant 1.000000e+09 : f32
      %broadcast_in_dim3A_765 = vector.broadcast %jit3A_764 : f32 to vector<288x128xf32>
      %select_n3A_766 = arith.select %and3A_760, %broadcast_in_dim3A_765, %select_n3A_744 : vector<288x128xi1>, vector<288x128xf32>
      %reduce_min3A_767 = arith.constant dense<0x7F800000> : vector<128xf32>
      %reduce_min3A_768 = vector.multi_reduction <minimumf>, %select_n3A_763, %reduce_min3A_767 [0] : vector<288x128xf32> to vector<128xf32>
      %broadcast_in_dim3A_769 = vector.shape_cast %reduce_min3A_768 : vector<128xf32> to vector<1x128xf32>
      %eq3A_770 = vector.broadcast %broadcast_in_dim3A_769 : vector<1x128xf32> to vector<288x128xf32>
      %eq3A_771 = arith.cmpf oeq, %select_n3A_763, %eq3A_770 : vector<288x128xf32>
      %jit3A_772 = arith.constant 1.000000e+09 : f32
      %broadcast_in_dim3A_773 = vector.broadcast %jit3A_772 : f32 to vector<288x128xf32>
      %select_n3A_774 = arith.select %eq3A_771, %select_n3A_766, %broadcast_in_dim3A_773 : vector<288x128xi1>, vector<288x128xf32>
      %reduce_min3A_775 = arith.constant dense<0x7F800000> : vector<128xf32>
      %reduce_min3A_776 = vector.multi_reduction <minimumf>, %select_n3A_774, %reduce_min3A_775 [0] : vector<288x128xf32> to vector<128xf32>
      %broadcast_in_dim3A_777 = vector.shape_cast %reduce_min3A_776 : vector<128xf32> to vector<1x128xf32>
      %eq3A_778 = vector.broadcast %broadcast_in_dim3A_769 : vector<1x128xf32> to vector<288x128xf32>
      %eq3A_779 = arith.cmpf oeq, %select_n3A_763, %eq3A_778 : vector<288x128xf32>
      %eq3A_780 = vector.broadcast %broadcast_in_dim3A_777 : vector<1x128xf32> to vector<288x128xf32>
      %eq3A_781 = arith.cmpf oeq, %select_n3A_766, %eq3A_780 : vector<288x128xf32>
      %and3A_782 = arith.andi %eq3A_779, %eq3A_781 : vector<288x128xi1>
      %jit3A_783 = arith.constant 1.000000e+30 : f32
      %broadcast_in_dim3A_784 = vector.broadcast %jit3A_783 : f32 to vector<288x128xf32>
      %select_n3A_785 = arith.select %and3A_782, %broadcast_in_dim3A_784, %select_n3A_763 : vector<288x128xi1>, vector<288x128xf32>
      %jit3A_786 = arith.constant 1.000000e+09 : f32
      %broadcast_in_dim3A_787 = vector.broadcast %jit3A_786 : f32 to vector<288x128xf32>
      %select_n3A_788 = arith.select %and3A_782, %broadcast_in_dim3A_787, %select_n3A_766 : vector<288x128xi1>, vector<288x128xf32>
      %reduce_min3A_789 = arith.constant dense<0x7F800000> : vector<128xf32>
      %reduce_min3A_790 = vector.multi_reduction <minimumf>, %select_n3A_785, %reduce_min3A_789 [0] : vector<288x128xf32> to vector<128xf32>
      %broadcast_in_dim3A_791 = vector.shape_cast %reduce_min3A_790 : vector<128xf32> to vector<1x128xf32>
      %eq3A_792 = vector.broadcast %broadcast_in_dim3A_791 : vector<1x128xf32> to vector<288x128xf32>
      %eq3A_793 = arith.cmpf oeq, %select_n3A_785, %eq3A_792 : vector<288x128xf32>
      %jit3A_794 = arith.constant 1.000000e+09 : f32
      %broadcast_in_dim3A_795 = vector.broadcast %jit3A_794 : f32 to vector<288x128xf32>
      %select_n3A_796 = arith.select %eq3A_793, %select_n3A_788, %broadcast_in_dim3A_795 : vector<288x128xi1>, vector<288x128xf32>
      %reduce_min3A_797 = arith.constant dense<0x7F800000> : vector<128xf32>
      %reduce_min3A_798 = vector.multi_reduction <minimumf>, %select_n3A_796, %reduce_min3A_797 [0] : vector<288x128xf32> to vector<128xf32>
      %broadcast_in_dim3A_799 = vector.shape_cast %reduce_min3A_798 : vector<128xf32> to vector<1x128xf32>
      %eq3A_800 = vector.broadcast %broadcast_in_dim3A_791 : vector<1x128xf32> to vector<288x128xf32>
      %eq3A_801 = arith.cmpf oeq, %select_n3A_785, %eq3A_800 : vector<288x128xf32>
      %eq3A_802 = vector.broadcast %broadcast_in_dim3A_799 : vector<1x128xf32> to vector<288x128xf32>
      %eq3A_803 = arith.cmpf oeq, %select_n3A_788, %eq3A_802 : vector<288x128xf32>
      %and3A_804 = arith.andi %eq3A_801, %eq3A_803 : vector<288x128xi1>
      %jit3A_805 = arith.constant 1.000000e+30 : f32
      %broadcast_in_dim3A_806 = vector.broadcast %jit3A_805 : f32 to vector<288x128xf32>
      %select_n3A_807 = arith.select %and3A_804, %broadcast_in_dim3A_806, %select_n3A_785 : vector<288x128xi1>, vector<288x128xf32>
      %jit3A_808 = arith.constant 1.000000e+09 : f32
      %broadcast_in_dim3A_809 = vector.broadcast %jit3A_808 : f32 to vector<288x128xf32>
      %select_n3A_810 = arith.select %and3A_804, %broadcast_in_dim3A_809, %select_n3A_788 : vector<288x128xi1>, vector<288x128xf32>
      %reduce_min3A_811 = arith.constant dense<0x7F800000> : vector<128xf32>
      %reduce_min3A_812 = vector.multi_reduction <minimumf>, %select_n3A_807, %reduce_min3A_811 [0] : vector<288x128xf32> to vector<128xf32>
      %broadcast_in_dim3A_813 = vector.shape_cast %reduce_min3A_812 : vector<128xf32> to vector<1x128xf32>
      %eq3A_814 = vector.broadcast %broadcast_in_dim3A_813 : vector<1x128xf32> to vector<288x128xf32>
      %eq3A_815 = arith.cmpf oeq, %select_n3A_807, %eq3A_814 : vector<288x128xf32>
      %jit3A_816 = arith.constant 1.000000e+09 : f32
      %broadcast_in_dim3A_817 = vector.broadcast %jit3A_816 : f32 to vector<288x128xf32>
      %select_n3A_818 = arith.select %eq3A_815, %select_n3A_810, %broadcast_in_dim3A_817 : vector<288x128xi1>, vector<288x128xf32>
      %reduce_min3A_819 = arith.constant dense<0x7F800000> : vector<128xf32>
      %reduce_min3A_820 = vector.multi_reduction <minimumf>, %select_n3A_818, %reduce_min3A_819 [0] : vector<288x128xf32> to vector<128xf32>
      %broadcast_in_dim3A_821 = vector.shape_cast %reduce_min3A_820 : vector<128xf32> to vector<1x128xf32>
      %eq3A_822 = vector.broadcast %broadcast_in_dim3A_813 : vector<1x128xf32> to vector<288x128xf32>
      %eq3A_823 = arith.cmpf oeq, %select_n3A_807, %eq3A_822 : vector<288x128xf32>
      %eq3A_824 = vector.broadcast %broadcast_in_dim3A_821 : vector<1x128xf32> to vector<288x128xf32>
      %eq3A_825 = arith.cmpf oeq, %select_n3A_810, %eq3A_824 : vector<288x128xf32>
      %and3A_826 = arith.andi %eq3A_823, %eq3A_825 : vector<288x128xi1>
      %jit3A_827 = arith.constant 1.000000e+30 : f32
      %broadcast_in_dim3A_828 = vector.broadcast %jit3A_827 : f32 to vector<288x128xf32>
      %select_n3A_829 = arith.select %and3A_826, %broadcast_in_dim3A_828, %select_n3A_807 : vector<288x128xi1>, vector<288x128xf32>
      %jit3A_830 = arith.constant 1.000000e+09 : f32
      %broadcast_in_dim3A_831 = vector.broadcast %jit3A_830 : f32 to vector<288x128xf32>
      %select_n3A_832 = arith.select %and3A_826, %broadcast_in_dim3A_831, %select_n3A_810 : vector<288x128xi1>, vector<288x128xf32>
      %reduce_min3A_833 = arith.constant dense<0x7F800000> : vector<128xf32>
      %reduce_min3A_834 = vector.multi_reduction <minimumf>, %select_n3A_829, %reduce_min3A_833 [0] : vector<288x128xf32> to vector<128xf32>
      %broadcast_in_dim3A_835 = vector.shape_cast %reduce_min3A_834 : vector<128xf32> to vector<1x128xf32>
      %eq3A_836 = vector.broadcast %broadcast_in_dim3A_835 : vector<1x128xf32> to vector<288x128xf32>
      %eq3A_837 = arith.cmpf oeq, %select_n3A_829, %eq3A_836 : vector<288x128xf32>
      %jit3A_838 = arith.constant 1.000000e+09 : f32
      %broadcast_in_dim3A_839 = vector.broadcast %jit3A_838 : f32 to vector<288x128xf32>
      %select_n3A_840 = arith.select %eq3A_837, %select_n3A_832, %broadcast_in_dim3A_839 : vector<288x128xi1>, vector<288x128xf32>
      %reduce_min3A_841 = arith.constant dense<0x7F800000> : vector<128xf32>
      %reduce_min3A_842 = vector.multi_reduction <minimumf>, %select_n3A_840, %reduce_min3A_841 [0] : vector<288x128xf32> to vector<128xf32>
      %broadcast_in_dim3A_843 = vector.shape_cast %reduce_min3A_842 : vector<128xf32> to vector<1x128xf32>
      %eq3A_844 = vector.broadcast %broadcast_in_dim3A_835 : vector<1x128xf32> to vector<288x128xf32>
      %eq3A_845 = arith.cmpf oeq, %select_n3A_829, %eq3A_844 : vector<288x128xf32>
      %eq3A_846 = vector.broadcast %broadcast_in_dim3A_843 : vector<1x128xf32> to vector<288x128xf32>
      %eq3A_847 = arith.cmpf oeq, %select_n3A_832, %eq3A_846 : vector<288x128xf32>
      %and3A_848 = arith.andi %eq3A_845, %eq3A_847 : vector<288x128xi1>
      %jit3A_849 = arith.constant 1.000000e+30 : f32
      %broadcast_in_dim3A_850 = vector.broadcast %jit3A_849 : f32 to vector<288x128xf32>
      %select_n3A_851 = arith.select %and3A_848, %broadcast_in_dim3A_850, %select_n3A_829 : vector<288x128xi1>, vector<288x128xf32>
      %jit3A_852 = arith.constant 1.000000e+09 : f32
      %broadcast_in_dim3A_853 = vector.broadcast %jit3A_852 : f32 to vector<288x128xf32>
      %select_n3A_854 = arith.select %and3A_848, %broadcast_in_dim3A_853, %select_n3A_832 : vector<288x128xi1>, vector<288x128xf32>
      %reduce_min3A_855 = arith.constant dense<0x7F800000> : vector<128xf32>
      %reduce_min3A_856 = vector.multi_reduction <minimumf>, %select_n3A_851, %reduce_min3A_855 [0] : vector<288x128xf32> to vector<128xf32>
      %broadcast_in_dim3A_857 = vector.shape_cast %reduce_min3A_856 : vector<128xf32> to vector<1x128xf32>
      %eq3A_858 = vector.broadcast %broadcast_in_dim3A_857 : vector<1x128xf32> to vector<288x128xf32>
      %eq3A_859 = arith.cmpf oeq, %select_n3A_851, %eq3A_858 : vector<288x128xf32>
      %jit3A_860 = arith.constant 1.000000e+09 : f32
      %broadcast_in_dim3A_861 = vector.broadcast %jit3A_860 : f32 to vector<288x128xf32>
      %select_n3A_862 = arith.select %eq3A_859, %select_n3A_854, %broadcast_in_dim3A_861 : vector<288x128xi1>, vector<288x128xf32>
      %reduce_min3A_863 = arith.constant dense<0x7F800000> : vector<128xf32>
      %reduce_min3A_864 = vector.multi_reduction <minimumf>, %select_n3A_862, %reduce_min3A_863 [0] : vector<288x128xf32> to vector<128xf32>
      %broadcast_in_dim3A_865 = vector.shape_cast %reduce_min3A_864 : vector<128xf32> to vector<1x128xf32>
      %eq3A_866 = vector.broadcast %broadcast_in_dim3A_857 : vector<1x128xf32> to vector<288x128xf32>
      %eq3A_867 = arith.cmpf oeq, %select_n3A_851, %eq3A_866 : vector<288x128xf32>
      %eq3A_868 = vector.broadcast %broadcast_in_dim3A_865 : vector<1x128xf32> to vector<288x128xf32>
      %eq3A_869 = arith.cmpf oeq, %select_n3A_854, %eq3A_868 : vector<288x128xf32>
      %and3A_870 = arith.andi %eq3A_867, %eq3A_869 : vector<288x128xi1>
      %jit3A_871 = arith.constant 1.000000e+30 : f32
      %broadcast_in_dim3A_872 = vector.broadcast %jit3A_871 : f32 to vector<288x128xf32>
      %select_n3A_873 = arith.select %and3A_870, %broadcast_in_dim3A_872, %select_n3A_851 : vector<288x128xi1>, vector<288x128xf32>
      %jit3A_874 = arith.constant 1.000000e+09 : f32
      %broadcast_in_dim3A_875 = vector.broadcast %jit3A_874 : f32 to vector<288x128xf32>
      %select_n3A_876 = arith.select %and3A_870, %broadcast_in_dim3A_875, %select_n3A_854 : vector<288x128xi1>, vector<288x128xf32>
      %concatenate3A_877 = tpu.concatenate %broadcast_in_dim3A_175, %broadcast_in_dim3A_197, %broadcast_in_dim3A_219, %broadcast_in_dim3A_241, %broadcast_in_dim3A_263, %broadcast_in_dim3A_285, %broadcast_in_dim3A_307, %broadcast_in_dim3A_329, %broadcast_in_dim3A_351, %broadcast_in_dim3A_373, %broadcast_in_dim3A_395, %broadcast_in_dim3A_417, %broadcast_in_dim3A_439, %broadcast_in_dim3A_461, %broadcast_in_dim3A_483, %broadcast_in_dim3A_505, %broadcast_in_dim3A_527, %broadcast_in_dim3A_549, %broadcast_in_dim3A_571, %broadcast_in_dim3A_593, %broadcast_in_dim3A_615, %broadcast_in_dim3A_637, %broadcast_in_dim3A_659, %broadcast_in_dim3A_681, %broadcast_in_dim3A_703, %broadcast_in_dim3A_725, %broadcast_in_dim3A_747, %broadcast_in_dim3A_769, %broadcast_in_dim3A_791, %broadcast_in_dim3A_813, %broadcast_in_dim3A_835, %broadcast_in_dim3A_857 in 0 : vector<1x128xf32>, vector<1x128xf32>, vector<1x128xf32>, vector<1x128xf32>, vector<1x128xf32>, vector<1x128xf32>, vector<1x128xf32>, vector<1x128xf32>, vector<1x128xf32>, vector<1x128xf32>, vector<1x128xf32>, vector<1x128xf32>, vector<1x128xf32>, vector<1x128xf32>, vector<1x128xf32>, vector<1x128xf32>, vector<1x128xf32>, vector<1x128xf32>, vector<1x128xf32>, vector<1x128xf32>, vector<1x128xf32>, vector<1x128xf32>, vector<1x128xf32>, vector<1x128xf32>, vector<1x128xf32>, vector<1x128xf32>, vector<1x128xf32>, vector<1x128xf32>, vector<1x128xf32>, vector<1x128xf32>, vector<1x128xf32>, vector<1x128xf32> -> vector<32x128xf32>
      %concatenate3A_878 = tpu.concatenate %broadcast_in_dim3A_183, %broadcast_in_dim3A_205, %broadcast_in_dim3A_227, %broadcast_in_dim3A_249, %broadcast_in_dim3A_271, %broadcast_in_dim3A_293, %broadcast_in_dim3A_315, %broadcast_in_dim3A_337, %broadcast_in_dim3A_359, %broadcast_in_dim3A_381, %broadcast_in_dim3A_403, %broadcast_in_dim3A_425, %broadcast_in_dim3A_447, %broadcast_in_dim3A_469, %broadcast_in_dim3A_491, %broadcast_in_dim3A_513, %broadcast_in_dim3A_535, %broadcast_in_dim3A_557, %broadcast_in_dim3A_579, %broadcast_in_dim3A_601, %broadcast_in_dim3A_623, %broadcast_in_dim3A_645, %broadcast_in_dim3A_667, %broadcast_in_dim3A_689, %broadcast_in_dim3A_711, %broadcast_in_dim3A_733, %broadcast_in_dim3A_755, %broadcast_in_dim3A_777, %broadcast_in_dim3A_799, %broadcast_in_dim3A_821, %broadcast_in_dim3A_843, %broadcast_in_dim3A_865 in 0 : vector<1x128xf32>, vector<1x128xf32>, vector<1x128xf32>, vector<1x128xf32>, vector<1x128xf32>, vector<1x128xf32>, vector<1x128xf32>, vector<1x128xf32>, vector<1x128xf32>, vector<1x128xf32>, vector<1x128xf32>, vector<1x128xf32>, vector<1x128xf32>, vector<1x128xf32>, vector<1x128xf32>, vector<1x128xf32>, vector<1x128xf32>, vector<1x128xf32>, vector<1x128xf32>, vector<1x128xf32>, vector<1x128xf32>, vector<1x128xf32>, vector<1x128xf32>, vector<1x128xf32>, vector<1x128xf32>, vector<1x128xf32>, vector<1x128xf32>, vector<1x128xf32>, vector<1x128xf32>, vector<1x128xf32>, vector<1x128xf32>, vector<1x128xf32> -> vector<32x128xf32>
      scf.yield %concatenate3A_877, %concatenate3A_878 : vector<32x128xf32>, vector<32x128xf32>
    }
    %lt3A = arith.constant 1.000000e+02 : f32
    %lt3A_101 = vector.broadcast %lt3A : f32 to vector<32x128xf32>
    %lt3A_102 = arith.cmpf olt, %while3A_100#0, %lt3A_101 : vector<32x128xf32>
    %max3A = arith.constant 9.99999996E-13 : f32
    %max3A_103 = vector.broadcast %max3A : f32 to vector<32x128xf32>
    %max3A_104 = arith.maximumf %while3A_100#0, %max3A_103 : vector<32x128xf32>
    %sqrt3A = math.sqrt %max3A_104 : vector<32x128xf32>
    %jit3A_105 = arith.constant 1.000000e+10 : f32
    %broadcast_in_dim3A_106 = vector.broadcast %jit3A_105 : f32 to vector<32x128xf32>
    %select_n3A_107 = arith.select %lt3A_102, %sqrt3A, %broadcast_in_dim3A_106 : vector<32x128xi1>, vector<32x128xf32>
    %swap3A = arith.constant 0 : index
    %swap3A_108 = arith.constant 0 : index
    %swap3A_109 = vector.load %arg6[%swap3A, %swap3A_108] : memref<32x128xf32, #tpu.memory_space<vmem>>, vector<32x128xf32>
    tpu.vector_store %arg6[%swap3A, %swap3A_108], %select_n3A_107 {strides = array<i32>} : memref<32x128xf32, #tpu.memory_space<vmem>>, vector<32x128xf32>,
    %broadcast_in_dim3A_110 = vector.shape_cast %add3A_14 : vector<1x128xf32> to vector<1x128xf32>
    %broadcast_in_dim3A_111 = vector.broadcast %broadcast_in_dim3A_110 : vector<1x128xf32> to vector<32x128xf32>
    %select_n3A_112 = arith.select %lt3A_102, %while3A_100#1, %broadcast_in_dim3A_111 : vector<32x128xi1>, vector<32x128xf32>
    %convert_element_type3A_113 = arith.fptosi %select_n3A_112 : vector<32x128xf32> to vector<32x128xi32>
    %swap3A_114 = arith.constant 0 : index
    %swap3A_115 = arith.constant 0 : index
    %swap3A_116 = vector.load %arg5[%swap3A_114, %swap3A_115] : memref<32x128xi32, #tpu.memory_space<vmem>>, vector<32x128xi32>
    tpu.vector_store %arg5[%swap3A_114, %swap3A_115], %convert_element_type3A_113 {strides = array<i32>} : memref<32x128xi32, #tpu.memory_space<vmem>>, vector<32x128xi32>,
    return
  }
  func.func @transform_0(%arg0: i32) -> (i32, i32) {
    %c0_i32 = arith.constant 0 : i32
    %c0_i32_0 = arith.constant 0 : i32
    %c0_i32_1 = arith.constant 0 : i32
    return %c0_i32, %c0_i32_0 : i32, i32
  }
  func.func @transform_1(%arg0: i32) -> (i32, i32) {
    %c0_i32 = arith.constant 0 : i32
    %c0_i32_0 = arith.constant 0 : i32
    return %c0_i32, %arg0 : i32, i32
  }
  func.func @transform_2(%arg0: i32) -> (i32, i32) {
    %c0_i32 = arith.constant 0 : i32
    %c0_i32_0 = arith.constant 0 : i32
    %c0_i32_1 = arith.constant 0 : i32
    return %c0_i32, %c0_i32_0 : i32, i32
  }
  func.func @transform_3(%arg0: i32) -> (i32, i32) {
    %c0_i32 = arith.constant 0 : i32
    %c0_i32_0 = arith.constant 0 : i32
    return %c0_i32, %arg0 : i32, i32
  }
  func.func @transform_4(%arg0: i32) -> (i32, i32) {
    %c0_i32 = arith.constant 0 : i32
    %c0_i32_0 = arith.constant 0 : i32
    return %c0_i32, %arg0 : i32, i32
  }
  func.func @transform_5(%arg0: i32) -> (i32, i32) {
    %c0_i32 = arith.constant 0 : i32
    %c0_i32_0 = arith.constant 0 : i32
    return %c0_i32, %arg0 : i32, i32
  }
}

module attributes {stable_mosaic.version = 14 : i64} {
  func.func @_embed_body(%arg0: i32, %arg1: memref<256x11xf32, #tpu.memory_space<vmem>>, %arg2: memref<128x128xf32, #tpu.memory_space<vmem>>, %arg3: memref<128x128xf32, #tpu.memory_space<vmem>>, %arg4: memref<256x128xf32, #tpu.memory_space<vmem>>, %arg5: memref<256x128xf32, #tpu.memory_space<vmem>>) attributes {dimension_semantics = [#tpu.dimension_semantics<arbitrary>], iteration_bounds = array<i64: 16>, scalar_prefetch = 0 : i64, scratch_operands = 0 : i64, tpu.core_type = #tpu.core_type<tc>, window_params = [{transform_indices = @transform_0, window_bounds = array<i64: 256, 11>}, {pipeline_mode = #tpu.pipeline_mode<synchronous>, transform_indices = @transform_1, window_bounds = array<i64: 128, 128>}, {pipeline_mode = #tpu.pipeline_mode<synchronous>, transform_indices = @transform_2, window_bounds = array<i64: 128, 128>}, {transform_indices = @transform_3, window_bounds = array<i64: 256, 128>}, {transform_indices = @transform_4, window_bounds = array<i64: 256, 128>}]} {
    %get3A = arith.constant 0 : index
    %get3A_0 = arith.constant 5 : index
    %get3A_1 = vector.load %arg1[%get3A, %get3A_0] : memref<256x11xf32, #tpu.memory_space<vmem>>, vector<256x1xf32>
    %convert_element_type3A = arith.fptosi %get3A_1 : vector<256x1xf32> to vector<256x1xi32>
    %convert_element_type3A_2 = arith.sitofp %convert_element_type3A : vector<256x1xi32> to vector<256x1xf32>
    %iota3A = tpu.iota {dimensions = array<i32: 1>} : vector<1x128xi32>
    %convert_element_type3A_3 = arith.sitofp %iota3A : vector<1x128xi32> to vector<1x128xf32>
    %eq3A = vector.broadcast %convert_element_type3A_2 : vector<256x1xf32> to vector<256x128xf32>
    %eq3A_4 = vector.broadcast %convert_element_type3A_3 : vector<1x128xf32> to vector<256x128xf32>
    %eq3A_5 = arith.cmpf oeq, %eq3A, %eq3A_4 : vector<256x128xf32>
    %convert_element_type3A_6 = arith.extui %eq3A_5 : vector<256x128xi1> to vector<256x128xi32>
    %convert_element_type3A_7 = arith.sitofp %convert_element_type3A_6 : vector<256x128xi32> to vector<256x128xf32>
    %get3A_8 = arith.constant 0 : index
    %get3A_9 = arith.constant 0 : index
    %get3A_10 = vector.load %arg2[%get3A_8, %get3A_9] : memref<128x128xf32, #tpu.memory_space<vmem>>, vector<128x128xf32>
    %dot_general3A = arith.constant dense<0.000000e+00> : vector<256x128xf32>
    %dot_general3A_11 = tpu.matmul %convert_element_type3A_7, %get3A_10, %dot_general3A {dimension_numbers = #tpu.dot_dimension_numbers<[1], [0], [0], [1], [0, 0, 1, 1], [], []>, transpose_lhs_hint = false} : vector<256x128xf32>, vector<128x128xf32>, vector<256x128xf32> -> vector<256x128xf32>
    %swap3A = arith.constant 0 : index
    %swap3A_12 = arith.constant 0 : index
    %swap3A_13 = vector.load %arg4[%swap3A, %swap3A_12] : memref<256x128xf32, #tpu.memory_space<vmem>>, vector<256x128xf32>
    tpu.vector_store %arg4[%swap3A, %swap3A_12], %dot_general3A_11 {strides = array<i32>} : memref<256x128xf32, #tpu.memory_space<vmem>>, vector<256x128xf32>,
    %get3A_14 = arith.constant 0 : index
    %get3A_15 = arith.constant 0 : index
    %get3A_16 = vector.load %arg3[%get3A_14, %get3A_15] : memref<128x128xf32, #tpu.memory_space<vmem>>, vector<128x128xf32>
    %dot_general3A_17 = arith.constant dense<0.000000e+00> : vector<256x128xf32>
    %dot_general3A_18 = tpu.matmul %dot_general3A_11, %get3A_16, %dot_general3A_17 {dimension_numbers = #tpu.dot_dimension_numbers<[1], [0], [0], [1], [0, 0, 1, 1], [], []>, transpose_lhs_hint = false} : vector<256x128xf32>, vector<128x128xf32>, vector<256x128xf32> -> vector<256x128xf32>
    %swap3A_19 = arith.constant 0 : index
    %swap3A_20 = arith.constant 0 : index
    %swap3A_21 = vector.load %arg5[%swap3A_19, %swap3A_20] : memref<256x128xf32, #tpu.memory_space<vmem>>, vector<256x128xf32>
    tpu.vector_store %arg5[%swap3A_19, %swap3A_20], %dot_general3A_18 {strides = array<i32>} : memref<256x128xf32, #tpu.memory_space<vmem>>, vector<256x128xf32>,
    return
  }
  func.func @transform_0(%arg0: i32) -> (i32, i32) {
    %c0_i32 = arith.constant 0 : i32
    %c0_i32_0 = arith.constant 0 : i32
    return %arg0, %c0_i32 : i32, i32
  }
  func.func @transform_1(%arg0: i32) -> (i32, i32) {
    %c0_i32 = arith.constant 0 : i32
    %c0_i32_0 = arith.constant 0 : i32
    %c0_i32_1 = arith.constant 0 : i32
    return %c0_i32, %c0_i32_0 : i32, i32
  }
  func.func @transform_2(%arg0: i32) -> (i32, i32) {
    %c0_i32 = arith.constant 0 : i32
    %c0_i32_0 = arith.constant 0 : i32
    %c0_i32_1 = arith.constant 0 : i32
    return %c0_i32, %c0_i32_0 : i32, i32
  }
  func.func @transform_3(%arg0: i32) -> (i32, i32) {
    %c0_i32 = arith.constant 0 : i32
    %c0_i32_0 = arith.constant 0 : i32
    return %arg0, %c0_i32 : i32, i32
  }
  func.func @transform_4(%arg0: i32) -> (i32, i32) {
    %c0_i32 = arith.constant 0 : i32
    %c0_i32_0 = arith.constant 0 : i32
    return %arg0, %c0_i32 : i32, i32
  }
}

module attributes {stable_mosaic.version = 14 : i64} {
  func.func @_msg_body(%arg0: i32, %arg1: memref<256x32xf32, #tpu.memory_space<vmem>>, %arg2: memref<256x8x128xf32, #tpu.memory_space<vmem>>, %arg3: memref<256x8x128xf32, #tpu.memory_space<vmem>>, %arg4: memref<256x8x128xf32, #tpu.memory_space<vmem>>, %arg5: memref<256x8x128xf32, #tpu.memory_space<vmem>>, %arg6: memref<256x128xf32, #tpu.memory_space<vmem>>, %arg7: memref<1x64xf32, #tpu.memory_space<vmem>>, %arg8: memref<1x1xf32, #tpu.memory_space<vmem>>, %arg9: memref<64x128xf32, #tpu.memory_space<vmem>>, %arg10: memref<1x128xf32, #tpu.memory_space<vmem>>, %arg11: memref<128x128xf32, #tpu.memory_space<vmem>>, %arg12: memref<1x128xf32, #tpu.memory_space<vmem>>, %arg13: memref<128x128xf32, #tpu.memory_space<vmem>>, %arg14: memref<1x128xf32, #tpu.memory_space<vmem>>, %arg15: memref<128x128xf32, #tpu.memory_space<vmem>>, %arg16: memref<1x128xf32, #tpu.memory_space<vmem>>, %arg17: memref<128x128xf32, #tpu.memory_space<vmem>>, %arg18: memref<256x128xf32, #tpu.memory_space<vmem>>, %arg19: memref<256x128xf32, #tpu.memory_space<vmem>>) attributes {dimension_semantics = [#tpu.dimension_semantics<arbitrary>], iteration_bounds = array<i64: 16>, scalar_prefetch = 0 : i64, scratch_operands = 0 : i64, tpu.core_type = #tpu.core_type<tc>, window_params = [{transform_indices = @transform_0, window_bounds = array<i64: 256, 32>}, {transform_indices = @transform_1, window_bounds = array<i64: 256, 8, 128>}, {transform_indices = @transform_2, window_bounds = array<i64: 256, 8, 128>}, {transform_indices = @transform_3, window_bounds = array<i64: 256, 8, 128>}, {transform_indices = @transform_4, window_bounds = array<i64: 256, 8, 128>}, {transform_indices = @transform_5, window_bounds = array<i64: 256, 128>}, {pipeline_mode = #tpu.pipeline_mode<synchronous>, transform_indices = @transform_6, window_bounds = array<i64: 1, 64>}, {pipeline_mode = #tpu.pipeline_mode<synchronous>, transform_indices = @transform_7, window_bounds = array<i64: 1, 1>}, {pipeline_mode = #tpu.pipeline_mode<synchronous>, transform_indices = @transform_8, window_bounds = array<i64: 64, 128>}, {pipeline_mode = #tpu.pipeline_mode<synchronous>, transform_indices = @transform_9, window_bounds = array<i64: 1, 128>}, {pipeline_mode = #tpu.pipeline_mode<synchronous>, transform_indices = @transform_10, window_bounds = array<i64: 128, 128>}, {pipeline_mode = #tpu.pipeline_mode<synchronous>, transform_indices = @transform_11, window_bounds = array<i64: 1, 128>}, {pipeline_mode = #tpu.pipeline_mode<synchronous>, transform_indices = @transform_12, window_bounds = array<i64: 128, 128>}, {pipeline_mode = #tpu.pipeline_mode<synchronous>, transform_indices = @transform_13, window_bounds = array<i64: 1, 128>}, {pipeline_mode = #tpu.pipeline_mode<synchronous>, transform_indices = @transform_14, window_bounds = array<i64: 128, 128>}, {pipeline_mode = #tpu.pipeline_mode<synchronous>, transform_indices = @transform_15, window_bounds = array<i64: 1, 128>}, {pipeline_mode = #tpu.pipeline_mode<synchronous>, transform_indices = @transform_16, window_bounds = array<i64: 128, 128>}, {transform_indices = @transform_17, window_bounds = array<i64: 256, 128>}, {transform_indices = @transform_18, window_bounds = array<i64: 256, 128>}]} {
    %get3A = arith.constant 0 : index
    %get3A_0 = arith.constant 0 : index
    %get3A_1 = vector.load %arg1[%get3A, %get3A_0] : memref<256x32xf32, #tpu.memory_space<vmem>>, vector<256x32xf32>
    %broadcast_in_dim3A = vector.shape_cast %get3A_1 : vector<256x32xf32> to vector<256x32x1xf32>
    %get3A_2 = arith.constant 0 : index
    %get3A_3 = arith.constant 0 : index
    %get3A_4 = vector.load %arg7[%get3A_2, %get3A_3] : memref<1x64xf32, #tpu.memory_space<vmem>>, vector<1x64xf32>
    %broadcast_in_dim3A_5 = vector.shape_cast %get3A_4 : vector<1x64xf32> to vector<1x1x64xf32>
    %sub3A = vector.broadcast %broadcast_in_dim3A : vector<256x32x1xf32> to vector<256x32x64xf32>
    %sub3A_6 = vector.broadcast %broadcast_in_dim3A_5 : vector<1x1x64xf32> to vector<256x32x64xf32>
    %sub3A_7 = arith.subf %sub3A, %sub3A_6 : vector<256x32x64xf32>
    %get3A_8 = arith.constant 0 : index
    %get3A_9 = arith.constant 0 : index
    %get3A_10 = vector.load %arg8[%get3A_8, %get3A_9] : memref<1x1xf32, #tpu.memory_space<vmem>>, vector<1x1xf32>
    %get3A_11 = vector.extract %get3A_10[0, 0] : f32 from vector<1x1xf32>
    %mul3A = arith.mulf %sub3A_7, %sub3A_7 : vector<256x32x64xf32>
    %mul3A_12 = vector.broadcast %get3A_11 : f32 to vector<256x32x64xf32>
    %mul3A_13 = arith.mulf %mul3A_12, %mul3A : vector<256x32x64xf32>
    %exp3A = math.exp %mul3A_13 : vector<256x32x64xf32>
    %reshape3A = vector.shape_cast %exp3A : vector<256x32x64xf32> to vector<8192x64xf32>
    %get3A_14 = arith.constant 0 : index
    %get3A_15 = arith.constant 0 : index
    %get3A_16 = vector.load %arg9[%get3A_14, %get3A_15] : memref<64x128xf32, #tpu.memory_space<vmem>>, vector<64x128xf32>
    %dot_general3A = arith.constant dense<0.000000e+00> : vector<8192x128xf32>
    %dot_general3A_17 = tpu.matmul %reshape3A, %get3A_16, %dot_general3A {dimension_numbers = #tpu.dot_dimension_numbers<[1], [0], [0], [1], [0, 0, 1, 1], [], []>, transpose_lhs_hint = false} : vector<8192x64xf32>, vector<64x128xf32>, vector<8192x128xf32> -> vector<8192x128xf32>
    %get3A_18 = arith.constant 0 : index
    %get3A_19 = arith.constant 0 : index
    %get3A_20 = vector.load %arg10[%get3A_18, %get3A_19] : memref<1x128xf32, #tpu.memory_space<vmem>>, vector<1x128xf32>
    %add3A = vector.broadcast %get3A_20 : vector<1x128xf32> to vector<8192x128xf32>
    %add3A_21 = arith.addf %dot_general3A_17, %add3A : vector<8192x128xf32>
    %max3A = arith.constant 0.000000e+00 : f32
    %max3A_22 = vector.broadcast %max3A : f32 to vector<8192x128xf32>
    %max3A_23 = arith.maximumf %add3A_21, %max3A_22 : vector<8192x128xf32>
    %abs3A = math.absf %add3A_21 : vector<8192x128xf32>
    %neg3A = arith.constant 0.000000e+00 : f32
    %neg3A_24 = vector.broadcast %neg3A : f32 to vector<8192x128xf32>
    %neg3A_25 = arith.subf %neg3A_24, %abs3A : vector<8192x128xf32>
    %exp3A_26 = math.exp %neg3A_25 : vector<8192x128xf32>
    %log1p3A = math.log1p %exp3A_26 : vector<8192x128xf32>
    %add3A_27 = arith.addf %max3A_23, %log1p3A : vector<8192x128xf32>
    %sub3A_28 = arith.constant 0.693147182 : f32
    %sub3A_29 = vector.broadcast %sub3A_28 : f32 to vector<8192x128xf32>
    %sub3A_30 = arith.subf %add3A_27, %sub3A_29 : vector<8192x128xf32>
    %get3A_31 = arith.constant 0 : index
    %get3A_32 = arith.constant 0 : index
    %get3A_33 = vector.load %arg11[%get3A_31, %get3A_32] : memref<128x128xf32, #tpu.memory_space<vmem>>, vector<128x128xf32>
    %dot_general3A_34 = arith.constant dense<0.000000e+00> : vector<8192x128xf32>
    %dot_general3A_35 = tpu.matmul %sub3A_30, %get3A_33, %dot_general3A_34 {dimension_numbers = #tpu.dot_dimension_numbers<[1], [0], [0], [1], [0, 0, 1, 1], [], []>, transpose_lhs_hint = false} : vector<8192x128xf32>, vector<128x128xf32>, vector<8192x128xf32> -> vector<8192x128xf32>
    %get3A_36 = arith.constant 0 : index
    %get3A_37 = arith.constant 0 : index
    %get3A_38 = vector.load %arg12[%get3A_36, %get3A_37] : memref<1x128xf32, #tpu.memory_space<vmem>>, vector<1x128xf32>
    %add3A_39 = vector.broadcast %get3A_38 : vector<1x128xf32> to vector<8192x128xf32>
    %add3A_40 = arith.addf %dot_general3A_35, %add3A_39 : vector<8192x128xf32>
    %min3A = arith.constant 1.000000e+01 : f32
    %min3A_41 = vector.broadcast %min3A : f32 to vector<256x32x1xf32>
    %min3A_42 = arith.minimumf %broadcast_in_dim3A, %min3A_41 : vector<256x32x1xf32>
    %mul3A_43 = arith.constant 0.314159274 : f32
    %mul3A_44 = vector.broadcast %mul3A_43 : f32 to vector<256x32x1xf32>
    %mul3A_45 = arith.mulf %min3A_42, %mul3A_44 : vector<256x32x1xf32>
    %cos3A = math.cos %mul3A_45 : vector<256x32x1xf32>
    %add3A_46 = arith.constant 1.000000e+00 : f32
    %add3A_47 = vector.broadcast %add3A_46 : f32 to vector<256x32x1xf32>
    %add3A_48 = arith.addf %cos3A, %add3A_47 : vector<256x32x1xf32>
    %mul3A_49 = arith.constant 5.000000e-01 : f32
    %mul3A_50 = vector.broadcast %mul3A_49 : f32 to vector<256x32x1xf32>
    %mul3A_51 = arith.mulf %mul3A_50, %add3A_48 : vector<256x32x1xf32>
    %lt3A = arith.constant 1.000000e+01 : f32
    %lt3A_52 = vector.broadcast %lt3A : f32 to vector<256x32x1xf32>
    %lt3A_53 = arith.cmpf olt, %broadcast_in_dim3A, %lt3A_52 : vector<256x32x1xf32>
    %convert_element_type3A = arith.extui %lt3A_53 : vector<256x32x1xi1> to vector<256x32x1xi32>
    %convert_element_type3A_54 = arith.sitofp %convert_element_type3A : vector<256x32x1xi32> to vector<256x32x1xf32>
    %mul3A_55 = arith.mulf %mul3A_51, %convert_element_type3A_54 : vector<256x32x1xf32>
    %reshape3A_56 = vector.shape_cast %add3A_40 : vector<8192x128xf32> to vector<256x32x128xf32>
    %mul3A_57 = vector.broadcast %mul3A_55 : vector<256x32x1xf32> to vector<256x32x128xf32>
    %mul3A_58 = arith.mulf %reshape3A_56, %mul3A_57 : vector<256x32x128xf32>
    %slice3A = vector.extract_strided_slice %mul3A_58 {offsets = [0, 0, 0], sizes = [256, 8, 128], strides = [1, 1, 1]} : vector<256x32x128xf32> to vector<256x8x128xf32>
    %get3A_59 = arith.constant 0 : index
    %get3A_60 = arith.constant 0 : index
    %get3A_61 = arith.constant 0 : index
    %get3A_62 = vector.load %arg2[%get3A_59, %get3A_60, %get3A_61] : memref<256x8x128xf32, #tpu.memory_space<vmem>>, vector<256x8x128xf32>
    %mul3A_63 = arith.mulf %slice3A, %get3A_62 : vector<256x8x128xf32>
    %reduce_sum3A = arith.constant dense<0.000000e+00> : vector<256x128xf32>
    %reduce_sum3A_64 = vector.multi_reduction <add>, %mul3A_63, %reduce_sum3A [1] : vector<256x8x128xf32> to vector<256x128xf32>
    %slice3A_65 = vector.extract_strided_slice %mul3A_58 {offsets = [0, 8, 0], sizes = [256, 8, 128], strides = [1, 1, 1]} : vector<256x32x128xf32> to vector<256x8x128xf32>
    %get3A_66 = arith.constant 0 : index
    %get3A_67 = arith.constant 0 : index
    %get3A_68 = arith.constant 0 : index
    %get3A_69 = vector.load %arg3[%get3A_66, %get3A_67, %get3A_68] : memref<256x8x128xf32, #tpu.memory_space<vmem>>, vector<256x8x128xf32>
    %mul3A_70 = arith.mulf %slice3A_65, %get3A_69 : vector<256x8x128xf32>
    %reduce_sum3A_71 = arith.constant dense<0.000000e+00> : vector<256x128xf32>
    %reduce_sum3A_72 = vector.multi_reduction <add>, %mul3A_70, %reduce_sum3A_71 [1] : vector<256x8x128xf32> to vector<256x128xf32>
    %add3A_73 = arith.addf %reduce_sum3A_64, %reduce_sum3A_72 : vector<256x128xf32>
    %slice3A_74 = vector.extract_strided_slice %mul3A_58 {offsets = [0, 16, 0], sizes = [256, 8, 128], strides = [1, 1, 1]} : vector<256x32x128xf32> to vector<256x8x128xf32>
    %get3A_75 = arith.constant 0 : index
    %get3A_76 = arith.constant 0 : index
    %get3A_77 = arith.constant 0 : index
    %get3A_78 = vector.load %arg4[%get3A_75, %get3A_76, %get3A_77] : memref<256x8x128xf32, #tpu.memory_space<vmem>>, vector<256x8x128xf32>
    %mul3A_79 = arith.mulf %slice3A_74, %get3A_78 : vector<256x8x128xf32>
    %reduce_sum3A_80 = arith.constant dense<0.000000e+00> : vector<256x128xf32>
    %reduce_sum3A_81 = vector.multi_reduction <add>, %mul3A_79, %reduce_sum3A_80 [1] : vector<256x8x128xf32> to vector<256x128xf32>
    %add3A_82 = arith.addf %add3A_73, %reduce_sum3A_81 : vector<256x128xf32>
    %slice3A_83 = vector.extract_strided_slice %mul3A_58 {offsets = [0, 24, 0], sizes = [256, 8, 128], strides = [1, 1, 1]} : vector<256x32x128xf32> to vector<256x8x128xf32>
    %get3A_84 = arith.constant 0 : index
    %get3A_85 = arith.constant 0 : index
    %get3A_86 = arith.constant 0 : index
    %get3A_87 = vector.load %arg5[%get3A_84, %get3A_85, %get3A_86] : memref<256x8x128xf32, #tpu.memory_space<vmem>>, vector<256x8x128xf32>
    %mul3A_88 = arith.mulf %slice3A_83, %get3A_87 : vector<256x8x128xf32>
    %reduce_sum3A_89 = arith.constant dense<0.000000e+00> : vector<256x128xf32>
    %reduce_sum3A_90 = vector.multi_reduction <add>, %mul3A_88, %reduce_sum3A_89 [1] : vector<256x8x128xf32> to vector<256x128xf32>
    %add3A_91 = arith.addf %add3A_82, %reduce_sum3A_90 : vector<256x128xf32>
    %get3A_92 = arith.constant 0 : index
    %get3A_93 = arith.constant 0 : index
    %get3A_94 = vector.load %arg13[%get3A_92, %get3A_93] : memref<128x128xf32, #tpu.memory_space<vmem>>, vector<128x128xf32>
    %dot_general3A_95 = arith.constant dense<0.000000e+00> : vector<256x128xf32>
    %dot_general3A_96 = tpu.matmul %add3A_91, %get3A_94, %dot_general3A_95 {dimension_numbers = #tpu.dot_dimension_numbers<[1], [0], [0], [1], [0, 0, 1, 1], [], []>, transpose_lhs_hint = false} : vector<256x128xf32>, vector<128x128xf32>, vector<256x128xf32> -> vector<256x128xf32>
    %get3A_97 = arith.constant 0 : index
    %get3A_98 = arith.constant 0 : index
    %get3A_99 = vector.load %arg14[%get3A_97, %get3A_98] : memref<1x128xf32, #tpu.memory_space<vmem>>, vector<1x128xf32>
    %add3A_100 = vector.broadcast %get3A_99 : vector<1x128xf32> to vector<256x128xf32>
    %add3A_101 = arith.addf %dot_general3A_96, %add3A_100 : vector<256x128xf32>
    %max3A_102 = arith.constant 0.000000e+00 : f32
    %max3A_103 = vector.broadcast %max3A_102 : f32 to vector<256x128xf32>
    %max3A_104 = arith.maximumf %add3A_101, %max3A_103 : vector<256x128xf32>
    %abs3A_105 = math.absf %add3A_101 : vector<256x128xf32>
    %neg3A_106 = arith.constant 0.000000e+00 : f32
    %neg3A_107 = vector.broadcast %neg3A_106 : f32 to vector<256x128xf32>
    %neg3A_108 = arith.subf %neg3A_107, %abs3A_105 : vector<256x128xf32>
    %exp3A_109 = math.exp %neg3A_108 : vector<256x128xf32>
    %log1p3A_110 = math.log1p %exp3A_109 : vector<256x128xf32>
    %add3A_111 = arith.addf %max3A_104, %log1p3A_110 : vector<256x128xf32>
    %sub3A_112 = arith.constant 0.693147182 : f32
    %sub3A_113 = vector.broadcast %sub3A_112 : f32 to vector<256x128xf32>
    %sub3A_114 = arith.subf %add3A_111, %sub3A_113 : vector<256x128xf32>
    %get3A_115 = arith.constant 0 : index
    %get3A_116 = arith.constant 0 : index
    %get3A_117 = vector.load %arg15[%get3A_115, %get3A_116] : memref<128x128xf32, #tpu.memory_space<vmem>>, vector<128x128xf32>
    %dot_general3A_118 = arith.constant dense<0.000000e+00> : vector<256x128xf32>
    %dot_general3A_119 = tpu.matmul %sub3A_114, %get3A_117, %dot_general3A_118 {dimension_numbers = #tpu.dot_dimension_numbers<[1], [0], [0], [1], [0, 0, 1, 1], [], []>, transpose_lhs_hint = false} : vector<256x128xf32>, vector<128x128xf32>, vector<256x128xf32> -> vector<256x128xf32>
    %get3A_120 = arith.constant 0 : index
    %get3A_121 = arith.constant 0 : index
    %get3A_122 = vector.load %arg16[%get3A_120, %get3A_121] : memref<1x128xf32, #tpu.memory_space<vmem>>, vector<1x128xf32>
    %add3A_123 = vector.broadcast %get3A_122 : vector<1x128xf32> to vector<256x128xf32>
    %add3A_124 = arith.addf %dot_general3A_119, %add3A_123 : vector<256x128xf32>
    %get3A_125 = arith.constant 0 : index
    %get3A_126 = arith.constant 0 : index
    %get3A_127 = vector.load %arg6[%get3A_125, %get3A_126] : memref<256x128xf32, #tpu.memory_space<vmem>>, vector<256x128xf32>
    %add3A_128 = arith.addf %get3A_127, %add3A_124 : vector<256x128xf32>
    %swap3A = arith.constant 0 : index
    %swap3A_129 = arith.constant 0 : index
    %swap3A_130 = vector.load %arg18[%swap3A, %swap3A_129] : memref<256x128xf32, #tpu.memory_space<vmem>>, vector<256x128xf32>
    tpu.vector_store %arg18[%swap3A, %swap3A_129], %add3A_128 {strides = array<i32>} : memref<256x128xf32, #tpu.memory_space<vmem>>, vector<256x128xf32>,
    %get3A_131 = arith.constant 0 : index
    %get3A_132 = arith.constant 0 : index
    %get3A_133 = vector.load %arg17[%get3A_131, %get3A_132] : memref<128x128xf32, #tpu.memory_space<vmem>>, vector<128x128xf32>
    %dot_general3A_134 = arith.constant dense<0.000000e+00> : vector<256x128xf32>
    %dot_general3A_135 = tpu.matmul %add3A_128, %get3A_133, %dot_general3A_134 {dimension_numbers = #tpu.dot_dimension_numbers<[1], [0], [0], [1], [0, 0, 1, 1], [], []>, transpose_lhs_hint = false} : vector<256x128xf32>, vector<128x128xf32>, vector<256x128xf32> -> vector<256x128xf32>
    %swap3A_136 = arith.constant 0 : index
    %swap3A_137 = arith.constant 0 : index
    %swap3A_138 = vector.load %arg19[%swap3A_136, %swap3A_137] : memref<256x128xf32, #tpu.memory_space<vmem>>, vector<256x128xf32>
    tpu.vector_store %arg19[%swap3A_136, %swap3A_137], %dot_general3A_135 {strides = array<i32>} : memref<256x128xf32, #tpu.memory_space<vmem>>, vector<256x128xf32>,
    return
  }
  func.func @transform_0(%arg0: i32) -> (i32, i32) {
    %c0_i32 = arith.constant 0 : i32
    %c0_i32_0 = arith.constant 0 : i32
    return %arg0, %c0_i32 : i32, i32
  }
  func.func @transform_1(%arg0: i32) -> (i32, i32, i32) {
    %c0_i32 = arith.constant 0 : i32
    %c0_i32_0 = arith.constant 0 : i32
    %c0_i32_1 = arith.constant 0 : i32
    return %arg0, %c0_i32, %c0_i32_0 : i32, i32, i32
  }
  func.func @transform_2(%arg0: i32) -> (i32, i32, i32) {
    %c1_i32 = arith.constant 1 : i32
    %c0_i32 = arith.constant 0 : i32
    %c0_i32_0 = arith.constant 0 : i32
    return %arg0, %c1_i32, %c0_i32 : i32, i32, i32
  }
  func.func @transform_3(%arg0: i32) -> (i32, i32, i32) {
    %c2_i32 = arith.constant 2 : i32
    %c0_i32 = arith.constant 0 : i32
    %c0_i32_0 = arith.constant 0 : i32
    return %arg0, %c2_i32, %c0_i32 : i32, i32, i32
  }
  func.func @transform_4(%arg0: i32) -> (i32, i32, i32) {
    %c3_i32 = arith.constant 3 : i32
    %c0_i32 = arith.constant 0 : i32
    %c0_i32_0 = arith.constant 0 : i32
    return %arg0, %c3_i32, %c0_i32 : i32, i32, i32
  }
  func.func @transform_5(%arg0: i32) -> (i32, i32) {
    %c0_i32 = arith.constant 0 : i32
    %c0_i32_0 = arith.constant 0 : i32
    return %arg0, %c0_i32 : i32, i32
  }
  func.func @transform_6(%arg0: i32) -> (i32, i32) {
    %c0_i32 = arith.constant 0 : i32
    %c0_i32_0 = arith.constant 0 : i32
    %c0_i32_1 = arith.constant 0 : i32
    return %c0_i32, %c0_i32_0 : i32, i32
  }
  func.func @transform_7(%arg0: i32) -> (i32, i32) {
    %c0_i32 = arith.constant 0 : i32
    %c0_i32_0 = arith.constant 0 : i32
    %c0_i32_1 = arith.constant 0 : i32
    return %c0_i32, %c0_i32_0 : i32, i32
  }
  func.func @transform_8(%arg0: i32) -> (i32, i32) {
    %c0_i32 = arith.constant 0 : i32
    %c0_i32_0 = arith.constant 0 : i32
    %c0_i32_1 = arith.constant 0 : i32
    return %c0_i32, %c0_i32_0 : i32, i32
  }
  func.func @transform_9(%arg0: i32) -> (i32, i32) {
    %c0_i32 = arith.constant 0 : i32
    %c0_i32_0 = arith.constant 0 : i32
    %c0_i32_1 = arith.constant 0 : i32
    return %c0_i32, %c0_i32_0 : i32, i32
  }
  func.func @transform_10(%arg0: i32) -> (i32, i32) {
    %c0_i32 = arith.constant 0 : i32
    %c0_i32_0 = arith.constant 0 : i32
    %c0_i32_1 = arith.constant 0 : i32
    return %c0_i32, %c0_i32_0 : i32, i32
  }
  func.func @transform_11(%arg0: i32) -> (i32, i32) {
    %c0_i32 = arith.constant 0 : i32
    %c0_i32_0 = arith.constant 0 : i32
    %c0_i32_1 = arith.constant 0 : i32
    return %c0_i32, %c0_i32_0 : i32, i32
  }
  func.func @transform_12(%arg0: i32) -> (i32, i32) {
    %c0_i32 = arith.constant 0 : i32
    %c0_i32_0 = arith.constant 0 : i32
    %c0_i32_1 = arith.constant 0 : i32
    return %c0_i32, %c0_i32_0 : i32, i32
  }
  func.func @transform_13(%arg0: i32) -> (i32, i32) {
    %c0_i32 = arith.constant 0 : i32
    %c0_i32_0 = arith.constant 0 : i32
    %c0_i32_1 = arith.constant 0 : i32
    return %c0_i32, %c0_i32_0 : i32, i32
  }
  func.func @transform_14(%arg0: i32) -> (i32, i32) {
    %c0_i32 = arith.constant 0 : i32
    %c0_i32_0 = arith.constant 0 : i32
    %c0_i32_1 = arith.constant 0 : i32
    return %c0_i32, %c0_i32_0 : i32, i32
  }
  func.func @transform_15(%arg0: i32) -> (i32, i32) {
    %c0_i32 = arith.constant 0 : i32
    %c0_i32_0 = arith.constant 0 : i32
    %c0_i32_1 = arith.constant 0 : i32
    return %c0_i32, %c0_i32_0 : i32, i32
  }
  func.func @transform_16(%arg0: i32) -> (i32, i32) {
    %c0_i32 = arith.constant 0 : i32
    %c0_i32_0 = arith.constant 0 : i32
    %c0_i32_1 = arith.constant 0 : i32
    return %c0_i32, %c0_i32_0 : i32, i32
  }
  func.func @transform_17(%arg0: i32) -> (i32, i32) {
    %c0_i32 = arith.constant 0 : i32
    %c0_i32_0 = arith.constant 0 : i32
    return %arg0, %c0_i32 : i32, i32
  }
  func.func @transform_18(%arg0: i32) -> (i32, i32) {
    %c0_i32 = arith.constant 0 : i32
    %c0_i32_0 = arith.constant 0 : i32
    return %arg0, %c0_i32 : i32, i32
  }
}

module attributes {stable_mosaic.version = 14 : i64} {
  func.func @_msg_body(%arg0: i32, %arg1: memref<256x32xf32, #tpu.memory_space<vmem>>, %arg2: memref<256x8x128xf32, #tpu.memory_space<vmem>>, %arg3: memref<256x8x128xf32, #tpu.memory_space<vmem>>, %arg4: memref<256x8x128xf32, #tpu.memory_space<vmem>>, %arg5: memref<256x8x128xf32, #tpu.memory_space<vmem>>, %arg6: memref<256x128xf32, #tpu.memory_space<vmem>>, %arg7: memref<1x64xf32, #tpu.memory_space<vmem>>, %arg8: memref<1x1xf32, #tpu.memory_space<vmem>>, %arg9: memref<64x128xf32, #tpu.memory_space<vmem>>, %arg10: memref<1x128xf32, #tpu.memory_space<vmem>>, %arg11: memref<128x128xf32, #tpu.memory_space<vmem>>, %arg12: memref<1x128xf32, #tpu.memory_space<vmem>>, %arg13: memref<128x128xf32, #tpu.memory_space<vmem>>, %arg14: memref<1x128xf32, #tpu.memory_space<vmem>>, %arg15: memref<128x128xf32, #tpu.memory_space<vmem>>, %arg16: memref<1x128xf32, #tpu.memory_space<vmem>>, %arg17: memref<128x128xf32, #tpu.memory_space<vmem>>, %arg18: memref<256x128xf32, #tpu.memory_space<vmem>>, %arg19: memref<256x128xf32, #tpu.memory_space<vmem>>) attributes {dimension_semantics = [#tpu.dimension_semantics<arbitrary>], iteration_bounds = array<i64: 16>, scalar_prefetch = 0 : i64, scratch_operands = 0 : i64, tpu.core_type = #tpu.core_type<tc>, window_params = [{transform_indices = @transform_0, window_bounds = array<i64: 256, 32>}, {transform_indices = @transform_1, window_bounds = array<i64: 256, 8, 128>}, {transform_indices = @transform_2, window_bounds = array<i64: 256, 8, 128>}, {transform_indices = @transform_3, window_bounds = array<i64: 256, 8, 128>}, {transform_indices = @transform_4, window_bounds = array<i64: 256, 8, 128>}, {transform_indices = @transform_5, window_bounds = array<i64: 256, 128>}, {pipeline_mode = #tpu.pipeline_mode<synchronous>, transform_indices = @transform_6, window_bounds = array<i64: 1, 64>}, {pipeline_mode = #tpu.pipeline_mode<synchronous>, transform_indices = @transform_7, window_bounds = array<i64: 1, 1>}, {pipeline_mode = #tpu.pipeline_mode<synchronous>, transform_indices = @transform_8, window_bounds = array<i64: 64, 128>}, {pipeline_mode = #tpu.pipeline_mode<synchronous>, transform_indices = @transform_9, window_bounds = array<i64: 1, 128>}, {pipeline_mode = #tpu.pipeline_mode<synchronous>, transform_indices = @transform_10, window_bounds = array<i64: 128, 128>}, {pipeline_mode = #tpu.pipeline_mode<synchronous>, transform_indices = @transform_11, window_bounds = array<i64: 1, 128>}, {pipeline_mode = #tpu.pipeline_mode<synchronous>, transform_indices = @transform_12, window_bounds = array<i64: 128, 128>}, {pipeline_mode = #tpu.pipeline_mode<synchronous>, transform_indices = @transform_13, window_bounds = array<i64: 1, 128>}, {pipeline_mode = #tpu.pipeline_mode<synchronous>, transform_indices = @transform_14, window_bounds = array<i64: 128, 128>}, {pipeline_mode = #tpu.pipeline_mode<synchronous>, transform_indices = @transform_15, window_bounds = array<i64: 1, 128>}, {pipeline_mode = #tpu.pipeline_mode<synchronous>, transform_indices = @transform_16, window_bounds = array<i64: 128, 128>}, {transform_indices = @transform_17, window_bounds = array<i64: 256, 128>}, {transform_indices = @transform_18, window_bounds = array<i64: 256, 128>}]} {
    %get3A = arith.constant 0 : index
    %get3A_0 = arith.constant 0 : index
    %get3A_1 = vector.load %arg1[%get3A, %get3A_0] : memref<256x32xf32, #tpu.memory_space<vmem>>, vector<256x32xf32>
    %broadcast_in_dim3A = vector.shape_cast %get3A_1 : vector<256x32xf32> to vector<256x32x1xf32>
    %get3A_2 = arith.constant 0 : index
    %get3A_3 = arith.constant 0 : index
    %get3A_4 = vector.load %arg7[%get3A_2, %get3A_3] : memref<1x64xf32, #tpu.memory_space<vmem>>, vector<1x64xf32>
    %broadcast_in_dim3A_5 = vector.shape_cast %get3A_4 : vector<1x64xf32> to vector<1x1x64xf32>
    %sub3A = vector.broadcast %broadcast_in_dim3A : vector<256x32x1xf32> to vector<256x32x64xf32>
    %sub3A_6 = vector.broadcast %broadcast_in_dim3A_5 : vector<1x1x64xf32> to vector<256x32x64xf32>
    %sub3A_7 = arith.subf %sub3A, %sub3A_6 : vector<256x32x64xf32>
    %get3A_8 = arith.constant 0 : index
    %get3A_9 = arith.constant 0 : index
    %get3A_10 = vector.load %arg8[%get3A_8, %get3A_9] : memref<1x1xf32, #tpu.memory_space<vmem>>, vector<1x1xf32>
    %get3A_11 = vector.extract %get3A_10[0, 0] : f32 from vector<1x1xf32>
    %mul3A = arith.mulf %sub3A_7, %sub3A_7 : vector<256x32x64xf32>
    %mul3A_12 = vector.broadcast %get3A_11 : f32 to vector<256x32x64xf32>
    %mul3A_13 = arith.mulf %mul3A_12, %mul3A : vector<256x32x64xf32>
    %exp3A = math.exp %mul3A_13 : vector<256x32x64xf32>
    %reshape3A = vector.shape_cast %exp3A : vector<256x32x64xf32> to vector<8192x64xf32>
    %get3A_14 = arith.constant 0 : index
    %get3A_15 = arith.constant 0 : index
    %get3A_16 = vector.load %arg9[%get3A_14, %get3A_15] : memref<64x128xf32, #tpu.memory_space<vmem>>, vector<64x128xf32>
    %dot_general3A = arith.constant dense<0.000000e+00> : vector<8192x128xf32>
    %dot_general3A_17 = tpu.matmul %reshape3A, %get3A_16, %dot_general3A {dimension_numbers = #tpu.dot_dimension_numbers<[1], [0], [0], [1], [0, 0, 1, 1], [], []>, transpose_lhs_hint = false} : vector<8192x64xf32>, vector<64x128xf32>, vector<8192x128xf32> -> vector<8192x128xf32>
    %get3A_18 = arith.constant 0 : index
    %get3A_19 = arith.constant 0 : index
    %get3A_20 = vector.load %arg10[%get3A_18, %get3A_19] : memref<1x128xf32, #tpu.memory_space<vmem>>, vector<1x128xf32>
    %add3A = vector.broadcast %get3A_20 : vector<1x128xf32> to vector<8192x128xf32>
    %add3A_21 = arith.addf %dot_general3A_17, %add3A : vector<8192x128xf32>
    %max3A = arith.constant 0.000000e+00 : f32
    %max3A_22 = vector.broadcast %max3A : f32 to vector<8192x128xf32>
    %max3A_23 = arith.maximumf %add3A_21, %max3A_22 : vector<8192x128xf32>
    %abs3A = math.absf %add3A_21 : vector<8192x128xf32>
    %neg3A = arith.constant 0.000000e+00 : f32
    %neg3A_24 = vector.broadcast %neg3A : f32 to vector<8192x128xf32>
    %neg3A_25 = arith.subf %neg3A_24, %abs3A : vector<8192x128xf32>
    %exp3A_26 = math.exp %neg3A_25 : vector<8192x128xf32>
    %log1p3A = math.log1p %exp3A_26 : vector<8192x128xf32>
    %add3A_27 = arith.addf %max3A_23, %log1p3A : vector<8192x128xf32>
    %sub3A_28 = arith.constant 0.693147182 : f32
    %sub3A_29 = vector.broadcast %sub3A_28 : f32 to vector<8192x128xf32>
    %sub3A_30 = arith.subf %add3A_27, %sub3A_29 : vector<8192x128xf32>
    %get3A_31 = arith.constant 0 : index
    %get3A_32 = arith.constant 0 : index
    %get3A_33 = vector.load %arg11[%get3A_31, %get3A_32] : memref<128x128xf32, #tpu.memory_space<vmem>>, vector<128x128xf32>
    %dot_general3A_34 = arith.constant dense<0.000000e+00> : vector<8192x128xf32>
    %dot_general3A_35 = tpu.matmul %sub3A_30, %get3A_33, %dot_general3A_34 {dimension_numbers = #tpu.dot_dimension_numbers<[1], [0], [0], [1], [0, 0, 1, 1], [], []>, transpose_lhs_hint = false} : vector<8192x128xf32>, vector<128x128xf32>, vector<8192x128xf32> -> vector<8192x128xf32>
    %get3A_36 = arith.constant 0 : index
    %get3A_37 = arith.constant 0 : index
    %get3A_38 = vector.load %arg12[%get3A_36, %get3A_37] : memref<1x128xf32, #tpu.memory_space<vmem>>, vector<1x128xf32>
    %add3A_39 = vector.broadcast %get3A_38 : vector<1x128xf32> to vector<8192x128xf32>
    %add3A_40 = arith.addf %dot_general3A_35, %add3A_39 : vector<8192x128xf32>
    %min3A = arith.constant 1.000000e+01 : f32
    %min3A_41 = vector.broadcast %min3A : f32 to vector<256x32x1xf32>
    %min3A_42 = arith.minimumf %broadcast_in_dim3A, %min3A_41 : vector<256x32x1xf32>
    %mul3A_43 = arith.constant 0.314159274 : f32
    %mul3A_44 = vector.broadcast %mul3A_43 : f32 to vector<256x32x1xf32>
    %mul3A_45 = arith.mulf %min3A_42, %mul3A_44 : vector<256x32x1xf32>
    %cos3A = math.cos %mul3A_45 : vector<256x32x1xf32>
    %add3A_46 = arith.constant 1.000000e+00 : f32
    %add3A_47 = vector.broadcast %add3A_46 : f32 to vector<256x32x1xf32>
    %add3A_48 = arith.addf %cos3A, %add3A_47 : vector<256x32x1xf32>
    %mul3A_49 = arith.constant 5.000000e-01 : f32
    %mul3A_50 = vector.broadcast %mul3A_49 : f32 to vector<256x32x1xf32>
    %mul3A_51 = arith.mulf %mul3A_50, %add3A_48 : vector<256x32x1xf32>
    %lt3A = arith.constant 1.000000e+01 : f32
    %lt3A_52 = vector.broadcast %lt3A : f32 to vector<256x32x1xf32>
    %lt3A_53 = arith.cmpf olt, %broadcast_in_dim3A, %lt3A_52 : vector<256x32x1xf32>
    %convert_element_type3A = arith.extui %lt3A_53 : vector<256x32x1xi1> to vector<256x32x1xi32>
    %convert_element_type3A_54 = arith.sitofp %convert_element_type3A : vector<256x32x1xi32> to vector<256x32x1xf32>
    %mul3A_55 = arith.mulf %mul3A_51, %convert_element_type3A_54 : vector<256x32x1xf32>
    %reshape3A_56 = vector.shape_cast %add3A_40 : vector<8192x128xf32> to vector<256x32x128xf32>
    %mul3A_57 = vector.broadcast %mul3A_55 : vector<256x32x1xf32> to vector<256x32x128xf32>
    %mul3A_58 = arith.mulf %reshape3A_56, %mul3A_57 : vector<256x32x128xf32>
    %slice3A = vector.extract_strided_slice %mul3A_58 {offsets = [0, 0, 0], sizes = [256, 8, 128], strides = [1, 1, 1]} : vector<256x32x128xf32> to vector<256x8x128xf32>
    %get3A_59 = arith.constant 0 : index
    %get3A_60 = arith.constant 0 : index
    %get3A_61 = arith.constant 0 : index
    %get3A_62 = vector.load %arg2[%get3A_59, %get3A_60, %get3A_61] : memref<256x8x128xf32, #tpu.memory_space<vmem>>, vector<256x8x128xf32>
    %mul3A_63 = arith.mulf %slice3A, %get3A_62 : vector<256x8x128xf32>
    %reduce_sum3A = arith.constant dense<0.000000e+00> : vector<256x128xf32>
    %reduce_sum3A_64 = vector.multi_reduction <add>, %mul3A_63, %reduce_sum3A [1] : vector<256x8x128xf32> to vector<256x128xf32>
    %slice3A_65 = vector.extract_strided_slice %mul3A_58 {offsets = [0, 8, 0], sizes = [256, 8, 128], strides = [1, 1, 1]} : vector<256x32x128xf32> to vector<256x8x128xf32>
    %get3A_66 = arith.constant 0 : index
    %get3A_67 = arith.constant 0 : index
    %get3A_68 = arith.constant 0 : index
    %get3A_69 = vector.load %arg3[%get3A_66, %get3A_67, %get3A_68] : memref<256x8x128xf32, #tpu.memory_space<vmem>>, vector<256x8x128xf32>
    %mul3A_70 = arith.mulf %slice3A_65, %get3A_69 : vector<256x8x128xf32>
    %reduce_sum3A_71 = arith.constant dense<0.000000e+00> : vector<256x128xf32>
    %reduce_sum3A_72 = vector.multi_reduction <add>, %mul3A_70, %reduce_sum3A_71 [1] : vector<256x8x128xf32> to vector<256x128xf32>
    %add3A_73 = arith.addf %reduce_sum3A_64, %reduce_sum3A_72 : vector<256x128xf32>
    %slice3A_74 = vector.extract_strided_slice %mul3A_58 {offsets = [0, 16, 0], sizes = [256, 8, 128], strides = [1, 1, 1]} : vector<256x32x128xf32> to vector<256x8x128xf32>
    %get3A_75 = arith.constant 0 : index
    %get3A_76 = arith.constant 0 : index
    %get3A_77 = arith.constant 0 : index
    %get3A_78 = vector.load %arg4[%get3A_75, %get3A_76, %get3A_77] : memref<256x8x128xf32, #tpu.memory_space<vmem>>, vector<256x8x128xf32>
    %mul3A_79 = arith.mulf %slice3A_74, %get3A_78 : vector<256x8x128xf32>
    %reduce_sum3A_80 = arith.constant dense<0.000000e+00> : vector<256x128xf32>
    %reduce_sum3A_81 = vector.multi_reduction <add>, %mul3A_79, %reduce_sum3A_80 [1] : vector<256x8x128xf32> to vector<256x128xf32>
    %add3A_82 = arith.addf %add3A_73, %reduce_sum3A_81 : vector<256x128xf32>
    %slice3A_83 = vector.extract_strided_slice %mul3A_58 {offsets = [0, 24, 0], sizes = [256, 8, 128], strides = [1, 1, 1]} : vector<256x32x128xf32> to vector<256x8x128xf32>
    %get3A_84 = arith.constant 0 : index
    %get3A_85 = arith.constant 0 : index
    %get3A_86 = arith.constant 0 : index
    %get3A_87 = vector.load %arg5[%get3A_84, %get3A_85, %get3A_86] : memref<256x8x128xf32, #tpu.memory_space<vmem>>, vector<256x8x128xf32>
    %mul3A_88 = arith.mulf %slice3A_83, %get3A_87 : vector<256x8x128xf32>
    %reduce_sum3A_89 = arith.constant dense<0.000000e+00> : vector<256x128xf32>
    %reduce_sum3A_90 = vector.multi_reduction <add>, %mul3A_88, %reduce_sum3A_89 [1] : vector<256x8x128xf32> to vector<256x128xf32>
    %add3A_91 = arith.addf %add3A_82, %reduce_sum3A_90 : vector<256x128xf32>
    %get3A_92 = arith.constant 0 : index
    %get3A_93 = arith.constant 0 : index
    %get3A_94 = vector.load %arg13[%get3A_92, %get3A_93] : memref<128x128xf32, #tpu.memory_space<vmem>>, vector<128x128xf32>
    %dot_general3A_95 = arith.constant dense<0.000000e+00> : vector<256x128xf32>
    %dot_general3A_96 = tpu.matmul %add3A_91, %get3A_94, %dot_general3A_95 {dimension_numbers = #tpu.dot_dimension_numbers<[1], [0], [0], [1], [0, 0, 1, 1], [], []>, transpose_lhs_hint = false} : vector<256x128xf32>, vector<128x128xf32>, vector<256x128xf32> -> vector<256x128xf32>
    %get3A_97 = arith.constant 0 : index
    %get3A_98 = arith.constant 0 : index
    %get3A_99 = vector.load %arg14[%get3A_97, %get3A_98] : memref<1x128xf32, #tpu.memory_space<vmem>>, vector<1x128xf32>
    %add3A_100 = vector.broadcast %get3A_99 : vector<1x128xf32> to vector<256x128xf32>
    %add3A_101 = arith.addf %dot_general3A_96, %add3A_100 : vector<256x128xf32>
    %max3A_102 = arith.constant 0.000000e+00 : f32
    %max3A_103 = vector.broadcast %max3A_102 : f32 to vector<256x128xf32>
    %max3A_104 = arith.maximumf %add3A_101, %max3A_103 : vector<256x128xf32>
    %abs3A_105 = math.absf %add3A_101 : vector<256x128xf32>
    %neg3A_106 = arith.constant 0.000000e+00 : f32
    %neg3A_107 = vector.broadcast %neg3A_106 : f32 to vector<256x128xf32>
    %neg3A_108 = arith.subf %neg3A_107, %abs3A_105 : vector<256x128xf32>
    %exp3A_109 = math.exp %neg3A_108 : vector<256x128xf32>
    %log1p3A_110 = math.log1p %exp3A_109 : vector<256x128xf32>
    %add3A_111 = arith.addf %max3A_104, %log1p3A_110 : vector<256x128xf32>
    %sub3A_112 = arith.constant 0.693147182 : f32
    %sub3A_113 = vector.broadcast %sub3A_112 : f32 to vector<256x128xf32>
    %sub3A_114 = arith.subf %add3A_111, %sub3A_113 : vector<256x128xf32>
    %get3A_115 = arith.constant 0 : index
    %get3A_116 = arith.constant 0 : index
    %get3A_117 = vector.load %arg15[%get3A_115, %get3A_116] : memref<128x128xf32, #tpu.memory_space<vmem>>, vector<128x128xf32>
    %dot_general3A_118 = arith.constant dense<0.000000e+00> : vector<256x128xf32>
    %dot_general3A_119 = tpu.matmul %sub3A_114, %get3A_117, %dot_general3A_118 {dimension_numbers = #tpu.dot_dimension_numbers<[1], [0], [0], [1], [0, 0, 1, 1], [], []>, transpose_lhs_hint = false} : vector<256x128xf32>, vector<128x128xf32>, vector<256x128xf32> -> vector<256x128xf32>
    %get3A_120 = arith.constant 0 : index
    %get3A_121 = arith.constant 0 : index
    %get3A_122 = vector.load %arg16[%get3A_120, %get3A_121] : memref<1x128xf32, #tpu.memory_space<vmem>>, vector<1x128xf32>
    %add3A_123 = vector.broadcast %get3A_122 : vector<1x128xf32> to vector<256x128xf32>
    %add3A_124 = arith.addf %dot_general3A_119, %add3A_123 : vector<256x128xf32>
    %get3A_125 = arith.constant 0 : index
    %get3A_126 = arith.constant 0 : index
    %get3A_127 = vector.load %arg6[%get3A_125, %get3A_126] : memref<256x128xf32, #tpu.memory_space<vmem>>, vector<256x128xf32>
    %add3A_128 = arith.addf %get3A_127, %add3A_124 : vector<256x128xf32>
    %swap3A = arith.constant 0 : index
    %swap3A_129 = arith.constant 0 : index
    %swap3A_130 = vector.load %arg18[%swap3A, %swap3A_129] : memref<256x128xf32, #tpu.memory_space<vmem>>, vector<256x128xf32>
    tpu.vector_store %arg18[%swap3A, %swap3A_129], %add3A_128 {strides = array<i32>} : memref<256x128xf32, #tpu.memory_space<vmem>>, vector<256x128xf32>,
    %get3A_131 = arith.constant 0 : index
    %get3A_132 = arith.constant 0 : index
    %get3A_133 = vector.load %arg17[%get3A_131, %get3A_132] : memref<128x128xf32, #tpu.memory_space<vmem>>, vector<128x128xf32>
    %dot_general3A_134 = arith.constant dense<0.000000e+00> : vector<256x128xf32>
    %dot_general3A_135 = tpu.matmul %add3A_128, %get3A_133, %dot_general3A_134 {dimension_numbers = #tpu.dot_dimension_numbers<[1], [0], [0], [1], [0, 0, 1, 1], [], []>, transpose_lhs_hint = false} : vector<256x128xf32>, vector<128x128xf32>, vector<256x128xf32> -> vector<256x128xf32>
    %swap3A_136 = arith.constant 0 : index
    %swap3A_137 = arith.constant 0 : index
    %swap3A_138 = vector.load %arg19[%swap3A_136, %swap3A_137] : memref<256x128xf32, #tpu.memory_space<vmem>>, vector<256x128xf32>
    tpu.vector_store %arg19[%swap3A_136, %swap3A_137], %dot_general3A_135 {strides = array<i32>} : memref<256x128xf32, #tpu.memory_space<vmem>>, vector<256x128xf32>,
    return
  }
  func.func @transform_0(%arg0: i32) -> (i32, i32) {
    %c0_i32 = arith.constant 0 : i32
    %c0_i32_0 = arith.constant 0 : i32
    return %arg0, %c0_i32 : i32, i32
  }
  func.func @transform_1(%arg0: i32) -> (i32, i32, i32) {
    %c0_i32 = arith.constant 0 : i32
    %c0_i32_0 = arith.constant 0 : i32
    %c0_i32_1 = arith.constant 0 : i32
    return %arg0, %c0_i32, %c0_i32_0 : i32, i32, i32
  }
  func.func @transform_2(%arg0: i32) -> (i32, i32, i32) {
    %c1_i32 = arith.constant 1 : i32
    %c0_i32 = arith.constant 0 : i32
    %c0_i32_0 = arith.constant 0 : i32
    return %arg0, %c1_i32, %c0_i32 : i32, i32, i32
  }
  func.func @transform_3(%arg0: i32) -> (i32, i32, i32) {
    %c2_i32 = arith.constant 2 : i32
    %c0_i32 = arith.constant 0 : i32
    %c0_i32_0 = arith.constant 0 : i32
    return %arg0, %c2_i32, %c0_i32 : i32, i32, i32
  }
  func.func @transform_4(%arg0: i32) -> (i32, i32, i32) {
    %c3_i32 = arith.constant 3 : i32
    %c0_i32 = arith.constant 0 : i32
    %c0_i32_0 = arith.constant 0 : i32
    return %arg0, %c3_i32, %c0_i32 : i32, i32, i32
  }
  func.func @transform_5(%arg0: i32) -> (i32, i32) {
    %c0_i32 = arith.constant 0 : i32
    %c0_i32_0 = arith.constant 0 : i32
    return %arg0, %c0_i32 : i32, i32
  }
  func.func @transform_6(%arg0: i32) -> (i32, i32) {
    %c0_i32 = arith.constant 0 : i32
    %c0_i32_0 = arith.constant 0 : i32
    %c0_i32_1 = arith.constant 0 : i32
    return %c0_i32, %c0_i32_0 : i32, i32
  }
  func.func @transform_7(%arg0: i32) -> (i32, i32) {
    %c0_i32 = arith.constant 0 : i32
    %c0_i32_0 = arith.constant 0 : i32
    %c0_i32_1 = arith.constant 0 : i32
    return %c0_i32, %c0_i32_0 : i32, i32
  }
  func.func @transform_8(%arg0: i32) -> (i32, i32) {
    %c0_i32 = arith.constant 0 : i32
    %c0_i32_0 = arith.constant 0 : i32
    %c0_i32_1 = arith.constant 0 : i32
    return %c0_i32, %c0_i32_0 : i32, i32
  }
  func.func @transform_9(%arg0: i32) -> (i32, i32) {
    %c0_i32 = arith.constant 0 : i32
    %c0_i32_0 = arith.constant 0 : i32
    %c0_i32_1 = arith.constant 0 : i32
    return %c0_i32, %c0_i32_0 : i32, i32
  }
  func.func @transform_10(%arg0: i32) -> (i32, i32) {
    %c0_i32 = arith.constant 0 : i32
    %c0_i32_0 = arith.constant 0 : i32
    %c0_i32_1 = arith.constant 0 : i32
    return %c0_i32, %c0_i32_0 : i32, i32
  }
  func.func @transform_11(%arg0: i32) -> (i32, i32) {
    %c0_i32 = arith.constant 0 : i32
    %c0_i32_0 = arith.constant 0 : i32
    %c0_i32_1 = arith.constant 0 : i32
    return %c0_i32, %c0_i32_0 : i32, i32
  }
  func.func @transform_12(%arg0: i32) -> (i32, i32) {
    %c0_i32 = arith.constant 0 : i32
    %c0_i32_0 = arith.constant 0 : i32
    %c0_i32_1 = arith.constant 0 : i32
    return %c0_i32, %c0_i32_0 : i32, i32
  }
  func.func @transform_13(%arg0: i32) -> (i32, i32) {
    %c0_i32 = arith.constant 0 : i32
    %c0_i32_0 = arith.constant 0 : i32
    %c0_i32_1 = arith.constant 0 : i32
    return %c0_i32, %c0_i32_0 : i32, i32
  }
  func.func @transform_14(%arg0: i32) -> (i32, i32) {
    %c0_i32 = arith.constant 0 : i32
    %c0_i32_0 = arith.constant 0 : i32
    %c0_i32_1 = arith.constant 0 : i32
    return %c0_i32, %c0_i32_0 : i32, i32
  }
  func.func @transform_15(%arg0: i32) -> (i32, i32) {
    %c0_i32 = arith.constant 0 : i32
    %c0_i32_0 = arith.constant 0 : i32
    %c0_i32_1 = arith.constant 0 : i32
    return %c0_i32, %c0_i32_0 : i32, i32
  }
  func.func @transform_16(%arg0: i32) -> (i32, i32) {
    %c0_i32 = arith.constant 0 : i32
    %c0_i32_0 = arith.constant 0 : i32
    %c0_i32_1 = arith.constant 0 : i32
    return %c0_i32, %c0_i32_0 : i32, i32
  }
  func.func @transform_17(%arg0: i32) -> (i32, i32) {
    %c0_i32 = arith.constant 0 : i32
    %c0_i32_0 = arith.constant 0 : i32
    return %arg0, %c0_i32 : i32, i32
  }
  func.func @transform_18(%arg0: i32) -> (i32, i32) {
    %c0_i32 = arith.constant 0 : i32
    %c0_i32_0 = arith.constant 0 : i32
    return %arg0, %c0_i32 : i32, i32
  }
}

module attributes {stable_mosaic.version = 14 : i64} {
  func.func @_readout_body(%arg0: i32, %arg1: memref<4096x128xf32, #tpu.memory_space<vmem>>, %arg2: memref<128x64xf32, #tpu.memory_space<vmem>>, %arg3: memref<1x64xf32, #tpu.memory_space<vmem>>, %arg4: memref<1x64xf32, #tpu.memory_space<vmem>>, %arg5: memref<1x1xf32, #tpu.memory_space<vmem>>, %arg6: memref<4096x1xf32, #tpu.memory_space<vmem>>, %arg7: memref<1x256xf32, #tpu.memory_space<vmem>>) attributes {dimension_semantics = [#tpu.dimension_semantics<arbitrary>], iteration_bounds = array<i64: 1>, scalar_prefetch = 0 : i64, scratch_operands = 0 : i64, tpu.core_type = #tpu.core_type<tc>, window_params = [{pipeline_mode = #tpu.pipeline_mode<synchronous>, transform_indices = @transform_0, window_bounds = array<i64: 4096, 128>}, {pipeline_mode = #tpu.pipeline_mode<synchronous>, transform_indices = @transform_1, window_bounds = array<i64: 128, 64>}, {pipeline_mode = #tpu.pipeline_mode<synchronous>, transform_indices = @transform_2, window_bounds = array<i64: 1, 64>}, {pipeline_mode = #tpu.pipeline_mode<synchronous>, transform_indices = @transform_3, window_bounds = array<i64: 1, 64>}, {pipeline_mode = #tpu.pipeline_mode<synchronous>, transform_indices = @transform_4, window_bounds = array<i64: 1, 1>}, {pipeline_mode = #tpu.pipeline_mode<synchronous>, transform_indices = @transform_5, window_bounds = array<i64: 4096, 1>}, {pipeline_mode = #tpu.pipeline_mode<synchronous>, transform_indices = @transform_6, window_bounds = array<i64: 1, 256>}]} {
    %get3A = arith.constant 0 : index
    %get3A_0 = arith.constant 0 : index
    %get3A_1 = vector.load %arg1[%get3A, %get3A_0] : memref<4096x128xf32, #tpu.memory_space<vmem>>, vector<4096x128xf32>
    %get3A_2 = arith.constant 0 : index
    %get3A_3 = arith.constant 0 : index
    %get3A_4 = vector.load %arg2[%get3A_2, %get3A_3] : memref<128x64xf32, #tpu.memory_space<vmem>>, vector<128x64xf32>
    %dot_general3A = arith.constant dense<0.000000e+00> : vector<4096x64xf32>
    %dot_general3A_5 = tpu.matmul %get3A_1, %get3A_4, %dot_general3A {dimension_numbers = #tpu.dot_dimension_numbers<[1], [0], [0], [1], [0, 0, 1, 1], [], []>, transpose_lhs_hint = false} : vector<4096x128xf32>, vector<128x64xf32>, vector<4096x64xf32> -> vector<4096x64xf32>
    %get3A_6 = arith.constant 0 : index
    %get3A_7 = arith.constant 0 : index
    %get3A_8 = vector.load %arg3[%get3A_6, %get3A_7] : memref<1x64xf32, #tpu.memory_space<vmem>>, vector<1x64xf32>
    %add3A = vector.broadcast %get3A_8 : vector<1x64xf32> to vector<4096x64xf32>
    %add3A_9 = arith.addf %dot_general3A_5, %add3A : vector<4096x64xf32>
    %max3A = arith.constant 0.000000e+00 : f32
    %max3A_10 = vector.broadcast %max3A : f32 to vector<4096x64xf32>
    %max3A_11 = arith.maximumf %add3A_9, %max3A_10 : vector<4096x64xf32>
    %abs3A = math.absf %add3A_9 : vector<4096x64xf32>
    %neg3A = arith.constant 0.000000e+00 : f32
    %neg3A_12 = vector.broadcast %neg3A : f32 to vector<4096x64xf32>
    %neg3A_13 = arith.subf %neg3A_12, %abs3A : vector<4096x64xf32>
    %exp3A = math.exp %neg3A_13 : vector<4096x64xf32>
    %log1p3A = math.log1p %exp3A : vector<4096x64xf32>
    %add3A_14 = arith.addf %max3A_11, %log1p3A : vector<4096x64xf32>
    %sub3A = arith.constant 0.693147182 : f32
    %sub3A_15 = vector.broadcast %sub3A : f32 to vector<4096x64xf32>
    %sub3A_16 = arith.subf %add3A_14, %sub3A_15 : vector<4096x64xf32>
    %get3A_17 = arith.constant 0 : index
    %get3A_18 = arith.constant 0 : index
    %get3A_19 = vector.load %arg4[%get3A_17, %get3A_18] : memref<1x64xf32, #tpu.memory_space<vmem>>, vector<1x64xf32>
    %mul3A = vector.broadcast %get3A_19 : vector<1x64xf32> to vector<4096x64xf32>
    %mul3A_20 = arith.mulf %sub3A_16, %mul3A : vector<4096x64xf32>
    %reduce_sum3A = arith.constant dense<0.000000e+00> : vector<4096xf32>
    %reduce_sum3A_21 = vector.multi_reduction <add>, %mul3A_20, %reduce_sum3A [1] : vector<4096x64xf32> to vector<4096xf32>
    %broadcast_in_dim3A = vector.shape_cast %reduce_sum3A_21 : vector<4096xf32> to vector<4096x1xf32>
    %get3A_22 = arith.constant 0 : index
    %get3A_23 = arith.constant 0 : index
    %get3A_24 = vector.load %arg5[%get3A_22, %get3A_23] : memref<1x1xf32, #tpu.memory_space<vmem>>, vector<1x1xf32>
    %get3A_25 = vector.extract %get3A_24[0, 0] : f32 from vector<1x1xf32>
    %add3A_26 = vector.broadcast %get3A_25 : f32 to vector<4096x1xf32>
    %add3A_27 = arith.addf %broadcast_in_dim3A, %add3A_26 : vector<4096x1xf32>
    %iota3A = tpu.iota {dimensions = array<i32: 1>} : vector<1x256xi32>
    %convert_element_type3A = arith.sitofp %iota3A : vector<1x256xi32> to vector<1x256xf32>
    %get3A_28 = arith.constant 0 : index
    %get3A_29 = arith.constant 0 : index
    %get3A_30 = vector.load %arg6[%get3A_28, %get3A_29] : memref<4096x1xf32, #tpu.memory_space<vmem>>, vector<4096x1xf32>
    %eq3A = vector.broadcast %get3A_30 : vector<4096x1xf32> to vector<4096x256xf32>
    %eq3A_31 = vector.broadcast %convert_element_type3A : vector<1x256xf32> to vector<4096x256xf32>
    %eq3A_32 = arith.cmpf oeq, %eq3A, %eq3A_31 : vector<4096x256xf32>
    %convert_element_type3A_33 = arith.extui %eq3A_32 : vector<4096x256xi1> to vector<4096x256xi32>
    %convert_element_type3A_34 = arith.sitofp %convert_element_type3A_33 : vector<4096x256xi32> to vector<4096x256xf32>
    %mul3A_35 = vector.broadcast %add3A_27 : vector<4096x1xf32> to vector<4096x256xf32>
    %mul3A_36 = arith.mulf %convert_element_type3A_34, %mul3A_35 : vector<4096x256xf32>
    %reduce_sum3A_37 = arith.constant dense<0.000000e+00> : vector<256xf32>
    %reduce_sum3A_38 = vector.multi_reduction <add>, %mul3A_36, %reduce_sum3A_37 [0] : vector<4096x256xf32> to vector<256xf32>
    %broadcast_in_dim3A_39 = vector.shape_cast %reduce_sum3A_38 : vector<256xf32> to vector<1x256xf32>
    %swap3A = arith.constant 0 : index
    %swap3A_40 = arith.constant 0 : index
    %swap3A_41 = vector.load %arg7[%swap3A, %swap3A_40] : memref<1x256xf32, #tpu.memory_space<vmem>>, vector<1x256xf32>
    tpu.vector_store %arg7[%swap3A, %swap3A_40], %broadcast_in_dim3A_39 {strides = array<i32>} : memref<1x256xf32, #tpu.memory_space<vmem>>, vector<1x256xf32>,
    return
  }
  func.func @transform_0(%arg0: i32) -> (i32, i32) {
    %c0_i32 = arith.constant 0 : i32
    %c0_i32_0 = arith.constant 0 : i32
    %c0_i32_1 = arith.constant 0 : i32
    return %c0_i32, %c0_i32_0 : i32, i32
  }
  func.func @transform_1(%arg0: i32) -> (i32, i32) {
    %c0_i32 = arith.constant 0 : i32
    %c0_i32_0 = arith.constant 0 : i32
    %c0_i32_1 = arith.constant 0 : i32
    return %c0_i32, %c0_i32_0 : i32, i32
  }
  func.func @transform_2(%arg0: i32) -> (i32, i32) {
    %c0_i32 = arith.constant 0 : i32
    %c0_i32_0 = arith.constant 0 : i32
    %c0_i32_1 = arith.constant 0 : i32
    return %c0_i32, %c0_i32_0 : i32, i32
  }
  func.func @transform_3(%arg0: i32) -> (i32, i32) {
    %c0_i32 = arith.constant 0 : i32
    %c0_i32_0 = arith.constant 0 : i32
    %c0_i32_1 = arith.constant 0 : i32
    return %c0_i32, %c0_i32_0 : i32, i32
  }
  func.func @transform_4(%arg0: i32) -> (i32, i32) {
    %c0_i32 = arith.constant 0 : i32
    %c0_i32_0 = arith.constant 0 : i32
    %c0_i32_1 = arith.constant 0 : i32
    return %c0_i32, %c0_i32_0 : i32, i32
  }
  func.func @transform_5(%arg0: i32) -> (i32, i32) {
    %c0_i32 = arith.constant 0 : i32
    %c0_i32_0 = arith.constant 0 : i32
    %c0_i32_1 = arith.constant 0 : i32
    return %c0_i32, %c0_i32_0 : i32, i32
  }
  func.func @transform_6(%arg0: i32) -> (i32, i32) {
    %c0_i32 = arith.constant 0 : i32
    %c0_i32_0 = arith.constant 0 : i32
    %c0_i32_1 = arith.constant 0 : i32
    return %c0_i32, %c0_i32_0 : i32, i32
  }
}

</mosaic_0001>

<sc_bundles>
// kernel: kernel.17.cloned.1.call-start
scs
__scs_entry_jumppad:
0x0: {  	(pc) =	sbr.rel $0x88, $3  }
0x1: {  	(tag) =	ssettag $0x0;
	lr =	simm.s32 $0x1  }
0x2: {  	[smem:$0x3F90] =	sst lr;
	_ =	strace $0xD0000000  }
0x3: {  	_ = 	snop  }
0x4: {  	_ = 	snop  }
0x5: {  	_ = 	snop  }
0x6: {  	_ = 	snop  }
0x7: {  	_ = 	snop  }
__scs_overlays_trampoline_lowered:
0x8: {  	[smem:$0x3F9F] =	sst s0  }
0x9: {  	[smem:$0x3FA0] =	sst s1  }
0xa: {  	[smem:$0x3FA1] =	sst s2  }
0xb: {  	[smem:$0x3FA2] =	sst s3  }
0xc: {  	[smem:$0x3FA3] =	sst s4  }
0xd: {  	[smem:$0x3FA4] =	sst s5  }
0xe: {  	[smem:$0x3FA5] =	sst s6  }
0xf: {  	[smem:$0x3FA6] =	sst s7  }
0x10: {  	[smem:$0x3FA7] =	sst s8  }
0x11: {  	[smem:$0x3FA8] =	sst s9;
	s0 =	simm.s32 @!p0 $0x0  }
0x12: {  	s1 =	sld [smem:$0x3F8E];
	s0 =	simm.s32 @p0 $0x1  }
0x13: {  	[smem:$0x3FA9] =	sst s0;
	s0 =	simm.s32 @!p1 $0x0  }
0x14: {  	s2 =	sld [smem:$0x3F8D];
	s0 =	simm.s32 @p1 $0x1  }
0x15: {  	[smem:$0x3FAA] =	sst s0;
	s0 =	simm.s32 @!p2 $0x0  }
0x16: {  	s3 =	sld [smem:$0x3FDB];
	s0 =	simm.s32 @p2 $0x1  }
0x17: {  	s4 =	simm.s32 $0x1BF5;
	[smem:$0x3FAC] =	sst s0  }
0x18: {  	s0 =	sld [smem:$0x3F8F];
	_ =	swait.ge [sflag:s4], $0x0  }
0x19: {  	s7 =	sld [smem:$0x3F90]  }
0x1a: {  	s8 =	sadd.s32 $0xFFFFE003, lr  }
0x1b: {  	s9 =	sadd.s32 $0xFFFFFEF7, lr;
	s5 =	simm.s32 $0xFFFFFFFF;
	p2 =	slt.u32 s8, $0xFFFFF086  }
0x1c: {  	p1 =	slt.u32 s9, $0xF7A;
	s5 =	simm.s32 @!p2 $0x0  }
0x1d: {  	s5 =	simm.s32 @p1 $0x1;
	p0 =	seq.s32 s7, s2  }
0x1e: {  	s7 =	smul.u32 @!p0 $0xF7A, s2;
	p2 =	seq.s32 @!p0 s5, $0x0  }
0x1f: {  	s9 =	smul.u32 $0xF7A, s1;
	s8 =	simm.s32 @!p0 $0x1BF5;
	p2 =	por !p2, p0  }
0x20: {  	[sflag:s8] =	ssyncset.s32 @!p0 $0xFFFFF086;
	s6 =	sadd.s32 @!p0 s3, s7;
	s7 =	simm.s32 @!p0 $0x108  }
0x21: {  	s3 =	sadd.s32 s3, s9;
	s6 =	sadd.s32 @!p0 $0x88, s6;
	s7 =	simm.s32 @p2 $0x1082  }
0x22: {  	[simem:s7], [sflag:s8] =	dma.local @!p0 [hbm:s6], $0xF7A  }
0x23: {  	s9 =	sor.u32 $0xD0000000, s2;
	s6 =	simm.s32 $0x108;
	_ =	swait.ge @!p0 [sflag:s8], $0x0  }
0x24: {  	s3 =	sadd.s32 $0x88, s3;
	s6 =	simm.s32 @!p1 $0x1082;
	[sflag:s4] =	ssyncset.s32 $0xFFFFF086  }
0x25: {  	[simem:s6], [sflag:s4] =	dma.local [hbm:s3], $0xF7A  }
0x26: {  	[smem:$0x3F90] =	sst s1;
	(tag) =	ssettag s2;
	_ =	strace s9  }
0x27: {  	s1 =	sld [smem:$0x3FA0]  }
0x28: {  	s2 =	sld [smem:$0x3FA1]  }
0x29: {  	s4 =	sld [smem:$0x3FA3]  }
0x2a: {  	p0 =	seq.s32 s5, $0x0;
	s5 =	sld [smem:$0x3FA4]  }
0x2b: {  	s6 =	sld [smem:$0x3FA5]  }
0x2c: {  	s7 =	sld [smem:$0x3FA6]  }
0x2d: {  	s3 =	simm.s32 $0x108;
	s8 =	sld [smem:$0x3FA7]  }
0x2e: {  	s3 =	simm.s32 @!p0 $0x1082;
	s9 =	sld [smem:$0x3FA8]  }
0x2f: {  	lr =	sadd.s32 s0, s3;
	s0 =	sld [smem:$0x3F9F]  }
0x30: {  	s3 =	sld [smem:$0x3FA2]  }
0x31: {  	[smem:$0x3FAB] =	sst s10  }
0x32: {  	s10 =	sld [smem:$0x3FA9];
	_ =	sdelay $0x3  }
0x33: {  	p0 =	seq.s32 s10, $0x1;
	s10 =	sld [smem:$0x3FAB];
	_ =	sdelay $0x3  }
0x34: {  	[smem:$0x3FAB] =	sst s10  }
0x35: {  	s10 =	sld [smem:$0x3FAA];
	_ =	sdelay $0x3  }
0x36: {  	p1 =	seq.s32 s10, $0x1;
	s10 =	sld [smem:$0x3FAB];
	_ =	sdelay $0x3  }
0x37: {  	[smem:$0x3FAB] =	sst s10  }
0x38: {  	s10 =	sld [smem:$0x3FAC]  }
0x39: {  	_ = 	snop;
	(pc) =	sbr.ind lr, $3  }
0x3a: {  	_ = 	snop  }
0x3b: {  	_ = 	snop  }
0x3c: {  	p2 =	seq.s32 s10, $0x1;
	s10 =	sld [smem:$0x3FAB]  }
0x3d: {  	_ =	shalt  }
0x3e: {  	_ =	shalt  }
0x3f: {  	_ =	shalt  }
0x40: {  	_ =	shalt  }
0x41: {  	_ =	shalt  }
0x42: {  	_ =	shalt  }
0x43: {  	_ =	shalt  }
0x44: {  	_ =	shalt  }
0x45: {  	_ =	shalt  }
0x46: {  	_ =	shalt  }
0x47: {  	_ =	shalt  }
0x48: {  	_ =	shalt  }
0x49: {  	_ =	shalt  }
0x4a: {  	_ =	shalt  }
0x4b: {  	_ =	shalt  }
0x4c: {  	_ =	shalt  }
0x4d: {  	_ =	shalt  }
0x4e: {  	_ =	shalt  }
0x4f: {  	_ =	shalt  }
0x50: {  	_ =	shalt  }
0x51: {  	_ =	shalt  }
0x52: {  	_ =	shalt  }
0x53: {  	_ =	shalt  }
0x54: {  	_ =	shalt  }
0x55: {  	_ =	shalt  }
0x56: {  	_ =	shalt  }
0x57: {  	_ =	shalt  }
0x58: {  	_ =	shalt  }
0x59: {  	_ =	shalt  }
0x5a: {  	_ =	shalt  }
0x5b: {  	_ =	shalt  }
0x5c: {  	_ =	shalt  }
0x5d: {  	_ =	shalt  }
0x5e: {  	_ =	shalt  }
0x5f: {  	_ =	shalt  }
0x60: {  	_ =	shalt  }
0x61: {  	_ =	shalt  }
0x62: {  	_ =	shalt  }
0x63: {  	_ =	shalt  }
0x64: {  	_ =	shalt  }
0x65: {  	_ =	shalt  }
0x66: {  	_ =	shalt  }
0x67: {  	_ =	shalt  }
0x68: {  	_ =	shalt  }
0x69: {  	_ =	shalt  }
0x6a: {  	_ =	shalt  }
0x6b: {  	_ =	shalt  }
0x6c: {  	_ =	shalt  }
0x6d: {  	_ =	shalt  }
0x6e: {  	_ =	shalt  }
0x6f: {  	_ =	shalt  }
0x70: {  	_ =	shalt  }
0x71: {  	_ =	shalt  }
0x72: {  	_ =	shalt  }
0x73: {  	_ =	shalt  }
0x74: {  	_ =	shalt  }
0x75: {  	_ =	shalt  }
0x76: {  	_ =	shalt  }
0x77: {  	_ =	shalt  }
0x78: {  	_ =	shalt  }
0x79: {  	_ =	shalt  }
0x7a: {  	_ =	shalt  }
0x7b: {  	_ =	shalt  }
0x7c: {  	_ =	shalt  }
0x7d: {  	_ =	shalt  }
0x7e: {  	_ =	shalt  }
0x7f: {  	_ =	shalt  }
0x80: {  	_ =	shalt  }
0x81: {  	_ =	shalt  }
0x82: {  	_ =	shalt  }
0x83: {  	_ =	shalt  }
0x84: {  	_ =	shalt  }
0x85: {  	_ =	shalt  }
0x86: {  	_ =	shalt  }
0x87: {  	_ =	shalt  }
.Lfunc_end0:
.L_simem_size_0:
called_computation_lowered:
.L_overlay_start_0:
0x88: {  	s2 =	sld [smem:$0x3FD9]  }
0x89: {  	s3 =	sld [smem:$0x3FFE];
	_ =	sdelay $0x1  }
0x8a: {  	s1 =	srdreg.scid  }
0x8b: {  	s0 =	sand.u32 $0x1, s1  }
0x8c: {  	s16 =	sshll.u32 s0, $0xA;
	s2 =	sadd.s32 s3, s2  }
0x8d: {  	s2 =	sadd.s32 s2, s16  }
0x8e: {  	[smem:$0x3FB7] =	sst s2  }
0x8f: {  	_ = 	snop  }
0x90: {  	(tm) =	ssettm $0x1  }
0x91: {  	s17 =	sld [smem:$0x3FFB];
	_ =	sdelay $0x3  }
0x92: {  	_ =	strace s17  }
0x93: {  	s2 =	sld [smem:$0x3FFC];
	_ =	sdelay $0x3  }
0x94: {  	_ =	strace s2  }
0x95: {  	s2 =	sld [smem:$0x3FFD];
	_ =	sdelay $0x3  }
0x96: {  	_ =	strace s2  }
0x97: {  	_ =	strace $0x8FFFFFFF  }
0x98: {  	s18 =	sld [smem:$0x3FDB];
	_ =	sdelay $0x1  }
0x99: {  	s19 =	simm.s32 $_scs_section_size  }
0x9a: {  	s4 =	simm.s32 $_size__tile_overlayer_lowered;
	s5 =	simm.s32 $_tile_overlayer_lowered  }
0x9b: {  	s22 =	simm.s32 $0x1BFF;
	s21 =	sshll.u32 s5, $0x1;
	s2 =	sadd.s32 s19, s18  }
0x9c: {  	s6 =	simm.s32 $0x0;
	s20 =	sshll.u32 s4, $0x1;
	s4 =	sadd.s32 s21, s2  }
0x9d: {  	[timem:s6], [sflag:s22] =	dma.local [hbm:s4], s20  }
0x9e: {  	_ =	swait.ge [sflag:s22], s20  }
0x9f: {  	s3 =	ssub.s32 $0x0, s20;
	[sflag:s22] =	ssyncset.done $0x0  }
0xa0: {  	[sflag:s22] =	ssyncadd.s32 s3;
	_ =	sdelay $0x1  }
0xa1: {  	s23 =	simm.s32 $0x1B8B  }
0xa2: {  	_ =	swait.ge [sflag:s23], $0x1  }
0xa3: {  	[sflag:s23] =	ssyncset.done $0x0  }
0xa4: {  	s25 =	simm.s32 $0x1B8E;
	s24 =	sld [smem:$0x3FFE];
	[sflag:s23] =	ssyncadd.s32 $0xFFFFFFFF  }
0xa5: {  	s26 =	simm.s32 $execute0_lowered;
	[smem:$0x3FD2] =	sst s25  }
0xa6: {  	s4 =	sshll.u32 s26, $0x1;
	_ =	strace $0x80000046;
	[dreg:$0x1] =	wrdreg $0xFFFFFFFF  }
0xa7: {  	s28 =	simm.s32 $_size_execute0_lowered;
	s2 =	sadd.s32 s2, s4;
	[dreg:$0x0] =	wrdreg $0x0  }
0xa8: {  	s4 =	sshll.u32 s28, $0x1;
	[dreg:$0x2] =	wrdreg s2  }
0xa9: {  	[dreg:$0x3] =	wrdreg s4  }
0xaa: {  	[dreg:$0x4] =	wrdreg $0xC0  }
0xab: {  	_ =	task [dreg:s6], $0x5FFFF  }
0xac: {  	[dreg:$0x1] =	wrdreg $0xFFFFFFFF  }
0xad: {  	[dreg:$0x0] =	wrdreg $0x60  }
0xae: {  	[dreg:$0x2] =	wrdreg s24  }
0xaf: {  	[dreg:$0x3] =	wrdreg $0x9  }
0xb0: {  	_ =	task.clear_ibuf [dreg:s6], $0x4FFFF;
	_ =	strace $0x90000046  }
0xb1: {  	s29 =	simm.s32 $0x9;
	_ =	strace $0x80000048  }
0xb2: {  	_ =	swait.ge [sflag:s29], $0x1  }
0xb3: {  	[sflag:s29] =	ssyncadd.s32 $0xFFFFFFFF  }
0xb4: {  	_ =	strace $0x90000048  }
0xb5: {  	_ =	sfence  }
0xb6: {  	s30 =	sld [smem:$0x0];
	_ =	sdelay $0x2  }
0xb7: {  	s31 =	sshll.u32 s1, $0xD;
	s1 =	sshrl.u32 s1, $0x2  }
0xb8: {  	s3 =	sand.u32 $0x4000, s31;
	s1 =	sadd.s32 s1, s30  }
0xb9: {  	s0 =	sor.u32 s3, s0;
	s1 =	sshll.u32 s1, $0x11  }
0xba: {  	s0 =	sor.u32 s1, s0  }
0xbb: {  	s0 =	sadd.s32 $0x8F2B, s0  }
0xbc: {  	[sflag:s0] =	ssyncadd.remote.s32 $0x1  }
0xbd: {  	_ =	sfence.sel $0xFFFF  }
0xbe: {  	[dreg:$0x0] =	wrdreg $0xFFFFFFFF;
	(pc) =	sbr.abs _section_cstart, $3  }
0xbf: {  	[dreg:$0x1] =	wrdreg $0xFFFFFFFF  }
0xc0: {  	_ =	task.clear_ibuf [dreg:s6], $0x2FFFF;
	_ =	strace $0x9FFFFFFF  }
0xc1: {  	(tm) =	ssettm $0x7FFFFFFF  }
tec
execute0_lowered:
.L_overlay_start_1:
0x0: {  	(tag) =	ssettag $0x1  }
0x1: {  	s4 =	rddreg [dreg:$0x0]  }
0x2: {  	s0 =	rddreg [dreg:$0x1]  }
0x3: {  	s2 =	simm.s32 $0x0;
	s3 =	srdreg.scid;
	s1 =	stileid.u32  }
0x4: {  	s10 =	simm.s32 $0x5000;
	s11 =	simm.s32 $0x9000;
	s12 =	simm.s32 $0xD000  }
0x5: {  	s13 =	simm.s32 $0x1;
	s14 =	simm.s32 $0x2;
	s15 =	simm.s32 $0x0  }
0x6: {  	[smem:$0x7FF] =	sst s2;
	s5 =	sand.u32 $0x1, s3;
	s3 =	sadd.s32 $0x24E00, s4  }
0x7: {  	s6 =	sshll.u32 s1, $0xA;
	s30 =	sshll.u32 s1, $0x11;
	_ =	strace $0x80000047  }
0x8: {  	s7 =	sshll.u32 s5, $0x9;
	s8 =	ssub.s32 $0x2, s5;
	s5 =	sshll.u32 s5, $0x10  }
0x9: {  	s6 =	sor.u32 s7, s6;
	s7 =	sadd.s32 s30, s4;
	s9 =	sshrl.u32 s8, $0x1  }
0xa: {  	s4 =	sadd.s32 s6, s4;
	s31 =	ssub.s32 s8, s9;
	s7 =	sadd.s32 s5, s7  }
0xb: {  	s8 =	simm.s32 $0x80;
	s9 =	simm.s32 $0x1000;
	s4 =	sadd.s32 $0x1BE00, s4  }
0xc: {  	s5 =	smax.u32 s31, $0x1;
	s6 =	sadd.s32 $0x34E00, s7;
	s7 =	simm.s32 $0x3  }
.LBB2_1:
0xd: {  	[tilespmem:s2], [sflag:$0x3] =	stream.linear.gather [hbm4b:s4+s2], $0x1000, $0x38;
	[tilespmem:$0x11000] =	vst v63  }
0xe: {  	_ =	swait.ge [sflag:s7], $0x1000  }
0xf: {  	[sflag:s7] =	ssyncset.done $0x0  }
0x10: {  	s16 =	simm.s32 $0x0;
	[sflag:s7] =	ssyncadd.s32 $0xFFFFF000  }
0x11: {  	[tilespmem:s9], [sflag:$0x1] =	stream.indirect.gather [hbm4b:s3+s8], $0x80, s16, s8, $0xb8;
	[tilespmem:$0x11000] =	vst v63  }
0x12: {  	s28 =	simm.s32 $0x80  }
0x13: {  	[tilespmem:s10], [sflag:$0x1] =	stream.indirect.gather [hbm4b:s3+s8], $0x80, s28, s8, $0xb8;
	[tilespmem:$0x11000] =	vst v63  }
0x14: {  	s29 =	simm.s32 $0x100  }
0x15: {  	[tilespmem:s11], [sflag:$0x1] =	stream.indirect.gather [hbm4b:s3+s8], $0x80, s29, s8, $0xb8;
	[tilespmem:$0x11000] =	vst v63  }
0x16: {  	s30 =	simm.s32 $0x180  }
0x17: {  	[tilespmem:s12], [sflag:$0x1] =	stream.indirect.gather [hbm4b:s3+s8], $0x80, s30, s8, $0xb8;
	[tilespmem:$0x11000] =	vst v63  }
0x18: {  	_ =	swait.ge [sflag:s13], $0x4000  }
0x19: {  	[sflag:s13] =	ssyncset.done $0x0  }
0x1a: {  	[sflag:s13] =	ssyncadd.s32 $0xFFFFC000  }
0x1b: {  	_ =	swait.ge [sflag:s13], $0x4000  }
0x1c: {  	[sflag:s13] =	ssyncset.done $0x0  }
0x1d: {  	[sflag:s13] =	ssyncadd.s32 $0xFFFFC000  }
0x1e: {  	_ =	swait.ge [sflag:s13], $0x4000  }
0x1f: {  	[sflag:s13] =	ssyncset.done $0x0  }
0x20: {  	[sflag:s13] =	ssyncadd.s32 $0xFFFFC000  }
0x21: {  	_ =	swait.ge [sflag:s13], $0x4000  }
0x22: {  	[sflag:s13] =	ssyncset.done $0x0  }
0x23: {  	s31 =	sadd.s32 $0x0, s6;
	[sflag:s13] =	ssyncadd.s32 $0xFFFFC000  }
0x24: {  	[hbm4b:s31+s2] =	stream.linear.scatter [tilespmem:s9], [sflag:$0x2], $0x10000, $0x38;
	[tilespmem:$0x11000] =	vst v63  }
0x25: {  	s18 =	simm.s32 $0x4000;
	_ =	swait.ge [sflag:s14], $0x10000  }
0x26: {  	s17 =	simm.s32 $0x380;
	s16 =	simm.s32 $0x2000;
	[sflag:s14] =	ssyncset.done $0x0  }
.LBB2_2:
0x27: {  	p0 =	sne.s32 s18, $0xE000;
	s19 =	sadd.s32 $0xFFFFFE80, s17;
	[sflag:s14] =	ssyncadd.s32 $0xFFFF0000  }
0x28: {  	[tilespmem:s9], [sflag:$0x1] =	stream.indirect.gather [hbm4b:s3+s8], $0x80, s19, s8, $0xb8;
	[tilespmem:$0x11000] =	vst v63  }
0x29: {  	s20 =	smov.u32 s18;
	s18 =	sadd.s32 $0x2000, s18;
	s19 =	sadd.s32 $0xFFFFFF00, s17  }
0x2a: {  	[tilespmem:s10], [sflag:$0x1] =	stream.indirect.gather [hbm4b:s3+s8], $0x80, s19, s8, $0xb8;
	[tilespmem:$0x11000] =	vst v63  }
0x2b: {  	s19 =	sadd.s32 $0xFFFFFF80, s17  }
0x2c: {  	[tilespmem:s11], [sflag:$0x1] =	stream.indirect.gather [hbm4b:s3+s8], $0x80, s19, s8, $0xb8;
	[tilespmem:$0x11000] =	vst v63  }
0x2d: {  	_ = 	snop  }
0x2e: {  	[tilespmem:s12], [sflag:$0x1] =	stream.indirect.gather [hbm4b:s3+s8], $0x80, s17, s8, $0xb8;
	[tilespmem:$0x11000] =	vst v63  }
0x2f: {  	_ =	swait.ge [sflag:s13], $0x4000  }
0x30: {  	[sflag:s13] =	ssyncset.done $0x0  }
0x31: {  	[sflag:s13] =	ssyncadd.s32 $0xFFFFC000  }
0x32: {  	_ =	swait.ge [sflag:s13], $0x4000  }
0x33: {  	[sflag:s13] =	ssyncset.done $0x0  }
0x34: {  	[sflag:s13] =	ssyncadd.s32 $0xFFFFC000  }
0x35: {  	_ =	swait.ge [sflag:s13], $0x4000  }
0x36: {  	[sflag:s13] =	ssyncset.done $0x0  }
0x37: {  	[sflag:s13] =	ssyncadd.s32 $0xFFFFC000  }
0x38: {  	_ =	swait.ge [sflag:s13], $0x4000  }
.Ltmp0:
0x39: {  	[sflag:s13] =	ssyncset.done $0x0;
	(pc) =	sbr.rel @p0 .LBB2_2-.Ltmp0, $4  }
0x3a: {  	s19 =	sadd.s32 s16, s6;
	s16 =	smov.u32 s20;
	[sflag:s13] =	ssyncadd.s32 $0xFFFFC000  }
0x3b: {  	[hbm4b:s19+s2] =	stream.linear.scatter [tilespmem:s9], [sflag:$0x2], $0x10000, $0x38;
	[tilespmem:$0x11000] =	vst v63  }
0x3c: {  	_ =	swait.ge [sflag:s14], $0x10000  }
0x3d: {  	s17 =	sadd.s32 $0x200, s17;
	[sflag:s14] =	ssyncset.done $0x0  }
0x3e: {  	s18 =	sadd.s32 $0xFFFFFE80, s17;
	[sflag:s14] =	ssyncadd.s32 $0xFFFF0000  }
0x3f: {  	[tilespmem:s9], [sflag:$0x1] =	stream.indirect.gather [hbm4b:s3+s8], $0x80, s18, s8, $0xb8;
	[tilespmem:$0x11000] =	vst v63  }
0x40: {  	s30 =	sadd.s32 $0xFFFFFF00, s17  }
0x41: {  	[tilespmem:s10], [sflag:$0x1] =	stream.indirect.gather [hbm4b:s3+s8], $0x80, s30, s8, $0xb8;
	[tilespmem:$0x11000] =	vst v63  }
0x42: {  	s31 =	sadd.s32 $0xFFFFFF80, s17  }
0x43: {  	[tilespmem:s11], [sflag:$0x1] =	stream.indirect.gather [hbm4b:s3+s8], $0x80, s31, s8, $0xb8;
	[tilespmem:$0x11000] =	vst v63  }
0x44: {  	_ = 	snop  }
0x45: {  	[tilespmem:s12], [sflag:$0x1] =	stream.indirect.gather [hbm4b:s3+s8], $0x80, s17, s8, $0xb8;
	[tilespmem:$0x11000] =	vst v63  }
0x46: {  	_ =	swait.ge [sflag:s13], $0x4000  }
0x47: {  	[sflag:s13] =	ssyncset.done $0x0  }
0x48: {  	[sflag:s13] =	ssyncadd.s32 $0xFFFFC000  }
0x49: {  	_ =	swait.ge [sflag:s13], $0x4000  }
0x4a: {  	[sflag:s13] =	ssyncset.done $0x0  }
0x4b: {  	[sflag:s13] =	ssyncadd.s32 $0xFFFFC000  }
0x4c: {  	_ =	swait.ge [sflag:s13], $0x4000  }
0x4d: {  	[sflag:s13] =	ssyncset.done $0x0  }
0x4e: {  	[sflag:s13] =	ssyncadd.s32 $0xFFFFC000  }
0x4f: {  	s15 =	sadd.s32 $0x1, s15;
	_ =	swait.ge [sflag:s13], $0x4000  }
0x50: {  	p0 =	sne.s32 s15, s5;
	[sflag:s13] =	ssyncset.done $0x0  }
.Ltmp1:
0x51: {  	s16 =	sadd.s32 s16, s6;
	[sflag:s13] =	ssyncadd.s32 $0xFFFFC000;
	(pc) =	sbr.rel @p0 .LBB2_1-.Ltmp1, $4  }
0x52: {  	[hbm4b:s16+s2] =	stream.linear.scatter [tilespmem:s9], [sflag:$0x2], $0x10000, $0x38;
	[tilespmem:$0x11000] =	vst v63  }
0x53: {  	_ =	swait.ge [sflag:s14], $0x10000  }
0x54: {  	[sflag:s14] =	ssyncset.done $0x0  }
0x55: {  	[sflag:s14] =	ssyncadd.s32 $0xFFFF0000  }
0x56: {  	_ =	sfence.sel $0x180000  }
0x57: {  	[bflag:$0x0] =	sbarrier.arrive $0xFFFF  }
0x58: {  	p0 =	sne.s32 s1, $0x0;
	_ =	strace $0x90000047  }
0x59: {  	s0 =	sadd.s32 @!p0 $0x100000, s0;
	[bflag:$0x2] =	sbarrier.arrive $0xFFFF  }
0x5a: {  	[sflag:s0] =	ssyncadd.tile.s32 @!p0 $0x1;
	_ =	shalt  }
.Lfunc_end2:
_tile_overlayer_lowered:
.L_overlay_start_2:
0x5b: {  	(tag) =	ssettag $0x2  }
0x5c: {  	s0 =	rddreg [dreg:$0x0];
	s2 =	stileid.u32  }
0x5d: {  	s1 =	rddreg [dreg:$0x1];
	p0 =	sne.s32 s2, $0x0  }
0x5e: {  	s3 =	rddreg [dreg:$0x2];
	[bflag:$0x3] =	sbarrier.arrive $0xFFFF;
	s2 =	simm.s32 @!p0 $0x1C03  }
0x5f: {  	[timem:s3], [sflag:s2] =	dma.local @!p0 [hbm:s0], s1  }
0x60: {  	s0 =	simm.s32 @!p0 $0x3  }
0x61: {  	_ =	swait.ge @!p0 [sflag:s0], s1  }
0x62: {  	s1 =	ssub.s32 @!p0 $0x0, s1;
	[sflag:s0] =	ssyncset.done @!p0 $0x0  }
0x63: {  	[sflag:s0] =	ssyncadd.s32 @!p0 s1  }
0x64: {  	[bflag:$0x3] =	sbarrier.arrive $0xFFFF  }
0x65: {  	_ =	shalt  }

// kernel: kernel.20.cloned.1.call-start
scs
__scs_entry_jumppad:
0x0: {  	(pc) =	sbr.rel $0x88, $3  }
0x1: {  	(tag) =	ssettag $0x0;
	lr =	simm.s32 $0x1  }
0x2: {  	[smem:$0x3F90] =	sst lr;
	_ =	strace $0xD0000000  }
0x3: {  	_ = 	snop  }
0x4: {  	_ = 	snop  }
0x5: {  	_ = 	snop  }
0x6: {  	_ = 	snop  }
0x7: {  	_ = 	snop  }
__scs_overlays_trampoline_lowered:
0x8: {  	[smem:$0x3F9F] =	sst s0  }
0x9: {  	[smem:$0x3FA0] =	sst s1  }
0xa: {  	[smem:$0x3FA1] =	sst s2  }
0xb: {  	[smem:$0x3FA2] =	sst s3  }
0xc: {  	[smem:$0x3FA3] =	sst s4  }
0xd: {  	[smem:$0x3FA4] =	sst s5  }
0xe: {  	[smem:$0x3FA5] =	sst s6  }
0xf: {  	[smem:$0x3FA6] =	sst s7  }
0x10: {  	[smem:$0x3FA7] =	sst s8  }
0x11: {  	[smem:$0x3FA8] =	sst s9;
	s0 =	simm.s32 @!p0 $0x0  }
0x12: {  	s1 =	sld [smem:$0x3F8E];
	s0 =	simm.s32 @p0 $0x1  }
0x13: {  	[smem:$0x3FA9] =	sst s0;
	s0 =	simm.s32 @!p1 $0x0  }
0x14: {  	s2 =	sld [smem:$0x3F8D];
	s0 =	simm.s32 @p1 $0x1  }
0x15: {  	[smem:$0x3FAA] =	sst s0;
	s0 =	simm.s32 @!p2 $0x0  }
0x16: {  	s3 =	sld [smem:$0x3FDB];
	s0 =	simm.s32 @p2 $0x1  }
0x17: {  	s4 =	simm.s32 $0x1BF5;
	[smem:$0x3FAC] =	sst s0  }
0x18: {  	s0 =	sld [smem:$0x3F8F];
	_ =	swait.ge [sflag:s4], $0x0  }
0x19: {  	s7 =	sld [smem:$0x3F90]  }
0x1a: {  	s8 =	sadd.s32 $0xFFFFE003, lr  }
0x1b: {  	s9 =	sadd.s32 $0xFFFFFEF7, lr;
	s5 =	simm.s32 $0xFFFFFFFF;
	p2 =	slt.u32 s8, $0xFFFFF086  }
0x1c: {  	p1 =	slt.u32 s9, $0xF7A;
	s5 =	simm.s32 @!p2 $0x0  }
0x1d: {  	s5 =	simm.s32 @p1 $0x1;
	p0 =	seq.s32 s7, s2  }
0x1e: {  	s7 =	smul.u32 @!p0 $0xF7A, s2;
	p2 =	seq.s32 @!p0 s5, $0x0  }
0x1f: {  	s9 =	smul.u32 $0xF7A, s1;
	s8 =	simm.s32 @!p0 $0x1BF5;
	p2 =	por !p2, p0  }
0x20: {  	[sflag:s8] =	ssyncset.s32 @!p0 $0xFFFFF086;
	s6 =	sadd.s32 @!p0 s3, s7;
	s7 =	simm.s32 @!p0 $0x108  }
0x21: {  	s3 =	sadd.s32 s3, s9;
	s6 =	sadd.s32 @!p0 $0x88, s6;
	s7 =	simm.s32 @p2 $0x1082  }
0x22: {  	[simem:s7], [sflag:s8] =	dma.local @!p0 [hbm:s6], $0xF7A  }
0x23: {  	s9 =	sor.u32 $0xD0000000, s2;
	s6 =	simm.s32 $0x108;
	_ =	swait.ge @!p0 [sflag:s8], $0x0  }
0x24: {  	s3 =	sadd.s32 $0x88, s3;
	s6 =	simm.s32 @!p1 $0x1082;
	[sflag:s4] =	ssyncset.s32 $0xFFFFF086  }
0x25: {  	[simem:s6], [sflag:s4] =	dma.local [hbm:s3], $0xF7A  }
0x26: {  	[smem:$0x3F90] =	sst s1;
	(tag) =	ssettag s2;
	_ =	strace s9  }
0x27: {  	s1 =	sld [smem:$0x3FA0]  }
0x28: {  	s2 =	sld [smem:$0x3FA1]  }
0x29: {  	s4 =	sld [smem:$0x3FA3]  }
0x2a: {  	p0 =	seq.s32 s5, $0x0;
	s5 =	sld [smem:$0x3FA4]  }
0x2b: {  	s6 =	sld [smem:$0x3FA5]  }
0x2c: {  	s7 =	sld [smem:$0x3FA6]  }
0x2d: {  	s3 =	simm.s32 $0x108;
	s8 =	sld [smem:$0x3FA7]  }
0x2e: {  	s3 =	simm.s32 @!p0 $0x1082;
	s9 =	sld [smem:$0x3FA8]  }
0x2f: {  	lr =	sadd.s32 s0, s3;
	s0 =	sld [smem:$0x3F9F]  }
0x30: {  	s3 =	sld [smem:$0x3FA2]  }
0x31: {  	[smem:$0x3FAB] =	sst s10  }
0x32: {  	s10 =	sld [smem:$0x3FA9];
	_ =	sdelay $0x3  }
0x33: {  	p0 =	seq.s32 s10, $0x1;
	s10 =	sld [smem:$0x3FAB];
	_ =	sdelay $0x3  }
0x34: {  	[smem:$0x3FAB] =	sst s10  }
0x35: {  	s10 =	sld [smem:$0x3FAA];
	_ =	sdelay $0x3  }
0x36: {  	p1 =	seq.s32 s10, $0x1;
	s10 =	sld [smem:$0x3FAB];
	_ =	sdelay $0x3  }
0x37: {  	[smem:$0x3FAB] =	sst s10  }
0x38: {  	s10 =	sld [smem:$0x3FAC]  }
0x39: {  	_ = 	snop;
	(pc) =	sbr.ind lr, $3  }
0x3a: {  	_ = 	snop  }
0x3b: {  	_ = 	snop  }
0x3c: {  	p2 =	seq.s32 s10, $0x1;
	s10 =	sld [smem:$0x3FAB]  }
0x3d: {  	_ =	shalt  }
0x3e: {  	_ =	shalt  }
0x3f: {  	_ =	shalt  }
0x40: {  	_ =	shalt  }
0x41: {  	_ =	shalt  }
0x42: {  	_ =	shalt  }
0x43: {  	_ =	shalt  }
0x44: {  	_ =	shalt  }
0x45: {  	_ =	shalt  }
0x46: {  	_ =	shalt  }
0x47: {  	_ =	shalt  }
0x48: {  	_ =	shalt  }
0x49: {  	_ =	shalt  }
0x4a: {  	_ =	shalt  }
0x4b: {  	_ =	shalt  }
0x4c: {  	_ =	shalt  }
0x4d: {  	_ =	shalt  }
0x4e: {  	_ =	shalt  }
0x4f: {  	_ =	shalt  }
0x50: {  	_ =	shalt  }
0x51: {  	_ =	shalt  }
0x52: {  	_ =	shalt  }
0x53: {  	_ =	shalt  }
0x54: {  	_ =	shalt  }
0x55: {  	_ =	shalt  }
0x56: {  	_ =	shalt  }
0x57: {  	_ =	shalt  }
0x58: {  	_ =	shalt  }
0x59: {  	_ =	shalt  }
0x5a: {  	_ =	shalt  }
0x5b: {  	_ =	shalt  }
0x5c: {  	_ =	shalt  }
0x5d: {  	_ =	shalt  }
0x5e: {  	_ =	shalt  }
0x5f: {  	_ =	shalt  }
0x60: {  	_ =	shalt  }
0x61: {  	_ =	shalt  }
0x62: {  	_ =	shalt  }
0x63: {  	_ =	shalt  }
0x64: {  	_ =	shalt  }
0x65: {  	_ =	shalt  }
0x66: {  	_ =	shalt  }
0x67: {  	_ =	shalt  }
0x68: {  	_ =	shalt  }
0x69: {  	_ =	shalt  }
0x6a: {  	_ =	shalt  }
0x6b: {  	_ =	shalt  }
0x6c: {  	_ =	shalt  }
0x6d: {  	_ =	shalt  }
0x6e: {  	_ =	shalt  }
0x6f: {  	_ =	shalt  }
0x70: {  	_ =	shalt  }
0x71: {  	_ =	shalt  }
0x72: {  	_ =	shalt  }
0x73: {  	_ =	shalt  }
0x74: {  	_ =	shalt  }
0x75: {  	_ =	shalt  }
0x76: {  	_ =	shalt  }
0x77: {  	_ =	shalt  }
0x78: {  	_ =	shalt  }
0x79: {  	_ =	shalt  }
0x7a: {  	_ =	shalt  }
0x7b: {  	_ =	shalt  }
0x7c: {  	_ =	shalt  }
0x7d: {  	_ =	shalt  }
0x7e: {  	_ =	shalt  }
0x7f: {  	_ =	shalt  }
0x80: {  	_ =	shalt  }
0x81: {  	_ =	shalt  }
0x82: {  	_ =	shalt  }
0x83: {  	_ =	shalt  }
0x84: {  	_ =	shalt  }
0x85: {  	_ =	shalt  }
0x86: {  	_ =	shalt  }
0x87: {  	_ =	shalt  }
.Lfunc_end0:
.L_simem_size_0:
called_computation.1_lowered:
.L_overlay_start_0:
0x88: {  	s2 =	sld [smem:$0x3FD9]  }
0x89: {  	s3 =	sld [smem:$0x3FFE];
	_ =	sdelay $0x1  }
0x8a: {  	s1 =	srdreg.scid  }
0x8b: {  	s0 =	sand.u32 $0x1, s1  }
0x8c: {  	s16 =	sshll.u32 s0, $0xA;
	s2 =	sadd.s32 s3, s2  }
0x8d: {  	s2 =	sadd.s32 s2, s16  }
0x8e: {  	[smem:$0x3FB7] =	sst s2  }
0x8f: {  	_ = 	snop  }
0x90: {  	(tm) =	ssettm $0x1  }
0x91: {  	s17 =	sld [smem:$0x3FFB];
	_ =	sdelay $0x3  }
0x92: {  	_ =	strace s17  }
0x93: {  	s2 =	sld [smem:$0x3FFC];
	_ =	sdelay $0x3  }
0x94: {  	_ =	strace s2  }
0x95: {  	s2 =	sld [smem:$0x3FFD];
	_ =	sdelay $0x3  }
0x96: {  	_ =	strace s2  }
0x97: {  	_ =	strace $0x8FFFFFFF  }
0x98: {  	s18 =	sld [smem:$0x3FDB];
	_ =	sdelay $0x1  }
0x99: {  	s19 =	simm.s32 $_scs_section_size  }
0x9a: {  	s4 =	simm.s32 $_size__tile_overlayer_lowered;
	s5 =	simm.s32 $_tile_overlayer_lowered  }
0x9b: {  	s22 =	simm.s32 $0x1BFF;
	s21 =	sshll.u32 s5, $0x1;
	s2 =	sadd.s32 s19, s18  }
0x9c: {  	s6 =	simm.s32 $0x0;
	s20 =	sshll.u32 s4, $0x1;
	s4 =	sadd.s32 s21, s2  }
0x9d: {  	[timem:s6], [sflag:s22] =	dma.local [hbm:s4], s20  }
0x9e: {  	_ =	swait.ge [sflag:s22], s20  }
0x9f: {  	s3 =	ssub.s32 $0x0, s20;
	[sflag:s22] =	ssyncset.done $0x0  }
0xa0: {  	[sflag:s22] =	ssyncadd.s32 s3;
	_ =	sdelay $0x1  }
0xa1: {  	s23 =	simm.s32 $0x1B8B  }
0xa2: {  	_ =	swait.ge [sflag:s23], $0x1  }
0xa3: {  	[sflag:s23] =	ssyncset.done $0x0  }
0xa4: {  	s25 =	simm.s32 $0x1B8E;
	s24 =	sld [smem:$0x3FFE];
	[sflag:s23] =	ssyncadd.s32 $0xFFFFFFFF  }
0xa5: {  	s26 =	simm.s32 $execute0_lowered;
	[smem:$0x3FD2] =	sst s25  }
0xa6: {  	s4 =	sshll.u32 s26, $0x1;
	_ =	strace $0x80000049;
	[dreg:$0x1] =	wrdreg $0xFFFFFFFF  }
0xa7: {  	s28 =	simm.s32 $_size_execute0_lowered;
	s2 =	sadd.s32 s2, s4;
	[dreg:$0x0] =	wrdreg $0x0  }
0xa8: {  	s4 =	sshll.u32 s28, $0x1;
	[dreg:$0x2] =	wrdreg s2  }
0xa9: {  	[dreg:$0x3] =	wrdreg s4  }
0xaa: {  	[dreg:$0x4] =	wrdreg $0xC0  }
0xab: {  	_ =	task [dreg:s6], $0x5FFFF  }
0xac: {  	[dreg:$0x1] =	wrdreg $0xFFFFFFFF  }
0xad: {  	[dreg:$0x0] =	wrdreg $0x60  }
0xae: {  	[dreg:$0x2] =	wrdreg s24  }
0xaf: {  	[dreg:$0x3] =	wrdreg $0x9  }
0xb0: {  	_ =	task.clear_ibuf [dreg:s6], $0x4FFFF;
	_ =	strace $0x90000049  }
0xb1: {  	s29 =	simm.s32 $0x9;
	_ =	strace $0x8000004B  }
0xb2: {  	_ =	swait.ge [sflag:s29], $0x1  }
0xb3: {  	[sflag:s29] =	ssyncadd.s32 $0xFFFFFFFF  }
0xb4: {  	_ =	strace $0x9000004B  }
0xb5: {  	_ =	sfence  }
0xb6: {  	s30 =	sld [smem:$0x0];
	_ =	sdelay $0x2  }
0xb7: {  	s31 =	sshll.u32 s1, $0xD;
	s1 =	sshrl.u32 s1, $0x2  }
0xb8: {  	s3 =	sand.u32 $0x4000, s31;
	s1 =	sadd.s32 s1, s30  }
0xb9: {  	s0 =	sor.u32 s3, s0;
	s1 =	sshll.u32 s1, $0x11  }
0xba: {  	s0 =	sor.u32 s1, s0  }
0xbb: {  	s0 =	sadd.s32 $0x8F2B, s0  }
0xbc: {  	[sflag:s0] =	ssyncadd.remote.s32 $0x1  }
0xbd: {  	_ =	sfence.sel $0xFFFF  }
0xbe: {  	[dreg:$0x0] =	wrdreg $0xFFFFFFFF;
	(pc) =	sbr.abs _section_cstart, $3  }
0xbf: {  	[dreg:$0x1] =	wrdreg $0xFFFFFFFF  }
0xc0: {  	_ =	task.clear_ibuf [dreg:s6], $0x2FFFF;
	_ =	strace $0x9FFFFFFF  }
0xc1: {  	(tm) =	ssettm $0x7FFFFFFF  }
tec
execute0_lowered:
.L_overlay_start_1:
0x0: {  	(tag) =	ssettag $0x1  }
0x1: {  	s4 =	rddreg [dreg:$0x0]  }
0x2: {  	s0 =	rddreg [dreg:$0x1]  }
0x3: {  	s2 =	simm.s32 $0x0;
	s3 =	srdreg.scid;
	s1 =	stileid.u32  }
0x4: {  	s10 =	simm.s32 $0x5000;
	s11 =	simm.s32 $0x9000;
	s12 =	simm.s32 $0xD000  }
0x5: {  	s13 =	simm.s32 $0x1;
	s14 =	simm.s32 $0x2;
	s15 =	simm.s32 $0x0  }
0x6: {  	[smem:$0x7FF] =	sst s2;
	s5 =	sand.u32 $0x1, s3;
	s3 =	sadd.s32 $0x24E00, s4  }
0x7: {  	s6 =	sshll.u32 s1, $0xA;
	s30 =	sshll.u32 s1, $0x11;
	_ =	strace $0x8000004A  }
0x8: {  	s7 =	sshll.u32 s5, $0x9;
	s8 =	ssub.s32 $0x2, s5;
	s5 =	sshll.u32 s5, $0x10  }
0x9: {  	s6 =	sor.u32 s7, s6;
	s7 =	sadd.s32 s30, s4;
	s9 =	sshrl.u32 s8, $0x1  }
0xa: {  	s4 =	sadd.s32 s6, s4;
	s31 =	ssub.s32 s8, s9;
	s7 =	sadd.s32 s5, s7  }
0xb: {  	s8 =	simm.s32 $0x80;
	s9 =	simm.s32 $0x1000;
	s4 =	sadd.s32 $0x1BE00, s4  }
0xc: {  	s5 =	smax.u32 s31, $0x1;
	s6 =	sadd.s32 $0x34E00, s7;
	s7 =	simm.s32 $0x3  }
.LBB2_1:
0xd: {  	[tilespmem:s2], [sflag:$0x3] =	stream.linear.gather [hbm4b:s4+s2], $0x1000, $0x38;
	[tilespmem:$0x11000] =	vst v63  }
0xe: {  	_ =	swait.ge [sflag:s7], $0x1000  }
0xf: {  	[sflag:s7] =	ssyncset.done $0x0  }
0x10: {  	s16 =	simm.s32 $0x0;
	[sflag:s7] =	ssyncadd.s32 $0xFFFFF000  }
0x11: {  	[tilespmem:s9], [sflag:$0x1] =	stream.indirect.gather [hbm4b:s3+s8], $0x80, s16, s8, $0xb8;
	[tilespmem:$0x11000] =	vst v63  }
0x12: {  	s28 =	simm.s32 $0x80  }
0x13: {  	[tilespmem:s10], [sflag:$0x1] =	stream.indirect.gather [hbm4b:s3+s8], $0x80, s28, s8, $0xb8;
	[tilespmem:$0x11000] =	vst v63  }
0x14: {  	s29 =	simm.s32 $0x100  }
0x15: {  	[tilespmem:s11], [sflag:$0x1] =	stream.indirect.gather [hbm4b:s3+s8], $0x80, s29, s8, $0xb8;
	[tilespmem:$0x11000] =	vst v63  }
0x16: {  	s30 =	simm.s32 $0x180  }
0x17: {  	[tilespmem:s12], [sflag:$0x1] =	stream.indirect.gather [hbm4b:s3+s8], $0x80, s30, s8, $0xb8;
	[tilespmem:$0x11000] =	vst v63  }
0x18: {  	_ =	swait.ge [sflag:s13], $0x4000  }
0x19: {  	[sflag:s13] =	ssyncset.done $0x0  }
0x1a: {  	[sflag:s13] =	ssyncadd.s32 $0xFFFFC000  }
0x1b: {  	_ =	swait.ge [sflag:s13], $0x4000  }
0x1c: {  	[sflag:s13] =	ssyncset.done $0x0  }
0x1d: {  	[sflag:s13] =	ssyncadd.s32 $0xFFFFC000  }
0x1e: {  	_ =	swait.ge [sflag:s13], $0x4000  }
0x1f: {  	[sflag:s13] =	ssyncset.done $0x0  }
0x20: {  	[sflag:s13] =	ssyncadd.s32 $0xFFFFC000  }
0x21: {  	_ =	swait.ge [sflag:s13], $0x4000  }
0x22: {  	[sflag:s13] =	ssyncset.done $0x0  }
0x23: {  	s31 =	sadd.s32 $0x0, s6;
	[sflag:s13] =	ssyncadd.s32 $0xFFFFC000  }
0x24: {  	[hbm4b:s31+s2] =	stream.linear.scatter [tilespmem:s9], [sflag:$0x2], $0x10000, $0x38;
	[tilespmem:$0x11000] =	vst v63  }
0x25: {  	s18 =	simm.s32 $0x4000;
	_ =	swait.ge [sflag:s14], $0x10000  }
0x26: {  	s17 =	simm.s32 $0x380;
	s16 =	simm.s32 $0x2000;
	[sflag:s14] =	ssyncset.done $0x0  }
.LBB2_2:
0x27: {  	p0 =	sne.s32 s18, $0xE000;
	s19 =	sadd.s32 $0xFFFFFE80, s17;
	[sflag:s14] =	ssyncadd.s32 $0xFFFF0000  }
0x28: {  	[tilespmem:s9], [sflag:$0x1] =	stream.indirect.gather [hbm4b:s3+s8], $0x80, s19, s8, $0xb8;
	[tilespmem:$0x11000] =	vst v63  }
0x29: {  	s20 =	smov.u32 s18;
	s18 =	sadd.s32 $0x2000, s18;
	s19 =	sadd.s32 $0xFFFFFF00, s17  }
0x2a: {  	[tilespmem:s10], [sflag:$0x1] =	stream.indirect.gather [hbm4b:s3+s8], $0x80, s19, s8, $0xb8;
	[tilespmem:$0x11000] =	vst v63  }
0x2b: {  	s19 =	sadd.s32 $0xFFFFFF80, s17  }
0x2c: {  	[tilespmem:s11], [sflag:$0x1] =	stream.indirect.gather [hbm4b:s3+s8], $0x80, s19, s8, $0xb8;
	[tilespmem:$0x11000] =	vst v63  }
0x2d: {  	_ = 	snop  }
0x2e: {  	[tilespmem:s12], [sflag:$0x1] =	stream.indirect.gather [hbm4b:s3+s8], $0x80, s17, s8, $0xb8;
	[tilespmem:$0x11000] =	vst v63  }
0x2f: {  	_ =	swait.ge [sflag:s13], $0x4000  }
0x30: {  	[sflag:s13] =	ssyncset.done $0x0  }
0x31: {  	[sflag:s13] =	ssyncadd.s32 $0xFFFFC000  }
0x32: {  	_ =	swait.ge [sflag:s13], $0x4000  }
0x33: {  	[sflag:s13] =	ssyncset.done $0x0  }
0x34: {  	[sflag:s13] =	ssyncadd.s32 $0xFFFFC000  }
0x35: {  	_ =	swait.ge [sflag:s13], $0x4000  }
0x36: {  	[sflag:s13] =	ssyncset.done $0x0  }
0x37: {  	[sflag:s13] =	ssyncadd.s32 $0xFFFFC000  }
0x38: {  	_ =	swait.ge [sflag:s13], $0x4000  }
.Ltmp0:
0x39: {  	[sflag:s13] =	ssyncset.done $0x0;
	(pc) =	sbr.rel @p0 .LBB2_2-.Ltmp0, $4  }
0x3a: {  	s19 =	sadd.s32 s16, s6;
	s16 =	smov.u32 s20;
	[sflag:s13] =	ssyncadd.s32 $0xFFFFC000  }
0x3b: {  	[hbm4b:s19+s2] =	stream.linear.scatter [tilespmem:s9], [sflag:$0x2], $0x10000, $0x38;
	[tilespmem:$0x11000] =	vst v63  }
0x3c: {  	_ =	swait.ge [sflag:s14], $0x10000  }
0x3d: {  	s17 =	sadd.s32 $0x200, s17;
	[sflag:s14] =	ssyncset.done $0x0  }
0x3e: {  	s18 =	sadd.s32 $0xFFFFFE80, s17;
	[sflag:s14] =	ssyncadd.s32 $0xFFFF0000  }
0x3f: {  	[tilespmem:s9], [sflag:$0x1] =	stream.indirect.gather [hbm4b:s3+s8], $0x80, s18, s8, $0xb8;
	[tilespmem:$0x11000] =	vst v63  }
0x40: {  	s30 =	sadd.s32 $0xFFFFFF00, s17  }
0x41: {  	[tilespmem:s10], [sflag:$0x1] =	stream.indirect.gather [hbm4b:s3+s8], $0x80, s30, s8, $0xb8;
	[tilespmem:$0x11000] =	vst v63  }
0x42: {  	s31 =	sadd.s32 $0xFFFFFF80, s17  }
0x43: {  	[tilespmem:s11], [sflag:$0x1] =	stream.indirect.gather [hbm4b:s3+s8], $0x80, s31, s8, $0xb8;
	[tilespmem:$0x11000] =	vst v63  }
0x44: {  	_ = 	snop  }
0x45: {  	[tilespmem:s12], [sflag:$0x1] =	stream.indirect.gather [hbm4b:s3+s8], $0x80, s17, s8, $0xb8;
	[tilespmem:$0x11000] =	vst v63  }
0x46: {  	_ =	swait.ge [sflag:s13], $0x4000  }
0x47: {  	[sflag:s13] =	ssyncset.done $0x0  }
0x48: {  	[sflag:s13] =	ssyncadd.s32 $0xFFFFC000  }
0x49: {  	_ =	swait.ge [sflag:s13], $0x4000  }
0x4a: {  	[sflag:s13] =	ssyncset.done $0x0  }
0x4b: {  	[sflag:s13] =	ssyncadd.s32 $0xFFFFC000  }
0x4c: {  	_ =	swait.ge [sflag:s13], $0x4000  }
0x4d: {  	[sflag:s13] =	ssyncset.done $0x0  }
0x4e: {  	[sflag:s13] =	ssyncadd.s32 $0xFFFFC000  }
0x4f: {  	s15 =	sadd.s32 $0x1, s15;
	_ =	swait.ge [sflag:s13], $0x4000  }
0x50: {  	p0 =	sne.s32 s15, s5;
	[sflag:s13] =	ssyncset.done $0x0  }
.Ltmp1:
0x51: {  	s16 =	sadd.s32 s16, s6;
	[sflag:s13] =	ssyncadd.s32 $0xFFFFC000;
	(pc) =	sbr.rel @p0 .LBB2_1-.Ltmp1, $4  }
0x52: {  	[hbm4b:s16+s2] =	stream.linear.scatter [tilespmem:s9], [sflag:$0x2], $0x10000, $0x38;
	[tilespmem:$0x11000] =	vst v63  }
0x53: {  	_ =	swait.ge [sflag:s14], $0x10000  }
0x54: {  	[sflag:s14] =	ssyncset.done $0x0  }
0x55: {  	[sflag:s14] =	ssyncadd.s32 $0xFFFF0000  }
0x56: {  	_ =	sfence.sel $0x180000  }
0x57: {  	[bflag:$0x0] =	sbarrier.arrive $0xFFFF  }
0x58: {  	p0 =	sne.s32 s1, $0x0;
	_ =	strace $0x9000004A  }
0x59: {  	s0 =	sadd.s32 @!p0 $0x100000, s0;
	[bflag:$0x2] =	sbarrier.arrive $0xFFFF  }
0x5a: {  	[sflag:s0] =	ssyncadd.tile.s32 @!p0 $0x1;
	_ =	shalt  }
.Lfunc_end2:
_tile_overlayer_lowered:
.L_overlay_start_2:
0x5b: {  	(tag) =	ssettag $0x2  }
0x5c: {  	s0 =	rddreg [dreg:$0x0];
	s2 =	stileid.u32  }
0x5d: {  	s1 =	rddreg [dreg:$0x1];
	p0 =	sne.s32 s2, $0x0  }
0x5e: {  	s3 =	rddreg [dreg:$0x2];
	[bflag:$0x3] =	sbarrier.arrive $0xFFFF;
	s2 =	simm.s32 @!p0 $0x1C03  }
0x5f: {  	[timem:s3], [sflag:s2] =	dma.local @!p0 [hbm:s0], s1  }
0x60: {  	s0 =	simm.s32 @!p0 $0x3  }
0x61: {  	_ =	swait.ge @!p0 [sflag:s0], s1  }
0x62: {  	s1 =	ssub.s32 @!p0 $0x0, s1;
	[sflag:s0] =	ssyncset.done @!p0 $0x0  }
0x63: {  	[sflag:s0] =	ssyncadd.s32 @!p0 s1  }
0x64: {  	[bflag:$0x3] =	sbarrier.arrive $0xFFFF  }
0x65: {  	_ =	shalt  }

// kernel: kernel.23.cloned.1.call-start
scs
__scs_entry_jumppad:
0x0: {  	(pc) =	sbr.rel $0x88, $3  }
0x1: {  	(tag) =	ssettag $0x0;
	lr =	simm.s32 $0x1  }
0x2: {  	[smem:$0x3F90] =	sst lr;
	_ =	strace $0xD0000000  }
0x3: {  	_ = 	snop  }
0x4: {  	_ = 	snop  }
0x5: {  	_ = 	snop  }
0x6: {  	_ = 	snop  }
0x7: {  	_ = 	snop  }
__scs_overlays_trampoline_lowered:
0x8: {  	[smem:$0x3F9F] =	sst s0  }
0x9: {  	[smem:$0x3FA0] =	sst s1  }
0xa: {  	[smem:$0x3FA1] =	sst s2  }
0xb: {  	[smem:$0x3FA2] =	sst s3  }
0xc: {  	[smem:$0x3FA3] =	sst s4  }
0xd: {  	[smem:$0x3FA4] =	sst s5  }
0xe: {  	[smem:$0x3FA5] =	sst s6  }
0xf: {  	[smem:$0x3FA6] =	sst s7  }
0x10: {  	[smem:$0x3FA7] =	sst s8  }
0x11: {  	[smem:$0x3FA8] =	sst s9;
	s0 =	simm.s32 @!p0 $0x0  }
0x12: {  	s1 =	sld [smem:$0x3F8E];
	s0 =	simm.s32 @p0 $0x1  }
0x13: {  	[smem:$0x3FA9] =	sst s0;
	s0 =	simm.s32 @!p1 $0x0  }
0x14: {  	s2 =	sld [smem:$0x3F8D];
	s0 =	simm.s32 @p1 $0x1  }
0x15: {  	[smem:$0x3FAA] =	sst s0;
	s0 =	simm.s32 @!p2 $0x0  }
0x16: {  	s3 =	sld [smem:$0x3FDB];
	s0 =	simm.s32 @p2 $0x1  }
0x17: {  	s4 =	simm.s32 $0x1BF5;
	[smem:$0x3FAC] =	sst s0  }
0x18: {  	s0 =	sld [smem:$0x3F8F];
	_ =	swait.ge [sflag:s4], $0x0  }
0x19: {  	s7 =	sld [smem:$0x3F90]  }
0x1a: {  	s8 =	sadd.s32 $0xFFFFE003, lr  }
0x1b: {  	s9 =	sadd.s32 $0xFFFFFEF7, lr;
	s5 =	simm.s32 $0xFFFFFFFF;
	p2 =	slt.u32 s8, $0xFFFFF086  }
0x1c: {  	p1 =	slt.u32 s9, $0xF7A;
	s5 =	simm.s32 @!p2 $0x0  }
0x1d: {  	s5 =	simm.s32 @p1 $0x1;
	p0 =	seq.s32 s7, s2  }
0x1e: {  	s7 =	smul.u32 @!p0 $0xF7A, s2;
	p2 =	seq.s32 @!p0 s5, $0x0  }
0x1f: {  	s9 =	smul.u32 $0xF7A, s1;
	s8 =	simm.s32 @!p0 $0x1BF5;
	p2 =	por !p2, p0  }
0x20: {  	[sflag:s8] =	ssyncset.s32 @!p0 $0xFFFFF086;
	s6 =	sadd.s32 @!p0 s3, s7;
	s7 =	simm.s32 @!p0 $0x108  }
0x21: {  	s3 =	sadd.s32 s3, s9;
	s6 =	sadd.s32 @!p0 $0x88, s6;
	s7 =	simm.s32 @p2 $0x1082  }
0x22: {  	[simem:s7], [sflag:s8] =	dma.local @!p0 [hbm:s6], $0xF7A  }
0x23: {  	s9 =	sor.u32 $0xD0000000, s2;
	s6 =	simm.s32 $0x108;
	_ =	swait.ge @!p0 [sflag:s8], $0x0  }
0x24: {  	s3 =	sadd.s32 $0x88, s3;
	s6 =	simm.s32 @!p1 $0x1082;
	[sflag:s4] =	ssyncset.s32 $0xFFFFF086  }
0x25: {  	[simem:s6], [sflag:s4] =	dma.local [hbm:s3], $0xF7A  }
0x26: {  	[smem:$0x3F90] =	sst s1;
	(tag) =	ssettag s2;
	_ =	strace s9  }
0x27: {  	s1 =	sld [smem:$0x3FA0]  }
0x28: {  	s2 =	sld [smem:$0x3FA1]  }
0x29: {  	s4 =	sld [smem:$0x3FA3]  }
0x2a: {  	p0 =	seq.s32 s5, $0x0;
	s5 =	sld [smem:$0x3FA4]  }
0x2b: {  	s6 =	sld [smem:$0x3FA5]  }
0x2c: {  	s7 =	sld [smem:$0x3FA6]  }
0x2d: {  	s3 =	simm.s32 $0x108;
	s8 =	sld [smem:$0x3FA7]  }
0x2e: {  	s3 =	simm.s32 @!p0 $0x1082;
	s9 =	sld [smem:$0x3FA8]  }
0x2f: {  	lr =	sadd.s32 s0, s3;
	s0 =	sld [smem:$0x3F9F]  }
0x30: {  	s3 =	sld [smem:$0x3FA2]  }
0x31: {  	[smem:$0x3FAB] =	sst s10  }
0x32: {  	s10 =	sld [smem:$0x3FA9];
	_ =	sdelay $0x3  }
0x33: {  	p0 =	seq.s32 s10, $0x1;
	s10 =	sld [smem:$0x3FAB];
	_ =	sdelay $0x3  }
0x34: {  	[smem:$0x3FAB] =	sst s10  }
0x35: {  	s10 =	sld [smem:$0x3FAA];
	_ =	sdelay $0x3  }
0x36: {  	p1 =	seq.s32 s10, $0x1;
	s10 =	sld [smem:$0x3FAB];
	_ =	sdelay $0x3  }
0x37: {  	[smem:$0x3FAB] =	sst s10  }
0x38: {  	s10 =	sld [smem:$0x3FAC]  }
0x39: {  	_ = 	snop;
	(pc) =	sbr.ind lr, $3  }
0x3a: {  	_ = 	snop  }
0x3b: {  	_ = 	snop  }
0x3c: {  	p2 =	seq.s32 s10, $0x1;
	s10 =	sld [smem:$0x3FAB]  }
0x3d: {  	_ =	shalt  }
0x3e: {  	_ =	shalt  }
0x3f: {  	_ =	shalt  }
0x40: {  	_ =	shalt  }
0x41: {  	_ =	shalt  }
0x42: {  	_ =	shalt  }
0x43: {  	_ =	shalt  }
0x44: {  	_ =	shalt  }
0x45: {  	_ =	shalt  }
0x46: {  	_ =	shalt  }
0x47: {  	_ =	shalt  }
0x48: {  	_ =	shalt  }
0x49: {  	_ =	shalt  }
0x4a: {  	_ =	shalt  }
0x4b: {  	_ =	shalt  }
0x4c: {  	_ =	shalt  }
0x4d: {  	_ =	shalt  }
0x4e: {  	_ =	shalt  }
0x4f: {  	_ =	shalt  }
0x50: {  	_ =	shalt  }
0x51: {  	_ =	shalt  }
0x52: {  	_ =	shalt  }
0x53: {  	_ =	shalt  }
0x54: {  	_ =	shalt  }
0x55: {  	_ =	shalt  }
0x56: {  	_ =	shalt  }
0x57: {  	_ =	shalt  }
0x58: {  	_ =	shalt  }
0x59: {  	_ =	shalt  }
0x5a: {  	_ =	shalt  }
0x5b: {  	_ =	shalt  }
0x5c: {  	_ =	shalt  }
0x5d: {  	_ =	shalt  }
0x5e: {  	_ =	shalt  }
0x5f: {  	_ =	shalt  }
0x60: {  	_ =	shalt  }
0x61: {  	_ =	shalt  }
0x62: {  	_ =	shalt  }
0x63: {  	_ =	shalt  }
0x64: {  	_ =	shalt  }
0x65: {  	_ =	shalt  }
0x66: {  	_ =	shalt  }
0x67: {  	_ =	shalt  }
0x68: {  	_ =	shalt  }
0x69: {  	_ =	shalt  }
0x6a: {  	_ =	shalt  }
0x6b: {  	_ =	shalt  }
0x6c: {  	_ =	shalt  }
0x6d: {  	_ =	shalt  }
0x6e: {  	_ =	shalt  }
0x6f: {  	_ =	shalt  }
0x70: {  	_ =	shalt  }
0x71: {  	_ =	shalt  }
0x72: {  	_ =	shalt  }
0x73: {  	_ =	shalt  }
0x74: {  	_ =	shalt  }
0x75: {  	_ =	shalt  }
0x76: {  	_ =	shalt  }
0x77: {  	_ =	shalt  }
0x78: {  	_ =	shalt  }
0x79: {  	_ =	shalt  }
0x7a: {  	_ =	shalt  }
0x7b: {  	_ =	shalt  }
0x7c: {  	_ =	shalt  }
0x7d: {  	_ =	shalt  }
0x7e: {  	_ =	shalt  }
0x7f: {  	_ =	shalt  }
0x80: {  	_ =	shalt  }
0x81: {  	_ =	shalt  }
0x82: {  	_ =	shalt  }
0x83: {  	_ =	shalt  }
0x84: {  	_ =	shalt  }
0x85: {  	_ =	shalt  }
0x86: {  	_ =	shalt  }
0x87: {  	_ =	shalt  }
.Lfunc_end0:
.L_simem_size_0:
called_computation.2_lowered:
.L_overlay_start_0:
0x88: {  	s2 =	sld [smem:$0x3FD9]  }
0x89: {  	s3 =	sld [smem:$0x3FFE];
	_ =	sdelay $0x1  }
0x8a: {  	s1 =	srdreg.scid  }
0x8b: {  	s0 =	sand.u32 $0x1, s1  }
0x8c: {  	s16 =	sshll.u32 s0, $0xA;
	s2 =	sadd.s32 s3, s2  }
0x8d: {  	s2 =	sadd.s32 s2, s16  }
0x8e: {  	[smem:$0x3FB7] =	sst s2  }
0x8f: {  	_ = 	snop  }
0x90: {  	(tm) =	ssettm $0x1  }
0x91: {  	s17 =	sld [smem:$0x3FFB];
	_ =	sdelay $0x3  }
0x92: {  	_ =	strace s17  }
0x93: {  	s2 =	sld [smem:$0x3FFC];
	_ =	sdelay $0x3  }
0x94: {  	_ =	strace s2  }
0x95: {  	s2 =	sld [smem:$0x3FFD];
	_ =	sdelay $0x3  }
0x96: {  	_ =	strace s2  }
0x97: {  	_ =	strace $0x8FFFFFFF  }
0x98: {  	s18 =	sld [smem:$0x3FDB];
	_ =	sdelay $0x1  }
0x99: {  	s19 =	simm.s32 $_scs_section_size  }
0x9a: {  	s4 =	simm.s32 $_size__tile_overlayer_lowered;
	s5 =	simm.s32 $_tile_overlayer_lowered  }
0x9b: {  	s22 =	simm.s32 $0x1BFF;
	s21 =	sshll.u32 s5, $0x1;
	s2 =	sadd.s32 s19, s18  }
0x9c: {  	s6 =	simm.s32 $0x0;
	s20 =	sshll.u32 s4, $0x1;
	s4 =	sadd.s32 s21, s2  }
0x9d: {  	[timem:s6], [sflag:s22] =	dma.local [hbm:s4], s20  }
0x9e: {  	_ =	swait.ge [sflag:s22], s20  }
0x9f: {  	s3 =	ssub.s32 $0x0, s20;
	[sflag:s22] =	ssyncset.done $0x0  }
0xa0: {  	[sflag:s22] =	ssyncadd.s32 s3;
	_ =	sdelay $0x1  }
0xa1: {  	s23 =	simm.s32 $0x1B8B  }
0xa2: {  	_ =	swait.ge [sflag:s23], $0x1  }
0xa3: {  	[sflag:s23] =	ssyncset.done $0x0  }
0xa4: {  	s25 =	simm.s32 $0x1B8E;
	s24 =	sld [smem:$0x3FFE];
	[sflag:s23] =	ssyncadd.s32 $0xFFFFFFFF  }
0xa5: {  	s26 =	simm.s32 $execute0_lowered;
	[smem:$0x3FD2] =	sst s25  }
0xa6: {  	s4 =	sshll.u32 s26, $0x1;
	_ =	strace $0x8000004C;
	[dreg:$0x1] =	wrdreg $0xFFFFFFFF  }
0xa7: {  	s28 =	simm.s32 $_size_execute0_lowered;
	s2 =	sadd.s32 s2, s4;
	[dreg:$0x0] =	wrdreg $0x0  }
0xa8: {  	s4 =	sshll.u32 s28, $0x1;
	[dreg:$0x2] =	wrdreg s2  }
0xa9: {  	[dreg:$0x3] =	wrdreg s4  }
0xaa: {  	[dreg:$0x4] =	wrdreg $0xC0  }
0xab: {  	_ =	task [dreg:s6], $0x5FFFF  }
0xac: {  	[dreg:$0x1] =	wrdreg $0xFFFFFFFF  }
0xad: {  	[dreg:$0x0] =	wrdreg $0x60  }
0xae: {  	[dreg:$0x2] =	wrdreg s24  }
0xaf: {  	[dreg:$0x3] =	wrdreg $0x9  }
0xb0: {  	_ =	task.clear_ibuf [dreg:s6], $0x4FFFF;
	_ =	strace $0x9000004C  }
0xb1: {  	s29 =	simm.s32 $0x9;
	_ =	strace $0x8000004E  }
0xb2: {  	_ =	swait.ge [sflag:s29], $0x1  }
0xb3: {  	[sflag:s29] =	ssyncadd.s32 $0xFFFFFFFF  }
0xb4: {  	_ =	strace $0x9000004E  }
0xb5: {  	_ =	sfence  }
0xb6: {  	s30 =	sld [smem:$0x0];
	_ =	sdelay $0x2  }
0xb7: {  	s31 =	sshll.u32 s1, $0xD;
	s1 =	sshrl.u32 s1, $0x2  }
0xb8: {  	s3 =	sand.u32 $0x4000, s31;
	s1 =	sadd.s32 s1, s30  }
0xb9: {  	s0 =	sor.u32 s3, s0;
	s1 =	sshll.u32 s1, $0x11  }
0xba: {  	s0 =	sor.u32 s1, s0  }
0xbb: {  	s0 =	sadd.s32 $0x8F2B, s0  }
0xbc: {  	[sflag:s0] =	ssyncadd.remote.s32 $0x1  }
0xbd: {  	_ =	sfence.sel $0xFFFF  }
0xbe: {  	[dreg:$0x0] =	wrdreg $0xFFFFFFFF;
	(pc) =	sbr.abs _section_cstart, $3  }
0xbf: {  	[dreg:$0x1] =	wrdreg $0xFFFFFFFF  }
0xc0: {  	_ =	task.clear_ibuf [dreg:s6], $0x2FFFF;
	_ =	strace $0x9FFFFFFF  }
0xc1: {  	(tm) =	ssettm $0x7FFFFFFF  }
tec
execute0_lowered:
.L_overlay_start_1:
0x0: {  	(tag) =	ssettag $0x1  }
0x1: {  	s4 =	rddreg [dreg:$0x0]  }
0x2: {  	s0 =	rddreg [dreg:$0x1]  }
0x3: {  	s2 =	simm.s32 $0x0;
	s3 =	srdreg.scid;
	s1 =	stileid.u32  }
0x4: {  	s10 =	simm.s32 $0x5000;
	s11 =	simm.s32 $0x9000;
	s12 =	simm.s32 $0xD000  }
0x5: {  	s13 =	simm.s32 $0x1;
	s14 =	simm.s32 $0x2;
	s15 =	simm.s32 $0x0  }
0x6: {  	[smem:$0x7FF] =	sst s2;
	s5 =	sand.u32 $0x1, s3;
	s3 =	sadd.s32 $0x24E00, s4  }
0x7: {  	s6 =	sshll.u32 s1, $0xA;
	s30 =	sshll.u32 s1, $0x11;
	_ =	strace $0x8000004D  }
0x8: {  	s7 =	sshll.u32 s5, $0x9;
	s8 =	ssub.s32 $0x2, s5;
	s5 =	sshll.u32 s5, $0x10  }
0x9: {  	s6 =	sor.u32 s7, s6;
	s7 =	sadd.s32 s30, s4;
	s9 =	sshrl.u32 s8, $0x1  }
0xa: {  	s4 =	sadd.s32 s6, s4;
	s31 =	ssub.s32 s8, s9;
	s7 =	sadd.s32 s5, s7  }
0xb: {  	s8 =	simm.s32 $0x80;
	s9 =	simm.s32 $0x1000;
	s4 =	sadd.s32 $0x1BE00, s4  }
0xc: {  	s5 =	smax.u32 s31, $0x1;
	s6 =	sadd.s32 $0x34E00, s7;
	s7 =	simm.s32 $0x3  }
.LBB2_1:
0xd: {  	[tilespmem:s2], [sflag:$0x3] =	stream.linear.gather [hbm4b:s4+s2], $0x1000, $0x38;
	[tilespmem:$0x11000] =	vst v63  }
0xe: {  	_ =	swait.ge [sflag:s7], $0x1000  }
0xf: {  	[sflag:s7] =	ssyncset.done $0x0  }
0x10: {  	s16 =	simm.s32 $0x0;
	[sflag:s7] =	ssyncadd.s32 $0xFFFFF000  }
0x11: {  	[tilespmem:s9], [sflag:$0x1] =	stream.indirect.gather [hbm4b:s3+s8], $0x80, s16, s8, $0xb8;
	[tilespmem:$0x11000] =	vst v63  }
0x12: {  	s28 =	simm.s32 $0x80  }
0x13: {  	[tilespmem:s10], [sflag:$0x1] =	stream.indirect.gather [hbm4b:s3+s8], $0x80, s28, s8, $0xb8;
	[tilespmem:$0x11000] =	vst v63  }
0x14: {  	s29 =	simm.s32 $0x100  }
0x15: {  	[tilespmem:s11], [sflag:$0x1] =	stream.indirect.gather [hbm4b:s3+s8], $0x80, s29, s8, $0xb8;
	[tilespmem:$0x11000] =	vst v63  }
0x16: {  	s30 =	simm.s32 $0x180  }
0x17: {  	[tilespmem:s12], [sflag:$0x1] =	stream.indirect.gather [hbm4b:s3+s8], $0x80, s30, s8, $0xb8;
	[tilespmem:$0x11000] =	vst v63  }
0x18: {  	_ =	swait.ge [sflag:s13], $0x4000  }
0x19: {  	[sflag:s13] =	ssyncset.done $0x0  }
0x1a: {  	[sflag:s13] =	ssyncadd.s32 $0xFFFFC000  }
0x1b: {  	_ =	swait.ge [sflag:s13], $0x4000  }
0x1c: {  	[sflag:s13] =	ssyncset.done $0x0  }
0x1d: {  	[sflag:s13] =	ssyncadd.s32 $0xFFFFC000  }
0x1e: {  	_ =	swait.ge [sflag:s13], $0x4000  }
0x1f: {  	[sflag:s13] =	ssyncset.done $0x0  }
0x20: {  	[sflag:s13] =	ssyncadd.s32 $0xFFFFC000  }
0x21: {  	_ =	swait.ge [sflag:s13], $0x4000  }
0x22: {  	[sflag:s13] =	ssyncset.done $0x0  }
0x23: {  	s31 =	sadd.s32 $0x0, s6;
	[sflag:s13] =	ssyncadd.s32 $0xFFFFC000  }
0x24: {  	[hbm4b:s31+s2] =	stream.linear.scatter [tilespmem:s9], [sflag:$0x2], $0x10000, $0x38;
	[tilespmem:$0x11000] =	vst v63  }
0x25: {  	s18 =	simm.s32 $0x4000;
	_ =	swait.ge [sflag:s14], $0x10000  }
0x26: {  	s17 =	simm.s32 $0x380;
	s16 =	simm.s32 $0x2000;
	[sflag:s14] =	ssyncset.done $0x0  }
.LBB2_2:
0x27: {  	p0 =	sne.s32 s18, $0xE000;
	s19 =	sadd.s32 $0xFFFFFE80, s17;
	[sflag:s14] =	ssyncadd.s32 $0xFFFF0000  }
0x28: {  	[tilespmem:s9], [sflag:$0x1] =	stream.indirect.gather [hbm4b:s3+s8], $0x80, s19, s8, $0xb8;
	[tilespmem:$0x11000] =	vst v63  }
0x29: {  	s20 =	smov.u32 s18;
	s18 =	sadd.s32 $0x2000, s18;
	s19 =	sadd.s32 $0xFFFFFF00, s17  }
0x2a: {  	[tilespmem:s10], [sflag:$0x1] =	stream.indirect.gather [hbm4b:s3+s8], $0x80, s19, s8, $0xb8;
	[tilespmem:$0x11000] =	vst v63  }
0x2b: {  	s19 =	sadd.s32 $0xFFFFFF80, s17  }
0x2c: {  	[tilespmem:s11], [sflag:$0x1] =	stream.indirect.gather [hbm4b:s3+s8], $0x80, s19, s8, $0xb8;
	[tilespmem:$0x11000] =	vst v63  }
0x2d: {  	_ = 	snop  }
0x2e: {  	[tilespmem:s12], [sflag:$0x1] =	stream.indirect.gather [hbm4b:s3+s8], $0x80, s17, s8, $0xb8;
	[tilespmem:$0x11000] =	vst v63  }
0x2f: {  	_ =	swait.ge [sflag:s13], $0x4000  }
0x30: {  	[sflag:s13] =	ssyncset.done $0x0  }
0x31: {  	[sflag:s13] =	ssyncadd.s32 $0xFFFFC000  }
0x32: {  	_ =	swait.ge [sflag:s13], $0x4000  }
0x33: {  	[sflag:s13] =	ssyncset.done $0x0  }
0x34: {  	[sflag:s13] =	ssyncadd.s32 $0xFFFFC000  }
0x35: {  	_ =	swait.ge [sflag:s13], $0x4000  }
0x36: {  	[sflag:s13] =	ssyncset.done $0x0  }
0x37: {  	[sflag:s13] =	ssyncadd.s32 $0xFFFFC000  }
0x38: {  	_ =	swait.ge [sflag:s13], $0x4000  }
.Ltmp0:
0x39: {  	[sflag:s13] =	ssyncset.done $0x0;
	(pc) =	sbr.rel @p0 .LBB2_2-.Ltmp0, $4  }
0x3a: {  	s19 =	sadd.s32 s16, s6;
	s16 =	smov.u32 s20;
	[sflag:s13] =	ssyncadd.s32 $0xFFFFC000  }
0x3b: {  	[hbm4b:s19+s2] =	stream.linear.scatter [tilespmem:s9], [sflag:$0x2], $0x10000, $0x38;
	[tilespmem:$0x11000] =	vst v63  }
0x3c: {  	_ =	swait.ge [sflag:s14], $0x10000  }
0x3d: {  	s17 =	sadd.s32 $0x200, s17;
	[sflag:s14] =	ssyncset.done $0x0  }
0x3e: {  	s18 =	sadd.s32 $0xFFFFFE80, s17;
	[sflag:s14] =	ssyncadd.s32 $0xFFFF0000  }
0x3f: {  	[tilespmem:s9], [sflag:$0x1] =	stream.indirect.gather [hbm4b:s3+s8], $0x80, s18, s8, $0xb8;
	[tilespmem:$0x11000] =	vst v63  }
0x40: {  	s30 =	sadd.s32 $0xFFFFFF00, s17  }
0x41: {  	[tilespmem:s10], [sflag:$0x1] =	stream.indirect.gather [hbm4b:s3+s8], $0x80, s30, s8, $0xb8;
	[tilespmem:$0x11000] =	vst v63  }
0x42: {  	s31 =	sadd.s32 $0xFFFFFF80, s17  }
0x43: {  	[tilespmem:s11], [sflag:$0x1] =	stream.indirect.gather [hbm4b:s3+s8], $0x80, s31, s8, $0xb8;
	[tilespmem:$0x11000] =	vst v63  }
0x44: {  	_ = 	snop  }
0x45: {  	[tilespmem:s12], [sflag:$0x1] =	stream.indirect.gather [hbm4b:s3+s8], $0x80, s17, s8, $0xb8;
	[tilespmem:$0x11000] =	vst v63  }
0x46: {  	_ =	swait.ge [sflag:s13], $0x4000  }
0x47: {  	[sflag:s13] =	ssyncset.done $0x0  }
0x48: {  	[sflag:s13] =	ssyncadd.s32 $0xFFFFC000  }
0x49: {  	_ =	swait.ge [sflag:s13], $0x4000  }
0x4a: {  	[sflag:s13] =	ssyncset.done $0x0  }
0x4b: {  	[sflag:s13] =	ssyncadd.s32 $0xFFFFC000  }
0x4c: {  	_ =	swait.ge [sflag:s13], $0x4000  }
0x4d: {  	[sflag:s13] =	ssyncset.done $0x0  }
0x4e: {  	[sflag:s13] =	ssyncadd.s32 $0xFFFFC000  }
0x4f: {  	s15 =	sadd.s32 $0x1, s15;
	_ =	swait.ge [sflag:s13], $0x4000  }
0x50: {  	p0 =	sne.s32 s15, s5;
	[sflag:s13] =	ssyncset.done $0x0  }
.Ltmp1:
0x51: {  	s16 =	sadd.s32 s16, s6;
	[sflag:s13] =	ssyncadd.s32 $0xFFFFC000;
	(pc) =	sbr.rel @p0 .LBB2_1-.Ltmp1, $4  }
0x52: {  	[hbm4b:s16+s2] =	stream.linear.scatter [tilespmem:s9], [sflag:$0x2], $0x10000, $0x38;
	[tilespmem:$0x11000] =	vst v63  }
0x53: {  	_ =	swait.ge [sflag:s14], $0x10000  }
0x54: {  	[sflag:s14] =	ssyncset.done $0x0  }
0x55: {  	[sflag:s14] =	ssyncadd.s32 $0xFFFF0000  }
0x56: {  	_ =	sfence.sel $0x180000  }
0x57: {  	[bflag:$0x0] =	sbarrier.arrive $0xFFFF  }
0x58: {  	p0 =	sne.s32 s1, $0x0;
	_ =	strace $0x9000004D  }
0x59: {  	s0 =	sadd.s32 @!p0 $0x100000, s0;
	[bflag:$0x2] =	sbarrier.arrive $0xFFFF  }
0x5a: {  	[sflag:s0] =	ssyncadd.tile.s32 @!p0 $0x1;
	_ =	shalt  }
.Lfunc_end2:
_tile_overlayer_lowered:
.L_overlay_start_2:
0x5b: {  	(tag) =	ssettag $0x2  }
0x5c: {  	s0 =	rddreg [dreg:$0x0];
	s2 =	stileid.u32  }
0x5d: {  	s1 =	rddreg [dreg:$0x1];
	p0 =	sne.s32 s2, $0x0  }
0x5e: {  	s3 =	rddreg [dreg:$0x2];
	[bflag:$0x3] =	sbarrier.arrive $0xFFFF;
	s2 =	simm.s32 @!p0 $0x1C03  }
0x5f: {  	[timem:s3], [sflag:s2] =	dma.local @!p0 [hbm:s0], s1  }
0x60: {  	s0 =	simm.s32 @!p0 $0x3  }
0x61: {  	_ =	swait.ge @!p0 [sflag:s0], s1  }
0x62: {  	s1 =	ssub.s32 @!p0 $0x0, s1;
	[sflag:s0] =	ssyncset.done @!p0 $0x0  }
0x63: {  	[sflag:s0] =	ssyncadd.s32 @!p0 s1  }
0x64: {  	[bflag:$0x3] =	sbarrier.arrive $0xFFFF  }
0x65: {  	_ =	shalt  }

// kernel: kernel.26.cloned.1.call-start
scs
__scs_entry_jumppad:
0x0: {  	(pc) =	sbr.rel $0x88, $3  }
0x1: {  	(tag) =	ssettag $0x0;
	lr =	simm.s32 $0x1  }
0x2: {  	[smem:$0x3F90] =	sst lr;
	_ =	strace $0xD0000000  }
0x3: {  	_ = 	snop  }
0x4: {  	_ = 	snop  }
0x5: {  	_ = 	snop  }
0x6: {  	_ = 	snop  }
0x7: {  	_ = 	snop  }
__scs_overlays_trampoline_lowered:
0x8: {  	[smem:$0x3F9F] =	sst s0  }
0x9: {  	[smem:$0x3FA0] =	sst s1  }
0xa: {  	[smem:$0x3FA1] =	sst s2  }
0xb: {  	[smem:$0x3FA2] =	sst s3  }
0xc: {  	[smem:$0x3FA3] =	sst s4  }
0xd: {  	[smem:$0x3FA4] =	sst s5  }
0xe: {  	[smem:$0x3FA5] =	sst s6  }
0xf: {  	[smem:$0x3FA6] =	sst s7  }
0x10: {  	[smem:$0x3FA7] =	sst s8  }
0x11: {  	[smem:$0x3FA8] =	sst s9;
	s0 =	simm.s32 @!p0 $0x0  }
0x12: {  	s1 =	sld [smem:$0x3F8E];
	s0 =	simm.s32 @p0 $0x1  }
0x13: {  	[smem:$0x3FA9] =	sst s0;
	s0 =	simm.s32 @!p1 $0x0  }
0x14: {  	s2 =	sld [smem:$0x3F8D];
	s0 =	simm.s32 @p1 $0x1  }
0x15: {  	[smem:$0x3FAA] =	sst s0;
	s0 =	simm.s32 @!p2 $0x0  }
0x16: {  	s3 =	sld [smem:$0x3FDB];
	s0 =	simm.s32 @p2 $0x1  }
0x17: {  	s4 =	simm.s32 $0x1BF5;
	[smem:$0x3FAC] =	sst s0  }
0x18: {  	s0 =	sld [smem:$0x3F8F];
	_ =	swait.ge [sflag:s4], $0x0  }
0x19: {  	s7 =	sld [smem:$0x3F90]  }
0x1a: {  	s8 =	sadd.s32 $0xFFFFE003, lr  }
0x1b: {  	s9 =	sadd.s32 $0xFFFFFEF7, lr;
	s5 =	simm.s32 $0xFFFFFFFF;
	p2 =	slt.u32 s8, $0xFFFFF086  }
0x1c: {  	p1 =	slt.u32 s9, $0xF7A;
	s5 =	simm.s32 @!p2 $0x0  }
0x1d: {  	s5 =	simm.s32 @p1 $0x1;
	p0 =	seq.s32 s7, s2  }
0x1e: {  	s7 =	smul.u32 @!p0 $0xF7A, s2;
	p2 =	seq.s32 @!p0 s5, $0x0  }
0x1f: {  	s9 =	smul.u32 $0xF7A, s1;
	s8 =	simm.s32 @!p0 $0x1BF5;
	p2 =	por !p2, p0  }
0x20: {  	[sflag:s8] =	ssyncset.s32 @!p0 $0xFFFFF086;
	s6 =	sadd.s32 @!p0 s3, s7;
	s7 =	simm.s32 @!p0 $0x108  }
0x21: {  	s3 =	sadd.s32 s3, s9;
	s6 =	sadd.s32 @!p0 $0x88, s6;
	s7 =	simm.s32 @p2 $0x1082  }
0x22: {  	[simem:s7], [sflag:s8] =	dma.local @!p0 [hbm:s6], $0xF7A  }
0x23: {  	s9 =	sor.u32 $0xD0000000, s2;
	s6 =	simm.s32 $0x108;
	_ =	swait.ge @!p0 [sflag:s8], $0x0  }
0x24: {  	s3 =	sadd.s32 $0x88, s3;
	s6 =	simm.s32 @!p1 $0x1082;
	[sflag:s4] =	ssyncset.s32 $0xFFFFF086  }
0x25: {  	[simem:s6], [sflag:s4] =	dma.local [hbm:s3], $0xF7A  }
0x26: {  	[smem:$0x3F90] =	sst s1;
	(tag) =	ssettag s2;
	_ =	strace s9  }
0x27: {  	s1 =	sld [smem:$0x3FA0]  }
0x28: {  	s2 =	sld [smem:$0x3FA1]  }
0x29: {  	s4 =	sld [smem:$0x3FA3]  }
0x2a: {  	p0 =	seq.s32 s5, $0x0;
	s5 =	sld [smem:$0x3FA4]  }
0x2b: {  	s6 =	sld [smem:$0x3FA5]  }
0x2c: {  	s7 =	sld [smem:$0x3FA6]  }
0x2d: {  	s3 =	simm.s32 $0x108;
	s8 =	sld [smem:$0x3FA7]  }
0x2e: {  	s3 =	simm.s32 @!p0 $0x1082;
	s9 =	sld [smem:$0x3FA8]  }
0x2f: {  	lr =	sadd.s32 s0, s3;
	s0 =	sld [smem:$0x3F9F]  }
0x30: {  	s3 =	sld [smem:$0x3FA2]  }
0x31: {  	[smem:$0x3FAB] =	sst s10  }
0x32: {  	s10 =	sld [smem:$0x3FA9];
	_ =	sdelay $0x3  }
0x33: {  	p0 =	seq.s32 s10, $0x1;
	s10 =	sld [smem:$0x3FAB];
	_ =	sdelay $0x3  }
0x34: {  	[smem:$0x3FAB] =	sst s10  }
0x35: {  	s10 =	sld [smem:$0x3FAA];
	_ =	sdelay $0x3  }
0x36: {  	p1 =	seq.s32 s10, $0x1;
	s10 =	sld [smem:$0x3FAB];
	_ =	sdelay $0x3  }
0x37: {  	[smem:$0x3FAB] =	sst s10  }
0x38: {  	s10 =	sld [smem:$0x3FAC]  }
0x39: {  	_ = 	snop;
	(pc) =	sbr.ind lr, $3  }
0x3a: {  	_ = 	snop  }
0x3b: {  	_ = 	snop  }
0x3c: {  	p2 =	seq.s32 s10, $0x1;
	s10 =	sld [smem:$0x3FAB]  }
0x3d: {  	_ =	shalt  }
0x3e: {  	_ =	shalt  }
0x3f: {  	_ =	shalt  }
0x40: {  	_ =	shalt  }
0x41: {  	_ =	shalt  }
0x42: {  	_ =	shalt  }
0x43: {  	_ =	shalt  }
0x44: {  	_ =	shalt  }
0x45: {  	_ =	shalt  }
0x46: {  	_ =	shalt  }
0x47: {  	_ =	shalt  }
0x48: {  	_ =	shalt  }
0x49: {  	_ =	shalt  }
0x4a: {  	_ =	shalt  }
0x4b: {  	_ =	shalt  }
0x4c: {  	_ =	shalt  }
0x4d: {  	_ =	shalt  }
0x4e: {  	_ =	shalt  }
0x4f: {  	_ =	shalt  }
0x50: {  	_ =	shalt  }
0x51: {  	_ =	shalt  }
0x52: {  	_ =	shalt  }
0x53: {  	_ =	shalt  }
0x54: {  	_ =	shalt  }
0x55: {  	_ =	shalt  }
0x56: {  	_ =	shalt  }
0x57: {  	_ =	shalt  }
0x58: {  	_ =	shalt  }
0x59: {  	_ =	shalt  }
0x5a: {  	_ =	shalt  }
0x5b: {  	_ =	shalt  }
0x5c: {  	_ =	shalt  }
0x5d: {  	_ =	shalt  }
0x5e: {  	_ =	shalt  }
0x5f: {  	_ =	shalt  }
0x60: {  	_ =	shalt  }
0x61: {  	_ =	shalt  }
0x62: {  	_ =	shalt  }
0x63: {  	_ =	shalt  }
0x64: {  	_ =	shalt  }
0x65: {  	_ =	shalt  }
0x66: {  	_ =	shalt  }
0x67: {  	_ =	shalt  }
0x68: {  	_ =	shalt  }
0x69: {  	_ =	shalt  }
0x6a: {  	_ =	shalt  }
0x6b: {  	_ =	shalt  }
0x6c: {  	_ =	shalt  }
0x6d: {  	_ =	shalt  }
0x6e: {  	_ =	shalt  }
0x6f: {  	_ =	shalt  }
0x70: {  	_ =	shalt  }
0x71: {  	_ =	shalt  }
0x72: {  	_ =	shalt  }
0x73: {  	_ =	shalt  }
0x74: {  	_ =	shalt  }
0x75: {  	_ =	shalt  }
0x76: {  	_ =	shalt  }
0x77: {  	_ =	shalt  }
0x78: {  	_ =	shalt  }
0x79: {  	_ =	shalt  }
0x7a: {  	_ =	shalt  }
0x7b: {  	_ =	shalt  }
0x7c: {  	_ =	shalt  }
0x7d: {  	_ =	shalt  }
0x7e: {  	_ =	shalt  }
0x7f: {  	_ =	shalt  }
0x80: {  	_ =	shalt  }
0x81: {  	_ =	shalt  }
0x82: {  	_ =	shalt  }
0x83: {  	_ =	shalt  }
0x84: {  	_ =	shalt  }
0x85: {  	_ =	shalt  }
0x86: {  	_ =	shalt  }
0x87: {  	_ =	shalt  }
.Lfunc_end0:
.L_simem_size_0:
called_computation.3_lowered:
.L_overlay_start_0:
0x88: {  	s2 =	sld [smem:$0x3FD9]  }
0x89: {  	s3 =	sld [smem:$0x3FFE];
	_ =	sdelay $0x1  }
0x8a: {  	s1 =	srdreg.scid  }
0x8b: {  	s0 =	sand.u32 $0x1, s1  }
0x8c: {  	s16 =	sshll.u32 s0, $0xA;
	s2 =	sadd.s32 s3, s2  }
0x8d: {  	s2 =	sadd.s32 s2, s16  }
0x8e: {  	[smem:$0x3FB7] =	sst s2  }
0x8f: {  	_ = 	snop  }
0x90: {  	(tm) =	ssettm $0x1  }
0x91: {  	s17 =	sld [smem:$0x3FFB];
	_ =	sdelay $0x3  }
0x92: {  	_ =	strace s17  }
0x93: {  	s2 =	sld [smem:$0x3FFC];
	_ =	sdelay $0x3  }
0x94: {  	_ =	strace s2  }
0x95: {  	s2 =	sld [smem:$0x3FFD];
	_ =	sdelay $0x3  }
0x96: {  	_ =	strace s2  }
0x97: {  	_ =	strace $0x8FFFFFFF  }
0x98: {  	s18 =	sld [smem:$0x3FDB];
	_ =	sdelay $0x1  }
0x99: {  	s19 =	simm.s32 $_scs_section_size  }
0x9a: {  	s4 =	simm.s32 $_size__tile_overlayer_lowered;
	s5 =	simm.s32 $_tile_overlayer_lowered  }
0x9b: {  	s22 =	simm.s32 $0x1BFF;
	s21 =	sshll.u32 s5, $0x1;
	s2 =	sadd.s32 s19, s18  }
0x9c: {  	s6 =	simm.s32 $0x0;
	s20 =	sshll.u32 s4, $0x1;
	s4 =	sadd.s32 s21, s2  }
0x9d: {  	[timem:s6], [sflag:s22] =	dma.local [hbm:s4], s20  }
0x9e: {  	_ =	swait.ge [sflag:s22], s20  }
0x9f: {  	s3 =	ssub.s32 $0x0, s20;
	[sflag:s22] =	ssyncset.done $0x0  }
0xa0: {  	[sflag:s22] =	ssyncadd.s32 s3;
	_ =	sdelay $0x1  }
0xa1: {  	s23 =	simm.s32 $0x1B8B  }
0xa2: {  	_ =	swait.ge [sflag:s23], $0x1  }
0xa3: {  	[sflag:s23] =	ssyncset.done $0x0  }
0xa4: {  	s25 =	simm.s32 $0x1B8E;
	s24 =	sld [smem:$0x3FFE];
	[sflag:s23] =	ssyncadd.s32 $0xFFFFFFFF  }
0xa5: {  	s26 =	simm.s32 $execute0_lowered;
	[smem:$0x3FD2] =	sst s25  }
0xa6: {  	s4 =	sshll.u32 s26, $0x1;
	_ =	strace $0x8000004F;
	[dreg:$0x1] =	wrdreg $0xFFFFFFFF  }
0xa7: {  	s28 =	simm.s32 $_size_execute0_lowered;
	s2 =	sadd.s32 s2, s4;
	[dreg:$0x0] =	wrdreg $0x0  }
0xa8: {  	s4 =	sshll.u32 s28, $0x1;
	[dreg:$0x2] =	wrdreg s2  }
0xa9: {  	[dreg:$0x3] =	wrdreg s4  }
0xaa: {  	[dreg:$0x4] =	wrdreg $0xC0  }
0xab: {  	_ =	task [dreg:s6], $0x5FFFF  }
0xac: {  	[dreg:$0x1] =	wrdreg $0xFFFFFFFF  }
0xad: {  	[dreg:$0x0] =	wrdreg $0x60  }
0xae: {  	[dreg:$0x2] =	wrdreg s24  }
0xaf: {  	[dreg:$0x3] =	wrdreg $0x9  }
0xb0: {  	_ =	task.clear_ibuf [dreg:s6], $0x4FFFF;
	_ =	strace $0x9000004F  }
0xb1: {  	s29 =	simm.s32 $0x9;
	_ =	strace $0x80000051  }
0xb2: {  	_ =	swait.ge [sflag:s29], $0x1  }
0xb3: {  	[sflag:s29] =	ssyncadd.s32 $0xFFFFFFFF  }
0xb4: {  	_ =	strace $0x90000051  }
0xb5: {  	_ =	sfence  }
0xb6: {  	s30 =	sld [smem:$0x0];
	_ =	sdelay $0x2  }
0xb7: {  	s31 =	sshll.u32 s1, $0xD;
	s1 =	sshrl.u32 s1, $0x2  }
0xb8: {  	s3 =	sand.u32 $0x4000, s31;
	s1 =	sadd.s32 s1, s30  }
0xb9: {  	s0 =	sor.u32 s3, s0;
	s1 =	sshll.u32 s1, $0x11  }
0xba: {  	s0 =	sor.u32 s1, s0  }
0xbb: {  	s0 =	sadd.s32 $0x8F2B, s0  }
0xbc: {  	[sflag:s0] =	ssyncadd.remote.s32 $0x1  }
0xbd: {  	_ =	sfence.sel $0xFFFF  }
0xbe: {  	[dreg:$0x0] =	wrdreg $0xFFFFFFFF;
	(pc) =	sbr.abs _section_cstart, $3  }
0xbf: {  	[dreg:$0x1] =	wrdreg $0xFFFFFFFF  }
0xc0: {  	_ =	task.clear_ibuf [dreg:s6], $0x2FFFF;
	_ =	strace $0x9FFFFFFF  }
0xc1: {  	(tm) =	ssettm $0x7FFFFFFF  }
tec
execute0_lowered:
.L_overlay_start_1:
0x0: {  	(tag) =	ssettag $0x1  }
0x1: {  	s4 =	rddreg [dreg:$0x0]  }
0x2: {  	s0 =	rddreg [dreg:$0x1]  }
0x3: {  	s2 =	simm.s32 $0x0;
	s3 =	srdreg.scid;
	s1 =	stileid.u32  }
0x4: {  	s10 =	simm.s32 $0x5000;
	s11 =	simm.s32 $0x9000;
	s12 =	simm.s32 $0xD000  }
0x5: {  	s13 =	simm.s32 $0x1;
	s14 =	simm.s32 $0x2;
	s15 =	simm.s32 $0x0  }
0x6: {  	[smem:$0x7FF] =	sst s2;
	s5 =	sand.u32 $0x1, s3;
	s3 =	sadd.s32 $0x24E00, s4  }
0x7: {  	s6 =	sshll.u32 s1, $0xA;
	s30 =	sshll.u32 s1, $0x11;
	_ =	strace $0x80000050  }
0x8: {  	s7 =	sshll.u32 s5, $0x9;
	s8 =	ssub.s32 $0x2, s5;
	s5 =	sshll.u32 s5, $0x10  }
0x9: {  	s6 =	sor.u32 s7, s6;
	s7 =	sadd.s32 s30, s4;
	s9 =	sshrl.u32 s8, $0x1  }
0xa: {  	s4 =	sadd.s32 s6, s4;
	s31 =	ssub.s32 s8, s9;
	s7 =	sadd.s32 s5, s7  }
0xb: {  	s8 =	simm.s32 $0x80;
	s9 =	simm.s32 $0x1000;
	s4 =	sadd.s32 $0x1BE00, s4  }
0xc: {  	s5 =	smax.u32 s31, $0x1;
	s6 =	sadd.s32 $0x34E00, s7;
	s7 =	simm.s32 $0x3  }
.LBB2_1:
0xd: {  	[tilespmem:s2], [sflag:$0x3] =	stream.linear.gather [hbm4b:s4+s2], $0x1000, $0x38;
	[tilespmem:$0x11000] =	vst v63  }
0xe: {  	_ =	swait.ge [sflag:s7], $0x1000  }
0xf: {  	[sflag:s7] =	ssyncset.done $0x0  }
0x10: {  	s16 =	simm.s32 $0x0;
	[sflag:s7] =	ssyncadd.s32 $0xFFFFF000  }
0x11: {  	[tilespmem:s9], [sflag:$0x1] =	stream.indirect.gather [hbm4b:s3+s8], $0x80, s16, s8, $0xb8;
	[tilespmem:$0x11000] =	vst v63  }
0x12: {  	s28 =	simm.s32 $0x80  }
0x13: {  	[tilespmem:s10], [sflag:$0x1] =	stream.indirect.gather [hbm4b:s3+s8], $0x80, s28, s8, $0xb8;
	[tilespmem:$0x11000] =	vst v63  }
0x14: {  	s29 =	simm.s32 $0x100  }
0x15: {  	[tilespmem:s11], [sflag:$0x1] =	stream.indirect.gather [hbm4b:s3+s8], $0x80, s29, s8, $0xb8;
	[tilespmem:$0x11000] =	vst v63  }
0x16: {  	s30 =	simm.s32 $0x180  }
0x17: {  	[tilespmem:s12], [sflag:$0x1] =	stream.indirect.gather [hbm4b:s3+s8], $0x80, s30, s8, $0xb8;
	[tilespmem:$0x11000] =	vst v63  }
0x18: {  	_ =	swait.ge [sflag:s13], $0x4000  }
0x19: {  	[sflag:s13] =	ssyncset.done $0x0  }
0x1a: {  	[sflag:s13] =	ssyncadd.s32 $0xFFFFC000  }
0x1b: {  	_ =	swait.ge [sflag:s13], $0x4000  }
0x1c: {  	[sflag:s13] =	ssyncset.done $0x0  }
0x1d: {  	[sflag:s13] =	ssyncadd.s32 $0xFFFFC000  }
0x1e: {  	_ =	swait.ge [sflag:s13], $0x4000  }
0x1f: {  	[sflag:s13] =	ssyncset.done $0x0  }
0x20: {  	[sflag:s13] =	ssyncadd.s32 $0xFFFFC000  }
0x21: {  	_ =	swait.ge [sflag:s13], $0x4000  }
0x22: {  	[sflag:s13] =	ssyncset.done $0x0  }
0x23: {  	s31 =	sadd.s32 $0x0, s6;
	[sflag:s13] =	ssyncadd.s32 $0xFFFFC000  }
0x24: {  	[hbm4b:s31+s2] =	stream.linear.scatter [tilespmem:s9], [sflag:$0x2], $0x10000, $0x38;
	[tilespmem:$0x11000] =	vst v63  }
0x25: {  	s18 =	simm.s32 $0x4000;
	_ =	swait.ge [sflag:s14], $0x10000  }
0x26: {  	s17 =	simm.s32 $0x380;
	s16 =	simm.s32 $0x2000;
	[sflag:s14] =	ssyncset.done $0x0  }
.LBB2_2:
0x27: {  	p0 =	sne.s32 s18, $0xE000;
	s19 =	sadd.s32 $0xFFFFFE80, s17;
	[sflag:s14] =	ssyncadd.s32 $0xFFFF0000  }
0x28: {  	[tilespmem:s9], [sflag:$0x1] =	stream.indirect.gather [hbm4b:s3+s8], $0x80, s19, s8, $0xb8;
	[tilespmem:$0x11000] =	vst v63  }
0x29: {  	s20 =	smov.u32 s18;
	s18 =	sadd.s32 $0x2000, s18;
	s19 =	sadd.s32 $0xFFFFFF00, s17  }
0x2a: {  	[tilespmem:s10], [sflag:$0x1] =	stream.indirect.gather [hbm4b:s3+s8], $0x80, s19, s8, $0xb8;
	[tilespmem:$0x11000] =	vst v63  }
0x2b: {  	s19 =	sadd.s32 $0xFFFFFF80, s17  }
0x2c: {  	[tilespmem:s11], [sflag:$0x1] =	stream.indirect.gather [hbm4b:s3+s8], $0x80, s19, s8, $0xb8;
	[tilespmem:$0x11000] =	vst v63  }
0x2d: {  	_ = 	snop  }
0x2e: {  	[tilespmem:s12], [sflag:$0x1] =	stream.indirect.gather [hbm4b:s3+s8], $0x80, s17, s8, $0xb8;
	[tilespmem:$0x11000] =	vst v63  }
0x2f: {  	_ =	swait.ge [sflag:s13], $0x4000  }
0x30: {  	[sflag:s13] =	ssyncset.done $0x0  }
0x31: {  	[sflag:s13] =	ssyncadd.s32 $0xFFFFC000  }
0x32: {  	_ =	swait.ge [sflag:s13], $0x4000  }
0x33: {  	[sflag:s13] =	ssyncset.done $0x0  }
0x34: {  	[sflag:s13] =	ssyncadd.s32 $0xFFFFC000  }
0x35: {  	_ =	swait.ge [sflag:s13], $0x4000  }
0x36: {  	[sflag:s13] =	ssyncset.done $0x0  }
0x37: {  	[sflag:s13] =	ssyncadd.s32 $0xFFFFC000  }
0x38: {  	_ =	swait.ge [sflag:s13], $0x4000  }
.Ltmp0:
0x39: {  	[sflag:s13] =	ssyncset.done $0x0;
	(pc) =	sbr.rel @p0 .LBB2_2-.Ltmp0, $4  }
0x3a: {  	s19 =	sadd.s32 s16, s6;
	s16 =	smov.u32 s20;
	[sflag:s13] =	ssyncadd.s32 $0xFFFFC000  }
0x3b: {  	[hbm4b:s19+s2] =	stream.linear.scatter [tilespmem:s9], [sflag:$0x2], $0x10000, $0x38;
	[tilespmem:$0x11000] =	vst v63  }
0x3c: {  	_ =	swait.ge [sflag:s14], $0x10000  }
0x3d: {  	s17 =	sadd.s32 $0x200, s17;
	[sflag:s14] =	ssyncset.done $0x0  }
0x3e: {  	s18 =	sadd.s32 $0xFFFFFE80, s17;
	[sflag:s14] =	ssyncadd.s32 $0xFFFF0000  }
0x3f: {  	[tilespmem:s9], [sflag:$0x1] =	stream.indirect.gather [hbm4b:s3+s8], $0x80, s18, s8, $0xb8;
	[tilespmem:$0x11000] =	vst v63  }
0x40: {  	s30 =	sadd.s32 $0xFFFFFF00, s17  }
0x41: {  	[tilespmem:s10], [sflag:$0x1] =	stream.indirect.gather [hbm4b:s3+s8], $0x80, s30, s8, $0xb8;
	[tilespmem:$0x11000] =	vst v63  }
0x42: {  	s31 =	sadd.s32 $0xFFFFFF80, s17  }
0x43: {  	[tilespmem:s11], [sflag:$0x1] =	stream.indirect.gather [hbm4b:s3+s8], $0x80, s31, s8, $0xb8;
	[tilespmem:$0x11000] =	vst v63  }
0x44: {  	_ = 	snop  }
0x45: {  	[tilespmem:s12], [sflag:$0x1] =	stream.indirect.gather [hbm4b:s3+s8], $0x80, s17, s8, $0xb8;
	[tilespmem:$0x11000] =	vst v63  }
0x46: {  	_ =	swait.ge [sflag:s13], $0x4000  }
0x47: {  	[sflag:s13] =	ssyncset.done $0x0  }
0x48: {  	[sflag:s13] =	ssyncadd.s32 $0xFFFFC000  }
0x49: {  	_ =	swait.ge [sflag:s13], $0x4000  }
0x4a: {  	[sflag:s13] =	ssyncset.done $0x0  }
0x4b: {  	[sflag:s13] =	ssyncadd.s32 $0xFFFFC000  }
0x4c: {  	_ =	swait.ge [sflag:s13], $0x4000  }
0x4d: {  	[sflag:s13] =	ssyncset.done $0x0  }
0x4e: {  	[sflag:s13] =	ssyncadd.s32 $0xFFFFC000  }
0x4f: {  	s15 =	sadd.s32 $0x1, s15;
	_ =	swait.ge [sflag:s13], $0x4000  }
0x50: {  	p0 =	sne.s32 s15, s5;
	[sflag:s13] =	ssyncset.done $0x0  }
.Ltmp1:
0x51: {  	s16 =	sadd.s32 s16, s6;
	[sflag:s13] =	ssyncadd.s32 $0xFFFFC000;
	(pc) =	sbr.rel @p0 .LBB2_1-.Ltmp1, $4  }
0x52: {  	[hbm4b:s16+s2] =	stream.linear.scatter [tilespmem:s9], [sflag:$0x2], $0x10000, $0x38;
	[tilespmem:$0x11000] =	vst v63  }
0x53: {  	_ =	swait.ge [sflag:s14], $0x10000  }
0x54: {  	[sflag:s14] =	ssyncset.done $0x0  }
0x55: {  	[sflag:s14] =	ssyncadd.s32 $0xFFFF0000  }
0x56: {  	_ =	sfence.sel $0x180000  }
0x57: {  	[bflag:$0x0] =	sbarrier.arrive $0xFFFF  }
0x58: {  	p0 =	sne.s32 s1, $0x0;
	_ =	strace $0x90000050  }
0x59: {  	s0 =	sadd.s32 @!p0 $0x100000, s0;
	[bflag:$0x2] =	sbarrier.arrive $0xFFFF  }
0x5a: {  	[sflag:s0] =	ssyncadd.tile.s32 @!p0 $0x1;
	_ =	shalt  }
.Lfunc_end2:
_tile_overlayer_lowered:
.L_overlay_start_2:
0x5b: {  	(tag) =	ssettag $0x2  }
0x5c: {  	s0 =	rddreg [dreg:$0x0];
	s2 =	stileid.u32  }
0x5d: {  	s1 =	rddreg [dreg:$0x1];
	p0 =	sne.s32 s2, $0x0  }
0x5e: {  	s3 =	rddreg [dreg:$0x2];
	[bflag:$0x3] =	sbarrier.arrive $0xFFFF;
	s2 =	simm.s32 @!p0 $0x1C03  }
0x5f: {  	[timem:s3], [sflag:s2] =	dma.local @!p0 [hbm:s0], s1  }
0x60: {  	s0 =	simm.s32 @!p0 $0x3  }
0x61: {  	_ =	swait.ge @!p0 [sflag:s0], s1  }
0x62: {  	s1 =	ssub.s32 @!p0 $0x0, s1;
	[sflag:s0] =	ssyncset.done @!p0 $0x0  }
0x63: {  	[sflag:s0] =	ssyncadd.s32 @!p0 s1  }
0x64: {  	[bflag:$0x3] =	sbarrier.arrive $0xFFFF  }
0x65: {  	_ =	shalt  }

// kernel: kernel.29.cloned.1.call-start
scs
__scs_entry_jumppad:
0x0: {  	(pc) =	sbr.rel $0x88, $3  }
0x1: {  	(tag) =	ssettag $0x0;
	lr =	simm.s32 $0x1  }
0x2: {  	[smem:$0x3F90] =	sst lr;
	_ =	strace $0xD0000000  }
0x3: {  	_ = 	snop  }
0x4: {  	_ = 	snop  }
0x5: {  	_ = 	snop  }
0x6: {  	_ = 	snop  }
0x7: {  	_ = 	snop  }
__scs_overlays_trampoline_lowered:
0x8: {  	[smem:$0x3F9F] =	sst s0  }
0x9: {  	[smem:$0x3FA0] =	sst s1  }
0xa: {  	[smem:$0x3FA1] =	sst s2  }
0xb: {  	[smem:$0x3FA2] =	sst s3  }
0xc: {  	[smem:$0x3FA3] =	sst s4  }
0xd: {  	[smem:$0x3FA4] =	sst s5  }
0xe: {  	[smem:$0x3FA5] =	sst s6  }
0xf: {  	[smem:$0x3FA6] =	sst s7  }
0x10: {  	[smem:$0x3FA7] =	sst s8  }
0x11: {  	[smem:$0x3FA8] =	sst s9;
	s0 =	simm.s32 @!p0 $0x0  }
0x12: {  	s1 =	sld [smem:$0x3F8E];
	s0 =	simm.s32 @p0 $0x1  }
0x13: {  	[smem:$0x3FA9] =	sst s0;
	s0 =	simm.s32 @!p1 $0x0  }
0x14: {  	s2 =	sld [smem:$0x3F8D];
	s0 =	simm.s32 @p1 $0x1  }
0x15: {  	[smem:$0x3FAA] =	sst s0;
	s0 =	simm.s32 @!p2 $0x0  }
0x16: {  	s3 =	sld [smem:$0x3FDB];
	s0 =	simm.s32 @p2 $0x1  }
0x17: {  	s4 =	simm.s32 $0x1BF5;
	[smem:$0x3FAC] =	sst s0  }
0x18: {  	s0 =	sld [smem:$0x3F8F];
	_ =	swait.ge [sflag:s4], $0x0  }
0x19: {  	s7 =	sld [smem:$0x3F90]  }
0x1a: {  	s8 =	sadd.s32 $0xFFFFE003, lr  }
0x1b: {  	s9 =	sadd.s32 $0xFFFFFEF7, lr;
	s5 =	simm.s32 $0xFFFFFFFF;
	p2 =	slt.u32 s8, $0xFFFFF086  }
0x1c: {  	p1 =	slt.u32 s9, $0xF7A;
	s5 =	simm.s32 @!p2 $0x0  }
0x1d: {  	s5 =	simm.s32 @p1 $0x1;
	p0 =	seq.s32 s7, s2  }
0x1e: {  	s7 =	smul.u32 @!p0 $0xF7A, s2;
	p2 =	seq.s32 @!p0 s5, $0x0  }
0x1f: {  	s9 =	smul.u32 $0xF7A, s1;
	s8 =	simm.s32 @!p0 $0x1BF5;
	p2 =	por !p2, p0  }
0x20: {  	[sflag:s8] =	ssyncset.s32 @!p0 $0xFFFFF086;
	s6 =	sadd.s32 @!p0 s3, s7;
	s7 =	simm.s32 @!p0 $0x108  }
0x21: {  	s3 =	sadd.s32 s3, s9;
	s6 =	sadd.s32 @!p0 $0x88, s6;
	s7 =	simm.s32 @p2 $0x1082  }
0x22: {  	[simem:s7], [sflag:s8] =	dma.local @!p0 [hbm:s6], $0xF7A  }
0x23: {  	s9 =	sor.u32 $0xD0000000, s2;
	s6 =	simm.s32 $0x108;
	_ =	swait.ge @!p0 [sflag:s8], $0x0  }
0x24: {  	s3 =	sadd.s32 $0x88, s3;
	s6 =	simm.s32 @!p1 $0x1082;
	[sflag:s4] =	ssyncset.s32 $0xFFFFF086  }
0x25: {  	[simem:s6], [sflag:s4] =	dma.local [hbm:s3], $0xF7A  }
0x26: {  	[smem:$0x3F90] =	sst s1;
	(tag) =	ssettag s2;
	_ =	strace s9  }
0x27: {  	s1 =	sld [smem:$0x3FA0]  }
0x28: {  	s2 =	sld [smem:$0x3FA1]  }
0x29: {  	s4 =	sld [smem:$0x3FA3]  }
0x2a: {  	p0 =	seq.s32 s5, $0x0;
	s5 =	sld [smem:$0x3FA4]  }
0x2b: {  	s6 =	sld [smem:$0x3FA5]  }
0x2c: {  	s7 =	sld [smem:$0x3FA6]  }
0x2d: {  	s3 =	simm.s32 $0x108;
	s8 =	sld [smem:$0x3FA7]  }
0x2e: {  	s3 =	simm.s32 @!p0 $0x1082;
	s9 =	sld [smem:$0x3FA8]  }
0x2f: {  	lr =	sadd.s32 s0, s3;
	s0 =	sld [smem:$0x3F9F]  }
0x30: {  	s3 =	sld [smem:$0x3FA2]  }
0x31: {  	[smem:$0x3FAB] =	sst s10  }
0x32: {  	s10 =	sld [smem:$0x3FA9];
	_ =	sdelay $0x3  }
0x33: {  	p0 =	seq.s32 s10, $0x1;
	s10 =	sld [smem:$0x3FAB];
	_ =	sdelay $0x3  }
0x34: {  	[smem:$0x3FAB] =	sst s10  }
0x35: {  	s10 =	sld [smem:$0x3FAA];
	_ =	sdelay $0x3  }
0x36: {  	p1 =	seq.s32 s10, $0x1;
	s10 =	sld [smem:$0x3FAB];
	_ =	sdelay $0x3  }
0x37: {  	[smem:$0x3FAB] =	sst s10  }
0x38: {  	s10 =	sld [smem:$0x3FAC]  }
0x39: {  	_ = 	snop;
	(pc) =	sbr.ind lr, $3  }
0x3a: {  	_ = 	snop  }
0x3b: {  	_ = 	snop  }
0x3c: {  	p2 =	seq.s32 s10, $0x1;
	s10 =	sld [smem:$0x3FAB]  }
0x3d: {  	_ =	shalt  }
0x3e: {  	_ =	shalt  }
0x3f: {  	_ =	shalt  }
0x40: {  	_ =	shalt  }
0x41: {  	_ =	shalt  }
0x42: {  	_ =	shalt  }
0x43: {  	_ =	shalt  }
0x44: {  	_ =	shalt  }
0x45: {  	_ =	shalt  }
0x46: {  	_ =	shalt  }
0x47: {  	_ =	shalt  }
0x48: {  	_ =	shalt  }
0x49: {  	_ =	shalt  }
0x4a: {  	_ =	shalt  }
0x4b: {  	_ =	shalt  }
0x4c: {  	_ =	shalt  }
0x4d: {  	_ =	shalt  }
0x4e: {  	_ =	shalt  }
0x4f: {  	_ =	shalt  }
0x50: {  	_ =	shalt  }
0x51: {  	_ =	shalt  }
0x52: {  	_ =	shalt  }
0x53: {  	_ =	shalt  }
0x54: {  	_ =	shalt  }
0x55: {  	_ =	shalt  }
0x56: {  	_ =	shalt  }
0x57: {  	_ =	shalt  }
0x58: {  	_ =	shalt  }
0x59: {  	_ =	shalt  }
0x5a: {  	_ =	shalt  }
0x5b: {  	_ =	shalt  }
0x5c: {  	_ =	shalt  }
0x5d: {  	_ =	shalt  }
0x5e: {  	_ =	shalt  }
0x5f: {  	_ =	shalt  }
0x60: {  	_ =	shalt  }
0x61: {  	_ =	shalt  }
0x62: {  	_ =	shalt  }
0x63: {  	_ =	shalt  }
0x64: {  	_ =	shalt  }
0x65: {  	_ =	shalt  }
0x66: {  	_ =	shalt  }
0x67: {  	_ =	shalt  }
0x68: {  	_ =	shalt  }
0x69: {  	_ =	shalt  }
0x6a: {  	_ =	shalt  }
0x6b: {  	_ =	shalt  }
0x6c: {  	_ =	shalt  }
0x6d: {  	_ =	shalt  }
0x6e: {  	_ =	shalt  }
0x6f: {  	_ =	shalt  }
0x70: {  	_ =	shalt  }
0x71: {  	_ =	shalt  }
0x72: {  	_ =	shalt  }
0x73: {  	_ =	shalt  }
0x74: {  	_ =	shalt  }
0x75: {  	_ =	shalt  }
0x76: {  	_ =	shalt  }
0x77: {  	_ =	shalt  }
0x78: {  	_ =	shalt  }
0x79: {  	_ =	shalt  }
0x7a: {  	_ =	shalt  }
0x7b: {  	_ =	shalt  }
0x7c: {  	_ =	shalt  }
0x7d: {  	_ =	shalt  }
0x7e: {  	_ =	shalt  }
0x7f: {  	_ =	shalt  }
0x80: {  	_ =	shalt  }
0x81: {  	_ =	shalt  }
0x82: {  	_ =	shalt  }
0x83: {  	_ =	shalt  }
0x84: {  	_ =	shalt  }
0x85: {  	_ =	shalt  }
0x86: {  	_ =	shalt  }
0x87: {  	_ =	shalt  }
.Lfunc_end0:
.L_simem_size_0:
called_computation.4_lowered:
.L_overlay_start_0:
0x88: {  	s2 =	sld [smem:$0x3FD9]  }
0x89: {  	s3 =	sld [smem:$0x3FFE];
	_ =	sdelay $0x1  }
0x8a: {  	s1 =	srdreg.scid  }
0x8b: {  	s0 =	sand.u32 $0x1, s1  }
0x8c: {  	s16 =	sshll.u32 s0, $0xA;
	s2 =	sadd.s32 s3, s2  }
0x8d: {  	s2 =	sadd.s32 s2, s16  }
0x8e: {  	[smem:$0x3FB7] =	sst s2  }
0x8f: {  	_ = 	snop  }
0x90: {  	(tm) =	ssettm $0x1  }
0x91: {  	s17 =	sld [smem:$0x3FFB];
	_ =	sdelay $0x3  }
0x92: {  	_ =	strace s17  }
0x93: {  	s2 =	sld [smem:$0x3FFC];
	_ =	sdelay $0x3  }
0x94: {  	_ =	strace s2  }
0x95: {  	s2 =	sld [smem:$0x3FFD];
	_ =	sdelay $0x3  }
0x96: {  	_ =	strace s2  }
0x97: {  	_ =	strace $0x8FFFFFFF  }
0x98: {  	s18 =	sld [smem:$0x3FDB];
	_ =	sdelay $0x1  }
0x99: {  	s19 =	simm.s32 $_scs_section_size  }
0x9a: {  	s4 =	simm.s32 $_size__tile_overlayer_lowered;
	s5 =	simm.s32 $_tile_overlayer_lowered  }
0x9b: {  	s22 =	simm.s32 $0x1BFF;
	s21 =	sshll.u32 s5, $0x1;
	s2 =	sadd.s32 s19, s18  }
0x9c: {  	s6 =	simm.s32 $0x0;
	s20 =	sshll.u32 s4, $0x1;
	s4 =	sadd.s32 s21, s2  }
0x9d: {  	[timem:s6], [sflag:s22] =	dma.local [hbm:s4], s20  }
0x9e: {  	_ =	swait.ge [sflag:s22], s20  }
0x9f: {  	s3 =	ssub.s32 $0x0, s20;
	[sflag:s22] =	ssyncset.done $0x0  }
0xa0: {  	[sflag:s22] =	ssyncadd.s32 s3;
	_ =	sdelay $0x1  }
0xa1: {  	s23 =	simm.s32 $0x1B8B  }
0xa2: {  	_ =	swait.ge [sflag:s23], $0x1  }
0xa3: {  	[sflag:s23] =	ssyncset.done $0x0  }
0xa4: {  	s25 =	simm.s32 $0x1B8E;
	s24 =	sld [smem:$0x3FFE];
	[sflag:s23] =	ssyncadd.s32 $0xFFFFFFFF  }
0xa5: {  	s26 =	simm.s32 $execute0_lowered;
	[smem:$0x3FD2] =	sst s25  }
0xa6: {  	s4 =	sshll.u32 s26, $0x1;
	_ =	strace $0x80000052;
	[dreg:$0x1] =	wrdreg $0xFFFFFFFF  }
0xa7: {  	s28 =	simm.s32 $_size_execute0_lowered;
	s2 =	sadd.s32 s2, s4;
	[dreg:$0x0] =	wrdreg $0x0  }
0xa8: {  	s4 =	sshll.u32 s28, $0x1;
	[dreg:$0x2] =	wrdreg s2  }
0xa9: {  	[dreg:$0x3] =	wrdreg s4  }
0xaa: {  	[dreg:$0x4] =	wrdreg $0xC0  }
0xab: {  	_ =	task [dreg:s6], $0x5FFFF  }
0xac: {  	[dreg:$0x1] =	wrdreg $0xFFFFFFFF  }
0xad: {  	[dreg:$0x0] =	wrdreg $0x60  }
0xae: {  	[dreg:$0x2] =	wrdreg s24  }
0xaf: {  	[dreg:$0x3] =	wrdreg $0x9  }
0xb0: {  	_ =	task.clear_ibuf [dreg:s6], $0x4FFFF;
	_ =	strace $0x90000052  }
0xb1: {  	s29 =	simm.s32 $0x9;
	_ =	strace $0x80000054  }
0xb2: {  	_ =	swait.ge [sflag:s29], $0x1  }
0xb3: {  	[sflag:s29] =	ssyncadd.s32 $0xFFFFFFFF  }
0xb4: {  	_ =	strace $0x90000054  }
0xb5: {  	_ =	sfence  }
0xb6: {  	s30 =	sld [smem:$0x0];
	_ =	sdelay $0x2  }
0xb7: {  	s31 =	sshll.u32 s1, $0xD;
	s1 =	sshrl.u32 s1, $0x2  }
0xb8: {  	s3 =	sand.u32 $0x4000, s31;
	s1 =	sadd.s32 s1, s30  }
0xb9: {  	s0 =	sor.u32 s3, s0;
	s1 =	sshll.u32 s1, $0x11  }
0xba: {  	s0 =	sor.u32 s1, s0  }
0xbb: {  	s0 =	sadd.s32 $0x8F2B, s0  }
0xbc: {  	[sflag:s0] =	ssyncadd.remote.s32 $0x1  }
0xbd: {  	_ =	sfence.sel $0xFFFF  }
0xbe: {  	[dreg:$0x0] =	wrdreg $0xFFFFFFFF;
	(pc) =	sbr.abs _section_cstart, $3  }
0xbf: {  	[dreg:$0x1] =	wrdreg $0xFFFFFFFF  }
0xc0: {  	_ =	task.clear_ibuf [dreg:s6], $0x2FFFF;
	_ =	strace $0x9FFFFFFF  }
0xc1: {  	(tm) =	ssettm $0x7FFFFFFF  }
tec
execute0_lowered:
.L_overlay_start_1:
0x0: {  	(tag) =	ssettag $0x1  }
0x1: {  	s4 =	rddreg [dreg:$0x0]  }
0x2: {  	s0 =	rddreg [dreg:$0x1]  }
0x3: {  	s2 =	simm.s32 $0x0;
	s3 =	srdreg.scid;
	s1 =	stileid.u32  }
0x4: {  	s10 =	simm.s32 $0x5000;
	s11 =	simm.s32 $0x9000;
	s12 =	simm.s32 $0xD000  }
0x5: {  	s13 =	simm.s32 $0x1;
	s14 =	simm.s32 $0x2;
	s15 =	simm.s32 $0x0  }
0x6: {  	[smem:$0x7FF] =	sst s2;
	s5 =	sand.u32 $0x1, s3;
	s3 =	sadd.s32 $0x24E00, s4  }
0x7: {  	s6 =	sshll.u32 s1, $0xA;
	s30 =	sshll.u32 s1, $0x11;
	_ =	strace $0x80000053  }
0x8: {  	s7 =	sshll.u32 s5, $0x9;
	s8 =	ssub.s32 $0x2, s5;
	s5 =	sshll.u32 s5, $0x10  }
0x9: {  	s6 =	sor.u32 s7, s6;
	s7 =	sadd.s32 s30, s4;
	s9 =	sshrl.u32 s8, $0x1  }
0xa: {  	s4 =	sadd.s32 s6, s4;
	s31 =	ssub.s32 s8, s9;
	s7 =	sadd.s32 s5, s7  }
0xb: {  	s8 =	simm.s32 $0x80;
	s9 =	simm.s32 $0x1000;
	s4 =	sadd.s32 $0x1BE00, s4  }
0xc: {  	s5 =	smax.u32 s31, $0x1;
	s6 =	sadd.s32 $0x34E00, s7;
	s7 =	simm.s32 $0x3  }
.LBB2_1:
0xd: {  	[tilespmem:s2], [sflag:$0x3] =	stream.linear.gather [hbm4b:s4+s2], $0x1000, $0x38;
	[tilespmem:$0x11000] =	vst v63  }
0xe: {  	_ =	swait.ge [sflag:s7], $0x1000  }
0xf: {  	[sflag:s7] =	ssyncset.done $0x0  }
0x10: {  	s16 =	simm.s32 $0x0;
	[sflag:s7] =	ssyncadd.s32 $0xFFFFF000  }
0x11: {  	[tilespmem:s9], [sflag:$0x1] =	stream.indirect.gather [hbm4b:s3+s8], $0x80, s16, s8, $0xb8;
	[tilespmem:$0x11000] =	vst v63  }
0x12: {  	s28 =	simm.s32 $0x80  }
0x13: {  	[tilespmem:s10], [sflag:$0x1] =	stream.indirect.gather [hbm4b:s3+s8], $0x80, s28, s8, $0xb8;
	[tilespmem:$0x11000] =	vst v63  }
0x14: {  	s29 =	simm.s32 $0x100  }
0x15: {  	[tilespmem:s11], [sflag:$0x1] =	stream.indirect.gather [hbm4b:s3+s8], $0x80, s29, s8, $0xb8;
	[tilespmem:$0x11000] =	vst v63  }
0x16: {  	s30 =	simm.s32 $0x180  }
0x17: {  	[tilespmem:s12], [sflag:$0x1] =	stream.indirect.gather [hbm4b:s3+s8], $0x80, s30, s8, $0xb8;
	[tilespmem:$0x11000] =	vst v63  }
0x18: {  	_ =	swait.ge [sflag:s13], $0x4000  }
0x19: {  	[sflag:s13] =	ssyncset.done $0x0  }
0x1a: {  	[sflag:s13] =	ssyncadd.s32 $0xFFFFC000  }
0x1b: {  	_ =	swait.ge [sflag:s13], $0x4000  }
0x1c: {  	[sflag:s13] =	ssyncset.done $0x0  }
0x1d: {  	[sflag:s13] =	ssyncadd.s32 $0xFFFFC000  }
0x1e: {  	_ =	swait.ge [sflag:s13], $0x4000  }
0x1f: {  	[sflag:s13] =	ssyncset.done $0x0  }
0x20: {  	[sflag:s13] =	ssyncadd.s32 $0xFFFFC000  }
0x21: {  	_ =	swait.ge [sflag:s13], $0x4000  }
0x22: {  	[sflag:s13] =	ssyncset.done $0x0  }
0x23: {  	s31 =	sadd.s32 $0x0, s6;
	[sflag:s13] =	ssyncadd.s32 $0xFFFFC000  }
0x24: {  	[hbm4b:s31+s2] =	stream.linear.scatter [tilespmem:s9], [sflag:$0x2], $0x10000, $0x38;
	[tilespmem:$0x11000] =	vst v63  }
0x25: {  	s18 =	simm.s32 $0x4000;
	_ =	swait.ge [sflag:s14], $0x10000  }
0x26: {  	s17 =	simm.s32 $0x380;
	s16 =	simm.s32 $0x2000;
	[sflag:s14] =	ssyncset.done $0x0  }
.LBB2_2:
0x27: {  	p0 =	sne.s32 s18, $0xE000;
	s19 =	sadd.s32 $0xFFFFFE80, s17;
	[sflag:s14] =	ssyncadd.s32 $0xFFFF0000  }
0x28: {  	[tilespmem:s9], [sflag:$0x1] =	stream.indirect.gather [hbm4b:s3+s8], $0x80, s19, s8, $0xb8;
	[tilespmem:$0x11000] =	vst v63  }
0x29: {  	s20 =	smov.u32 s18;
	s18 =	sadd.s32 $0x2000, s18;
	s19 =	sadd.s32 $0xFFFFFF00, s17  }
0x2a: {  	[tilespmem:s10], [sflag:$0x1] =	stream.indirect.gather [hbm4b:s3+s8], $0x80, s19, s8, $0xb8;
	[tilespmem:$0x11000] =	vst v63  }
0x2b: {  	s19 =	sadd.s32 $0xFFFFFF80, s17  }
0x2c: {  	[tilespmem:s11], [sflag:$0x1] =	stream.indirect.gather [hbm4b:s3+s8], $0x80, s19, s8, $0xb8;
	[tilespmem:$0x11000] =	vst v63  }
0x2d: {  	_ = 	snop  }
0x2e: {  	[tilespmem:s12], [sflag:$0x1] =	stream.indirect.gather [hbm4b:s3+s8], $0x80, s17, s8, $0xb8;
	[tilespmem:$0x11000] =	vst v63  }
0x2f: {  	_ =	swait.ge [sflag:s13], $0x4000  }
0x30: {  	[sflag:s13] =	ssyncset.done $0x0  }
0x31: {  	[sflag:s13] =	ssyncadd.s32 $0xFFFFC000  }
0x32: {  	_ =	swait.ge [sflag:s13], $0x4000  }
0x33: {  	[sflag:s13] =	ssyncset.done $0x0  }
0x34: {  	[sflag:s13] =	ssyncadd.s32 $0xFFFFC000  }
0x35: {  	_ =	swait.ge [sflag:s13], $0x4000  }
0x36: {  	[sflag:s13] =	ssyncset.done $0x0  }
0x37: {  	[sflag:s13] =	ssyncadd.s32 $0xFFFFC000  }
0x38: {  	_ =	swait.ge [sflag:s13], $0x4000  }
.Ltmp0:
0x39: {  	[sflag:s13] =	ssyncset.done $0x0;
	(pc) =	sbr.rel @p0 .LBB2_2-.Ltmp0, $4  }
0x3a: {  	s19 =	sadd.s32 s16, s6;
	s16 =	smov.u32 s20;
	[sflag:s13] =	ssyncadd.s32 $0xFFFFC000  }
0x3b: {  	[hbm4b:s19+s2] =	stream.linear.scatter [tilespmem:s9], [sflag:$0x2], $0x10000, $0x38;
	[tilespmem:$0x11000] =	vst v63  }
0x3c: {  	_ =	swait.ge [sflag:s14], $0x10000  }
0x3d: {  	s17 =	sadd.s32 $0x200, s17;
	[sflag:s14] =	ssyncset.done $0x0  }
0x3e: {  	s18 =	sadd.s32 $0xFFFFFE80, s17;
	[sflag:s14] =	ssyncadd.s32 $0xFFFF0000  }
0x3f: {  	[tilespmem:s9], [sflag:$0x1] =	stream.indirect.gather [hbm4b:s3+s8], $0x80, s18, s8, $0xb8;
	[tilespmem:$0x11000] =	vst v63  }
0x40: {  	s30 =	sadd.s32 $0xFFFFFF00, s17  }
0x41: {  	[tilespmem:s10], [sflag:$0x1] =	stream.indirect.gather [hbm4b:s3+s8], $0x80, s30, s8, $0xb8;
	[tilespmem:$0x11000] =	vst v63  }
0x42: {  	s31 =	sadd.s32 $0xFFFFFF80, s17  }
0x43: {  	[tilespmem:s11], [sflag:$0x1] =	stream.indirect.gather [hbm4b:s3+s8], $0x80, s31, s8, $0xb8;
	[tilespmem:$0x11000] =	vst v63  }
0x44: {  	_ = 	snop  }
0x45: {  	[tilespmem:s12], [sflag:$0x1] =	stream.indirect.gather [hbm4b:s3+s8], $0x80, s17, s8, $0xb8;
	[tilespmem:$0x11000] =	vst v63  }
0x46: {  	_ =	swait.ge [sflag:s13], $0x4000  }
0x47: {  	[sflag:s13] =	ssyncset.done $0x0  }
0x48: {  	[sflag:s13] =	ssyncadd.s32 $0xFFFFC000  }
0x49: {  	_ =	swait.ge [sflag:s13], $0x4000  }
0x4a: {  	[sflag:s13] =	ssyncset.done $0x0  }
0x4b: {  	[sflag:s13] =	ssyncadd.s32 $0xFFFFC000  }
0x4c: {  	_ =	swait.ge [sflag:s13], $0x4000  }
0x4d: {  	[sflag:s13] =	ssyncset.done $0x0  }
0x4e: {  	[sflag:s13] =	ssyncadd.s32 $0xFFFFC000  }
0x4f: {  	s15 =	sadd.s32 $0x1, s15;
	_ =	swait.ge [sflag:s13], $0x4000  }
0x50: {  	p0 =	sne.s32 s15, s5;
	[sflag:s13] =	ssyncset.done $0x0  }
.Ltmp1:
0x51: {  	s16 =	sadd.s32 s16, s6;
	[sflag:s13] =	ssyncadd.s32 $0xFFFFC000;
	(pc) =	sbr.rel @p0 .LBB2_1-.Ltmp1, $4  }
0x52: {  	[hbm4b:s16+s2] =	stream.linear.scatter [tilespmem:s9], [sflag:$0x2], $0x10000, $0x38;
	[tilespmem:$0x11000] =	vst v63  }
0x53: {  	_ =	swait.ge [sflag:s14], $0x10000  }
0x54: {  	[sflag:s14] =	ssyncset.done $0x0  }
0x55: {  	[sflag:s14] =	ssyncadd.s32 $0xFFFF0000  }
0x56: {  	_ =	sfence.sel $0x180000  }
0x57: {  	[bflag:$0x0] =	sbarrier.arrive $0xFFFF  }
0x58: {  	p0 =	sne.s32 s1, $0x0;
	_ =	strace $0x90000053  }
0x59: {  	s0 =	sadd.s32 @!p0 $0x100000, s0;
	[bflag:$0x2] =	sbarrier.arrive $0xFFFF  }
0x5a: {  	[sflag:s0] =	ssyncadd.tile.s32 @!p0 $0x1;
	_ =	shalt  }
.Lfunc_end2:
_tile_overlayer_lowered:
.L_overlay_start_2:
0x5b: {  	(tag) =	ssettag $0x2  }
0x5c: {  	s0 =	rddreg [dreg:$0x0];
	s2 =	stileid.u32  }
0x5d: {  	s1 =	rddreg [dreg:$0x1];
	p0 =	sne.s32 s2, $0x0  }
0x5e: {  	s3 =	rddreg [dreg:$0x2];
	[bflag:$0x3] =	sbarrier.arrive $0xFFFF;
	s2 =	simm.s32 @!p0 $0x1C03  }
0x5f: {  	[timem:s3], [sflag:s2] =	dma.local @!p0 [hbm:s0], s1  }
0x60: {  	s0 =	simm.s32 @!p0 $0x3  }
0x61: {  	_ =	swait.ge @!p0 [sflag:s0], s1  }
0x62: {  	s1 =	ssub.s32 @!p0 $0x0, s1;
	[sflag:s0] =	ssyncset.done @!p0 $0x0  }
0x63: {  	[sflag:s0] =	ssyncadd.s32 @!p0 s1  }
0x64: {  	[bflag:$0x3] =	sbarrier.arrive $0xFFFF  }
0x65: {  	_ =	shalt  }

// kernel: kernel.32.cloned.1.call-start
scs
__scs_entry_jumppad:
0x0: {  	(pc) =	sbr.rel $0x88, $3  }
0x1: {  	(tag) =	ssettag $0x0;
	lr =	simm.s32 $0x1  }
0x2: {  	[smem:$0x3F90] =	sst lr;
	_ =	strace $0xD0000000  }
0x3: {  	_ = 	snop  }
0x4: {  	_ = 	snop  }
0x5: {  	_ = 	snop  }
0x6: {  	_ = 	snop  }
0x7: {  	_ = 	snop  }
__scs_overlays_trampoline_lowered:
0x8: {  	[smem:$0x3F9F] =	sst s0  }
0x9: {  	[smem:$0x3FA0] =	sst s1  }
0xa: {  	[smem:$0x3FA1] =	sst s2  }
0xb: {  	[smem:$0x3FA2] =	sst s3  }
0xc: {  	[smem:$0x3FA3] =	sst s4  }
0xd: {  	[smem:$0x3FA4] =	sst s5  }
0xe: {  	[smem:$0x3FA5] =	sst s6  }
0xf: {  	[smem:$0x3FA6] =	sst s7  }
0x10: {  	[smem:$0x3FA7] =	sst s8  }
0x11: {  	[smem:$0x3FA8] =	sst s9;
	s0 =	simm.s32 @!p0 $0x0  }
0x12: {  	s1 =	sld [smem:$0x3F8E];
	s0 =	simm.s32 @p0 $0x1  }
0x13: {  	[smem:$0x3FA9] =	sst s0;
	s0 =	simm.s32 @!p1 $0x0  }
0x14: {  	s2 =	sld [smem:$0x3F8D];
	s0 =	simm.s32 @p1 $0x1  }
0x15: {  	[smem:$0x3FAA] =	sst s0;
	s0 =	simm.s32 @!p2 $0x0  }
0x16: {  	s3 =	sld [smem:$0x3FDB];
	s0 =	simm.s32 @p2 $0x1  }
0x17: {  	s4 =	simm.s32 $0x1BF5;
	[smem:$0x3FAC] =	sst s0  }
0x18: {  	s0 =	sld [smem:$0x3F8F];
	_ =	swait.ge [sflag:s4], $0x0  }
0x19: {  	s7 =	sld [smem:$0x3F90]  }
0x1a: {  	s8 =	sadd.s32 $0xFFFFE003, lr  }
0x1b: {  	s9 =	sadd.s32 $0xFFFFFEF7, lr;
	s5 =	simm.s32 $0xFFFFFFFF;
	p2 =	slt.u32 s8, $0xFFFFF086  }
0x1c: {  	p1 =	slt.u32 s9, $0xF7A;
	s5 =	simm.s32 @!p2 $0x0  }
0x1d: {  	s5 =	simm.s32 @p1 $0x1;
	p0 =	seq.s32 s7, s2  }
0x1e: {  	s7 =	smul.u32 @!p0 $0xF7A, s2;
	p2 =	seq.s32 @!p0 s5, $0x0  }
0x1f: {  	s9 =	smul.u32 $0xF7A, s1;
	s8 =	simm.s32 @!p0 $0x1BF5;
	p2 =	por !p2, p0  }
0x20: {  	[sflag:s8] =	ssyncset.s32 @!p0 $0xFFFFF086;
	s6 =	sadd.s32 @!p0 s3, s7;
	s7 =	simm.s32 @!p0 $0x108  }
0x21: {  	s3 =	sadd.s32 s3, s9;
	s6 =	sadd.s32 @!p0 $0x88, s6;
	s7 =	simm.s32 @p2 $0x1082  }
0x22: {  	[simem:s7], [sflag:s8] =	dma.local @!p0 [hbm:s6], $0xF7A  }
0x23: {  	s9 =	sor.u32 $0xD0000000, s2;
	s6 =	simm.s32 $0x108;
	_ =	swait.ge @!p0 [sflag:s8], $0x0  }
0x24: {  	s3 =	sadd.s32 $0x88, s3;
	s6 =	simm.s32 @!p1 $0x1082;
	[sflag:s4] =	ssyncset.s32 $0xFFFFF086  }
0x25: {  	[simem:s6], [sflag:s4] =	dma.local [hbm:s3], $0xF7A  }
0x26: {  	[smem:$0x3F90] =	sst s1;
	(tag) =	ssettag s2;
	_ =	strace s9  }
0x27: {  	s1 =	sld [smem:$0x3FA0]  }
0x28: {  	s2 =	sld [smem:$0x3FA1]  }
0x29: {  	s4 =	sld [smem:$0x3FA3]  }
0x2a: {  	p0 =	seq.s32 s5, $0x0;
	s5 =	sld [smem:$0x3FA4]  }
0x2b: {  	s6 =	sld [smem:$0x3FA5]  }
0x2c: {  	s7 =	sld [smem:$0x3FA6]  }
0x2d: {  	s3 =	simm.s32 $0x108;
	s8 =	sld [smem:$0x3FA7]  }
0x2e: {  	s3 =	simm.s32 @!p0 $0x1082;
	s9 =	sld [smem:$0x3FA8]  }
0x2f: {  	lr =	sadd.s32 s0, s3;
	s0 =	sld [smem:$0x3F9F]  }
0x30: {  	s3 =	sld [smem:$0x3FA2]  }
0x31: {  	[smem:$0x3FAB] =	sst s10  }
0x32: {  	s10 =	sld [smem:$0x3FA9];
	_ =	sdelay $0x3  }
0x33: {  	p0 =	seq.s32 s10, $0x1;
	s10 =	sld [smem:$0x3FAB];
	_ =	sdelay $0x3  }
0x34: {  	[smem:$0x3FAB] =	sst s10  }
0x35: {  	s10 =	sld [smem:$0x3FAA];
	_ =	sdelay $0x3  }
0x36: {  	p1 =	seq.s32 s10, $0x1;
	s10 =	sld [smem:$0x3FAB];
	_ =	sdelay $0x3  }
0x37: {  	[smem:$0x3FAB] =	sst s10  }
0x38: {  	s10 =	sld [smem:$0x3FAC]  }
0x39: {  	_ = 	snop;
	(pc) =	sbr.ind lr, $3  }
0x3a: {  	_ = 	snop  }
0x3b: {  	_ = 	snop  }
0x3c: {  	p2 =	seq.s32 s10, $0x1;
	s10 =	sld [smem:$0x3FAB]  }
0x3d: {  	_ =	shalt  }
0x3e: {  	_ =	shalt  }
0x3f: {  	_ =	shalt  }
0x40: {  	_ =	shalt  }
0x41: {  	_ =	shalt  }
0x42: {  	_ =	shalt  }
0x43: {  	_ =	shalt  }
0x44: {  	_ =	shalt  }
0x45: {  	_ =	shalt  }
0x46: {  	_ =	shalt  }
0x47: {  	_ =	shalt  }
0x48: {  	_ =	shalt  }
0x49: {  	_ =	shalt  }
0x4a: {  	_ =	shalt  }
0x4b: {  	_ =	shalt  }
0x4c: {  	_ =	shalt  }
0x4d: {  	_ =	shalt  }
0x4e: {  	_ =	shalt  }
0x4f: {  	_ =	shalt  }
0x50: {  	_ =	shalt  }
0x51: {  	_ =	shalt  }
0x52: {  	_ =	shalt  }
0x53: {  	_ =	shalt  }
0x54: {  	_ =	shalt  }
0x55: {  	_ =	shalt  }
0x56: {  	_ =	shalt  }
0x57: {  	_ =	shalt  }
0x58: {  	_ =	shalt  }
0x59: {  	_ =	shalt  }
0x5a: {  	_ =	shalt  }
0x5b: {  	_ =	shalt  }
0x5c: {  	_ =	shalt  }
0x5d: {  	_ =	shalt  }
0x5e: {  	_ =	shalt  }
0x5f: {  	_ =	shalt  }
0x60: {  	_ =	shalt  }
0x61: {  	_ =	shalt  }
0x62: {  	_ =	shalt  }
0x63: {  	_ =	shalt  }
0x64: {  	_ =	shalt  }
0x65: {  	_ =	shalt  }
0x66: {  	_ =	shalt  }
0x67: {  	_ =	shalt  }
0x68: {  	_ =	shalt  }
0x69: {  	_ =	shalt  }
0x6a: {  	_ =	shalt  }
0x6b: {  	_ =	shalt  }
0x6c: {  	_ =	shalt  }
0x6d: {  	_ =	shalt  }
0x6e: {  	_ =	shalt  }
0x6f: {  	_ =	shalt  }
0x70: {  	_ =	shalt  }
0x71: {  	_ =	shalt  }
0x72: {  	_ =	shalt  }
0x73: {  	_ =	shalt  }
0x74: {  	_ =	shalt  }
0x75: {  	_ =	shalt  }
0x76: {  	_ =	shalt  }
0x77: {  	_ =	shalt  }
0x78: {  	_ =	shalt  }
0x79: {  	_ =	shalt  }
0x7a: {  	_ =	shalt  }
0x7b: {  	_ =	shalt  }
0x7c: {  	_ =	shalt  }
0x7d: {  	_ =	shalt  }
0x7e: {  	_ =	shalt  }
0x7f: {  	_ =	shalt  }
0x80: {  	_ =	shalt  }
0x81: {  	_ =	shalt  }
0x82: {  	_ =	shalt  }
0x83: {  	_ =	shalt  }
0x84: {  	_ =	shalt  }
0x85: {  	_ =	shalt  }
0x86: {  	_ =	shalt  }
0x87: {  	_ =	shalt  }
.Lfunc_end0:
.L_simem_size_0:
called_computation.5_lowered:
.L_overlay_start_0:
0x88: {  	s2 =	sld [smem:$0x3FD9]  }
0x89: {  	s3 =	sld [smem:$0x3FFE];
	_ =	sdelay $0x1  }
0x8a: {  	s1 =	srdreg.scid  }
0x8b: {  	s0 =	sand.u32 $0x1, s1  }
0x8c: {  	s16 =	sshll.u32 s0, $0xA;
	s2 =	sadd.s32 s3, s2  }
0x8d: {  	s2 =	sadd.s32 s2, s16  }
0x8e: {  	[smem:$0x3FB7] =	sst s2  }
0x8f: {  	_ = 	snop  }
0x90: {  	(tm) =	ssettm $0x1  }
0x91: {  	s17 =	sld [smem:$0x3FFB];
	_ =	sdelay $0x3  }
0x92: {  	_ =	strace s17  }
0x93: {  	s2 =	sld [smem:$0x3FFC];
	_ =	sdelay $0x3  }
0x94: {  	_ =	strace s2  }
0x95: {  	s2 =	sld [smem:$0x3FFD];
	_ =	sdelay $0x3  }
0x96: {  	_ =	strace s2  }
0x97: {  	_ =	strace $0x8FFFFFFF  }
0x98: {  	s18 =	sld [smem:$0x3FDB];
	_ =	sdelay $0x1  }
0x99: {  	s19 =	simm.s32 $_scs_section_size  }
0x9a: {  	s4 =	simm.s32 $_size__tile_overlayer_lowered;
	s5 =	simm.s32 $_tile_overlayer_lowered  }
0x9b: {  	s22 =	simm.s32 $0x1BFF;
	s21 =	sshll.u32 s5, $0x1;
	s2 =	sadd.s32 s19, s18  }
0x9c: {  	s6 =	simm.s32 $0x0;
	s20 =	sshll.u32 s4, $0x1;
	s4 =	sadd.s32 s21, s2  }
0x9d: {  	[timem:s6], [sflag:s22] =	dma.local [hbm:s4], s20  }
0x9e: {  	_ =	swait.ge [sflag:s22], s20  }
0x9f: {  	s3 =	ssub.s32 $0x0, s20;
	[sflag:s22] =	ssyncset.done $0x0  }
0xa0: {  	[sflag:s22] =	ssyncadd.s32 s3;
	_ =	sdelay $0x1  }
0xa1: {  	s23 =	simm.s32 $0x1B8B  }
0xa2: {  	_ =	swait.ge [sflag:s23], $0x1  }
0xa3: {  	[sflag:s23] =	ssyncset.done $0x0  }
0xa4: {  	s25 =	simm.s32 $0x1B8E;
	s24 =	sld [smem:$0x3FFE];
	[sflag:s23] =	ssyncadd.s32 $0xFFFFFFFF  }
0xa5: {  	s26 =	simm.s32 $execute0_lowered;
	[smem:$0x3FD2] =	sst s25  }
0xa6: {  	s4 =	sshll.u32 s26, $0x1;
	_ =	strace $0x80000055;
	[dreg:$0x1] =	wrdreg $0xFFFFFFFF  }
0xa7: {  	s28 =	simm.s32 $_size_execute0_lowered;
	s2 =	sadd.s32 s2, s4;
	[dreg:$0x0] =	wrdreg $0x0  }
0xa8: {  	s4 =	sshll.u32 s28, $0x1;
	[dreg:$0x2] =	wrdreg s2  }
0xa9: {  	[dreg:$0x3] =	wrdreg s4  }
0xaa: {  	[dreg:$0x4] =	wrdreg $0xC0  }
0xab: {  	_ =	task [dreg:s6], $0x5FFFF  }
0xac: {  	[dreg:$0x1] =	wrdreg $0xFFFFFFFF  }
0xad: {  	[dreg:$0x0] =	wrdreg $0x60  }
0xae: {  	[dreg:$0x2] =	wrdreg s24  }
0xaf: {  	[dreg:$0x3] =	wrdreg $0x9  }
0xb0: {  	_ =	task.clear_ibuf [dreg:s6], $0x4FFFF;
	_ =	strace $0x90000055  }
0xb1: {  	s29 =	simm.s32 $0x9;
	_ =	strace $0x80000057  }
0xb2: {  	_ =	swait.ge [sflag:s29], $0x1  }
0xb3: {  	[sflag:s29] =	ssyncadd.s32 $0xFFFFFFFF  }
0xb4: {  	_ =	strace $0x90000057  }
0xb5: {  	_ =	sfence  }
0xb6: {  	s30 =	sld [smem:$0x0];
	_ =	sdelay $0x2  }
0xb7: {  	s31 =	sshll.u32 s1, $0xD;
	s1 =	sshrl.u32 s1, $0x2  }
0xb8: {  	s3 =	sand.u32 $0x4000, s31;
	s1 =	sadd.s32 s1, s30  }
0xb9: {  	s0 =	sor.u32 s3, s0;
	s1 =	sshll.u32 s1, $0x11  }
0xba: {  	s0 =	sor.u32 s1, s0  }
0xbb: {  	s0 =	sadd.s32 $0x8F2B, s0  }
0xbc: {  	[sflag:s0] =	ssyncadd.remote.s32 $0x1  }
0xbd: {  	_ =	sfence.sel $0xFFFF  }
0xbe: {  	[dreg:$0x0] =	wrdreg $0xFFFFFFFF;
	(pc) =	sbr.abs _section_cstart, $3  }
0xbf: {  	[dreg:$0x1] =	wrdreg $0xFFFFFFFF  }
0xc0: {  	_ =	task.clear_ibuf [dreg:s6], $0x2FFFF;
	_ =	strace $0x9FFFFFFF  }
0xc1: {  	(tm) =	ssettm $0x7FFFFFFF  }
tec
execute0_lowered:
.L_overlay_start_1:
0x0: {  	(tag) =	ssettag $0x1  }
0x1: {  	s4 =	rddreg [dreg:$0x0]  }
0x2: {  	s0 =	rddreg [dreg:$0x1]  }
0x3: {  	s2 =	simm.s32 $0x0;
	s3 =	srdreg.scid;
	s1 =	stileid.u32  }
0x4: {  	s10 =	simm.s32 $0x5000;
	s11 =	simm.s32 $0x9000;
	s12 =	simm.s32 $0xD000  }
0x5: {  	s13 =	simm.s32 $0x1;
	s14 =	simm.s32 $0x2;
	s15 =	simm.s32 $0x0  }
0x6: {  	[smem:$0x7FF] =	sst s2;
	s5 =	sand.u32 $0x1, s3;
	s3 =	sadd.s32 $0x24E00, s4  }
0x7: {  	s6 =	sshll.u32 s1, $0xA;
	s30 =	sshll.u32 s1, $0x11;
	_ =	strace $0x80000056  }
0x8: {  	s7 =	sshll.u32 s5, $0x9;
	s8 =	ssub.s32 $0x2, s5;
	s5 =	sshll.u32 s5, $0x10  }
0x9: {  	s6 =	sor.u32 s7, s6;
	s7 =	sadd.s32 s30, s4;
	s9 =	sshrl.u32 s8, $0x1  }
0xa: {  	s4 =	sadd.s32 s6, s4;
	s31 =	ssub.s32 s8, s9;
	s7 =	sadd.s32 s5, s7  }
0xb: {  	s8 =	simm.s32 $0x80;
	s9 =	simm.s32 $0x1000;
	s4 =	sadd.s32 $0x1BE00, s4  }
0xc: {  	s5 =	smax.u32 s31, $0x1;
	s6 =	sadd.s32 $0x34E00, s7;
	s7 =	simm.s32 $0x3  }
.LBB2_1:
0xd: {  	[tilespmem:s2], [sflag:$0x3] =	stream.linear.gather [hbm4b:s4+s2], $0x1000, $0x38;
	[tilespmem:$0x11000] =	vst v63  }
0xe: {  	_ =	swait.ge [sflag:s7], $0x1000  }
0xf: {  	[sflag:s7] =	ssyncset.done $0x0  }
0x10: {  	s16 =	simm.s32 $0x0;
	[sflag:s7] =	ssyncadd.s32 $0xFFFFF000  }
0x11: {  	[tilespmem:s9], [sflag:$0x1] =	stream.indirect.gather [hbm4b:s3+s8], $0x80, s16, s8, $0xb8;
	[tilespmem:$0x11000] =	vst v63  }
0x12: {  	s28 =	simm.s32 $0x80  }
0x13: {  	[tilespmem:s10], [sflag:$0x1] =	stream.indirect.gather [hbm4b:s3+s8], $0x80, s28, s8, $0xb8;
	[tilespmem:$0x11000] =	vst v63  }
0x14: {  	s29 =	simm.s32 $0x100  }
0x15: {  	[tilespmem:s11], [sflag:$0x1] =	stream.indirect.gather [hbm4b:s3+s8], $0x80, s29, s8, $0xb8;
	[tilespmem:$0x11000] =	vst v63  }
0x16: {  	s30 =	simm.s32 $0x180  }
0x17: {  	[tilespmem:s12], [sflag:$0x1] =	stream.indirect.gather [hbm4b:s3+s8], $0x80, s30, s8, $0xb8;
	[tilespmem:$0x11000] =	vst v63  }
0x18: {  	_ =	swait.ge [sflag:s13], $0x4000  }
0x19: {  	[sflag:s13] =	ssyncset.done $0x0  }
0x1a: {  	[sflag:s13] =	ssyncadd.s32 $0xFFFFC000  }
0x1b: {  	_ =	swait.ge [sflag:s13], $0x4000  }
0x1c: {  	[sflag:s13] =	ssyncset.done $0x0  }
0x1d: {  	[sflag:s13] =	ssyncadd.s32 $0xFFFFC000  }
0x1e: {  	_ =	swait.ge [sflag:s13], $0x4000  }
0x1f: {  	[sflag:s13] =	ssyncset.done $0x0  }
0x20: {  	[sflag:s13] =	ssyncadd.s32 $0xFFFFC000  }
0x21: {  	_ =	swait.ge [sflag:s13], $0x4000  }
0x22: {  	[sflag:s13] =	ssyncset.done $0x0  }
0x23: {  	s31 =	sadd.s32 $0x0, s6;
	[sflag:s13] =	ssyncadd.s32 $0xFFFFC000  }
0x24: {  	[hbm4b:s31+s2] =	stream.linear.scatter [tilespmem:s9], [sflag:$0x2], $0x10000, $0x38;
	[tilespmem:$0x11000] =	vst v63  }
0x25: {  	s18 =	simm.s32 $0x4000;
	_ =	swait.ge [sflag:s14], $0x10000  }
0x26: {  	s17 =	simm.s32 $0x380;
	s16 =	simm.s32 $0x2000;
	[sflag:s14] =	ssyncset.done $0x0  }
.LBB2_2:
0x27: {  	p0 =	sne.s32 s18, $0xE000;
	s19 =	sadd.s32 $0xFFFFFE80, s17;
	[sflag:s14] =	ssyncadd.s32 $0xFFFF0000  }
0x28: {  	[tilespmem:s9], [sflag:$0x1] =	stream.indirect.gather [hbm4b:s3+s8], $0x80, s19, s8, $0xb8;
	[tilespmem:$0x11000] =	vst v63  }
0x29: {  	s20 =	smov.u32 s18;
	s18 =	sadd.s32 $0x2000, s18;
	s19 =	sadd.s32 $0xFFFFFF00, s17  }
0x2a: {  	[tilespmem:s10], [sflag:$0x1] =	stream.indirect.gather [hbm4b:s3+s8], $0x80, s19, s8, $0xb8;
	[tilespmem:$0x11000] =	vst v63  }
0x2b: {  	s19 =	sadd.s32 $0xFFFFFF80, s17  }
0x2c: {  	[tilespmem:s11], [sflag:$0x1] =	stream.indirect.gather [hbm4b:s3+s8], $0x80, s19, s8, $0xb8;
	[tilespmem:$0x11000] =	vst v63  }
0x2d: {  	_ = 	snop  }
0x2e: {  	[tilespmem:s12], [sflag:$0x1] =	stream.indirect.gather [hbm4b:s3+s8], $0x80, s17, s8, $0xb8;
	[tilespmem:$0x11000] =	vst v63  }
0x2f: {  	_ =	swait.ge [sflag:s13], $0x4000  }
0x30: {  	[sflag:s13] =	ssyncset.done $0x0  }
0x31: {  	[sflag:s13] =	ssyncadd.s32 $0xFFFFC000  }
0x32: {  	_ =	swait.ge [sflag:s13], $0x4000  }
0x33: {  	[sflag:s13] =	ssyncset.done $0x0  }
0x34: {  	[sflag:s13] =	ssyncadd.s32 $0xFFFFC000  }
0x35: {  	_ =	swait.ge [sflag:s13], $0x4000  }
0x36: {  	[sflag:s13] =	ssyncset.done $0x0  }
0x37: {  	[sflag:s13] =	ssyncadd.s32 $0xFFFFC000  }
0x38: {  	_ =	swait.ge [sflag:s13], $0x4000  }
.Ltmp0:
0x39: {  	[sflag:s13] =	ssyncset.done $0x0;
	(pc) =	sbr.rel @p0 .LBB2_2-.Ltmp0, $4  }
0x3a: {  	s19 =	sadd.s32 s16, s6;
	s16 =	smov.u32 s20;
	[sflag:s13] =	ssyncadd.s32 $0xFFFFC000  }
0x3b: {  	[hbm4b:s19+s2] =	stream.linear.scatter [tilespmem:s9], [sflag:$0x2], $0x10000, $0x38;
	[tilespmem:$0x11000] =	vst v63  }
0x3c: {  	_ =	swait.ge [sflag:s14], $0x10000  }
0x3d: {  	s17 =	sadd.s32 $0x200, s17;
	[sflag:s14] =	ssyncset.done $0x0  }
0x3e: {  	s18 =	sadd.s32 $0xFFFFFE80, s17;
	[sflag:s14] =	ssyncadd.s32 $0xFFFF0000  }
0x3f: {  	[tilespmem:s9], [sflag:$0x1] =	stream.indirect.gather [hbm4b:s3+s8], $0x80, s18, s8, $0xb8;
	[tilespmem:$0x11000] =	vst v63  }
0x40: {  	s30 =	sadd.s32 $0xFFFFFF00, s17  }
0x41: {  	[tilespmem:s10], [sflag:$0x1] =	stream.indirect.gather [hbm4b:s3+s8], $0x80, s30, s8, $0xb8;
	[tilespmem:$0x11000] =	vst v63  }
0x42: {  	s31 =	sadd.s32 $0xFFFFFF80, s17  }
0x43: {  	[tilespmem:s11], [sflag:$0x1] =	stream.indirect.gather [hbm4b:s3+s8], $0x80, s31, s8, $0xb8;
	[tilespmem:$0x11000] =	vst v63  }
0x44: {  	_ = 	snop  }
0x45: {  	[tilespmem:s12], [sflag:$0x1] =	stream.indirect.gather [hbm4b:s3+s8], $0x80, s17, s8, $0xb8;
	[tilespmem:$0x11000] =	vst v63  }
0x46: {  	_ =	swait.ge [sflag:s13], $0x4000  }
0x47: {  	[sflag:s13] =	ssyncset.done $0x0  }
0x48: {  	[sflag:s13] =	ssyncadd.s32 $0xFFFFC000  }
0x49: {  	_ =	swait.ge [sflag:s13], $0x4000  }
0x4a: {  	[sflag:s13] =	ssyncset.done $0x0  }
0x4b: {  	[sflag:s13] =	ssyncadd.s32 $0xFFFFC000  }
0x4c: {  	_ =	swait.ge [sflag:s13], $0x4000  }
0x4d: {  	[sflag:s13] =	ssyncset.done $0x0  }
0x4e: {  	[sflag:s13] =	ssyncadd.s32 $0xFFFFC000  }
0x4f: {  	s15 =	sadd.s32 $0x1, s15;
	_ =	swait.ge [sflag:s13], $0x4000  }
0x50: {  	p0 =	sne.s32 s15, s5;
	[sflag:s13] =	ssyncset.done $0x0  }
.Ltmp1:
0x51: {  	s16 =	sadd.s32 s16, s6;
	[sflag:s13] =	ssyncadd.s32 $0xFFFFC000;
	(pc) =	sbr.rel @p0 .LBB2_1-.Ltmp1, $4  }
0x52: {  	[hbm4b:s16+s2] =	stream.linear.scatter [tilespmem:s9], [sflag:$0x2], $0x10000, $0x38;
	[tilespmem:$0x11000] =	vst v63  }
0x53: {  	_ =	swait.ge [sflag:s14], $0x10000  }
0x54: {  	[sflag:s14] =	ssyncset.done $0x0  }
0x55: {  	[sflag:s14] =	ssyncadd.s32 $0xFFFF0000  }
0x56: {  	_ =	sfence.sel $0x180000  }
0x57: {  	[bflag:$0x0] =	sbarrier.arrive $0xFFFF  }
0x58: {  	p0 =	sne.s32 s1, $0x0;
	_ =	strace $0x90000056  }
0x59: {  	s0 =	sadd.s32 @!p0 $0x100000, s0;
	[bflag:$0x2] =	sbarrier.arrive $0xFFFF  }
0x5a: {  	[sflag:s0] =	ssyncadd.tile.s32 @!p0 $0x1;
	_ =	shalt  }
.Lfunc_end2:
_tile_overlayer_lowered:
.L_overlay_start_2:
0x5b: {  	(tag) =	ssettag $0x2  }
0x5c: {  	s0 =	rddreg [dreg:$0x0];
	s2 =	stileid.u32  }
0x5d: {  	s1 =	rddreg [dreg:$0x1];
	p0 =	sne.s32 s2, $0x0  }
0x5e: {  	s3 =	rddreg [dreg:$0x2];
	[bflag:$0x3] =	sbarrier.arrive $0xFFFF;
	s2 =	simm.s32 @!p0 $0x1C03  }
0x5f: {  	[timem:s3], [sflag:s2] =	dma.local @!p0 [hbm:s0], s1  }
0x60: {  	s0 =	simm.s32 @!p0 $0x3  }
0x61: {  	_ =	swait.ge @!p0 [sflag:s0], s1  }
0x62: {  	s1 =	ssub.s32 @!p0 $0x0, s1;
	[sflag:s0] =	ssyncset.done @!p0 $0x0  }
0x63: {  	[sflag:s0] =	ssyncadd.s32 @!p0 s1  }
0x64: {  	[bflag:$0x3] =	sbarrier.arrive $0xFFFF  }
0x65: {  	_ =	shalt  }

</sc_bundles>
